<compile_context>
chip_gen: v7x
topology: tpu7x:2x2x1
jax: 0.10.2.dev20260603
libtpu: 0.0.44.dev20260713+nightly
codegen_flags: <defaults>
</compile_context>

<pallas_src>
import functools

import jax
import jax.numpy as jnp
from jax import lax
from jax.experimental import pallas as pl
from jax.experimental.pallas import tpu as pltpu
from jax.experimental.pallas import tpu_sc as plsc

N = 10000
E = 160000
D = 128
Q = 32
NUM_PROP = 5
CAT_PROP = 3
DES = 768
TWEET = 768
KX = NUM_PROP + CAT_PROP + DES + TWEET

NC = 2
NS = 16
B = 128
CH = 80
NH = 2
HCH = CH // NH
EPAD = NS * CH * B
NPAD = N + 8
R0 = 624
TAIL = N - NS * R0
TB = N - TAIL


@functools.cache
def _sc_mesh():
    return plsc.VectorSubcoreMesh(
        core_axis_name="c", subcore_axis_name="s", num_cores=NC, num_subcores=NS
    )


def _sc_degree_body(ones_hbm, dst_hbm, out_hbm, dst_v, ones_v, acc):
    c = lax.axis_index("c")
    s = lax.axis_index("s")
    pltpu.sync_copy(ones_hbm, acc.at[pl.ds(s * R0, R0)])

    @pl.when(s == NS - 1)
    def _():
        pltpu.sync_copy(ones_hbm.at[pl.ds(0, TAIL)], acc.at[pl.ds(TB, TAIL)])

    pltpu.sync_copy(ones_hbm.at[pl.ds(0, B)], ones_v)
    plsc.subcore_barrier()

    def body(j, carry):
        pltpu.sync_copy(ones_v, acc.at[dst_v.at[j]], add=True)
        return carry

    for h in range(NH):
        pltpu.sync_copy(dst_hbm.at[c, s, h], dst_v)
        lax.fori_loop(0, HCH, body, 0)
    plsc.subcore_barrier()
    pltpu.sync_copy(
        acc.at[pl.ds(s * R0, R0)], out_hbm.at[c, pl.ds(s * R0, R0)])

    @pl.when(s == NS - 1)
    def _():
        pltpu.sync_copy(acc.at[pl.ds(TB, TAIL)], out_hbm.at[c, pl.ds(TB, TAIL)])


@functools.cache
def _sc_degree():
    return pl.kernel(
        _sc_degree_body,
        out_type=jax.ShapeDtypeStruct((NC, N, D), jnp.float32),
        mesh=_sc_mesh(),
        scratch_types=[
            pltpu.VMEM((HCH, B), jnp.int32),
            pltpu.VMEM((B, D), jnp.float32),
            pltpu.VMEM_SHARED((NPAD, D), jnp.float32),
        ],
    )


def _sc_aggregate_body(h_hbm, src_hbm, dst_hbm, out_hbm,
                       src_v, dst_v, rows0, rows1, acc, sem0, sem1):
    c = lax.axis_index("c")
    s = lax.axis_index("s")
    pltpu.sync_copy(
        h_hbm.at[pl.ds(c * N + s * R0, R0)], acc.at[pl.ds(s * R0, R0)])

    @pl.when(s == NS - 1)
    def _():
        pltpu.sync_copy(h_hbm.at[pl.ds(c * N + TB, TAIL)], acc.at[pl.ds(TB, TAIL)])

    plsc.subcore_barrier()

    G = 10
    rows = (rows0, rows1)
    sems = (sem0, sem1)

    def group(g, carry):
        base = g * G
        d = [None, None]
        d[0] = pltpu.async_copy(h_hbm.at[src_v.at[base]], rows0, sem0)
        d[1] = pltpu.async_copy(h_hbm.at[src_v.at[base + 1]], rows1, sem1)
        for k in range(G):
            d[k % 2].wait()
            pltpu.sync_copy(rows[k % 2], acc.at[dst_v.at[base + k]], add=True)
            if k + 2 < G:
                d[k % 2] = pltpu.async_copy(
                    h_hbm.at[src_v.at[base + k + 2]], rows[k % 2], sems[k % 2])
        return carry

    for h in range(NH):
        pltpu.sync_copy(src_hbm.at[c, s, h], src_v)
        pltpu.sync_copy(dst_hbm.at[c, s, h], dst_v)
        lax.fori_loop(0, HCH // G, group, 0)
    plsc.subcore_barrier()
    pltpu.sync_copy(
        acc.at[pl.ds(s * R0, R0)], out_hbm.at[c, pl.ds(s * R0, R0)])

    @pl.when(s == NS - 1)
    def _():
        pltpu.sync_copy(acc.at[pl.ds(TB, TAIL)], out_hbm.at[c, pl.ds(TB, TAIL)])


@functools.cache
def _sc_aggregate():
    return pl.kernel(
        _sc_aggregate_body,
        out_type=jax.ShapeDtypeStruct((NC, N, D), jnp.float32),
        mesh=_sc_mesh(),
        scratch_types=[
            pltpu.VMEM((HCH + 1, B), jnp.int32),
            pltpu.VMEM((HCH, B), jnp.int32),
            pltpu.VMEM((B, D), jnp.float32),
            pltpu.VMEM((B, D), jnp.float32),
            pltpu.VMEM_SHARED((NPAD, D), jnp.float32),
            pltpu.SemaphoreType.DMA,
            pltpu.SemaphoreType.DMA,
        ],
    )


def _lrelu(v):
    return jnp.where(v >= 0, v, 0.01 * v)


def _dot(a, b):
    return jnp.dot(a, b, preferred_element_type=jnp.float32)


BM = 400


def _tc_encode_body(xt_ref, w1_ref, b1_ref, win_ref, bin_ref, emb_ref):
    feat = _lrelu(
        lax.dot_general(xt_ref[...], w1_ref[...], (((0,), (0,)), ((), ())),
                        preferred_element_type=jnp.float32) + b1_ref[...])
    emb_ref[...] = _lrelu(_dot(feat, win_ref[...]) + bin_ref[...])


def _tc_scale_body(emb_ref, deg_ref, wf_ref, wr_ref,
                   hs_ref, df_ref, dr_ref):
    emb = emb_ref[...]
    df = lax.rsqrt(deg_ref[0, :, 0:1])
    dr = lax.rsqrt(deg_ref[1, :, 0:1])
    df_ref[...] = df
    dr_ref[...] = dr
    hs_ref[...] = jnp.stack(
        [_dot(emb, wf_ref[...]) * df, _dot(emb, wr_ref[...]) * dr])


def _tc_mid_body(a_ref, df_ref, dr_ref, bf_ref, br_ref,
                 wf_ref, wr_ref, hs_ref):
    h1 = jnp.maximum(
        df_ref[...] * a_ref[0] + bf_ref[...]
        + dr_ref[...] * a_ref[1] + br_ref[...], 0.0)
    hs_ref[...] = jnp.stack(
        [_dot(h1, wf_ref[...]) * df_ref[...], _dot(h1, wr_ref[...]) * dr_ref[...]])


def _tc_out_body(a_ref, df_ref, dr_ref, bf_ref, br_ref, out_ref):
    out_ref[...] = jnp.maximum(
        df_ref[...] * a_ref[0] + bf_ref[...]
        + dr_ref[...] * a_ref[1] + br_ref[...], 0.0)


def _row_spec(w):
    return pl.BlockSpec((BM, w), lambda i: (i, 0))


def _stk_spec():
    return pl.BlockSpec((NC, BM, D), lambda i: (0, i, 0))


def _full_spec(h, w):
    return pl.BlockSpec((h, w), lambda i: (0, 0))


_HS = jax.ShapeDtypeStruct((NC, N, D), jnp.float32)

BME = 512

_tc_encode = pl.pallas_call(
    _tc_encode_body,
    grid=(pl.cdiv(N, BME),),
    in_specs=[
        pl.BlockSpec((KX, BME), lambda i: (0, i)),
        _full_spec(KX, D), _full_spec(1, D),
        _full_spec(D, D), _full_spec(1, D),
    ],
    out_specs=pl.BlockSpec((BME, D), lambda i: (i, 0)),
    out_shape=jax.ShapeDtypeStruct((N, D), jnp.float32),
)

_tc_scale = pl.pallas_call(
    _tc_scale_body,
    grid=(N // BM,),
    in_specs=[
        _row_spec(D), _stk_spec(),
        _full_spec(D, D), _full_spec(D, D),
    ],
    out_specs=[_stk_spec(), _row_spec(1), _row_spec(1)],
    out_shape=[
        _HS,
        jax.ShapeDtypeStruct((N, 1), jnp.float32),
        jax.ShapeDtypeStruct((N, 1), jnp.float32),
    ],
)

_tc_mid = pl.pallas_call(
    _tc_mid_body,
    grid=(N // BM,),
    in_specs=[
        _stk_spec(), _row_spec(1), _row_spec(1),
        _full_spec(1, D), _full_spec(1, D),
        _full_spec(D, D), _full_spec(D, D),
    ],
    out_specs=_stk_spec(),
    out_shape=_HS,
)

_tc_out = pl.pallas_call(
    _tc_out_body,
    grid=(N // BM,),
    in_specs=[
        _stk_spec(), _row_spec(1), _row_spec(1),
        _full_spec(1, D), _full_spec(1, D),
    ],
    out_specs=_row_spec(D),
    out_shape=jax.ShapeDtypeStruct((N, D), jnp.float32),
)


def kernel(x_user, edge_index_follow, edge_index_friend,
           W_num, b_num, W_cat, b_cat, W_des, b_des, W_tweet, b_tweet,
           W_in, b_in, W_f0, b_f0, W_r0, b_r0, W_f1, b_f1, W_r1, b_r1):
    W1 = jnp.zeros((KX, D), jnp.float32)
    W1 = W1.at[:NUM_PROP, :Q].set(W_num)
    W1 = W1.at[NUM_PROP:NUM_PROP + CAT_PROP, Q:2 * Q].set(W_cat)
    W1 = W1.at[NUM_PROP + CAT_PROP:NUM_PROP + CAT_PROP + DES, 2 * Q:3 * Q].set(W_des)
    W1 = W1.at[NUM_PROP + CAT_PROP + DES:, 3 * Q:].set(W_tweet)
    b1 = jnp.concatenate([b_num, b_cat, b_des, b_tweet]).reshape(1, D)

    npad = EPAD - E
    pad8 = jnp.arange(npad, dtype=jnp.int32) % 8
    zchunk = jnp.zeros((NS, NH, 1, B), jnp.int32)

    def prep(ei, c):
        src = jnp.concatenate([ei[0] + c * N, pad8]).reshape(NS, NH, HCH, B)
        src = jnp.concatenate([src, zchunk], axis=2)
        dst = jnp.concatenate([ei[1], N + pad8]).reshape(NS, NH, HCH, B)
        return src, dst

    s_f, d_f = prep(edge_index_follow, 0)
    s_r, d_r = prep(edge_index_friend, 1)
    srcI = jnp.stack([s_f, s_r])
    dstI = jnp.stack([d_f, d_r])

    ones_r = jnp.ones((R0, D), jnp.float32)
    deg = _sc_degree()(ones_r, dstI)

    emb = _tc_encode(x_user.T, W1, b1, W_in, b_in.reshape(1, D))
    hs0, dinv_f, dinv_r = _tc_scale(emb, deg, W_f0, W_r0)

    agg0 = _sc_aggregate()(hs0.reshape(NC * N, D), srcI, dstI)

    hs1 = _tc_mid(agg0, dinv_f, dinv_r,
                  b_f0.reshape(1, D), b_r0.reshape(1, D), W_f1, W_r1)

    agg1 = _sc_aggregate()(hs1.reshape(NC * N, D), srcI, dstI)

    return _tc_out(agg1, dinv_f, dinv_r,
                   b_f1.reshape(1, D), b_r1.reshape(1, D))

# --- scband reference (transcript-rebuilt; emitter-appended) ---
"""Pipeline reference for scband-gracemodel-46497315946593 (READ-ONLY COPY).

The authoritative reference and input builder live on the scoring server;
editing this copy changes nothing except your own understanding.
"""

import jax, jax.numpy as jnp
import numpy as np

N = 10000
E = 160000
D = 128
NUM_PROP = 5
CAT_PROP = 3
DES = 768
TWEET = 768


def _glorot(key, shape):
    lim = np.sqrt(6.0 / (shape[0] + shape[1]))
    return jax.random.uniform(key, shape, minval=-lim, maxval=lim, dtype=jnp.float32)


def setup_inputs(seed: int = 0) -> dict:
    key = jax.random.key(seed)
    ks = jax.random.split(key, 20)
    q = D // 4
    inp = {}
    inp["x_user"] = jax.random.normal(ks[0], (N, NUM_PROP + CAT_PROP + DES + TWEET), dtype=jnp.float32)
    inp["edge_index_follow"] = jax.random.randint(ks[1], (2, E), 0, N, dtype=jnp.int32)
    inp["edge_index_friend"] = jax.random.randint(ks[2], (2, E), 0, N, dtype=jnp.int32)
    # feature-encoder linears
    inp["W_num"] = _glorot(ks[3], (NUM_PROP, q)); inp["b_num"] = jnp.zeros((q,), jnp.float32)
    inp["W_cat"] = _glorot(ks[4], (CAT_PROP, q)); inp["b_cat"] = jnp.zeros((q,), jnp.float32)
    inp["W_des"] = _glorot(ks[5], (DES, q)); inp["b_des"] = jnp.zeros((q,), jnp.float32)
    inp["W_tweet"] = _glorot(ks[6], (TWEET, q)); inp["b_tweet"] = jnp.zeros((q,), jnp.float32)
    inp["W_in"] = _glorot(ks[7], (D, D)); inp["b_in"] = jnp.zeros((D,), jnp.float32)
    # HeteroConv layer 0: one GCNConv per edge type
    inp["W_f0"] = _glorot(ks[8], (D, D)); inp["b_f0"] = jnp.zeros((D,), jnp.float32)
    inp["W_r0"] = _glorot(ks[9], (D, D)); inp["b_r0"] = jnp.zeros((D,), jnp.float32)
    # HeteroConv layer 1
    inp["W_f1"] = _glorot(ks[10], (D, D)); inp["b_f1"] = jnp.zeros((D,), jnp.float32)
    inp["W_r1"] = _glorot(ks[11], (D, D)); inp["b_r1"] = jnp.zeros((D,), jnp.float32)
    return inp


def _lrelu(v):
    return jax.nn.leaky_relu(v, negative_slope=0.01)


def _gcn_conv(x, edge_index, W, b):
    # PyG GCNConv with add_self_loops=True, symmetric gcn_norm, unit edge weights
    loop = jnp.arange(N, dtype=edge_index.dtype)
    src = jnp.concatenate([edge_index[0], loop])
    dst = jnp.concatenate([edge_index[1], loop])
    deg = jnp.zeros((N,), x.dtype).at[dst].add(1.0)
    dinv = jnp.where(deg > 0, 1.0 / jnp.sqrt(deg), 0.0)
    norm = dinv[src] * dinv[dst]
    h = x @ W
    msg = h[src] * norm[:, None]
    out = jnp.zeros((N, W.shape[1]), x.dtype).at[dst].add(msg)
    return out + b


def reference(x_user, edge_index_follow, edge_index_friend,
              W_num, b_num, W_cat, b_cat, W_des, b_des, W_tweet, b_tweet,
              W_in, b_in, W_f0, b_f0, W_r0, b_r0, W_f1, b_f1, W_r1, b_r1):
    # split raw user features (dropout is identity in eval mode)
    num_prop = x_user[:, :NUM_PROP]
    cat_prop = x_user[:, NUM_PROP:NUM_PROP + CAT_PROP]
    des = x_user[:, NUM_PROP + CAT_PROP:NUM_PROP + CAT_PROP + DES]
    tweet = x_user[:, NUM_PROP + CAT_PROP + DES:]
    f_des = _lrelu(des @ W_des + b_des)
    f_tweet = _lrelu(tweet @ W_tweet + b_tweet)
    f_num = _lrelu(num_prop @ W_num + b_num)
    f_cat = _lrelu(cat_prop @ W_cat + b_cat)
    feat = jnp.concatenate([f_num, f_cat, f_des, f_tweet], axis=1)
    emb = _lrelu(feat @ W_in + b_in)
    # HeteroConv layer 0 (aggr='sum' over edge types) + ReLU
    h = jax.nn.relu(_gcn_conv(emb, edge_index_follow, W_f0, b_f0)
                    + _gcn_conv(emb, edge_index_friend, W_r0, b_r0))
    # HeteroConv layer 1 + ReLU
    h = jax.nn.relu(_gcn_conv(h, edge_index_follow, W_f1, b_f1)
                    + _gcn_conv(h, edge_index_friend, W_r1, b_r1))
    return h

if __name__ == "__main__":
    import jax
    _d = setup_inputs()
    print(jax.jit(kernel)(*tuple(_d.values())))

</pallas_src>

<mosaic_0001>
#map = affine_map<(d0, d1) -> (0, 0)>
#map1 = affine_map<(d0, d1) -> (0, 0, 0, 0, 0)>
#map2 = affine_map<(d0, d1) -> (0, 0, 0)>
module attributes {stable_mosaic.version = 14 : i64} {
  func.func @_sc_aggregate_body(%arg0: i32, %arg1: i32, %arg2: memref<20000x128xf32, #tpu.memory_space<hbm>>, %arg3: memref<2x16x2x41x128xi32, #tpu.memory_space<hbm>>, %arg4: memref<2x16x2x40x128xi32, #tpu.memory_space<hbm>>, %arg5: memref<2x10000x128xf32, #tpu.memory_space<hbm>>, %arg6: memref<41x128xi32, #tpu.memory_space<vmem>>, %arg7: memref<40x128xi32, #tpu.memory_space<vmem>>, %arg8: memref<128x128xf32, #tpu.memory_space<vmem>>, %arg9: memref<128x128xf32, #tpu.memory_space<vmem>>, %arg10: memref<10008x128xf32, #tpu.memory_space<vmem_shared>>, %arg11: memref<!tpu.dma_semaphore, #tpu.memory_space<semaphore_mem>>, %arg12: memref<!tpu.dma_semaphore, #tpu.memory_space<semaphore_mem>>) attributes {dimension_semantics = [#tpu.dimension_semantics<core_parallel>, #tpu.dimension_semantics<subcore_parallel>], iteration_bounds = array<i64: 2, 16>, scalar_prefetch = 0 : i64, scratch_operands = 7 : i64, tpu.core_type = #tpu.core_type<sc_vector_subcore>, window_params = [{transform_indices = #map}, {transform_indices = #map1}, {transform_indices = #map1}, {transform_indices = #map2}]} {
    %mul3A = arith.constant 10000 : i32
    %mul3A_0 = arith.muli %arg0, %mul3A : i32
    %mul3A_1 = arith.constant 624 : i32
    %mul3A_2 = arith.muli %arg1, %mul3A_1 : i32
    %add3A = arith.addi %mul3A_0, %mul3A_2 : i32
    %mul3A_3 = arith.constant 624 : i32
    %mul3A_4 = arith.muli %arg1, %mul3A_3 : i32
    "tpu.region"() ({
      %run_scoped3A_31 = tpu.sem_alloc : memref<!tpu.dma_semaphore, #tpu.memory_space<semaphore_mem>>
      %dma_start3A = arith.constant 0 : i32
      %dma_start3A_32 = tpu.memref_slice %arg10[%mul3A_4, %dma_start3A] : memref<10008x128xf32, #tpu.memory_space<vmem_shared>> -> memref<624x128xf32, #tpu.memory_space<vmem_shared>>
      %dma_start3A_33 = arith.constant 0 : i32
      %dma_start3A_34 = tpu.memref_slice %arg2[%add3A, %dma_start3A_33] : memref<20000x128xf32, #tpu.memory_space<hbm>> -> memref<624x128xf32, #tpu.memory_space<hbm>>
      tpu.enqueue_dma source(%dma_start3A_34 : memref<624x128xf32, #tpu.memory_space<hbm>>) target(%dma_start3A_32 : memref<624x128xf32, #tpu.memory_space<vmem_shared>>) target_semaphore(%run_scoped3A_31 : memref<!tpu.dma_semaphore, #tpu.memory_space<semaphore_mem>>)
      %dma_wait3A = arith.constant 0 : i32
      %dma_wait3A_35 = tpu.memref_slice %arg10[%mul3A_4, %dma_wait3A] : memref<10008x128xf32, #tpu.memory_space<vmem_shared>> -> memref<624x128xf32, #tpu.memory_space<vmem_shared>>
      %dma_wait3A_36 = arith.constant 0 : i32
      %dma_wait3A_37 = tpu.memref_slice %arg2[%add3A, %dma_wait3A_36] : memref<20000x128xf32, #tpu.memory_space<hbm>> -> memref<624x128xf32, #tpu.memory_space<hbm>>
      tpu.wait_dma2 semaphore(%run_scoped3A_31 : memref<!tpu.dma_semaphore, #tpu.memory_space<semaphore_mem>>) src(%dma_wait3A_37 : memref<624x128xf32, #tpu.memory_space<hbm>>) dst(%dma_wait3A_35 : memref<624x128xf32, #tpu.memory_space<vmem_shared>>)
      tpu.yield
    }) : () -> ()
    %eq3A = arith.constant 15 : i32
    %eq3A_5 = arith.cmpi eq, %arg1, %eq3A : i32
    %convert_element_type3A = arith.extui %eq3A_5 : i1 to i32
    %cond3A = arith.constant 0 : i32
    %cond3A_6 = arith.cmpi ne, %convert_element_type3A, %cond3A : i32
    scf.if %cond3A_6 {
      %mul3A_31 = arith.constant 10000 : i32
      %mul3A_32 = arith.muli %arg0, %mul3A_31 : i32
      %add3A_33 = arith.constant 9984 : i32
      %add3A_34 = arith.addi %mul3A_32, %add3A_33 : i32
      "tpu.region"() ({
        %run_scoped3A_35 = tpu.sem_alloc : memref<!tpu.dma_semaphore, #tpu.memory_space<semaphore_mem>>
        %dma_start3A = arith.constant 9984 : i32
        %dma_start3A_36 = arith.constant 0 : i32
        %dma_start3A_37 = tpu.memref_slice %arg10[%dma_start3A, %dma_start3A_36] : memref<10008x128xf32, #tpu.memory_space<vmem_shared>> -> memref<16x128xf32, #tpu.memory_space<vmem_shared>>
        %dma_start3A_38 = arith.constant 0 : i32
        %dma_start3A_39 = tpu.memref_slice %arg2[%add3A_34, %dma_start3A_38] : memref<20000x128xf32, #tpu.memory_space<hbm>> -> memref<16x128xf32, #tpu.memory_space<hbm>>
        tpu.enqueue_dma source(%dma_start3A_39 : memref<16x128xf32, #tpu.memory_space<hbm>>) target(%dma_start3A_37 : memref<16x128xf32, #tpu.memory_space<vmem_shared>>) target_semaphore(%run_scoped3A_35 : memref<!tpu.dma_semaphore, #tpu.memory_space<semaphore_mem>>)
        %dma_wait3A = arith.constant 9984 : i32
        %dma_wait3A_40 = arith.constant 0 : i32
        %dma_wait3A_41 = tpu.memref_slice %arg10[%dma_wait3A, %dma_wait3A_40] : memref<10008x128xf32, #tpu.memory_space<vmem_shared>> -> memref<16x128xf32, #tpu.memory_space<vmem_shared>>
        %dma_wait3A_42 = arith.constant 0 : i32
        %dma_wait3A_43 = tpu.memref_slice %arg2[%add3A_34, %dma_wait3A_42] : memref<20000x128xf32, #tpu.memory_space<hbm>> -> memref<16x128xf32, #tpu.memory_space<hbm>>
        tpu.wait_dma2 semaphore(%run_scoped3A_35 : memref<!tpu.dma_semaphore, #tpu.memory_space<semaphore_mem>>) src(%dma_wait3A_43 : memref<16x128xf32, #tpu.memory_space<hbm>>) dst(%dma_wait3A_41 : memref<16x128xf32, #tpu.memory_space<vmem_shared>>)
        tpu.yield
      }) : () -> ()
    } else {
    }
    %barrier3A = arith.constant 0 : index
    tpu.barrier barrier_id(%barrier3A)
    %run_scoped3A = arith.constant 0 : i32
    "tpu.region"() ({
      %run_scoped3A_31 = tpu.sem_alloc : memref<!tpu.dma_semaphore, #tpu.memory_space<semaphore_mem>>
      %dma_start3A = arith.constant 0 : i32
      %dma_start3A_32 = arith.constant 0 : i32
      %dma_start3A_33 = tpu.memref_slice %arg3[%arg0, %arg1, %run_scoped3A, %dma_start3A, %dma_start3A_32] : memref<2x16x2x41x128xi32, #tpu.memory_space<hbm>> -> memref<1x1x1x41x128xi32, #tpu.memory_space<hbm>>
      %dma_start3A_34 = tpu.memref_squeeze %dma_start3A_33 : memref<1x1x1x41x128xi32, #tpu.memory_space<hbm>> -> memref<41x128xi32, #tpu.memory_space<hbm>>
      %dma_start3A_35 = arith.constant 0 : i32
      %dma_start3A_36 = arith.constant 0 : i32
      %dma_start3A_37 = tpu.memref_slice %arg3[%arg0, %arg1, %run_scoped3A, %dma_start3A_35, %dma_start3A_36] : memref<2x16x2x41x128xi32, #tpu.memory_space<hbm>> -> memref<1x1x1x41x128xi32, #tpu.memory_space<hbm>>
      %dma_start3A_38 = tpu.memref_squeeze %dma_start3A_37 : memref<1x1x1x41x128xi32, #tpu.memory_space<hbm>> -> memref<41x128xi32, #tpu.memory_space<hbm>>
      tpu.enqueue_dma source(%dma_start3A_38 : memref<41x128xi32, #tpu.memory_space<hbm>>) target(%arg6 : memref<41x128xi32, #tpu.memory_space<vmem>>) target_semaphore(%run_scoped3A_31 : memref<!tpu.dma_semaphore, #tpu.memory_space<semaphore_mem>>)
      %dma_wait3A = arith.constant 0 : i32
      %dma_wait3A_39 = arith.constant 0 : i32
      %dma_wait3A_40 = tpu.memref_slice %arg3[%arg0, %arg1, %run_scoped3A, %dma_wait3A, %dma_wait3A_39] : memref<2x16x2x41x128xi32, #tpu.memory_space<hbm>> -> memref<1x1x1x41x128xi32, #tpu.memory_space<hbm>>
      %dma_wait3A_41 = tpu.memref_squeeze %dma_wait3A_40 : memref<1x1x1x41x128xi32, #tpu.memory_space<hbm>> -> memref<41x128xi32, #tpu.memory_space<hbm>>
      %dma_wait3A_42 = arith.constant 0 : i32
      %dma_wait3A_43 = arith.constant 0 : i32
      %dma_wait3A_44 = tpu.memref_slice %arg3[%arg0, %arg1, %run_scoped3A, %dma_wait3A_42, %dma_wait3A_43] : memref<2x16x2x41x128xi32, #tpu.memory_space<hbm>> -> memref<1x1x1x41x128xi32, #tpu.memory_space<hbm>>
      %dma_wait3A_45 = tpu.memref_squeeze %dma_wait3A_44 : memref<1x1x1x41x128xi32, #tpu.memory_space<hbm>> -> memref<41x128xi32, #tpu.memory_space<hbm>>
      tpu.wait_dma2 semaphore(%run_scoped3A_31 : memref<!tpu.dma_semaphore, #tpu.memory_space<semaphore_mem>>) src(%dma_wait3A_45 : memref<41x128xi32, #tpu.memory_space<hbm>>) dst(%arg6 : memref<41x128xi32, #tpu.memory_space<vmem>>)
      tpu.yield
    }) : () -> ()
    %run_scoped3A_7 = arith.constant 0 : i32
    "tpu.region"() ({
      %run_scoped3A_31 = tpu.sem_alloc : memref<!tpu.dma_semaphore, #tpu.memory_space<semaphore_mem>>
      %dma_start3A = arith.constant 0 : i32
      %dma_start3A_32 = arith.constant 0 : i32
      %dma_start3A_33 = tpu.memref_slice %arg4[%arg0, %arg1, %run_scoped3A_7, %dma_start3A, %dma_start3A_32] : memref<2x16x2x40x128xi32, #tpu.memory_space<hbm>> -> memref<1x1x1x40x128xi32, #tpu.memory_space<hbm>>
      %dma_start3A_34 = tpu.memref_squeeze %dma_start3A_33 : memref<1x1x1x40x128xi32, #tpu.memory_space<hbm>> -> memref<40x128xi32, #tpu.memory_space<hbm>>
      %dma_start3A_35 = arith.constant 0 : i32
      %dma_start3A_36 = arith.constant 0 : i32
      %dma_start3A_37 = tpu.memref_slice %arg4[%arg0, %arg1, %run_scoped3A_7, %dma_start3A_35, %dma_start3A_36] : memref<2x16x2x40x128xi32, #tpu.memory_space<hbm>> -> memref<1x1x1x40x128xi32, #tpu.memory_space<hbm>>
      %dma_start3A_38 = tpu.memref_squeeze %dma_start3A_37 : memref<1x1x1x40x128xi32, #tpu.memory_space<hbm>> -> memref<40x128xi32, #tpu.memory_space<hbm>>
      tpu.enqueue_dma source(%dma_start3A_38 : memref<40x128xi32, #tpu.memory_space<hbm>>) target(%arg7 : memref<40x128xi32, #tpu.memory_space<vmem>>) target_semaphore(%run_scoped3A_31 : memref<!tpu.dma_semaphore, #tpu.memory_space<semaphore_mem>>)
      %dma_wait3A = arith.constant 0 : i32
      %dma_wait3A_39 = arith.constant 0 : i32
      %dma_wait3A_40 = tpu.memref_slice %arg4[%arg0, %arg1, %run_scoped3A_7, %dma_wait3A, %dma_wait3A_39] : memref<2x16x2x40x128xi32, #tpu.memory_space<hbm>> -> memref<1x1x1x40x128xi32, #tpu.memory_space<hbm>>
      %dma_wait3A_41 = tpu.memref_squeeze %dma_wait3A_40 : memref<1x1x1x40x128xi32, #tpu.memory_space<hbm>> -> memref<40x128xi32, #tpu.memory_space<hbm>>
      %dma_wait3A_42 = arith.constant 0 : i32
      %dma_wait3A_43 = arith.constant 0 : i32
      %dma_wait3A_44 = tpu.memref_slice %arg4[%arg0, %arg1, %run_scoped3A_7, %dma_wait3A_42, %dma_wait3A_43] : memref<2x16x2x40x128xi32, #tpu.memory_space<hbm>> -> memref<1x1x1x40x128xi32, #tpu.memory_space<hbm>>
      %dma_wait3A_45 = tpu.memref_squeeze %dma_wait3A_44 : memref<1x1x1x40x128xi32, #tpu.memory_space<hbm>> -> memref<40x128xi32, #tpu.memory_space<hbm>>
      tpu.wait_dma2 semaphore(%run_scoped3A_31 : memref<!tpu.dma_semaphore, #tpu.memory_space<semaphore_mem>>) src(%dma_wait3A_45 : memref<40x128xi32, #tpu.memory_space<hbm>>) dst(%arg7 : memref<40x128xi32, #tpu.memory_space<vmem>>)
      tpu.yield
    }) : () -> ()
    %scan3A = arith.constant 0 : i32
    %scan3A_8 = arith.constant 0 : i32
    %scan3A_9 = arith.constant 4 : i32
    %scan3A_10 = arith.addi %scan3A_8, %scan3A_9 : i32
    %scan3A_11 = arith.constant 1 : i32
    scf.for %scan3A_31 = %scan3A_8 to %scan3A_10 step %scan3A_11  : i32 {
      %mul3A_32 = arith.constant 10 : i32
      %mul3A_33 = arith.muli %scan3A_31, %mul3A_32 : i32
      %dma_start3A = arith.constant 0 : i32
      %dma_start3A_34 = tpu.memref_slice %arg6[%mul3A_33, %dma_start3A] : memref<41x128xi32, #tpu.memory_space<vmem>> -> memref<1x128xi32, #tpu.memory_space<vmem>>
      %dma_start3A_35 = tpu.memref_squeeze %dma_start3A_34 : memref<1x128xi32, #tpu.memory_space<vmem>> -> memref<128xi32, #tpu.memory_space<vmem>>
      %dma_start3A_36 = arith.constant 0 : i32
      %dma_start3A_37 = arith.constant 0 : i32
      %dma_start3A_38 = tpu.memref_slice %arg2[%dma_start3A_36, %dma_start3A_37] : memref<20000x128xf32, #tpu.memory_space<hbm>> -> memref<20000x128xf32, #tpu.memory_space<hbm>>
      tpu.enqueue_indirect_dma source(%dma_start3A_38 : memref<20000x128xf32, #tpu.memory_space<hbm>>) target(%arg8 : memref<128x128xf32, #tpu.memory_space<vmem>>) offsets(%dma_start3A_35 : memref<128xi32, #tpu.memory_space<vmem>>) semaphore(%arg11 : memref<!tpu.dma_semaphore, #tpu.memory_space<semaphore_mem>>)
      %add3A_39 = arith.constant 1 : i32
      %add3A_40 = arith.addi %mul3A_33, %add3A_39 : i32
      %dma_start3A_41 = arith.constant 0 : i32
      %dma_start3A_42 = tpu.memref_slice %arg6[%add3A_40, %dma_start3A_41] : memref<41x128xi32, #tpu.memory_space<vmem>> -> memref<1x128xi32, #tpu.memory_space<vmem>>
      %dma_start3A_43 = tpu.memref_squeeze %dma_start3A_42 : memref<1x128xi32, #tpu.memory_space<vmem>> -> memref<128xi32, #tpu.memory_space<vmem>>
      %dma_start3A_44 = arith.constant 0 : i32
      %dma_start3A_45 = arith.constant 0 : i32
      %dma_start3A_46 = tpu.memref_slice %arg2[%dma_start3A_44, %dma_start3A_45] : memref<20000x128xf32, #tpu.memory_space<hbm>> -> memref<20000x128xf32, #tpu.memory_space<hbm>>
      tpu.enqueue_indirect_dma source(%dma_start3A_46 : memref<20000x128xf32, #tpu.memory_space<hbm>>) target(%arg9 : memref<128x128xf32, #tpu.memory_space<vmem>>) offsets(%dma_start3A_43 : memref<128xi32, #tpu.memory_space<vmem>>) semaphore(%arg12 : memref<!tpu.dma_semaphore, #tpu.memory_space<semaphore_mem>>)
      %dma_wait3A = arith.constant 0 : i32
      %dma_wait3A_47 = tpu.memref_slice %arg6[%mul3A_33, %dma_wait3A] : memref<41x128xi32, #tpu.memory_space<vmem>> -> memref<1x128xi32, #tpu.memory_space<vmem>>
      %dma_wait3A_48 = tpu.memref_squeeze %dma_wait3A_47 : memref<1x128xi32, #tpu.memory_space<vmem>> -> memref<128xi32, #tpu.memory_space<vmem>>
      %dma_wait3A_49 = arith.constant 0 : i32
      %dma_wait3A_50 = arith.constant 0 : i32
      %dma_wait3A_51 = tpu.memref_slice %arg2[%dma_wait3A_49, %dma_wait3A_50] : memref<20000x128xf32, #tpu.memory_space<hbm>> -> memref<20000x128xf32, #tpu.memory_space<hbm>>
      tpu.wait_indirect_dma semaphore(%arg11 : memref<!tpu.dma_semaphore, #tpu.memory_space<semaphore_mem>>) src(%dma_wait3A_51 : memref<20000x128xf32, #tpu.memory_space<hbm>>) dst(%arg8 : memref<128x128xf32, #tpu.memory_space<vmem>>)
      %add3A_52 = arith.constant 0 : i32
      %add3A_53 = arith.addi %mul3A_33, %add3A_52 : i32
      "tpu.region"() ({
        %run_scoped3A_206 = tpu.sem_alloc : memref<!tpu.dma_semaphore, #tpu.memory_space<semaphore_mem>>
        %dma_start3A_207 = arith.constant 0 : i32
        %dma_start3A_208 = tpu.memref_slice %arg7[%add3A_53, %dma_start3A_207] : memref<40x128xi32, #tpu.memory_space<vmem>> -> memref<1x128xi32, #tpu.memory_space<vmem>>
        %dma_start3A_209 = tpu.memref_squeeze %dma_start3A_208 : memref<1x128xi32, #tpu.memory_space<vmem>> -> memref<128xi32, #tpu.memory_space<vmem>>
        %dma_start3A_210 = arith.constant 0 : i32
        %dma_start3A_211 = arith.constant 0 : i32
        %dma_start3A_212 = tpu.memref_slice %arg10[%dma_start3A_210, %dma_start3A_211] : memref<10008x128xf32, #tpu.memory_space<vmem_shared>> -> memref<10008x128xf32, #tpu.memory_space<vmem_shared>>
        tpu.enqueue_indirect_dma source(%arg8 : memref<128x128xf32, #tpu.memory_space<vmem>>) target(%dma_start3A_212 : memref<10008x128xf32, #tpu.memory_space<vmem_shared>>) offsets(%dma_start3A_209 : memref<128xi32, #tpu.memory_space<vmem>>) semaphore(%run_scoped3A_206 : memref<!tpu.dma_semaphore, #tpu.memory_space<semaphore_mem>>) {add = true}
        %dma_wait3A_213 = arith.constant 0 : i32
        %dma_wait3A_214 = tpu.memref_slice %arg7[%add3A_53, %dma_wait3A_213] : memref<40x128xi32, #tpu.memory_space<vmem>> -> memref<1x128xi32, #tpu.memory_space<vmem>>
        %dma_wait3A_215 = tpu.memref_squeeze %dma_wait3A_214 : memref<1x128xi32, #tpu.memory_space<vmem>> -> memref<128xi32, #tpu.memory_space<vmem>>
        %dma_wait3A_216 = arith.constant 0 : i32
        %dma_wait3A_217 = arith.constant 0 : i32
        %dma_wait3A_218 = tpu.memref_slice %arg10[%dma_wait3A_216, %dma_wait3A_217] : memref<10008x128xf32, #tpu.memory_space<vmem_shared>> -> memref<10008x128xf32, #tpu.memory_space<vmem_shared>>
        tpu.wait_indirect_dma semaphore(%run_scoped3A_206 : memref<!tpu.dma_semaphore, #tpu.memory_space<semaphore_mem>>) src(%arg8 : memref<128x128xf32, #tpu.memory_space<vmem>>) dst(%dma_wait3A_218 : memref<10008x128xf32, #tpu.memory_space<vmem_shared>>)
        tpu.yield
      }) : () -> ()
      %add3A_54 = arith.constant 0 : i32
      %add3A_55 = arith.addi %mul3A_33, %add3A_54 : i32
      %add3A_56 = arith.constant 2 : i32
      %add3A_57 = arith.addi %add3A_55, %add3A_56 : i32
      %dma_start3A_58 = arith.constant 0 : i32
      %dma_start3A_59 = tpu.memref_slice %arg6[%add3A_57, %dma_start3A_58] : memref<41x128xi32, #tpu.memory_space<vmem>> -> memref<1x128xi32, #tpu.memory_space<vmem>>
      %dma_start3A_60 = tpu.memref_squeeze %dma_start3A_59 : memref<1x128xi32, #tpu.memory_space<vmem>> -> memref<128xi32, #tpu.memory_space<vmem>>
      %dma_start3A_61 = arith.constant 0 : i32
      %dma_start3A_62 = arith.constant 0 : i32
      %dma_start3A_63 = tpu.memref_slice %arg2[%dma_start3A_61, %dma_start3A_62] : memref<20000x128xf32, #tpu.memory_space<hbm>> -> memref<20000x128xf32, #tpu.memory_space<hbm>>
      tpu.enqueue_indirect_dma source(%dma_start3A_63 : memref<20000x128xf32, #tpu.memory_space<hbm>>) target(%arg8 : memref<128x128xf32, #tpu.memory_space<vmem>>) offsets(%dma_start3A_60 : memref<128xi32, #tpu.memory_space<vmem>>) semaphore(%arg11 : memref<!tpu.dma_semaphore, #tpu.memory_space<semaphore_mem>>)
      %dma_wait3A_64 = arith.constant 0 : i32
      %dma_wait3A_65 = tpu.memref_slice %arg6[%add3A_40, %dma_wait3A_64] : memref<41x128xi32, #tpu.memory_space<vmem>> -> memref<1x128xi32, #tpu.memory_space<vmem>>
      %dma_wait3A_66 = tpu.memref_squeeze %dma_wait3A_65 : memref<1x128xi32, #tpu.memory_space<vmem>> -> memref<128xi32, #tpu.memory_space<vmem>>
      %dma_wait3A_67 = arith.constant 0 : i32
      %dma_wait3A_68 = arith.constant 0 : i32
      %dma_wait3A_69 = tpu.memref_slice %arg2[%dma_wait3A_67, %dma_wait3A_68] : memref<20000x128xf32, #tpu.memory_space<hbm>> -> memref<20000x128xf32, #tpu.memory_space<hbm>>
      tpu.wait_indirect_dma semaphore(%arg12 : memref<!tpu.dma_semaphore, #tpu.memory_space<semaphore_mem>>) src(%dma_wait3A_69 : memref<20000x128xf32, #tpu.memory_space<hbm>>) dst(%arg9 : memref<128x128xf32, #tpu.memory_space<vmem>>)
      %add3A_70 = arith.constant 1 : i32
      %add3A_71 = arith.addi %mul3A_33, %add3A_70 : i32
      "tpu.region"() ({
        %run_scoped3A_206 = tpu.sem_alloc : memref<!tpu.dma_semaphore, #tpu.memory_space<semaphore_mem>>
        %dma_start3A_207 = arith.constant 0 : i32
        %dma_start3A_208 = tpu.memref_slice %arg7[%add3A_71, %dma_start3A_207] : memref<40x128xi32, #tpu.memory_space<vmem>> -> memref<1x128xi32, #tpu.memory_space<vmem>>
        %dma_start3A_209 = tpu.memref_squeeze %dma_start3A_208 : memref<1x128xi32, #tpu.memory_space<vmem>> -> memref<128xi32, #tpu.memory_space<vmem>>
        %dma_start3A_210 = arith.constant 0 : i32
        %dma_start3A_211 = arith.constant 0 : i32
        %dma_start3A_212 = tpu.memref_slice %arg10[%dma_start3A_210, %dma_start3A_211] : memref<10008x128xf32, #tpu.memory_space<vmem_shared>> -> memref<10008x128xf32, #tpu.memory_space<vmem_shared>>
        tpu.enqueue_indirect_dma source(%arg9 : memref<128x128xf32, #tpu.memory_space<vmem>>) target(%dma_start3A_212 : memref<10008x128xf32, #tpu.memory_space<vmem_shared>>) offsets(%dma_start3A_209 : memref<128xi32, #tpu.memory_space<vmem>>) semaphore(%run_scoped3A_206 : memref<!tpu.dma_semaphore, #tpu.memory_space<semaphore_mem>>) {add = true}
        %dma_wait3A_213 = arith.constant 0 : i32
        %dma_wait3A_214 = tpu.memref_slice %arg7[%add3A_71, %dma_wait3A_213] : memref<40x128xi32, #tpu.memory_space<vmem>> -> memref<1x128xi32, #tpu.memory_space<vmem>>
        %dma_wait3A_215 = tpu.memref_squeeze %dma_wait3A_214 : memref<1x128xi32, #tpu.memory_space<vmem>> -> memref<128xi32, #tpu.memory_space<vmem>>
        %dma_wait3A_216 = arith.constant 0 : i32
        %dma_wait3A_217 = arith.constant 0 : i32
        %dma_wait3A_218 = tpu.memref_slice %arg10[%dma_wait3A_216, %dma_wait3A_217] : memref<10008x128xf32, #tpu.memory_space<vmem_shared>> -> memref<10008x128xf32, #tpu.memory_space<vmem_shared>>
        tpu.wait_indirect_dma semaphore(%run_scoped3A_206 : memref<!tpu.dma_semaphore, #tpu.memory_space<semaphore_mem>>) src(%arg9 : memref<128x128xf32, #tpu.memory_space<vmem>>) dst(%dma_wait3A_218 : memref<10008x128xf32, #tpu.memory_space<vmem_shared>>)
        tpu.yield
      }) : () -> ()
      %add3A_72 = arith.constant 1 : i32
      %add3A_73 = arith.addi %mul3A_33, %add3A_72 : i32
      %add3A_74 = arith.constant 2 : i32
      %add3A_75 = arith.addi %add3A_73, %add3A_74 : i32
      %dma_start3A_76 = arith.constant 0 : i32
      %dma_start3A_77 = tpu.memref_slice %arg6[%add3A_75, %dma_start3A_76] : memref<41x128xi32, #tpu.memory_space<vmem>> -> memref<1x128xi32, #tpu.memory_space<vmem>>
      %dma_start3A_78 = tpu.memref_squeeze %dma_start3A_77 : memref<1x128xi32, #tpu.memory_space<vmem>> -> memref<128xi32, #tpu.memory_space<vmem>>
      %dma_start3A_79 = arith.constant 0 : i32
      %dma_start3A_80 = arith.constant 0 : i32
      %dma_start3A_81 = tpu.memref_slice %arg2[%dma_start3A_79, %dma_start3A_80] : memref<20000x128xf32, #tpu.memory_space<hbm>> -> memref<20000x128xf32, #tpu.memory_space<hbm>>
      tpu.enqueue_indirect_dma source(%dma_start3A_81 : memref<20000x128xf32, #tpu.memory_space<hbm>>) target(%arg9 : memref<128x128xf32, #tpu.memory_space<vmem>>) offsets(%dma_start3A_78 : memref<128xi32, #tpu.memory_space<vmem>>) semaphore(%arg12 : memref<!tpu.dma_semaphore, #tpu.memory_space<semaphore_mem>>)
      %dma_wait3A_82 = arith.constant 0 : i32
      %dma_wait3A_83 = tpu.memref_slice %arg6[%add3A_57, %dma_wait3A_82] : memref<41x128xi32, #tpu.memory_space<vmem>> -> memref<1x128xi32, #tpu.memory_space<vmem>>
      %dma_wait3A_84 = tpu.memref_squeeze %dma_wait3A_83 : memref<1x128xi32, #tpu.memory_space<vmem>> -> memref<128xi32, #tpu.memory_space<vmem>>
      %dma_wait3A_85 = arith.constant 0 : i32
      %dma_wait3A_86 = arith.constant 0 : i32
      %dma_wait3A_87 = tpu.memref_slice %arg2[%dma_wait3A_85, %dma_wait3A_86] : memref<20000x128xf32, #tpu.memory_space<hbm>> -> memref<20000x128xf32, #tpu.memory_space<hbm>>
      tpu.wait_indirect_dma semaphore(%arg11 : memref<!tpu.dma_semaphore, #tpu.memory_space<semaphore_mem>>) src(%dma_wait3A_87 : memref<20000x128xf32, #tpu.memory_space<hbm>>) dst(%arg8 : memref<128x128xf32, #tpu.memory_space<vmem>>)
      %add3A_88 = arith.constant 2 : i32
      %add3A_89 = arith.addi %mul3A_33, %add3A_88 : i32
      "tpu.region"() ({
        %run_scoped3A_206 = tpu.sem_alloc : memref<!tpu.dma_semaphore, #tpu.memory_space<semaphore_mem>>
        %dma_start3A_207 = arith.constant 0 : i32
        %dma_start3A_208 = tpu.memref_slice %arg7[%add3A_89, %dma_start3A_207] : memref<40x128xi32, #tpu.memory_space<vmem>> -> memref<1x128xi32, #tpu.memory_space<vmem>>
        %dma_start3A_209 = tpu.memref_squeeze %dma_start3A_208 : memref<1x128xi32, #tpu.memory_space<vmem>> -> memref<128xi32, #tpu.memory_space<vmem>>
        %dma_start3A_210 = arith.constant 0 : i32
        %dma_start3A_211 = arith.constant 0 : i32
        %dma_start3A_212 = tpu.memref_slice %arg10[%dma_start3A_210, %dma_start3A_211] : memref<10008x128xf32, #tpu.memory_space<vmem_shared>> -> memref<10008x128xf32, #tpu.memory_space<vmem_shared>>
        tpu.enqueue_indirect_dma source(%arg8 : memref<128x128xf32, #tpu.memory_space<vmem>>) target(%dma_start3A_212 : memref<10008x128xf32, #tpu.memory_space<vmem_shared>>) offsets(%dma_start3A_209 : memref<128xi32, #tpu.memory_space<vmem>>) semaphore(%run_scoped3A_206 : memref<!tpu.dma_semaphore, #tpu.memory_space<semaphore_mem>>) {add = true}
        %dma_wait3A_213 = arith.constant 0 : i32
        %dma_wait3A_214 = tpu.memref_slice %arg7[%add3A_89, %dma_wait3A_213] : memref<40x128xi32, #tpu.memory_space<vmem>> -> memref<1x128xi32, #tpu.memory_space<vmem>>
        %dma_wait3A_215 = tpu.memref_squeeze %dma_wait3A_214 : memref<1x128xi32, #tpu.memory_space<vmem>> -> memref<128xi32, #tpu.memory_space<vmem>>
        %dma_wait3A_216 = arith.constant 0 : i32
        %dma_wait3A_217 = arith.constant 0 : i32
        %dma_wait3A_218 = tpu.memref_slice %arg10[%dma_wait3A_216, %dma_wait3A_217] : memref<10008x128xf32, #tpu.memory_space<vmem_shared>> -> memref<10008x128xf32, #tpu.memory_space<vmem_shared>>
        tpu.wait_indirect_dma semaphore(%run_scoped3A_206 : memref<!tpu.dma_semaphore, #tpu.memory_space<semaphore_mem>>) src(%arg8 : memref<128x128xf32, #tpu.memory_space<vmem>>) dst(%dma_wait3A_218 : memref<10008x128xf32, #tpu.memory_space<vmem_shared>>)
        tpu.yield
      }) : () -> ()
      %add3A_90 = arith.constant 2 : i32
      %add3A_91 = arith.addi %mul3A_33, %add3A_90 : i32
      %add3A_92 = arith.constant 2 : i32
      %add3A_93 = arith.addi %add3A_91, %add3A_92 : i32
      %dma_start3A_94 = arith.constant 0 : i32
      %dma_start3A_95 = tpu.memref_slice %arg6[%add3A_93, %dma_start3A_94] : memref<41x128xi32, #tpu.memory_space<vmem>> -> memref<1x128xi32, #tpu.memory_space<vmem>>
      %dma_start3A_96 = tpu.memref_squeeze %dma_start3A_95 : memref<1x128xi32, #tpu.memory_space<vmem>> -> memref<128xi32, #tpu.memory_space<vmem>>
      %dma_start3A_97 = arith.constant 0 : i32
      %dma_start3A_98 = arith.constant 0 : i32
      %dma_start3A_99 = tpu.memref_slice %arg2[%dma_start3A_97, %dma_start3A_98] : memref<20000x128xf32, #tpu.memory_space<hbm>> -> memref<20000x128xf32, #tpu.memory_space<hbm>>
      tpu.enqueue_indirect_dma source(%dma_start3A_99 : memref<20000x128xf32, #tpu.memory_space<hbm>>) target(%arg8 : memref<128x128xf32, #tpu.memory_space<vmem>>) offsets(%dma_start3A_96 : memref<128xi32, #tpu.memory_space<vmem>>) semaphore(%arg11 : memref<!tpu.dma_semaphore, #tpu.memory_space<semaphore_mem>>)
      %dma_wait3A_100 = arith.constant 0 : i32
      %dma_wait3A_101 = tpu.memref_slice %arg6[%add3A_75, %dma_wait3A_100] : memref<41x128xi32, #tpu.memory_space<vmem>> -> memref<1x128xi32, #tpu.memory_space<vmem>>
      %dma_wait3A_102 = tpu.memref_squeeze %dma_wait3A_101 : memref<1x128xi32, #tpu.memory_space<vmem>> -> memref<128xi32, #tpu.memory_space<vmem>>
      %dma_wait3A_103 = arith.constant 0 : i32
      %dma_wait3A_104 = arith.constant 0 : i32
      %dma_wait3A_105 = tpu.memref_slice %arg2[%dma_wait3A_103, %dma_wait3A_104] : memref<20000x128xf32, #tpu.memory_space<hbm>> -> memref<20000x128xf32, #tpu.memory_space<hbm>>
      tpu.wait_indirect_dma semaphore(%arg12 : memref<!tpu.dma_semaphore, #tpu.memory_space<semaphore_mem>>) src(%dma_wait3A_105 : memref<20000x128xf32, #tpu.memory_space<hbm>>) dst(%arg9 : memref<128x128xf32, #tpu.memory_space<vmem>>)
      %add3A_106 = arith.constant 3 : i32
      %add3A_107 = arith.addi %mul3A_33, %add3A_106 : i32
      "tpu.region"() ({
        %run_scoped3A_206 = tpu.sem_alloc : memref<!tpu.dma_semaphore, #tpu.memory_space<semaphore_mem>>
        %dma_start3A_207 = arith.constant 0 : i32
        %dma_start3A_208 = tpu.memref_slice %arg7[%add3A_107, %dma_start3A_207] : memref<40x128xi32, #tpu.memory_space<vmem>> -> memref<1x128xi32, #tpu.memory_space<vmem>>
        %dma_start3A_209 = tpu.memref_squeeze %dma_start3A_208 : memref<1x128xi32, #tpu.memory_space<vmem>> -> memref<128xi32, #tpu.memory_space<vmem>>
        %dma_start3A_210 = arith.constant 0 : i32
        %dma_start3A_211 = arith.constant 0 : i32
        %dma_start3A_212 = tpu.memref_slice %arg10[%dma_start3A_210, %dma_start3A_211] : memref<10008x128xf32, #tpu.memory_space<vmem_shared>> -> memref<10008x128xf32, #tpu.memory_space<vmem_shared>>
        tpu.enqueue_indirect_dma source(%arg9 : memref<128x128xf32, #tpu.memory_space<vmem>>) target(%dma_start3A_212 : memref<10008x128xf32, #tpu.memory_space<vmem_shared>>) offsets(%dma_start3A_209 : memref<128xi32, #tpu.memory_space<vmem>>) semaphore(%run_scoped3A_206 : memref<!tpu.dma_semaphore, #tpu.memory_space<semaphore_mem>>) {add = true}
        %dma_wait3A_213 = arith.constant 0 : i32
        %dma_wait3A_214 = tpu.memref_slice %arg7[%add3A_107, %dma_wait3A_213] : memref<40x128xi32, #tpu.memory_space<vmem>> -> memref<1x128xi32, #tpu.memory_space<vmem>>
        %dma_wait3A_215 = tpu.memref_squeeze %dma_wait3A_214 : memref<1x128xi32, #tpu.memory_space<vmem>> -> memref<128xi32, #tpu.memory_space<vmem>>
        %dma_wait3A_216 = arith.constant 0 : i32
        %dma_wait3A_217 = arith.constant 0 : i32
        %dma_wait3A_218 = tpu.memref_slice %arg10[%dma_wait3A_216, %dma_wait3A_217] : memref<10008x128xf32, #tpu.memory_space<vmem_shared>> -> memref<10008x128xf32, #tpu.memory_space<vmem_shared>>
        tpu.wait_indirect_dma semaphore(%run_scoped3A_206 : memref<!tpu.dma_semaphore, #tpu.memory_space<semaphore_mem>>) src(%arg9 : memref<128x128xf32, #tpu.memory_space<vmem>>) dst(%dma_wait3A_218 : memref<10008x128xf32, #tpu.memory_space<vmem_shared>>)
        tpu.yield
      }) : () -> ()
      %add3A_108 = arith.constant 3 : i32
      %add3A_109 = arith.addi %mul3A_33, %add3A_108 : i32
      %add3A_110 = arith.constant 2 : i32
      %add3A_111 = arith.addi %add3A_109, %add3A_110 : i32
      %dma_start3A_112 = arith.constant 0 : i32
      %dma_start3A_113 = tpu.memref_slice %arg6[%add3A_111, %dma_start3A_112] : memref<41x128xi32, #tpu.memory_space<vmem>> -> memref<1x128xi32, #tpu.memory_space<vmem>>
      %dma_start3A_114 = tpu.memref_squeeze %dma_start3A_113 : memref<1x128xi32, #tpu.memory_space<vmem>> -> memref<128xi32, #tpu.memory_space<vmem>>
      %dma_start3A_115 = arith.constant 0 : i32
      %dma_start3A_116 = arith.constant 0 : i32
      %dma_start3A_117 = tpu.memref_slice %arg2[%dma_start3A_115, %dma_start3A_116] : memref<20000x128xf32, #tpu.memory_space<hbm>> -> memref<20000x128xf32, #tpu.memory_space<hbm>>
      tpu.enqueue_indirect_dma source(%dma_start3A_117 : memref<20000x128xf32, #tpu.memory_space<hbm>>) target(%arg9 : memref<128x128xf32, #tpu.memory_space<vmem>>) offsets(%dma_start3A_114 : memref<128xi32, #tpu.memory_space<vmem>>) semaphore(%arg12 : memref<!tpu.dma_semaphore, #tpu.memory_space<semaphore_mem>>)
      %dma_wait3A_118 = arith.constant 0 : i32
      %dma_wait3A_119 = tpu.memref_slice %arg6[%add3A_93, %dma_wait3A_118] : memref<41x128xi32, #tpu.memory_space<vmem>> -> memref<1x128xi32, #tpu.memory_space<vmem>>
      %dma_wait3A_120 = tpu.memref_squeeze %dma_wait3A_119 : memref<1x128xi32, #tpu.memory_space<vmem>> -> memref<128xi32, #tpu.memory_space<vmem>>
      %dma_wait3A_121 = arith.constant 0 : i32
      %dma_wait3A_122 = arith.constant 0 : i32
      %dma_wait3A_123 = tpu.memref_slice %arg2[%dma_wait3A_121, %dma_wait3A_122] : memref<20000x128xf32, #tpu.memory_space<hbm>> -> memref<20000x128xf32, #tpu.memory_space<hbm>>
      tpu.wait_indirect_dma semaphore(%arg11 : memref<!tpu.dma_semaphore, #tpu.memory_space<semaphore_mem>>) src(%dma_wait3A_123 : memref<20000x128xf32, #tpu.memory_space<hbm>>) dst(%arg8 : memref<128x128xf32, #tpu.memory_space<vmem>>)
      %add3A_124 = arith.constant 4 : i32
      %add3A_125 = arith.addi %mul3A_33, %add3A_124 : i32
      "tpu.region"() ({
        %run_scoped3A_206 = tpu.sem_alloc : memref<!tpu.dma_semaphore, #tpu.memory_space<semaphore_mem>>
        %dma_start3A_207 = arith.constant 0 : i32
        %dma_start3A_208 = tpu.memref_slice %arg7[%add3A_125, %dma_start3A_207] : memref<40x128xi32, #tpu.memory_space<vmem>> -> memref<1x128xi32, #tpu.memory_space<vmem>>
        %dma_start3A_209 = tpu.memref_squeeze %dma_start3A_208 : memref<1x128xi32, #tpu.memory_space<vmem>> -> memref<128xi32, #tpu.memory_space<vmem>>
        %dma_start3A_210 = arith.constant 0 : i32
        %dma_start3A_211 = arith.constant 0 : i32
        %dma_start3A_212 = tpu.memref_slice %arg10[%dma_start3A_210, %dma_start3A_211] : memref<10008x128xf32, #tpu.memory_space<vmem_shared>> -> memref<10008x128xf32, #tpu.memory_space<vmem_shared>>
        tpu.enqueue_indirect_dma source(%arg8 : memref<128x128xf32, #tpu.memory_space<vmem>>) target(%dma_start3A_212 : memref<10008x128xf32, #tpu.memory_space<vmem_shared>>) offsets(%dma_start3A_209 : memref<128xi32, #tpu.memory_space<vmem>>) semaphore(%run_scoped3A_206 : memref<!tpu.dma_semaphore, #tpu.memory_space<semaphore_mem>>) {add = true}
        %dma_wait3A_213 = arith.constant 0 : i32
        %dma_wait3A_214 = tpu.memref_slice %arg7[%add3A_125, %dma_wait3A_213] : memref<40x128xi32, #tpu.memory_space<vmem>> -> memref<1x128xi32, #tpu.memory_space<vmem>>
        %dma_wait3A_215 = tpu.memref_squeeze %dma_wait3A_214 : memref<1x128xi32, #tpu.memory_space<vmem>> -> memref<128xi32, #tpu.memory_space<vmem>>
        %dma_wait3A_216 = arith.constant 0 : i32
        %dma_wait3A_217 = arith.constant 0 : i32
        %dma_wait3A_218 = tpu.memref_slice %arg10[%dma_wait3A_216, %dma_wait3A_217] : memref<10008x128xf32, #tpu.memory_space<vmem_shared>> -> memref<10008x128xf32, #tpu.memory_space<vmem_shared>>
        tpu.wait_indirect_dma semaphore(%run_scoped3A_206 : memref<!tpu.dma_semaphore, #tpu.memory_space<semaphore_mem>>) src(%arg8 : memref<128x128xf32, #tpu.memory_space<vmem>>) dst(%dma_wait3A_218 : memref<10008x128xf32, #tpu.memory_space<vmem_shared>>)
        tpu.yield
      }) : () -> ()
      %add3A_126 = arith.constant 4 : i32
      %add3A_127 = arith.addi %mul3A_33, %add3A_126 : i32
      %add3A_128 = arith.constant 2 : i32
      %add3A_129 = arith.addi %add3A_127, %add3A_128 : i32
      %dma_start3A_130 = arith.constant 0 : i32
      %dma_start3A_131 = tpu.memref_slice %arg6[%add3A_129, %dma_start3A_130] : memref<41x128xi32, #tpu.memory_space<vmem>> -> memref<1x128xi32, #tpu.memory_space<vmem>>
      %dma_start3A_132 = tpu.memref_squeeze %dma_start3A_131 : memref<1x128xi32, #tpu.memory_space<vmem>> -> memref<128xi32, #tpu.memory_space<vmem>>
      %dma_start3A_133 = arith.constant 0 : i32
      %dma_start3A_134 = arith.constant 0 : i32
      %dma_start3A_135 = tpu.memref_slice %arg2[%dma_start3A_133, %dma_start3A_134] : memref<20000x128xf32, #tpu.memory_space<hbm>> -> memref<20000x128xf32, #tpu.memory_space<hbm>>
      tpu.enqueue_indirect_dma source(%dma_start3A_135 : memref<20000x128xf32, #tpu.memory_space<hbm>>) target(%arg8 : memref<128x128xf32, #tpu.memory_space<vmem>>) offsets(%dma_start3A_132 : memref<128xi32, #tpu.memory_space<vmem>>) semaphore(%arg11 : memref<!tpu.dma_semaphore, #tpu.memory_space<semaphore_mem>>)
      %dma_wait3A_136 = arith.constant 0 : i32
      %dma_wait3A_137 = tpu.memref_slice %arg6[%add3A_111, %dma_wait3A_136] : memref<41x128xi32, #tpu.memory_space<vmem>> -> memref<1x128xi32, #tpu.memory_space<vmem>>
      %dma_wait3A_138 = tpu.memref_squeeze %dma_wait3A_137 : memref<1x128xi32, #tpu.memory_space<vmem>> -> memref<128xi32, #tpu.memory_space<vmem>>
      %dma_wait3A_139 = arith.constant 0 : i32
      %dma_wait3A_140 = arith.constant 0 : i32
      %dma_wait3A_141 = tpu.memref_slice %arg2[%dma_wait3A_139, %dma_wait3A_140] : memref<20000x128xf32, #tpu.memory_space<hbm>> -> memref<20000x128xf32, #tpu.memory_space<hbm>>
      tpu.wait_indirect_dma semaphore(%arg12 : memref<!tpu.dma_semaphore, #tpu.memory_space<semaphore_mem>>) src(%dma_wait3A_141 : memref<20000x128xf32, #tpu.memory_space<hbm>>) dst(%arg9 : memref<128x128xf32, #tpu.memory_space<vmem>>)
      %add3A_142 = arith.constant 5 : i32
      %add3A_143 = arith.addi %mul3A_33, %add3A_142 : i32
      "tpu.region"() ({
        %run_scoped3A_206 = tpu.sem_alloc : memref<!tpu.dma_semaphore, #tpu.memory_space<semaphore_mem>>
        %dma_start3A_207 = arith.constant 0 : i32
        %dma_start3A_208 = tpu.memref_slice %arg7[%add3A_143, %dma_start3A_207] : memref<40x128xi32, #tpu.memory_space<vmem>> -> memref<1x128xi32, #tpu.memory_space<vmem>>
        %dma_start3A_209 = tpu.memref_squeeze %dma_start3A_208 : memref<1x128xi32, #tpu.memory_space<vmem>> -> memref<128xi32, #tpu.memory_space<vmem>>
        %dma_start3A_210 = arith.constant 0 : i32
        %dma_start3A_211 = arith.constant 0 : i32
        %dma_start3A_212 = tpu.memref_slice %arg10[%dma_start3A_210, %dma_start3A_211] : memref<10008x128xf32, #tpu.memory_space<vmem_shared>> -> memref<10008x128xf32, #tpu.memory_space<vmem_shared>>
        tpu.enqueue_indirect_dma source(%arg9 : memref<128x128xf32, #tpu.memory_space<vmem>>) target(%dma_start3A_212 : memref<10008x128xf32, #tpu.memory_space<vmem_shared>>) offsets(%dma_start3A_209 : memref<128xi32, #tpu.memory_space<vmem>>) semaphore(%run_scoped3A_206 : memref<!tpu.dma_semaphore, #tpu.memory_space<semaphore_mem>>) {add = true}
        %dma_wait3A_213 = arith.constant 0 : i32
        %dma_wait3A_214 = tpu.memref_slice %arg7[%add3A_143, %dma_wait3A_213] : memref<40x128xi32, #tpu.memory_space<vmem>> -> memref<1x128xi32, #tpu.memory_space<vmem>>
        %dma_wait3A_215 = tpu.memref_squeeze %dma_wait3A_214 : memref<1x128xi32, #tpu.memory_space<vmem>> -> memref<128xi32, #tpu.memory_space<vmem>>
        %dma_wait3A_216 = arith.constant 0 : i32
        %dma_wait3A_217 = arith.constant 0 : i32
        %dma_wait3A_218 = tpu.memref_slice %arg10[%dma_wait3A_216, %dma_wait3A_217] : memref<10008x128xf32, #tpu.memory_space<vmem_shared>> -> memref<10008x128xf32, #tpu.memory_space<vmem_shared>>
        tpu.wait_indirect_dma semaphore(%run_scoped3A_206 : memref<!tpu.dma_semaphore, #tpu.memory_space<semaphore_mem>>) src(%arg9 : memref<128x128xf32, #tpu.memory_space<vmem>>) dst(%dma_wait3A_218 : memref<10008x128xf32, #tpu.memory_space<vmem_shared>>)
        tpu.yield
      }) : () -> ()
      %add3A_144 = arith.constant 5 : i32
      %add3A_145 = arith.addi %mul3A_33, %add3A_144 : i32
      %add3A_146 = arith.constant 2 : i32
      %add3A_147 = arith.addi %add3A_145, %add3A_146 : i32
      %dma_start3A_148 = arith.constant 0 : i32
      %dma_start3A_149 = tpu.memref_slice %arg6[%add3A_147, %dma_start3A_148] : memref<41x128xi32, #tpu.memory_space<vmem>> -> memref<1x128xi32, #tpu.memory_space<vmem>>
      %dma_start3A_150 = tpu.memref_squeeze %dma_start3A_149 : memref<1x128xi32, #tpu.memory_space<vmem>> -> memref<128xi32, #tpu.memory_space<vmem>>
      %dma_start3A_151 = arith.constant 0 : i32
      %dma_start3A_152 = arith.constant 0 : i32
      %dma_start3A_153 = tpu.memref_slice %arg2[%dma_start3A_151, %dma_start3A_152] : memref<20000x128xf32, #tpu.memory_space<hbm>> -> memref<20000x128xf32, #tpu.memory_space<hbm>>
      tpu.enqueue_indirect_dma source(%dma_start3A_153 : memref<20000x128xf32, #tpu.memory_space<hbm>>) target(%arg9 : memref<128x128xf32, #tpu.memory_space<vmem>>) offsets(%dma_start3A_150 : memref<128xi32, #tpu.memory_space<vmem>>) semaphore(%arg12 : memref<!tpu.dma_semaphore, #tpu.memory_space<semaphore_mem>>)
      %dma_wait3A_154 = arith.constant 0 : i32
      %dma_wait3A_155 = tpu.memref_slice %arg6[%add3A_129, %dma_wait3A_154] : memref<41x128xi32, #tpu.memory_space<vmem>> -> memref<1x128xi32, #tpu.memory_space<vmem>>
      %dma_wait3A_156 = tpu.memref_squeeze %dma_wait3A_155 : memref<1x128xi32, #tpu.memory_space<vmem>> -> memref<128xi32, #tpu.memory_space<vmem>>
      %dma_wait3A_157 = arith.constant 0 : i32
      %dma_wait3A_158 = arith.constant 0 : i32
      %dma_wait3A_159 = tpu.memref_slice %arg2[%dma_wait3A_157, %dma_wait3A_158] : memref<20000x128xf32, #tpu.memory_space<hbm>> -> memref<20000x128xf32, #tpu.memory_space<hbm>>
      tpu.wait_indirect_dma semaphore(%arg11 : memref<!tpu.dma_semaphore, #tpu.memory_space<semaphore_mem>>) src(%dma_wait3A_159 : memref<20000x128xf32, #tpu.memory_space<hbm>>) dst(%arg8 : memref<128x128xf32, #tpu.memory_space<vmem>>)
      %add3A_160 = arith.constant 6 : i32
      %add3A_161 = arith.addi %mul3A_33, %add3A_160 : i32
      "tpu.region"() ({
        %run_scoped3A_206 = tpu.sem_alloc : memref<!tpu.dma_semaphore, #tpu.memory_space<semaphore_mem>>
        %dma_start3A_207 = arith.constant 0 : i32
        %dma_start3A_208 = tpu.memref_slice %arg7[%add3A_161, %dma_start3A_207] : memref<40x128xi32, #tpu.memory_space<vmem>> -> memref<1x128xi32, #tpu.memory_space<vmem>>
        %dma_start3A_209 = tpu.memref_squeeze %dma_start3A_208 : memref<1x128xi32, #tpu.memory_space<vmem>> -> memref<128xi32, #tpu.memory_space<vmem>>
        %dma_start3A_210 = arith.constant 0 : i32
        %dma_start3A_211 = arith.constant 0 : i32
        %dma_start3A_212 = tpu.memref_slice %arg10[%dma_start3A_210, %dma_start3A_211] : memref<10008x128xf32, #tpu.memory_space<vmem_shared>> -> memref<10008x128xf32, #tpu.memory_space<vmem_shared>>
        tpu.enqueue_indirect_dma source(%arg8 : memref<128x128xf32, #tpu.memory_space<vmem>>) target(%dma_start3A_212 : memref<10008x128xf32, #tpu.memory_space<vmem_shared>>) offsets(%dma_start3A_209 : memref<128xi32, #tpu.memory_space<vmem>>) semaphore(%run_scoped3A_206 : memref<!tpu.dma_semaphore, #tpu.memory_space<semaphore_mem>>) {add = true}
        %dma_wait3A_213 = arith.constant 0 : i32
        %dma_wait3A_214 = tpu.memref_slice %arg7[%add3A_161, %dma_wait3A_213] : memref<40x128xi32, #tpu.memory_space<vmem>> -> memref<1x128xi32, #tpu.memory_space<vmem>>
        %dma_wait3A_215 = tpu.memref_squeeze %dma_wait3A_214 : memref<1x128xi32, #tpu.memory_space<vmem>> -> memref<128xi32, #tpu.memory_space<vmem>>
        %dma_wait3A_216 = arith.constant 0 : i32
        %dma_wait3A_217 = arith.constant 0 : i32
        %dma_wait3A_218 = tpu.memref_slice %arg10[%dma_wait3A_216, %dma_wait3A_217] : memref<10008x128xf32, #tpu.memory_space<vmem_shared>> -> memref<10008x128xf32, #tpu.memory_space<vmem_shared>>
        tpu.wait_indirect_dma semaphore(%run_scoped3A_206 : memref<!tpu.dma_semaphore, #tpu.memory_space<semaphore_mem>>) src(%arg8 : memref<128x128xf32, #tpu.memory_space<vmem>>) dst(%dma_wait3A_218 : memref<10008x128xf32, #tpu.memory_space<vmem_shared>>)
        tpu.yield
      }) : () -> ()
      %add3A_162 = arith.constant 6 : i32
      %add3A_163 = arith.addi %mul3A_33, %add3A_162 : i32
      %add3A_164 = arith.constant 2 : i32
      %add3A_165 = arith.addi %add3A_163, %add3A_164 : i32
      %dma_start3A_166 = arith.constant 0 : i32
      %dma_start3A_167 = tpu.memref_slice %arg6[%add3A_165, %dma_start3A_166] : memref<41x128xi32, #tpu.memory_space<vmem>> -> memref<1x128xi32, #tpu.memory_space<vmem>>
      %dma_start3A_168 = tpu.memref_squeeze %dma_start3A_167 : memref<1x128xi32, #tpu.memory_space<vmem>> -> memref<128xi32, #tpu.memory_space<vmem>>
      %dma_start3A_169 = arith.constant 0 : i32
      %dma_start3A_170 = arith.constant 0 : i32
      %dma_start3A_171 = tpu.memref_slice %arg2[%dma_start3A_169, %dma_start3A_170] : memref<20000x128xf32, #tpu.memory_space<hbm>> -> memref<20000x128xf32, #tpu.memory_space<hbm>>
      tpu.enqueue_indirect_dma source(%dma_start3A_171 : memref<20000x128xf32, #tpu.memory_space<hbm>>) target(%arg8 : memref<128x128xf32, #tpu.memory_space<vmem>>) offsets(%dma_start3A_168 : memref<128xi32, #tpu.memory_space<vmem>>) semaphore(%arg11 : memref<!tpu.dma_semaphore, #tpu.memory_space<semaphore_mem>>)
      %dma_wait3A_172 = arith.constant 0 : i32
      %dma_wait3A_173 = tpu.memref_slice %arg6[%add3A_147, %dma_wait3A_172] : memref<41x128xi32, #tpu.memory_space<vmem>> -> memref<1x128xi32, #tpu.memory_space<vmem>>
      %dma_wait3A_174 = tpu.memref_squeeze %dma_wait3A_173 : memref<1x128xi32, #tpu.memory_space<vmem>> -> memref<128xi32, #tpu.memory_space<vmem>>
      %dma_wait3A_175 = arith.constant 0 : i32
      %dma_wait3A_176 = arith.constant 0 : i32
      %dma_wait3A_177 = tpu.memref_slice %arg2[%dma_wait3A_175, %dma_wait3A_176] : memref<20000x128xf32, #tpu.memory_space<hbm>> -> memref<20000x128xf32, #tpu.memory_space<hbm>>
      tpu.wait_indirect_dma semaphore(%arg12 : memref<!tpu.dma_semaphore, #tpu.memory_space<semaphore_mem>>) src(%dma_wait3A_177 : memref<20000x128xf32, #tpu.memory_space<hbm>>) dst(%arg9 : memref<128x128xf32, #tpu.memory_space<vmem>>)
      %add3A_178 = arith.constant 7 : i32
      %add3A_179 = arith.addi %mul3A_33, %add3A_178 : i32
      "tpu.region"() ({
        %run_scoped3A_206 = tpu.sem_alloc : memref<!tpu.dma_semaphore, #tpu.memory_space<semaphore_mem>>
        %dma_start3A_207 = arith.constant 0 : i32
        %dma_start3A_208 = tpu.memref_slice %arg7[%add3A_179, %dma_start3A_207] : memref<40x128xi32, #tpu.memory_space<vmem>> -> memref<1x128xi32, #tpu.memory_space<vmem>>
        %dma_start3A_209 = tpu.memref_squeeze %dma_start3A_208 : memref<1x128xi32, #tpu.memory_space<vmem>> -> memref<128xi32, #tpu.memory_space<vmem>>
        %dma_start3A_210 = arith.constant 0 : i32
        %dma_start3A_211 = arith.constant 0 : i32
        %dma_start3A_212 = tpu.memref_slice %arg10[%dma_start3A_210, %dma_start3A_211] : memref<10008x128xf32, #tpu.memory_space<vmem_shared>> -> memref<10008x128xf32, #tpu.memory_space<vmem_shared>>
        tpu.enqueue_indirect_dma source(%arg9 : memref<128x128xf32, #tpu.memory_space<vmem>>) target(%dma_start3A_212 : memref<10008x128xf32, #tpu.memory_space<vmem_shared>>) offsets(%dma_start3A_209 : memref<128xi32, #tpu.memory_space<vmem>>) semaphore(%run_scoped3A_206 : memref<!tpu.dma_semaphore, #tpu.memory_space<semaphore_mem>>) {add = true}
        %dma_wait3A_213 = arith.constant 0 : i32
        %dma_wait3A_214 = tpu.memref_slice %arg7[%add3A_179, %dma_wait3A_213] : memref<40x128xi32, #tpu.memory_space<vmem>> -> memref<1x128xi32, #tpu.memory_space<vmem>>
        %dma_wait3A_215 = tpu.memref_squeeze %dma_wait3A_214 : memref<1x128xi32, #tpu.memory_space<vmem>> -> memref<128xi32, #tpu.memory_space<vmem>>
        %dma_wait3A_216 = arith.constant 0 : i32
        %dma_wait3A_217 = arith.constant 0 : i32
        %dma_wait3A_218 = tpu.memref_slice %arg10[%dma_wait3A_216, %dma_wait3A_217] : memref<10008x128xf32, #tpu.memory_space<vmem_shared>> -> memref<10008x128xf32, #tpu.memory_space<vmem_shared>>
        tpu.wait_indirect_dma semaphore(%run_scoped3A_206 : memref<!tpu.dma_semaphore, #tpu.memory_space<semaphore_mem>>) src(%arg9 : memref<128x128xf32, #tpu.memory_space<vmem>>) dst(%dma_wait3A_218 : memref<10008x128xf32, #tpu.memory_space<vmem_shared>>)
        tpu.yield
      }) : () -> ()
      %add3A_180 = arith.constant 7 : i32
      %add3A_181 = arith.addi %mul3A_33, %add3A_180 : i32
      %add3A_182 = arith.constant 2 : i32
      %add3A_183 = arith.addi %add3A_181, %add3A_182 : i32
      %dma_start3A_184 = arith.constant 0 : i32
      %dma_start3A_185 = tpu.memref_slice %arg6[%add3A_183, %dma_start3A_184] : memref<41x128xi32, #tpu.memory_space<vmem>> -> memref<1x128xi32, #tpu.memory_space<vmem>>
      %dma_start3A_186 = tpu.memref_squeeze %dma_start3A_185 : memref<1x128xi32, #tpu.memory_space<vmem>> -> memref<128xi32, #tpu.memory_space<vmem>>
      %dma_start3A_187 = arith.constant 0 : i32
      %dma_start3A_188 = arith.constant 0 : i32
      %dma_start3A_189 = tpu.memref_slice %arg2[%dma_start3A_187, %dma_start3A_188] : memref<20000x128xf32, #tpu.memory_space<hbm>> -> memref<20000x128xf32, #tpu.memory_space<hbm>>
      tpu.enqueue_indirect_dma source(%dma_start3A_189 : memref<20000x128xf32, #tpu.memory_space<hbm>>) target(%arg9 : memref<128x128xf32, #tpu.memory_space<vmem>>) offsets(%dma_start3A_186 : memref<128xi32, #tpu.memory_space<vmem>>) semaphore(%arg12 : memref<!tpu.dma_semaphore, #tpu.memory_space<semaphore_mem>>)
      %dma_wait3A_190 = arith.constant 0 : i32
      %dma_wait3A_191 = tpu.memref_slice %arg6[%add3A_165, %dma_wait3A_190] : memref<41x128xi32, #tpu.memory_space<vmem>> -> memref<1x128xi32, #tpu.memory_space<vmem>>
      %dma_wait3A_192 = tpu.memref_squeeze %dma_wait3A_191 : memref<1x128xi32, #tpu.memory_space<vmem>> -> memref<128xi32, #tpu.memory_space<vmem>>
      %dma_wait3A_193 = arith.constant 0 : i32
      %dma_wait3A_194 = arith.constant 0 : i32
      %dma_wait3A_195 = tpu.memref_slice %arg2[%dma_wait3A_193, %dma_wait3A_194] : memref<20000x128xf32, #tpu.memory_space<hbm>> -> memref<20000x128xf32, #tpu.memory_space<hbm>>
      tpu.wait_indirect_dma semaphore(%arg11 : memref<!tpu.dma_semaphore, #tpu.memory_space<semaphore_mem>>) src(%dma_wait3A_195 : memref<20000x128xf32, #tpu.memory_space<hbm>>) dst(%arg8 : memref<128x128xf32, #tpu.memory_space<vmem>>)
      %add3A_196 = arith.constant 8 : i32
      %add3A_197 = arith.addi %mul3A_33, %add3A_196 : i32
      "tpu.region"() ({
        %run_scoped3A_206 = tpu.sem_alloc : memref<!tpu.dma_semaphore, #tpu.memory_space<semaphore_mem>>
        %dma_start3A_207 = arith.constant 0 : i32
        %dma_start3A_208 = tpu.memref_slice %arg7[%add3A_197, %dma_start3A_207] : memref<40x128xi32, #tpu.memory_space<vmem>> -> memref<1x128xi32, #tpu.memory_space<vmem>>
        %dma_start3A_209 = tpu.memref_squeeze %dma_start3A_208 : memref<1x128xi32, #tpu.memory_space<vmem>> -> memref<128xi32, #tpu.memory_space<vmem>>
        %dma_start3A_210 = arith.constant 0 : i32
        %dma_start3A_211 = arith.constant 0 : i32
        %dma_start3A_212 = tpu.memref_slice %arg10[%dma_start3A_210, %dma_start3A_211] : memref<10008x128xf32, #tpu.memory_space<vmem_shared>> -> memref<10008x128xf32, #tpu.memory_space<vmem_shared>>
        tpu.enqueue_indirect_dma source(%arg8 : memref<128x128xf32, #tpu.memory_space<vmem>>) target(%dma_start3A_212 : memref<10008x128xf32, #tpu.memory_space<vmem_shared>>) offsets(%dma_start3A_209 : memref<128xi32, #tpu.memory_space<vmem>>) semaphore(%run_scoped3A_206 : memref<!tpu.dma_semaphore, #tpu.memory_space<semaphore_mem>>) {add = true}
        %dma_wait3A_213 = arith.constant 0 : i32
        %dma_wait3A_214 = tpu.memref_slice %arg7[%add3A_197, %dma_wait3A_213] : memref<40x128xi32, #tpu.memory_space<vmem>> -> memref<1x128xi32, #tpu.memory_space<vmem>>
        %dma_wait3A_215 = tpu.memref_squeeze %dma_wait3A_214 : memref<1x128xi32, #tpu.memory_space<vmem>> -> memref<128xi32, #tpu.memory_space<vmem>>
        %dma_wait3A_216 = arith.constant 0 : i32
        %dma_wait3A_217 = arith.constant 0 : i32
        %dma_wait3A_218 = tpu.memref_slice %arg10[%dma_wait3A_216, %dma_wait3A_217] : memref<10008x128xf32, #tpu.memory_space<vmem_shared>> -> memref<10008x128xf32, #tpu.memory_space<vmem_shared>>
        tpu.wait_indirect_dma semaphore(%run_scoped3A_206 : memref<!tpu.dma_semaphore, #tpu.memory_space<semaphore_mem>>) src(%arg8 : memref<128x128xf32, #tpu.memory_space<vmem>>) dst(%dma_wait3A_218 : memref<10008x128xf32, #tpu.memory_space<vmem_shared>>)
        tpu.yield
      }) : () -> ()
      %dma_wait3A_198 = arith.constant 0 : i32
      %dma_wait3A_199 = tpu.memref_slice %arg6[%add3A_183, %dma_wait3A_198] : memref<41x128xi32, #tpu.memory_space<vmem>> -> memref<1x128xi32, #tpu.memory_space<vmem>>
      %dma_wait3A_200 = tpu.memref_squeeze %dma_wait3A_199 : memref<1x128xi32, #tpu.memory_space<vmem>> -> memref<128xi32, #tpu.memory_space<vmem>>
      %dma_wait3A_201 = arith.constant 0 : i32
      %dma_wait3A_202 = arith.constant 0 : i32
      %dma_wait3A_203 = tpu.memref_slice %arg2[%dma_wait3A_201, %dma_wait3A_202] : memref<20000x128xf32, #tpu.memory_space<hbm>> -> memref<20000x128xf32, #tpu.memory_space<hbm>>
      tpu.wait_indirect_dma semaphore(%arg12 : memref<!tpu.dma_semaphore, #tpu.memory_space<semaphore_mem>>) src(%dma_wait3A_203 : memref<20000x128xf32, #tpu.memory_space<hbm>>) dst(%arg9 : memref<128x128xf32, #tpu.memory_space<vmem>>)
      %add3A_204 = arith.constant 9 : i32
      %add3A_205 = arith.addi %mul3A_33, %add3A_204 : i32
      "tpu.region"() ({
        %run_scoped3A_206 = tpu.sem_alloc : memref<!tpu.dma_semaphore, #tpu.memory_space<semaphore_mem>>
        %dma_start3A_207 = arith.constant 0 : i32
        %dma_start3A_208 = tpu.memref_slice %arg7[%add3A_205, %dma_start3A_207] : memref<40x128xi32, #tpu.memory_space<vmem>> -> memref<1x128xi32, #tpu.memory_space<vmem>>
        %dma_start3A_209 = tpu.memref_squeeze %dma_start3A_208 : memref<1x128xi32, #tpu.memory_space<vmem>> -> memref<128xi32, #tpu.memory_space<vmem>>
        %dma_start3A_210 = arith.constant 0 : i32
        %dma_start3A_211 = arith.constant 0 : i32
        %dma_start3A_212 = tpu.memref_slice %arg10[%dma_start3A_210, %dma_start3A_211] : memref<10008x128xf32, #tpu.memory_space<vmem_shared>> -> memref<10008x128xf32, #tpu.memory_space<vmem_shared>>
        tpu.enqueue_indirect_dma source(%arg9 : memref<128x128xf32, #tpu.memory_space<vmem>>) target(%dma_start3A_212 : memref<10008x128xf32, #tpu.memory_space<vmem_shared>>) offsets(%dma_start3A_209 : memref<128xi32, #tpu.memory_space<vmem>>) semaphore(%run_scoped3A_206 : memref<!tpu.dma_semaphore, #tpu.memory_space<semaphore_mem>>) {add = true}
        %dma_wait3A_213 = arith.constant 0 : i32
        %dma_wait3A_214 = tpu.memref_slice %arg7[%add3A_205, %dma_wait3A_213] : memref<40x128xi32, #tpu.memory_space<vmem>> -> memref<1x128xi32, #tpu.memory_space<vmem>>
        %dma_wait3A_215 = tpu.memref_squeeze %dma_wait3A_214 : memref<1x128xi32, #tpu.memory_space<vmem>> -> memref<128xi32, #tpu.memory_space<vmem>>
        %dma_wait3A_216 = arith.constant 0 : i32
        %dma_wait3A_217 = arith.constant 0 : i32
        %dma_wait3A_218 = tpu.memref_slice %arg10[%dma_wait3A_216, %dma_wait3A_217] : memref<10008x128xf32, #tpu.memory_space<vmem_shared>> -> memref<10008x128xf32, #tpu.memory_space<vmem_shared>>
        tpu.wait_indirect_dma semaphore(%run_scoped3A_206 : memref<!tpu.dma_semaphore, #tpu.memory_space<semaphore_mem>>) src(%arg9 : memref<128x128xf32, #tpu.memory_space<vmem>>) dst(%dma_wait3A_218 : memref<10008x128xf32, #tpu.memory_space<vmem_shared>>)
        tpu.yield
      }) : () -> ()
    }
    %scan3A_12 = arith.constant 4 : i32
    %run_scoped3A_13 = arith.constant 1 : i32
    "tpu.region"() ({
      %run_scoped3A_31 = tpu.sem_alloc : memref<!tpu.dma_semaphore, #tpu.memory_space<semaphore_mem>>
      %dma_start3A = arith.constant 0 : i32
      %dma_start3A_32 = arith.constant 0 : i32
      %dma_start3A_33 = tpu.memref_slice %arg3[%arg0, %arg1, %run_scoped3A_13, %dma_start3A, %dma_start3A_32] : memref<2x16x2x41x128xi32, #tpu.memory_space<hbm>> -> memref<1x1x1x41x128xi32, #tpu.memory_space<hbm>>
      %dma_start3A_34 = tpu.memref_squeeze %dma_start3A_33 : memref<1x1x1x41x128xi32, #tpu.memory_space<hbm>> -> memref<41x128xi32, #tpu.memory_space<hbm>>
      %dma_start3A_35 = arith.constant 0 : i32
      %dma_start3A_36 = arith.constant 0 : i32
      %dma_start3A_37 = tpu.memref_slice %arg3[%arg0, %arg1, %run_scoped3A_13, %dma_start3A_35, %dma_start3A_36] : memref<2x16x2x41x128xi32, #tpu.memory_space<hbm>> -> memref<1x1x1x41x128xi32, #tpu.memory_space<hbm>>
      %dma_start3A_38 = tpu.memref_squeeze %dma_start3A_37 : memref<1x1x1x41x128xi32, #tpu.memory_space<hbm>> -> memref<41x128xi32, #tpu.memory_space<hbm>>
      tpu.enqueue_dma source(%dma_start3A_38 : memref<41x128xi32, #tpu.memory_space<hbm>>) target(%arg6 : memref<41x128xi32, #tpu.memory_space<vmem>>) target_semaphore(%run_scoped3A_31 : memref<!tpu.dma_semaphore, #tpu.memory_space<semaphore_mem>>)
      %dma_wait3A = arith.constant 0 : i32
      %dma_wait3A_39 = arith.constant 0 : i32
      %dma_wait3A_40 = tpu.memref_slice %arg3[%arg0, %arg1, %run_scoped3A_13, %dma_wait3A, %dma_wait3A_39] : memref<2x16x2x41x128xi32, #tpu.memory_space<hbm>> -> memref<1x1x1x41x128xi32, #tpu.memory_space<hbm>>
      %dma_wait3A_41 = tpu.memref_squeeze %dma_wait3A_40 : memref<1x1x1x41x128xi32, #tpu.memory_space<hbm>> -> memref<41x128xi32, #tpu.memory_space<hbm>>
      %dma_wait3A_42 = arith.constant 0 : i32
      %dma_wait3A_43 = arith.constant 0 : i32
      %dma_wait3A_44 = tpu.memref_slice %arg3[%arg0, %arg1, %run_scoped3A_13, %dma_wait3A_42, %dma_wait3A_43] : memref<2x16x2x41x128xi32, #tpu.memory_space<hbm>> -> memref<1x1x1x41x128xi32, #tpu.memory_space<hbm>>
      %dma_wait3A_45 = tpu.memref_squeeze %dma_wait3A_44 : memref<1x1x1x41x128xi32, #tpu.memory_space<hbm>> -> memref<41x128xi32, #tpu.memory_space<hbm>>
      tpu.wait_dma2 semaphore(%run_scoped3A_31 : memref<!tpu.dma_semaphore, #tpu.memory_space<semaphore_mem>>) src(%dma_wait3A_45 : memref<41x128xi32, #tpu.memory_space<hbm>>) dst(%arg6 : memref<41x128xi32, #tpu.memory_space<vmem>>)
      tpu.yield
    }) : () -> ()
    %run_scoped3A_14 = arith.constant 1 : i32
    "tpu.region"() ({
      %run_scoped3A_31 = tpu.sem_alloc : memref<!tpu.dma_semaphore, #tpu.memory_space<semaphore_mem>>
      %dma_start3A = arith.constant 0 : i32
      %dma_start3A_32 = arith.constant 0 : i32
      %dma_start3A_33 = tpu.memref_slice %arg4[%arg0, %arg1, %run_scoped3A_14, %dma_start3A, %dma_start3A_32] : memref<2x16x2x40x128xi32, #tpu.memory_space<hbm>> -> memref<1x1x1x40x128xi32, #tpu.memory_space<hbm>>
      %dma_start3A_34 = tpu.memref_squeeze %dma_start3A_33 : memref<1x1x1x40x128xi32, #tpu.memory_space<hbm>> -> memref<40x128xi32, #tpu.memory_space<hbm>>
      %dma_start3A_35 = arith.constant 0 : i32
      %dma_start3A_36 = arith.constant 0 : i32
      %dma_start3A_37 = tpu.memref_slice %arg4[%arg0, %arg1, %run_scoped3A_14, %dma_start3A_35, %dma_start3A_36] : memref<2x16x2x40x128xi32, #tpu.memory_space<hbm>> -> memref<1x1x1x40x128xi32, #tpu.memory_space<hbm>>
      %dma_start3A_38 = tpu.memref_squeeze %dma_start3A_37 : memref<1x1x1x40x128xi32, #tpu.memory_space<hbm>> -> memref<40x128xi32, #tpu.memory_space<hbm>>
      tpu.enqueue_dma source(%dma_start3A_38 : memref<40x128xi32, #tpu.memory_space<hbm>>) target(%arg7 : memref<40x128xi32, #tpu.memory_space<vmem>>) target_semaphore(%run_scoped3A_31 : memref<!tpu.dma_semaphore, #tpu.memory_space<semaphore_mem>>)
      %dma_wait3A = arith.constant 0 : i32
      %dma_wait3A_39 = arith.constant 0 : i32
      %dma_wait3A_40 = tpu.memref_slice %arg4[%arg0, %arg1, %run_scoped3A_14, %dma_wait3A, %dma_wait3A_39] : memref<2x16x2x40x128xi32, #tpu.memory_space<hbm>> -> memref<1x1x1x40x128xi32, #tpu.memory_space<hbm>>
      %dma_wait3A_41 = tpu.memref_squeeze %dma_wait3A_40 : memref<1x1x1x40x128xi32, #tpu.memory_space<hbm>> -> memref<40x128xi32, #tpu.memory_space<hbm>>
      %dma_wait3A_42 = arith.constant 0 : i32
      %dma_wait3A_43 = arith.constant 0 : i32
      %dma_wait3A_44 = tpu.memref_slice %arg4[%arg0, %arg1, %run_scoped3A_14, %dma_wait3A_42, %dma_wait3A_43] : memref<2x16x2x40x128xi32, #tpu.memory_space<hbm>> -> memref<1x1x1x40x128xi32, #tpu.memory_space<hbm>>
      %dma_wait3A_45 = tpu.memref_squeeze %dma_wait3A_44 : memref<1x1x1x40x128xi32, #tpu.memory_space<hbm>> -> memref<40x128xi32, #tpu.memory_space<hbm>>
      tpu.wait_dma2 semaphore(%run_scoped3A_31 : memref<!tpu.dma_semaphore, #tpu.memory_space<semaphore_mem>>) src(%dma_wait3A_45 : memref<40x128xi32, #tpu.memory_space<hbm>>) dst(%arg7 : memref<40x128xi32, #tpu.memory_space<vmem>>)
      tpu.yield
    }) : () -> ()
    %scan3A_15 = arith.constant 0 : i32
    %scan3A_16 = arith.constant 0 : i32
    %scan3A_17 = arith.constant 4 : i32
    %scan3A_18 = arith.addi %scan3A_16, %scan3A_17 : i32
    %scan3A_19 = arith.constant 1 : i32
    scf.for %scan3A_31 = %scan3A_16 to %scan3A_18 step %scan3A_19  : i32 {
      %mul3A_32 = arith.constant 10 : i32
      %mul3A_33 = arith.muli %scan3A_31, %mul3A_32 : i32
      %dma_start3A = arith.constant 0 : i32
      %dma_start3A_34 = tpu.memref_slice %arg6[%mul3A_33, %dma_start3A] : memref<41x128xi32, #tpu.memory_space<vmem>> -> memref<1x128xi32, #tpu.memory_space<vmem>>
      %dma_start3A_35 = tpu.memref_squeeze %dma_start3A_34 : memref<1x128xi32, #tpu.memory_space<vmem>> -> memref<128xi32, #tpu.memory_space<vmem>>
      %dma_start3A_36 = arith.constant 0 : i32
      %dma_start3A_37 = arith.constant 0 : i32
      %dma_start3A_38 = tpu.memref_slice %arg2[%dma_start3A_36, %dma_start3A_37] : memref<20000x128xf32, #tpu.memory_space<hbm>> -> memref<20000x128xf32, #tpu.memory_space<hbm>>
      tpu.enqueue_indirect_dma source(%dma_start3A_38 : memref<20000x128xf32, #tpu.memory_space<hbm>>) target(%arg8 : memref<128x128xf32, #tpu.memory_space<vmem>>) offsets(%dma_start3A_35 : memref<128xi32, #tpu.memory_space<vmem>>) semaphore(%arg11 : memref<!tpu.dma_semaphore, #tpu.memory_space<semaphore_mem>>)
      %add3A_39 = arith.constant 1 : i32
      %add3A_40 = arith.addi %mul3A_33, %add3A_39 : i32
      %dma_start3A_41 = arith.constant 0 : i32
      %dma_start3A_42 = tpu.memref_slice %arg6[%add3A_40, %dma_start3A_41] : memref<41x128xi32, #tpu.memory_space<vmem>> -> memref<1x128xi32, #tpu.memory_space<vmem>>
      %dma_start3A_43 = tpu.memref_squeeze %dma_start3A_42 : memref<1x128xi32, #tpu.memory_space<vmem>> -> memref<128xi32, #tpu.memory_space<vmem>>
      %dma_start3A_44 = arith.constant 0 : i32
      %dma_start3A_45 = arith.constant 0 : i32
      %dma_start3A_46 = tpu.memref_slice %arg2[%dma_start3A_44, %dma_start3A_45] : memref<20000x128xf32, #tpu.memory_space<hbm>> -> memref<20000x128xf32, #tpu.memory_space<hbm>>
      tpu.enqueue_indirect_dma source(%dma_start3A_46 : memref<20000x128xf32, #tpu.memory_space<hbm>>) target(%arg9 : memref<128x128xf32, #tpu.memory_space<vmem>>) offsets(%dma_start3A_43 : memref<128xi32, #tpu.memory_space<vmem>>) semaphore(%arg12 : memref<!tpu.dma_semaphore, #tpu.memory_space<semaphore_mem>>)
      %dma_wait3A = arith.constant 0 : i32
      %dma_wait3A_47 = tpu.memref_slice %arg6[%mul3A_33, %dma_wait3A] : memref<41x128xi32, #tpu.memory_space<vmem>> -> memref<1x128xi32, #tpu.memory_space<vmem>>
      %dma_wait3A_48 = tpu.memref_squeeze %dma_wait3A_47 : memref<1x128xi32, #tpu.memory_space<vmem>> -> memref<128xi32, #tpu.memory_space<vmem>>
      %dma_wait3A_49 = arith.constant 0 : i32
      %dma_wait3A_50 = arith.constant 0 : i32
      %dma_wait3A_51 = tpu.memref_slice %arg2[%dma_wait3A_49, %dma_wait3A_50] : memref<20000x128xf32, #tpu.memory_space<hbm>> -> memref<20000x128xf32, #tpu.memory_space<hbm>>
      tpu.wait_indirect_dma semaphore(%arg11 : memref<!tpu.dma_semaphore, #tpu.memory_space<semaphore_mem>>) src(%dma_wait3A_51 : memref<20000x128xf32, #tpu.memory_space<hbm>>) dst(%arg8 : memref<128x128xf32, #tpu.memory_space<vmem>>)
      %add3A_52 = arith.constant 0 : i32
      %add3A_53 = arith.addi %mul3A_33, %add3A_52 : i32
      "tpu.region"() ({
        %run_scoped3A_206 = tpu.sem_alloc : memref<!tpu.dma_semaphore, #tpu.memory_space<semaphore_mem>>
        %dma_start3A_207 = arith.constant 0 : i32
        %dma_start3A_208 = tpu.memref_slice %arg7[%add3A_53, %dma_start3A_207] : memref<40x128xi32, #tpu.memory_space<vmem>> -> memref<1x128xi32, #tpu.memory_space<vmem>>
        %dma_start3A_209 = tpu.memref_squeeze %dma_start3A_208 : memref<1x128xi32, #tpu.memory_space<vmem>> -> memref<128xi32, #tpu.memory_space<vmem>>
        %dma_start3A_210 = arith.constant 0 : i32
        %dma_start3A_211 = arith.constant 0 : i32
        %dma_start3A_212 = tpu.memref_slice %arg10[%dma_start3A_210, %dma_start3A_211] : memref<10008x128xf32, #tpu.memory_space<vmem_shared>> -> memref<10008x128xf32, #tpu.memory_space<vmem_shared>>
        tpu.enqueue_indirect_dma source(%arg8 : memref<128x128xf32, #tpu.memory_space<vmem>>) target(%dma_start3A_212 : memref<10008x128xf32, #tpu.memory_space<vmem_shared>>) offsets(%dma_start3A_209 : memref<128xi32, #tpu.memory_space<vmem>>) semaphore(%run_scoped3A_206 : memref<!tpu.dma_semaphore, #tpu.memory_space<semaphore_mem>>) {add = true}
        %dma_wait3A_213 = arith.constant 0 : i32
        %dma_wait3A_214 = tpu.memref_slice %arg7[%add3A_53, %dma_wait3A_213] : memref<40x128xi32, #tpu.memory_space<vmem>> -> memref<1x128xi32, #tpu.memory_space<vmem>>
        %dma_wait3A_215 = tpu.memref_squeeze %dma_wait3A_214 : memref<1x128xi32, #tpu.memory_space<vmem>> -> memref<128xi32, #tpu.memory_space<vmem>>
        %dma_wait3A_216 = arith.constant 0 : i32
        %dma_wait3A_217 = arith.constant 0 : i32
        %dma_wait3A_218 = tpu.memref_slice %arg10[%dma_wait3A_216, %dma_wait3A_217] : memref<10008x128xf32, #tpu.memory_space<vmem_shared>> -> memref<10008x128xf32, #tpu.memory_space<vmem_shared>>
        tpu.wait_indirect_dma semaphore(%run_scoped3A_206 : memref<!tpu.dma_semaphore, #tpu.memory_space<semaphore_mem>>) src(%arg8 : memref<128x128xf32, #tpu.memory_space<vmem>>) dst(%dma_wait3A_218 : memref<10008x128xf32, #tpu.memory_space<vmem_shared>>)
        tpu.yield
      }) : () -> ()
      %add3A_54 = arith.constant 0 : i32
      %add3A_55 = arith.addi %mul3A_33, %add3A_54 : i32
      %add3A_56 = arith.constant 2 : i32
      %add3A_57 = arith.addi %add3A_55, %add3A_56 : i32
      %dma_start3A_58 = arith.constant 0 : i32
      %dma_start3A_59 = tpu.memref_slice %arg6[%add3A_57, %dma_start3A_58] : memref<41x128xi32, #tpu.memory_space<vmem>> -> memref<1x128xi32, #tpu.memory_space<vmem>>
      %dma_start3A_60 = tpu.memref_squeeze %dma_start3A_59 : memref<1x128xi32, #tpu.memory_space<vmem>> -> memref<128xi32, #tpu.memory_space<vmem>>
      %dma_start3A_61 = arith.constant 0 : i32
      %dma_start3A_62 = arith.constant 0 : i32
      %dma_start3A_63 = tpu.memref_slice %arg2[%dma_start3A_61, %dma_start3A_62] : memref<20000x128xf32, #tpu.memory_space<hbm>> -> memref<20000x128xf32, #tpu.memory_space<hbm>>
      tpu.enqueue_indirect_dma source(%dma_start3A_63 : memref<20000x128xf32, #tpu.memory_space<hbm>>) target(%arg8 : memref<128x128xf32, #tpu.memory_space<vmem>>) offsets(%dma_start3A_60 : memref<128xi32, #tpu.memory_space<vmem>>) semaphore(%arg11 : memref<!tpu.dma_semaphore, #tpu.memory_space<semaphore_mem>>)
      %dma_wait3A_64 = arith.constant 0 : i32
      %dma_wait3A_65 = tpu.memref_slice %arg6[%add3A_40, %dma_wait3A_64] : memref<41x128xi32, #tpu.memory_space<vmem>> -> memref<1x128xi32, #tpu.memory_space<vmem>>
      %dma_wait3A_66 = tpu.memref_squeeze %dma_wait3A_65 : memref<1x128xi32, #tpu.memory_space<vmem>> -> memref<128xi32, #tpu.memory_space<vmem>>
      %dma_wait3A_67 = arith.constant 0 : i32
      %dma_wait3A_68 = arith.constant 0 : i32
      %dma_wait3A_69 = tpu.memref_slice %arg2[%dma_wait3A_67, %dma_wait3A_68] : memref<20000x128xf32, #tpu.memory_space<hbm>> -> memref<20000x128xf32, #tpu.memory_space<hbm>>
      tpu.wait_indirect_dma semaphore(%arg12 : memref<!tpu.dma_semaphore, #tpu.memory_space<semaphore_mem>>) src(%dma_wait3A_69 : memref<20000x128xf32, #tpu.memory_space<hbm>>) dst(%arg9 : memref<128x128xf32, #tpu.memory_space<vmem>>)
      %add3A_70 = arith.constant 1 : i32
      %add3A_71 = arith.addi %mul3A_33, %add3A_70 : i32
      "tpu.region"() ({
        %run_scoped3A_206 = tpu.sem_alloc : memref<!tpu.dma_semaphore, #tpu.memory_space<semaphore_mem>>
        %dma_start3A_207 = arith.constant 0 : i32
        %dma_start3A_208 = tpu.memref_slice %arg7[%add3A_71, %dma_start3A_207] : memref<40x128xi32, #tpu.memory_space<vmem>> -> memref<1x128xi32, #tpu.memory_space<vmem>>
        %dma_start3A_209 = tpu.memref_squeeze %dma_start3A_208 : memref<1x128xi32, #tpu.memory_space<vmem>> -> memref<128xi32, #tpu.memory_space<vmem>>
        %dma_start3A_210 = arith.constant 0 : i32
        %dma_start3A_211 = arith.constant 0 : i32
        %dma_start3A_212 = tpu.memref_slice %arg10[%dma_start3A_210, %dma_start3A_211] : memref<10008x128xf32, #tpu.memory_space<vmem_shared>> -> memref<10008x128xf32, #tpu.memory_space<vmem_shared>>
        tpu.enqueue_indirect_dma source(%arg9 : memref<128x128xf32, #tpu.memory_space<vmem>>) target(%dma_start3A_212 : memref<10008x128xf32, #tpu.memory_space<vmem_shared>>) offsets(%dma_start3A_209 : memref<128xi32, #tpu.memory_space<vmem>>) semaphore(%run_scoped3A_206 : memref<!tpu.dma_semaphore, #tpu.memory_space<semaphore_mem>>) {add = true}
        %dma_wait3A_213 = arith.constant 0 : i32
        %dma_wait3A_214 = tpu.memref_slice %arg7[%add3A_71, %dma_wait3A_213] : memref<40x128xi32, #tpu.memory_space<vmem>> -> memref<1x128xi32, #tpu.memory_space<vmem>>
        %dma_wait3A_215 = tpu.memref_squeeze %dma_wait3A_214 : memref<1x128xi32, #tpu.memory_space<vmem>> -> memref<128xi32, #tpu.memory_space<vmem>>
        %dma_wait3A_216 = arith.constant 0 : i32
        %dma_wait3A_217 = arith.constant 0 : i32
        %dma_wait3A_218 = tpu.memref_slice %arg10[%dma_wait3A_216, %dma_wait3A_217] : memref<10008x128xf32, #tpu.memory_space<vmem_shared>> -> memref<10008x128xf32, #tpu.memory_space<vmem_shared>>
        tpu.wait_indirect_dma semaphore(%run_scoped3A_206 : memref<!tpu.dma_semaphore, #tpu.memory_space<semaphore_mem>>) src(%arg9 : memref<128x128xf32, #tpu.memory_space<vmem>>) dst(%dma_wait3A_218 : memref<10008x128xf32, #tpu.memory_space<vmem_shared>>)
        tpu.yield
      }) : () -> ()
      %add3A_72 = arith.constant 1 : i32
      %add3A_73 = arith.addi %mul3A_33, %add3A_72 : i32
      %add3A_74 = arith.constant 2 : i32
      %add3A_75 = arith.addi %add3A_73, %add3A_74 : i32
      %dma_start3A_76 = arith.constant 0 : i32
      %dma_start3A_77 = tpu.memref_slice %arg6[%add3A_75, %dma_start3A_76] : memref<41x128xi32, #tpu.memory_space<vmem>> -> memref<1x128xi32, #tpu.memory_space<vmem>>
      %dma_start3A_78 = tpu.memref_squeeze %dma_start3A_77 : memref<1x128xi32, #tpu.memory_space<vmem>> -> memref<128xi32, #tpu.memory_space<vmem>>
      %dma_start3A_79 = arith.constant 0 : i32
      %dma_start3A_80 = arith.constant 0 : i32
      %dma_start3A_81 = tpu.memref_slice %arg2[%dma_start3A_79, %dma_start3A_80] : memref<20000x128xf32, #tpu.memory_space<hbm>> -> memref<20000x128xf32, #tpu.memory_space<hbm>>
      tpu.enqueue_indirect_dma source(%dma_start3A_81 : memref<20000x128xf32, #tpu.memory_space<hbm>>) target(%arg9 : memref<128x128xf32, #tpu.memory_space<vmem>>) offsets(%dma_start3A_78 : memref<128xi32, #tpu.memory_space<vmem>>) semaphore(%arg12 : memref<!tpu.dma_semaphore, #tpu.memory_space<semaphore_mem>>)
      %dma_wait3A_82 = arith.constant 0 : i32
      %dma_wait3A_83 = tpu.memref_slice %arg6[%add3A_57, %dma_wait3A_82] : memref<41x128xi32, #tpu.memory_space<vmem>> -> memref<1x128xi32, #tpu.memory_space<vmem>>
      %dma_wait3A_84 = tpu.memref_squeeze %dma_wait3A_83 : memref<1x128xi32, #tpu.memory_space<vmem>> -> memref<128xi32, #tpu.memory_space<vmem>>
      %dma_wait3A_85 = arith.constant 0 : i32
      %dma_wait3A_86 = arith.constant 0 : i32
      %dma_wait3A_87 = tpu.memref_slice %arg2[%dma_wait3A_85, %dma_wait3A_86] : memref<20000x128xf32, #tpu.memory_space<hbm>> -> memref<20000x128xf32, #tpu.memory_space<hbm>>
      tpu.wait_indirect_dma semaphore(%arg11 : memref<!tpu.dma_semaphore, #tpu.memory_space<semaphore_mem>>) src(%dma_wait3A_87 : memref<20000x128xf32, #tpu.memory_space<hbm>>) dst(%arg8 : memref<128x128xf32, #tpu.memory_space<vmem>>)
      %add3A_88 = arith.constant 2 : i32
      %add3A_89 = arith.addi %mul3A_33, %add3A_88 : i32
      "tpu.region"() ({
        %run_scoped3A_206 = tpu.sem_alloc : memref<!tpu.dma_semaphore, #tpu.memory_space<semaphore_mem>>
        %dma_start3A_207 = arith.constant 0 : i32
        %dma_start3A_208 = tpu.memref_slice %arg7[%add3A_89, %dma_start3A_207] : memref<40x128xi32, #tpu.memory_space<vmem>> -> memref<1x128xi32, #tpu.memory_space<vmem>>
        %dma_start3A_209 = tpu.memref_squeeze %dma_start3A_208 : memref<1x128xi32, #tpu.memory_space<vmem>> -> memref<128xi32, #tpu.memory_space<vmem>>
        %dma_start3A_210 = arith.constant 0 : i32
        %dma_start3A_211 = arith.constant 0 : i32
        %dma_start3A_212 = tpu.memref_slice %arg10[%dma_start3A_210, %dma_start3A_211] : memref<10008x128xf32, #tpu.memory_space<vmem_shared>> -> memref<10008x128xf32, #tpu.memory_space<vmem_shared>>
        tpu.enqueue_indirect_dma source(%arg8 : memref<128x128xf32, #tpu.memory_space<vmem>>) target(%dma_start3A_212 : memref<10008x128xf32, #tpu.memory_space<vmem_shared>>) offsets(%dma_start3A_209 : memref<128xi32, #tpu.memory_space<vmem>>) semaphore(%run_scoped3A_206 : memref<!tpu.dma_semaphore, #tpu.memory_space<semaphore_mem>>) {add = true}
        %dma_wait3A_213 = arith.constant 0 : i32
        %dma_wait3A_214 = tpu.memref_slice %arg7[%add3A_89, %dma_wait3A_213] : memref<40x128xi32, #tpu.memory_space<vmem>> -> memref<1x128xi32, #tpu.memory_space<vmem>>
        %dma_wait3A_215 = tpu.memref_squeeze %dma_wait3A_214 : memref<1x128xi32, #tpu.memory_space<vmem>> -> memref<128xi32, #tpu.memory_space<vmem>>
        %dma_wait3A_216 = arith.constant 0 : i32
        %dma_wait3A_217 = arith.constant 0 : i32
        %dma_wait3A_218 = tpu.memref_slice %arg10[%dma_wait3A_216, %dma_wait3A_217] : memref<10008x128xf32, #tpu.memory_space<vmem_shared>> -> memref<10008x128xf32, #tpu.memory_space<vmem_shared>>
        tpu.wait_indirect_dma semaphore(%run_scoped3A_206 : memref<!tpu.dma_semaphore, #tpu.memory_space<semaphore_mem>>) src(%arg8 : memref<128x128xf32, #tpu.memory_space<vmem>>) dst(%dma_wait3A_218 : memref<10008x128xf32, #tpu.memory_space<vmem_shared>>)
        tpu.yield
      }) : () -> ()
      %add3A_90 = arith.constant 2 : i32
      %add3A_91 = arith.addi %mul3A_33, %add3A_90 : i32
      %add3A_92 = arith.constant 2 : i32
      %add3A_93 = arith.addi %add3A_91, %add3A_92 : i32
      %dma_start3A_94 = arith.constant 0 : i32
      %dma_start3A_95 = tpu.memref_slice %arg6[%add3A_93, %dma_start3A_94] : memref<41x128xi32, #tpu.memory_space<vmem>> -> memref<1x128xi32, #tpu.memory_space<vmem>>
      %dma_start3A_96 = tpu.memref_squeeze %dma_start3A_95 : memref<1x128xi32, #tpu.memory_space<vmem>> -> memref<128xi32, #tpu.memory_space<vmem>>
      %dma_start3A_97 = arith.constant 0 : i32
      %dma_start3A_98 = arith.constant 0 : i32
      %dma_start3A_99 = tpu.memref_slice %arg2[%dma_start3A_97, %dma_start3A_98] : memref<20000x128xf32, #tpu.memory_space<hbm>> -> memref<20000x128xf32, #tpu.memory_space<hbm>>
      tpu.enqueue_indirect_dma source(%dma_start3A_99 : memref<20000x128xf32, #tpu.memory_space<hbm>>) target(%arg8 : memref<128x128xf32, #tpu.memory_space<vmem>>) offsets(%dma_start3A_96 : memref<128xi32, #tpu.memory_space<vmem>>) semaphore(%arg11 : memref<!tpu.dma_semaphore, #tpu.memory_space<semaphore_mem>>)
      %dma_wait3A_100 = arith.constant 0 : i32
      %dma_wait3A_101 = tpu.memref_slice %arg6[%add3A_75, %dma_wait3A_100] : memref<41x128xi32, #tpu.memory_space<vmem>> -> memref<1x128xi32, #tpu.memory_space<vmem>>
      %dma_wait3A_102 = tpu.memref_squeeze %dma_wait3A_101 : memref<1x128xi32, #tpu.memory_space<vmem>> -> memref<128xi32, #tpu.memory_space<vmem>>
      %dma_wait3A_103 = arith.constant 0 : i32
      %dma_wait3A_104 = arith.constant 0 : i32
      %dma_wait3A_105 = tpu.memref_slice %arg2[%dma_wait3A_103, %dma_wait3A_104] : memref<20000x128xf32, #tpu.memory_space<hbm>> -> memref<20000x128xf32, #tpu.memory_space<hbm>>
      tpu.wait_indirect_dma semaphore(%arg12 : memref<!tpu.dma_semaphore, #tpu.memory_space<semaphore_mem>>) src(%dma_wait3A_105 : memref<20000x128xf32, #tpu.memory_space<hbm>>) dst(%arg9 : memref<128x128xf32, #tpu.memory_space<vmem>>)
      %add3A_106 = arith.constant 3 : i32
      %add3A_107 = arith.addi %mul3A_33, %add3A_106 : i32
      "tpu.region"() ({
        %run_scoped3A_206 = tpu.sem_alloc : memref<!tpu.dma_semaphore, #tpu.memory_space<semaphore_mem>>
        %dma_start3A_207 = arith.constant 0 : i32
        %dma_start3A_208 = tpu.memref_slice %arg7[%add3A_107, %dma_start3A_207] : memref<40x128xi32, #tpu.memory_space<vmem>> -> memref<1x128xi32, #tpu.memory_space<vmem>>
        %dma_start3A_209 = tpu.memref_squeeze %dma_start3A_208 : memref<1x128xi32, #tpu.memory_space<vmem>> -> memref<128xi32, #tpu.memory_space<vmem>>
        %dma_start3A_210 = arith.constant 0 : i32
        %dma_start3A_211 = arith.constant 0 : i32
        %dma_start3A_212 = tpu.memref_slice %arg10[%dma_start3A_210, %dma_start3A_211] : memref<10008x128xf32, #tpu.memory_space<vmem_shared>> -> memref<10008x128xf32, #tpu.memory_space<vmem_shared>>
        tpu.enqueue_indirect_dma source(%arg9 : memref<128x128xf32, #tpu.memory_space<vmem>>) target(%dma_start3A_212 : memref<10008x128xf32, #tpu.memory_space<vmem_shared>>) offsets(%dma_start3A_209 : memref<128xi32, #tpu.memory_space<vmem>>) semaphore(%run_scoped3A_206 : memref<!tpu.dma_semaphore, #tpu.memory_space<semaphore_mem>>) {add = true}
        %dma_wait3A_213 = arith.constant 0 : i32
        %dma_wait3A_214 = tpu.memref_slice %arg7[%add3A_107, %dma_wait3A_213] : memref<40x128xi32, #tpu.memory_space<vmem>> -> memref<1x128xi32, #tpu.memory_space<vmem>>
        %dma_wait3A_215 = tpu.memref_squeeze %dma_wait3A_214 : memref<1x128xi32, #tpu.memory_space<vmem>> -> memref<128xi32, #tpu.memory_space<vmem>>
        %dma_wait3A_216 = arith.constant 0 : i32
        %dma_wait3A_217 = arith.constant 0 : i32
        %dma_wait3A_218 = tpu.memref_slice %arg10[%dma_wait3A_216, %dma_wait3A_217] : memref<10008x128xf32, #tpu.memory_space<vmem_shared>> -> memref<10008x128xf32, #tpu.memory_space<vmem_shared>>
        tpu.wait_indirect_dma semaphore(%run_scoped3A_206 : memref<!tpu.dma_semaphore, #tpu.memory_space<semaphore_mem>>) src(%arg9 : memref<128x128xf32, #tpu.memory_space<vmem>>) dst(%dma_wait3A_218 : memref<10008x128xf32, #tpu.memory_space<vmem_shared>>)
        tpu.yield
      }) : () -> ()
      %add3A_108 = arith.constant 3 : i32
      %add3A_109 = arith.addi %mul3A_33, %add3A_108 : i32
      %add3A_110 = arith.constant 2 : i32
      %add3A_111 = arith.addi %add3A_109, %add3A_110 : i32
      %dma_start3A_112 = arith.constant 0 : i32
      %dma_start3A_113 = tpu.memref_slice %arg6[%add3A_111, %dma_start3A_112] : memref<41x128xi32, #tpu.memory_space<vmem>> -> memref<1x128xi32, #tpu.memory_space<vmem>>
      %dma_start3A_114 = tpu.memref_squeeze %dma_start3A_113 : memref<1x128xi32, #tpu.memory_space<vmem>> -> memref<128xi32, #tpu.memory_space<vmem>>
      %dma_start3A_115 = arith.constant 0 : i32
      %dma_start3A_116 = arith.constant 0 : i32
      %dma_start3A_117 = tpu.memref_slice %arg2[%dma_start3A_115, %dma_start3A_116] : memref<20000x128xf32, #tpu.memory_space<hbm>> -> memref<20000x128xf32, #tpu.memory_space<hbm>>
      tpu.enqueue_indirect_dma source(%dma_start3A_117 : memref<20000x128xf32, #tpu.memory_space<hbm>>) target(%arg9 : memref<128x128xf32, #tpu.memory_space<vmem>>) offsets(%dma_start3A_114 : memref<128xi32, #tpu.memory_space<vmem>>) semaphore(%arg12 : memref<!tpu.dma_semaphore, #tpu.memory_space<semaphore_mem>>)
      %dma_wait3A_118 = arith.constant 0 : i32
      %dma_wait3A_119 = tpu.memref_slice %arg6[%add3A_93, %dma_wait3A_118] : memref<41x128xi32, #tpu.memory_space<vmem>> -> memref<1x128xi32, #tpu.memory_space<vmem>>
      %dma_wait3A_120 = tpu.memref_squeeze %dma_wait3A_119 : memref<1x128xi32, #tpu.memory_space<vmem>> -> memref<128xi32, #tpu.memory_space<vmem>>
      %dma_wait3A_121 = arith.constant 0 : i32
      %dma_wait3A_122 = arith.constant 0 : i32
      %dma_wait3A_123 = tpu.memref_slice %arg2[%dma_wait3A_121, %dma_wait3A_122] : memref<20000x128xf32, #tpu.memory_space<hbm>> -> memref<20000x128xf32, #tpu.memory_space<hbm>>
      tpu.wait_indirect_dma semaphore(%arg11 : memref<!tpu.dma_semaphore, #tpu.memory_space<semaphore_mem>>) src(%dma_wait3A_123 : memref<20000x128xf32, #tpu.memory_space<hbm>>) dst(%arg8 : memref<128x128xf32, #tpu.memory_space<vmem>>)
      %add3A_124 = arith.constant 4 : i32
      %add3A_125 = arith.addi %mul3A_33, %add3A_124 : i32
      "tpu.region"() ({
        %run_scoped3A_206 = tpu.sem_alloc : memref<!tpu.dma_semaphore, #tpu.memory_space<semaphore_mem>>
        %dma_start3A_207 = arith.constant 0 : i32
        %dma_start3A_208 = tpu.memref_slice %arg7[%add3A_125, %dma_start3A_207] : memref<40x128xi32, #tpu.memory_space<vmem>> -> memref<1x128xi32, #tpu.memory_space<vmem>>
        %dma_start3A_209 = tpu.memref_squeeze %dma_start3A_208 : memref<1x128xi32, #tpu.memory_space<vmem>> -> memref<128xi32, #tpu.memory_space<vmem>>
        %dma_start3A_210 = arith.constant 0 : i32
        %dma_start3A_211 = arith.constant 0 : i32
        %dma_start3A_212 = tpu.memref_slice %arg10[%dma_start3A_210, %dma_start3A_211] : memref<10008x128xf32, #tpu.memory_space<vmem_shared>> -> memref<10008x128xf32, #tpu.memory_space<vmem_shared>>
        tpu.enqueue_indirect_dma source(%arg8 : memref<128x128xf32, #tpu.memory_space<vmem>>) target(%dma_start3A_212 : memref<10008x128xf32, #tpu.memory_space<vmem_shared>>) offsets(%dma_start3A_209 : memref<128xi32, #tpu.memory_space<vmem>>) semaphore(%run_scoped3A_206 : memref<!tpu.dma_semaphore, #tpu.memory_space<semaphore_mem>>) {add = true}
        %dma_wait3A_213 = arith.constant 0 : i32
        %dma_wait3A_214 = tpu.memref_slice %arg7[%add3A_125, %dma_wait3A_213] : memref<40x128xi32, #tpu.memory_space<vmem>> -> memref<1x128xi32, #tpu.memory_space<vmem>>
        %dma_wait3A_215 = tpu.memref_squeeze %dma_wait3A_214 : memref<1x128xi32, #tpu.memory_space<vmem>> -> memref<128xi32, #tpu.memory_space<vmem>>
        %dma_wait3A_216 = arith.constant 0 : i32
        %dma_wait3A_217 = arith.constant 0 : i32
        %dma_wait3A_218 = tpu.memref_slice %arg10[%dma_wait3A_216, %dma_wait3A_217] : memref<10008x128xf32, #tpu.memory_space<vmem_shared>> -> memref<10008x128xf32, #tpu.memory_space<vmem_shared>>
        tpu.wait_indirect_dma semaphore(%run_scoped3A_206 : memref<!tpu.dma_semaphore, #tpu.memory_space<semaphore_mem>>) src(%arg8 : memref<128x128xf32, #tpu.memory_space<vmem>>) dst(%dma_wait3A_218 : memref<10008x128xf32, #tpu.memory_space<vmem_shared>>)
        tpu.yield
      }) : () -> ()
      %add3A_126 = arith.constant 4 : i32
      %add3A_127 = arith.addi %mul3A_33, %add3A_126 : i32
      %add3A_128 = arith.constant 2 : i32
      %add3A_129 = arith.addi %add3A_127, %add3A_128 : i32
      %dma_start3A_130 = arith.constant 0 : i32
      %dma_start3A_131 = tpu.memref_slice %arg6[%add3A_129, %dma_start3A_130] : memref<41x128xi32, #tpu.memory_space<vmem>> -> memref<1x128xi32, #tpu.memory_space<vmem>>
      %dma_start3A_132 = tpu.memref_squeeze %dma_start3A_131 : memref<1x128xi32, #tpu.memory_space<vmem>> -> memref<128xi32, #tpu.memory_space<vmem>>
      %dma_start3A_133 = arith.constant 0 : i32
      %dma_start3A_134 = arith.constant 0 : i32
      %dma_start3A_135 = tpu.memref_slice %arg2[%dma_start3A_133, %dma_start3A_134] : memref<20000x128xf32, #tpu.memory_space<hbm>> -> memref<20000x128xf32, #tpu.memory_space<hbm>>
      tpu.enqueue_indirect_dma source(%dma_start3A_135 : memref<20000x128xf32, #tpu.memory_space<hbm>>) target(%arg8 : memref<128x128xf32, #tpu.memory_space<vmem>>) offsets(%dma_start3A_132 : memref<128xi32, #tpu.memory_space<vmem>>) semaphore(%arg11 : memref<!tpu.dma_semaphore, #tpu.memory_space<semaphore_mem>>)
      %dma_wait3A_136 = arith.constant 0 : i32
      %dma_wait3A_137 = tpu.memref_slice %arg6[%add3A_111, %dma_wait3A_136] : memref<41x128xi32, #tpu.memory_space<vmem>> -> memref<1x128xi32, #tpu.memory_space<vmem>>
      %dma_wait3A_138 = tpu.memref_squeeze %dma_wait3A_137 : memref<1x128xi32, #tpu.memory_space<vmem>> -> memref<128xi32, #tpu.memory_space<vmem>>
      %dma_wait3A_139 = arith.constant 0 : i32
      %dma_wait3A_140 = arith.constant 0 : i32
      %dma_wait3A_141 = tpu.memref_slice %arg2[%dma_wait3A_139, %dma_wait3A_140] : memref<20000x128xf32, #tpu.memory_space<hbm>> -> memref<20000x128xf32, #tpu.memory_space<hbm>>
      tpu.wait_indirect_dma semaphore(%arg12 : memref<!tpu.dma_semaphore, #tpu.memory_space<semaphore_mem>>) src(%dma_wait3A_141 : memref<20000x128xf32, #tpu.memory_space<hbm>>) dst(%arg9 : memref<128x128xf32, #tpu.memory_space<vmem>>)
      %add3A_142 = arith.constant 5 : i32
      %add3A_143 = arith.addi %mul3A_33, %add3A_142 : i32
      "tpu.region"() ({
        %run_scoped3A_206 = tpu.sem_alloc : memref<!tpu.dma_semaphore, #tpu.memory_space<semaphore_mem>>
        %dma_start3A_207 = arith.constant 0 : i32
        %dma_start3A_208 = tpu.memref_slice %arg7[%add3A_143, %dma_start3A_207] : memref<40x128xi32, #tpu.memory_space<vmem>> -> memref<1x128xi32, #tpu.memory_space<vmem>>
        %dma_start3A_209 = tpu.memref_squeeze %dma_start3A_208 : memref<1x128xi32, #tpu.memory_space<vmem>> -> memref<128xi32, #tpu.memory_space<vmem>>
        %dma_start3A_210 = arith.constant 0 : i32
        %dma_start3A_211 = arith.constant 0 : i32
        %dma_start3A_212 = tpu.memref_slice %arg10[%dma_start3A_210, %dma_start3A_211] : memref<10008x128xf32, #tpu.memory_space<vmem_shared>> -> memref<10008x128xf32, #tpu.memory_space<vmem_shared>>
        tpu.enqueue_indirect_dma source(%arg9 : memref<128x128xf32, #tpu.memory_space<vmem>>) target(%dma_start3A_212 : memref<10008x128xf32, #tpu.memory_space<vmem_shared>>) offsets(%dma_start3A_209 : memref<128xi32, #tpu.memory_space<vmem>>) semaphore(%run_scoped3A_206 : memref<!tpu.dma_semaphore, #tpu.memory_space<semaphore_mem>>) {add = true}
        %dma_wait3A_213 = arith.constant 0 : i32
        %dma_wait3A_214 = tpu.memref_slice %arg7[%add3A_143, %dma_wait3A_213] : memref<40x128xi32, #tpu.memory_space<vmem>> -> memref<1x128xi32, #tpu.memory_space<vmem>>
        %dma_wait3A_215 = tpu.memref_squeeze %dma_wait3A_214 : memref<1x128xi32, #tpu.memory_space<vmem>> -> memref<128xi32, #tpu.memory_space<vmem>>
        %dma_wait3A_216 = arith.constant 0 : i32
        %dma_wait3A_217 = arith.constant 0 : i32
        %dma_wait3A_218 = tpu.memref_slice %arg10[%dma_wait3A_216, %dma_wait3A_217] : memref<10008x128xf32, #tpu.memory_space<vmem_shared>> -> memref<10008x128xf32, #tpu.memory_space<vmem_shared>>
        tpu.wait_indirect_dma semaphore(%run_scoped3A_206 : memref<!tpu.dma_semaphore, #tpu.memory_space<semaphore_mem>>) src(%arg9 : memref<128x128xf32, #tpu.memory_space<vmem>>) dst(%dma_wait3A_218 : memref<10008x128xf32, #tpu.memory_space<vmem_shared>>)
        tpu.yield
      }) : () -> ()
      %add3A_144 = arith.constant 5 : i32
      %add3A_145 = arith.addi %mul3A_33, %add3A_144 : i32
      %add3A_146 = arith.constant 2 : i32
      %add3A_147 = arith.addi %add3A_145, %add3A_146 : i32
      %dma_start3A_148 = arith.constant 0 : i32
      %dma_start3A_149 = tpu.memref_slice %arg6[%add3A_147, %dma_start3A_148] : memref<41x128xi32, #tpu.memory_space<vmem>> -> memref<1x128xi32, #tpu.memory_space<vmem>>
      %dma_start3A_150 = tpu.memref_squeeze %dma_start3A_149 : memref<1x128xi32, #tpu.memory_space<vmem>> -> memref<128xi32, #tpu.memory_space<vmem>>
      %dma_start3A_151 = arith.constant 0 : i32
      %dma_start3A_152 = arith.constant 0 : i32
      %dma_start3A_153 = tpu.memref_slice %arg2[%dma_start3A_151, %dma_start3A_152] : memref<20000x128xf32, #tpu.memory_space<hbm>> -> memref<20000x128xf32, #tpu.memory_space<hbm>>
      tpu.enqueue_indirect_dma source(%dma_start3A_153 : memref<20000x128xf32, #tpu.memory_space<hbm>>) target(%arg9 : memref<128x128xf32, #tpu.memory_space<vmem>>) offsets(%dma_start3A_150 : memref<128xi32, #tpu.memory_space<vmem>>) semaphore(%arg12 : memref<!tpu.dma_semaphore, #tpu.memory_space<semaphore_mem>>)
      %dma_wait3A_154 = arith.constant 0 : i32
      %dma_wait3A_155 = tpu.memref_slice %arg6[%add3A_129, %dma_wait3A_154] : memref<41x128xi32, #tpu.memory_space<vmem>> -> memref<1x128xi32, #tpu.memory_space<vmem>>
      %dma_wait3A_156 = tpu.memref_squeeze %dma_wait3A_155 : memref<1x128xi32, #tpu.memory_space<vmem>> -> memref<128xi32, #tpu.memory_space<vmem>>
      %dma_wait3A_157 = arith.constant 0 : i32
      %dma_wait3A_158 = arith.constant 0 : i32
      %dma_wait3A_159 = tpu.memref_slice %arg2[%dma_wait3A_157, %dma_wait3A_158] : memref<20000x128xf32, #tpu.memory_space<hbm>> -> memref<20000x128xf32, #tpu.memory_space<hbm>>
      tpu.wait_indirect_dma semaphore(%arg11 : memref<!tpu.dma_semaphore, #tpu.memory_space<semaphore_mem>>) src(%dma_wait3A_159 : memref<20000x128xf32, #tpu.memory_space<hbm>>) dst(%arg8 : memref<128x128xf32, #tpu.memory_space<vmem>>)
      %add3A_160 = arith.constant 6 : i32
      %add3A_161 = arith.addi %mul3A_33, %add3A_160 : i32
      "tpu.region"() ({
        %run_scoped3A_206 = tpu.sem_alloc : memref<!tpu.dma_semaphore, #tpu.memory_space<semaphore_mem>>
        %dma_start3A_207 = arith.constant 0 : i32
        %dma_start3A_208 = tpu.memref_slice %arg7[%add3A_161, %dma_start3A_207] : memref<40x128xi32, #tpu.memory_space<vmem>> -> memref<1x128xi32, #tpu.memory_space<vmem>>
        %dma_start3A_209 = tpu.memref_squeeze %dma_start3A_208 : memref<1x128xi32, #tpu.memory_space<vmem>> -> memref<128xi32, #tpu.memory_space<vmem>>
        %dma_start3A_210 = arith.constant 0 : i32
        %dma_start3A_211 = arith.constant 0 : i32
        %dma_start3A_212 = tpu.memref_slice %arg10[%dma_start3A_210, %dma_start3A_211] : memref<10008x128xf32, #tpu.memory_space<vmem_shared>> -> memref<10008x128xf32, #tpu.memory_space<vmem_shared>>
        tpu.enqueue_indirect_dma source(%arg8 : memref<128x128xf32, #tpu.memory_space<vmem>>) target(%dma_start3A_212 : memref<10008x128xf32, #tpu.memory_space<vmem_shared>>) offsets(%dma_start3A_209 : memref<128xi32, #tpu.memory_space<vmem>>) semaphore(%run_scoped3A_206 : memref<!tpu.dma_semaphore, #tpu.memory_space<semaphore_mem>>) {add = true}
        %dma_wait3A_213 = arith.constant 0 : i32
        %dma_wait3A_214 = tpu.memref_slice %arg7[%add3A_161, %dma_wait3A_213] : memref<40x128xi32, #tpu.memory_space<vmem>> -> memref<1x128xi32, #tpu.memory_space<vmem>>
        %dma_wait3A_215 = tpu.memref_squeeze %dma_wait3A_214 : memref<1x128xi32, #tpu.memory_space<vmem>> -> memref<128xi32, #tpu.memory_space<vmem>>
        %dma_wait3A_216 = arith.constant 0 : i32
        %dma_wait3A_217 = arith.constant 0 : i32
        %dma_wait3A_218 = tpu.memref_slice %arg10[%dma_wait3A_216, %dma_wait3A_217] : memref<10008x128xf32, #tpu.memory_space<vmem_shared>> -> memref<10008x128xf32, #tpu.memory_space<vmem_shared>>
        tpu.wait_indirect_dma semaphore(%run_scoped3A_206 : memref<!tpu.dma_semaphore, #tpu.memory_space<semaphore_mem>>) src(%arg8 : memref<128x128xf32, #tpu.memory_space<vmem>>) dst(%dma_wait3A_218 : memref<10008x128xf32, #tpu.memory_space<vmem_shared>>)
        tpu.yield
      }) : () -> ()
      %add3A_162 = arith.constant 6 : i32
      %add3A_163 = arith.addi %mul3A_33, %add3A_162 : i32
      %add3A_164 = arith.constant 2 : i32
      %add3A_165 = arith.addi %add3A_163, %add3A_164 : i32
      %dma_start3A_166 = arith.constant 0 : i32
      %dma_start3A_167 = tpu.memref_slice %arg6[%add3A_165, %dma_start3A_166] : memref<41x128xi32, #tpu.memory_space<vmem>> -> memref<1x128xi32, #tpu.memory_space<vmem>>
      %dma_start3A_168 = tpu.memref_squeeze %dma_start3A_167 : memref<1x128xi32, #tpu.memory_space<vmem>> -> memref<128xi32, #tpu.memory_space<vmem>>
      %dma_start3A_169 = arith.constant 0 : i32
      %dma_start3A_170 = arith.constant 0 : i32
      %dma_start3A_171 = tpu.memref_slice %arg2[%dma_start3A_169, %dma_start3A_170] : memref<20000x128xf32, #tpu.memory_space<hbm>> -> memref<20000x128xf32, #tpu.memory_space<hbm>>
      tpu.enqueue_indirect_dma source(%dma_start3A_171 : memref<20000x128xf32, #tpu.memory_space<hbm>>) target(%arg8 : memref<128x128xf32, #tpu.memory_space<vmem>>) offsets(%dma_start3A_168 : memref<128xi32, #tpu.memory_space<vmem>>) semaphore(%arg11 : memref<!tpu.dma_semaphore, #tpu.memory_space<semaphore_mem>>)
      %dma_wait3A_172 = arith.constant 0 : i32
      %dma_wait3A_173 = tpu.memref_slice %arg6[%add3A_147, %dma_wait3A_172] : memref<41x128xi32, #tpu.memory_space<vmem>> -> memref<1x128xi32, #tpu.memory_space<vmem>>
      %dma_wait3A_174 = tpu.memref_squeeze %dma_wait3A_173 : memref<1x128xi32, #tpu.memory_space<vmem>> -> memref<128xi32, #tpu.memory_space<vmem>>
      %dma_wait3A_175 = arith.constant 0 : i32
      %dma_wait3A_176 = arith.constant 0 : i32
      %dma_wait3A_177 = tpu.memref_slice %arg2[%dma_wait3A_175, %dma_wait3A_176] : memref<20000x128xf32, #tpu.memory_space<hbm>> -> memref<20000x128xf32, #tpu.memory_space<hbm>>
      tpu.wait_indirect_dma semaphore(%arg12 : memref<!tpu.dma_semaphore, #tpu.memory_space<semaphore_mem>>) src(%dma_wait3A_177 : memref<20000x128xf32, #tpu.memory_space<hbm>>) dst(%arg9 : memref<128x128xf32, #tpu.memory_space<vmem>>)
      %add3A_178 = arith.constant 7 : i32
      %add3A_179 = arith.addi %mul3A_33, %add3A_178 : i32
      "tpu.region"() ({
        %run_scoped3A_206 = tpu.sem_alloc : memref<!tpu.dma_semaphore, #tpu.memory_space<semaphore_mem>>
        %dma_start3A_207 = arith.constant 0 : i32
        %dma_start3A_208 = tpu.memref_slice %arg7[%add3A_179, %dma_start3A_207] : memref<40x128xi32, #tpu.memory_space<vmem>> -> memref<1x128xi32, #tpu.memory_space<vmem>>
        %dma_start3A_209 = tpu.memref_squeeze %dma_start3A_208 : memref<1x128xi32, #tpu.memory_space<vmem>> -> memref<128xi32, #tpu.memory_space<vmem>>
        %dma_start3A_210 = arith.constant 0 : i32
        %dma_start3A_211 = arith.constant 0 : i32
        %dma_start3A_212 = tpu.memref_slice %arg10[%dma_start3A_210, %dma_start3A_211] : memref<10008x128xf32, #tpu.memory_space<vmem_shared>> -> memref<10008x128xf32, #tpu.memory_space<vmem_shared>>
        tpu.enqueue_indirect_dma source(%arg9 : memref<128x128xf32, #tpu.memory_space<vmem>>) target(%dma_start3A_212 : memref<10008x128xf32, #tpu.memory_space<vmem_shared>>) offsets(%dma_start3A_209 : memref<128xi32, #tpu.memory_space<vmem>>) semaphore(%run_scoped3A_206 : memref<!tpu.dma_semaphore, #tpu.memory_space<semaphore_mem>>) {add = true}
        %dma_wait3A_213 = arith.constant 0 : i32
        %dma_wait3A_214 = tpu.memref_slice %arg7[%add3A_179, %dma_wait3A_213] : memref<40x128xi32, #tpu.memory_space<vmem>> -> memref<1x128xi32, #tpu.memory_space<vmem>>
        %dma_wait3A_215 = tpu.memref_squeeze %dma_wait3A_214 : memref<1x128xi32, #tpu.memory_space<vmem>> -> memref<128xi32, #tpu.memory_space<vmem>>
        %dma_wait3A_216 = arith.constant 0 : i32
        %dma_wait3A_217 = arith.constant 0 : i32
        %dma_wait3A_218 = tpu.memref_slice %arg10[%dma_wait3A_216, %dma_wait3A_217] : memref<10008x128xf32, #tpu.memory_space<vmem_shared>> -> memref<10008x128xf32, #tpu.memory_space<vmem_shared>>
        tpu.wait_indirect_dma semaphore(%run_scoped3A_206 : memref<!tpu.dma_semaphore, #tpu.memory_space<semaphore_mem>>) src(%arg9 : memref<128x128xf32, #tpu.memory_space<vmem>>) dst(%dma_wait3A_218 : memref<10008x128xf32, #tpu.memory_space<vmem_shared>>)
        tpu.yield
      }) : () -> ()
      %add3A_180 = arith.constant 7 : i32
      %add3A_181 = arith.addi %mul3A_33, %add3A_180 : i32
      %add3A_182 = arith.constant 2 : i32
      %add3A_183 = arith.addi %add3A_181, %add3A_182 : i32
      %dma_start3A_184 = arith.constant 0 : i32
      %dma_start3A_185 = tpu.memref_slice %arg6[%add3A_183, %dma_start3A_184] : memref<41x128xi32, #tpu.memory_space<vmem>> -> memref<1x128xi32, #tpu.memory_space<vmem>>
      %dma_start3A_186 = tpu.memref_squeeze %dma_start3A_185 : memref<1x128xi32, #tpu.memory_space<vmem>> -> memref<128xi32, #tpu.memory_space<vmem>>
      %dma_start3A_187 = arith.constant 0 : i32
      %dma_start3A_188 = arith.constant 0 : i32
      %dma_start3A_189 = tpu.memref_slice %arg2[%dma_start3A_187, %dma_start3A_188] : memref<20000x128xf32, #tpu.memory_space<hbm>> -> memref<20000x128xf32, #tpu.memory_space<hbm>>
      tpu.enqueue_indirect_dma source(%dma_start3A_189 : memref<20000x128xf32, #tpu.memory_space<hbm>>) target(%arg9 : memref<128x128xf32, #tpu.memory_space<vmem>>) offsets(%dma_start3A_186 : memref<128xi32, #tpu.memory_space<vmem>>) semaphore(%arg12 : memref<!tpu.dma_semaphore, #tpu.memory_space<semaphore_mem>>)
      %dma_wait3A_190 = arith.constant 0 : i32
      %dma_wait3A_191 = tpu.memref_slice %arg6[%add3A_165, %dma_wait3A_190] : memref<41x128xi32, #tpu.memory_space<vmem>> -> memref<1x128xi32, #tpu.memory_space<vmem>>
      %dma_wait3A_192 = tpu.memref_squeeze %dma_wait3A_191 : memref<1x128xi32, #tpu.memory_space<vmem>> -> memref<128xi32, #tpu.memory_space<vmem>>
      %dma_wait3A_193 = arith.constant 0 : i32
      %dma_wait3A_194 = arith.constant 0 : i32
      %dma_wait3A_195 = tpu.memref_slice %arg2[%dma_wait3A_193, %dma_wait3A_194] : memref<20000x128xf32, #tpu.memory_space<hbm>> -> memref<20000x128xf32, #tpu.memory_space<hbm>>
      tpu.wait_indirect_dma semaphore(%arg11 : memref<!tpu.dma_semaphore, #tpu.memory_space<semaphore_mem>>) src(%dma_wait3A_195 : memref<20000x128xf32, #tpu.memory_space<hbm>>) dst(%arg8 : memref<128x128xf32, #tpu.memory_space<vmem>>)
      %add3A_196 = arith.constant 8 : i32
      %add3A_197 = arith.addi %mul3A_33, %add3A_196 : i32
      "tpu.region"() ({
        %run_scoped3A_206 = tpu.sem_alloc : memref<!tpu.dma_semaphore, #tpu.memory_space<semaphore_mem>>
        %dma_start3A_207 = arith.constant 0 : i32
        %dma_start3A_208 = tpu.memref_slice %arg7[%add3A_197, %dma_start3A_207] : memref<40x128xi32, #tpu.memory_space<vmem>> -> memref<1x128xi32, #tpu.memory_space<vmem>>
        %dma_start3A_209 = tpu.memref_squeeze %dma_start3A_208 : memref<1x128xi32, #tpu.memory_space<vmem>> -> memref<128xi32, #tpu.memory_space<vmem>>
        %dma_start3A_210 = arith.constant 0 : i32
        %dma_start3A_211 = arith.constant 0 : i32
        %dma_start3A_212 = tpu.memref_slice %arg10[%dma_start3A_210, %dma_start3A_211] : memref<10008x128xf32, #tpu.memory_space<vmem_shared>> -> memref<10008x128xf32, #tpu.memory_space<vmem_shared>>
        tpu.enqueue_indirect_dma source(%arg8 : memref<128x128xf32, #tpu.memory_space<vmem>>) target(%dma_start3A_212 : memref<10008x128xf32, #tpu.memory_space<vmem_shared>>) offsets(%dma_start3A_209 : memref<128xi32, #tpu.memory_space<vmem>>) semaphore(%run_scoped3A_206 : memref<!tpu.dma_semaphore, #tpu.memory_space<semaphore_mem>>) {add = true}
        %dma_wait3A_213 = arith.constant 0 : i32
        %dma_wait3A_214 = tpu.memref_slice %arg7[%add3A_197, %dma_wait3A_213] : memref<40x128xi32, #tpu.memory_space<vmem>> -> memref<1x128xi32, #tpu.memory_space<vmem>>
        %dma_wait3A_215 = tpu.memref_squeeze %dma_wait3A_214 : memref<1x128xi32, #tpu.memory_space<vmem>> -> memref<128xi32, #tpu.memory_space<vmem>>
        %dma_wait3A_216 = arith.constant 0 : i32
        %dma_wait3A_217 = arith.constant 0 : i32
        %dma_wait3A_218 = tpu.memref_slice %arg10[%dma_wait3A_216, %dma_wait3A_217] : memref<10008x128xf32, #tpu.memory_space<vmem_shared>> -> memref<10008x128xf32, #tpu.memory_space<vmem_shared>>
        tpu.wait_indirect_dma semaphore(%run_scoped3A_206 : memref<!tpu.dma_semaphore, #tpu.memory_space<semaphore_mem>>) src(%arg8 : memref<128x128xf32, #tpu.memory_space<vmem>>) dst(%dma_wait3A_218 : memref<10008x128xf32, #tpu.memory_space<vmem_shared>>)
        tpu.yield
      }) : () -> ()
      %dma_wait3A_198 = arith.constant 0 : i32
      %dma_wait3A_199 = tpu.memref_slice %arg6[%add3A_183, %dma_wait3A_198] : memref<41x128xi32, #tpu.memory_space<vmem>> -> memref<1x128xi32, #tpu.memory_space<vmem>>
      %dma_wait3A_200 = tpu.memref_squeeze %dma_wait3A_199 : memref<1x128xi32, #tpu.memory_space<vmem>> -> memref<128xi32, #tpu.memory_space<vmem>>
      %dma_wait3A_201 = arith.constant 0 : i32
      %dma_wait3A_202 = arith.constant 0 : i32
      %dma_wait3A_203 = tpu.memref_slice %arg2[%dma_wait3A_201, %dma_wait3A_202] : memref<20000x128xf32, #tpu.memory_space<hbm>> -> memref<20000x128xf32, #tpu.memory_space<hbm>>
      tpu.wait_indirect_dma semaphore(%arg12 : memref<!tpu.dma_semaphore, #tpu.memory_space<semaphore_mem>>) src(%dma_wait3A_203 : memref<20000x128xf32, #tpu.memory_space<hbm>>) dst(%arg9 : memref<128x128xf32, #tpu.memory_space<vmem>>)
      %add3A_204 = arith.constant 9 : i32
      %add3A_205 = arith.addi %mul3A_33, %add3A_204 : i32
      "tpu.region"() ({
        %run_scoped3A_206 = tpu.sem_alloc : memref<!tpu.dma_semaphore, #tpu.memory_space<semaphore_mem>>
        %dma_start3A_207 = arith.constant 0 : i32
        %dma_start3A_208 = tpu.memref_slice %arg7[%add3A_205, %dma_start3A_207] : memref<40x128xi32, #tpu.memory_space<vmem>> -> memref<1x128xi32, #tpu.memory_space<vmem>>
        %dma_start3A_209 = tpu.memref_squeeze %dma_start3A_208 : memref<1x128xi32, #tpu.memory_space<vmem>> -> memref<128xi32, #tpu.memory_space<vmem>>
        %dma_start3A_210 = arith.constant 0 : i32
        %dma_start3A_211 = arith.constant 0 : i32
        %dma_start3A_212 = tpu.memref_slice %arg10[%dma_start3A_210, %dma_start3A_211] : memref<10008x128xf32, #tpu.memory_space<vmem_shared>> -> memref<10008x128xf32, #tpu.memory_space<vmem_shared>>
        tpu.enqueue_indirect_dma source(%arg9 : memref<128x128xf32, #tpu.memory_space<vmem>>) target(%dma_start3A_212 : memref<10008x128xf32, #tpu.memory_space<vmem_shared>>) offsets(%dma_start3A_209 : memref<128xi32, #tpu.memory_space<vmem>>) semaphore(%run_scoped3A_206 : memref<!tpu.dma_semaphore, #tpu.memory_space<semaphore_mem>>) {add = true}
        %dma_wait3A_213 = arith.constant 0 : i32
        %dma_wait3A_214 = tpu.memref_slice %arg7[%add3A_205, %dma_wait3A_213] : memref<40x128xi32, #tpu.memory_space<vmem>> -> memref<1x128xi32, #tpu.memory_space<vmem>>
        %dma_wait3A_215 = tpu.memref_squeeze %dma_wait3A_214 : memref<1x128xi32, #tpu.memory_space<vmem>> -> memref<128xi32, #tpu.memory_space<vmem>>
        %dma_wait3A_216 = arith.constant 0 : i32
        %dma_wait3A_217 = arith.constant 0 : i32
        %dma_wait3A_218 = tpu.memref_slice %arg10[%dma_wait3A_216, %dma_wait3A_217] : memref<10008x128xf32, #tpu.memory_space<vmem_shared>> -> memref<10008x128xf32, #tpu.memory_space<vmem_shared>>
        tpu.wait_indirect_dma semaphore(%run_scoped3A_206 : memref<!tpu.dma_semaphore, #tpu.memory_space<semaphore_mem>>) src(%arg9 : memref<128x128xf32, #tpu.memory_space<vmem>>) dst(%dma_wait3A_218 : memref<10008x128xf32, #tpu.memory_space<vmem_shared>>)
        tpu.yield
      }) : () -> ()
    }
    %scan3A_20 = arith.constant 4 : i32
    %barrier3A_21 = arith.constant 0 : index
    tpu.barrier barrier_id(%barrier3A_21)
    %mul3A_22 = arith.constant 624 : i32
    %mul3A_23 = arith.muli %arg1, %mul3A_22 : i32
    %mul3A_24 = arith.constant 624 : i32
    %mul3A_25 = arith.muli %arg1, %mul3A_24 : i32
    "tpu.region"() ({
      %run_scoped3A_31 = tpu.sem_alloc : memref<!tpu.dma_semaphore, #tpu.memory_space<semaphore_mem>>
      %dma_start3A = arith.constant 0 : i32
      %dma_start3A_32 = tpu.memref_slice %arg5[%arg0, %mul3A_25, %dma_start3A] : memref<2x10000x128xf32, #tpu.memory_space<hbm>> -> memref<1x624x128xf32, #tpu.memory_space<hbm>>
      %dma_start3A_33 = tpu.memref_squeeze %dma_start3A_32 : memref<1x624x128xf32, #tpu.memory_space<hbm>> -> memref<624x128xf32, #tpu.memory_space<hbm>>
      %dma_start3A_34 = arith.constant 0 : i32
      %dma_start3A_35 = tpu.memref_slice %arg10[%mul3A_23, %dma_start3A_34] : memref<10008x128xf32, #tpu.memory_space<vmem_shared>> -> memref<624x128xf32, #tpu.memory_space<vmem_shared>>
      tpu.enqueue_dma source(%dma_start3A_35 : memref<624x128xf32, #tpu.memory_space<vmem_shared>>) target(%dma_start3A_33 : memref<624x128xf32, #tpu.memory_space<hbm>>) target_semaphore(%run_scoped3A_31 : memref<!tpu.dma_semaphore, #tpu.memory_space<semaphore_mem>>)
      %dma_wait3A = arith.constant 0 : i32
      %dma_wait3A_36 = tpu.memref_slice %arg5[%arg0, %mul3A_25, %dma_wait3A] : memref<2x10000x128xf32, #tpu.memory_space<hbm>> -> memref<1x624x128xf32, #tpu.memory_space<hbm>>
      %dma_wait3A_37 = tpu.memref_squeeze %dma_wait3A_36 : memref<1x624x128xf32, #tpu.memory_space<hbm>> -> memref<624x128xf32, #tpu.memory_space<hbm>>
      %dma_wait3A_38 = arith.constant 0 : i32
      %dma_wait3A_39 = tpu.memref_slice %arg10[%mul3A_23, %dma_wait3A_38] : memref<10008x128xf32, #tpu.memory_space<vmem_shared>> -> memref<624x128xf32, #tpu.memory_space<vmem_shared>>
      tpu.wait_dma2 semaphore(%run_scoped3A_31 : memref<!tpu.dma_semaphore, #tpu.memory_space<semaphore_mem>>) src(%dma_wait3A_39 : memref<624x128xf32, #tpu.memory_space<vmem_shared>>) dst(%dma_wait3A_37 : memref<624x128xf32, #tpu.memory_space<hbm>>)
      tpu.yield
    }) : () -> ()
    %eq3A_26 = arith.constant 15 : i32
    %eq3A_27 = arith.cmpi eq, %arg1, %eq3A_26 : i32
    %convert_element_type3A_28 = arith.extui %eq3A_27 : i1 to i32
    %cond3A_29 = arith.constant 0 : i32
    %cond3A_30 = arith.cmpi ne, %convert_element_type3A_28, %cond3A_29 : i32
    scf.if %cond3A_30 {
      "tpu.region"() ({
        %run_scoped3A_31 = tpu.sem_alloc : memref<!tpu.dma_semaphore, #tpu.memory_space<semaphore_mem>>
        %dma_start3A = arith.constant 9984 : i32
        %dma_start3A_32 = arith.constant 0 : i32
        %dma_start3A_33 = tpu.memref_slice %arg5[%arg0, %dma_start3A, %dma_start3A_32] : memref<2x10000x128xf32, #tpu.memory_space<hbm>> -> memref<1x16x128xf32, #tpu.memory_space<hbm>>
        %dma_start3A_34 = tpu.memref_squeeze %dma_start3A_33 : memref<1x16x128xf32, #tpu.memory_space<hbm>> -> memref<16x128xf32, #tpu.memory_space<hbm>>
        %dma_start3A_35 = arith.constant 9984 : i32
        %dma_start3A_36 = arith.constant 0 : i32
        %dma_start3A_37 = tpu.memref_slice %arg10[%dma_start3A_35, %dma_start3A_36] : memref<10008x128xf32, #tpu.memory_space<vmem_shared>> -> memref<16x128xf32, #tpu.memory_space<vmem_shared>>
        tpu.enqueue_dma source(%dma_start3A_37 : memref<16x128xf32, #tpu.memory_space<vmem_shared>>) target(%dma_start3A_34 : memref<16x128xf32, #tpu.memory_space<hbm>>) target_semaphore(%run_scoped3A_31 : memref<!tpu.dma_semaphore, #tpu.memory_space<semaphore_mem>>)
        %dma_wait3A = arith.constant 9984 : i32
        %dma_wait3A_38 = arith.constant 0 : i32
        %dma_wait3A_39 = tpu.memref_slice %arg5[%arg0, %dma_wait3A, %dma_wait3A_38] : memref<2x10000x128xf32, #tpu.memory_space<hbm>> -> memref<1x16x128xf32, #tpu.memory_space<hbm>>
        %dma_wait3A_40 = tpu.memref_squeeze %dma_wait3A_39 : memref<1x16x128xf32, #tpu.memory_space<hbm>> -> memref<16x128xf32, #tpu.memory_space<hbm>>
        %dma_wait3A_41 = arith.constant 9984 : i32
        %dma_wait3A_42 = arith.constant 0 : i32
        %dma_wait3A_43 = tpu.memref_slice %arg10[%dma_wait3A_41, %dma_wait3A_42] : memref<10008x128xf32, #tpu.memory_space<vmem_shared>> -> memref<16x128xf32, #tpu.memory_space<vmem_shared>>
        tpu.wait_dma2 semaphore(%run_scoped3A_31 : memref<!tpu.dma_semaphore, #tpu.memory_space<semaphore_mem>>) src(%dma_wait3A_43 : memref<16x128xf32, #tpu.memory_space<vmem_shared>>) dst(%dma_wait3A_40 : memref<16x128xf32, #tpu.memory_space<hbm>>)
        tpu.yield
      }) : () -> ()
    } else {
    }
    return
  }
}

#map = affine_map<(d0, d1) -> (0, 0)>
#map1 = affine_map<(d0, d1) -> (0, 0, 0, 0, 0)>
#map2 = affine_map<(d0, d1) -> (0, 0, 0)>
module attributes {stable_mosaic.version = 14 : i64} {
  func.func @_sc_aggregate_body(%arg0: i32, %arg1: i32, %arg2: memref<20000x128xf32, #tpu.memory_space<hbm>>, %arg3: memref<2x16x2x41x128xi32, #tpu.memory_space<hbm>>, %arg4: memref<2x16x2x40x128xi32, #tpu.memory_space<hbm>>, %arg5: memref<2x10000x128xf32, #tpu.memory_space<hbm>>, %arg6: memref<41x128xi32, #tpu.memory_space<vmem>>, %arg7: memref<40x128xi32, #tpu.memory_space<vmem>>, %arg8: memref<128x128xf32, #tpu.memory_space<vmem>>, %arg9: memref<128x128xf32, #tpu.memory_space<vmem>>, %arg10: memref<10008x128xf32, #tpu.memory_space<vmem_shared>>, %arg11: memref<!tpu.dma_semaphore, #tpu.memory_space<semaphore_mem>>, %arg12: memref<!tpu.dma_semaphore, #tpu.memory_space<semaphore_mem>>) attributes {dimension_semantics = [#tpu.dimension_semantics<core_parallel>, #tpu.dimension_semantics<subcore_parallel>], iteration_bounds = array<i64: 2, 16>, scalar_prefetch = 0 : i64, scratch_operands = 7 : i64, tpu.core_type = #tpu.core_type<sc_vector_subcore>, window_params = [{transform_indices = #map}, {transform_indices = #map1}, {transform_indices = #map1}, {transform_indices = #map2}]} {
    %mul3A = arith.constant 10000 : i32
    %mul3A_0 = arith.muli %arg0, %mul3A : i32
    %mul3A_1 = arith.constant 624 : i32
    %mul3A_2 = arith.muli %arg1, %mul3A_1 : i32
    %add3A = arith.addi %mul3A_0, %mul3A_2 : i32
    %mul3A_3 = arith.constant 624 : i32
    %mul3A_4 = arith.muli %arg1, %mul3A_3 : i32
    "tpu.region"() ({
      %run_scoped3A_31 = tpu.sem_alloc : memref<!tpu.dma_semaphore, #tpu.memory_space<semaphore_mem>>
      %dma_start3A = arith.constant 0 : i32
      %dma_start3A_32 = tpu.memref_slice %arg10[%mul3A_4, %dma_start3A] : memref<10008x128xf32, #tpu.memory_space<vmem_shared>> -> memref<624x128xf32, #tpu.memory_space<vmem_shared>>
      %dma_start3A_33 = arith.constant 0 : i32
      %dma_start3A_34 = tpu.memref_slice %arg2[%add3A, %dma_start3A_33] : memref<20000x128xf32, #tpu.memory_space<hbm>> -> memref<624x128xf32, #tpu.memory_space<hbm>>
      tpu.enqueue_dma source(%dma_start3A_34 : memref<624x128xf32, #tpu.memory_space<hbm>>) target(%dma_start3A_32 : memref<624x128xf32, #tpu.memory_space<vmem_shared>>) target_semaphore(%run_scoped3A_31 : memref<!tpu.dma_semaphore, #tpu.memory_space<semaphore_mem>>)
      %dma_wait3A = arith.constant 0 : i32
      %dma_wait3A_35 = tpu.memref_slice %arg10[%mul3A_4, %dma_wait3A] : memref<10008x128xf32, #tpu.memory_space<vmem_shared>> -> memref<624x128xf32, #tpu.memory_space<vmem_shared>>
      %dma_wait3A_36 = arith.constant 0 : i32
      %dma_wait3A_37 = tpu.memref_slice %arg2[%add3A, %dma_wait3A_36] : memref<20000x128xf32, #tpu.memory_space<hbm>> -> memref<624x128xf32, #tpu.memory_space<hbm>>
      tpu.wait_dma2 semaphore(%run_scoped3A_31 : memref<!tpu.dma_semaphore, #tpu.memory_space<semaphore_mem>>) src(%dma_wait3A_37 : memref<624x128xf32, #tpu.memory_space<hbm>>) dst(%dma_wait3A_35 : memref<624x128xf32, #tpu.memory_space<vmem_shared>>)
      tpu.yield
    }) : () -> ()
    %eq3A = arith.constant 15 : i32
    %eq3A_5 = arith.cmpi eq, %arg1, %eq3A : i32
    %convert_element_type3A = arith.extui %eq3A_5 : i1 to i32
    %cond3A = arith.constant 0 : i32
    %cond3A_6 = arith.cmpi ne, %convert_element_type3A, %cond3A : i32
    scf.if %cond3A_6 {
      %mul3A_31 = arith.constant 10000 : i32
      %mul3A_32 = arith.muli %arg0, %mul3A_31 : i32
      %add3A_33 = arith.constant 9984 : i32
      %add3A_34 = arith.addi %mul3A_32, %add3A_33 : i32
      "tpu.region"() ({
        %run_scoped3A_35 = tpu.sem_alloc : memref<!tpu.dma_semaphore, #tpu.memory_space<semaphore_mem>>
        %dma_start3A = arith.constant 9984 : i32
        %dma_start3A_36 = arith.constant 0 : i32
        %dma_start3A_37 = tpu.memref_slice %arg10[%dma_start3A, %dma_start3A_36] : memref<10008x128xf32, #tpu.memory_space<vmem_shared>> -> memref<16x128xf32, #tpu.memory_space<vmem_shared>>
        %dma_start3A_38 = arith.constant 0 : i32
        %dma_start3A_39 = tpu.memref_slice %arg2[%add3A_34, %dma_start3A_38] : memref<20000x128xf32, #tpu.memory_space<hbm>> -> memref<16x128xf32, #tpu.memory_space<hbm>>
        tpu.enqueue_dma source(%dma_start3A_39 : memref<16x128xf32, #tpu.memory_space<hbm>>) target(%dma_start3A_37 : memref<16x128xf32, #tpu.memory_space<vmem_shared>>) target_semaphore(%run_scoped3A_35 : memref<!tpu.dma_semaphore, #tpu.memory_space<semaphore_mem>>)
        %dma_wait3A = arith.constant 9984 : i32
        %dma_wait3A_40 = arith.constant 0 : i32
        %dma_wait3A_41 = tpu.memref_slice %arg10[%dma_wait3A, %dma_wait3A_40] : memref<10008x128xf32, #tpu.memory_space<vmem_shared>> -> memref<16x128xf32, #tpu.memory_space<vmem_shared>>
        %dma_wait3A_42 = arith.constant 0 : i32
        %dma_wait3A_43 = tpu.memref_slice %arg2[%add3A_34, %dma_wait3A_42] : memref<20000x128xf32, #tpu.memory_space<hbm>> -> memref<16x128xf32, #tpu.memory_space<hbm>>
        tpu.wait_dma2 semaphore(%run_scoped3A_35 : memref<!tpu.dma_semaphore, #tpu.memory_space<semaphore_mem>>) src(%dma_wait3A_43 : memref<16x128xf32, #tpu.memory_space<hbm>>) dst(%dma_wait3A_41 : memref<16x128xf32, #tpu.memory_space<vmem_shared>>)
        tpu.yield
      }) : () -> ()
    } else {
    }
    %barrier3A = arith.constant 0 : index
    tpu.barrier barrier_id(%barrier3A)
    %run_scoped3A = arith.constant 0 : i32
    "tpu.region"() ({
      %run_scoped3A_31 = tpu.sem_alloc : memref<!tpu.dma_semaphore, #tpu.memory_space<semaphore_mem>>
      %dma_start3A = arith.constant 0 : i32
      %dma_start3A_32 = arith.constant 0 : i32
      %dma_start3A_33 = tpu.memref_slice %arg3[%arg0, %arg1, %run_scoped3A, %dma_start3A, %dma_start3A_32] : memref<2x16x2x41x128xi32, #tpu.memory_space<hbm>> -> memref<1x1x1x41x128xi32, #tpu.memory_space<hbm>>
      %dma_start3A_34 = tpu.memref_squeeze %dma_start3A_33 : memref<1x1x1x41x128xi32, #tpu.memory_space<hbm>> -> memref<41x128xi32, #tpu.memory_space<hbm>>
      %dma_start3A_35 = arith.constant 0 : i32
      %dma_start3A_36 = arith.constant 0 : i32
      %dma_start3A_37 = tpu.memref_slice %arg3[%arg0, %arg1, %run_scoped3A, %dma_start3A_35, %dma_start3A_36] : memref<2x16x2x41x128xi32, #tpu.memory_space<hbm>> -> memref<1x1x1x41x128xi32, #tpu.memory_space<hbm>>
      %dma_start3A_38 = tpu.memref_squeeze %dma_start3A_37 : memref<1x1x1x41x128xi32, #tpu.memory_space<hbm>> -> memref<41x128xi32, #tpu.memory_space<hbm>>
      tpu.enqueue_dma source(%dma_start3A_38 : memref<41x128xi32, #tpu.memory_space<hbm>>) target(%arg6 : memref<41x128xi32, #tpu.memory_space<vmem>>) target_semaphore(%run_scoped3A_31 : memref<!tpu.dma_semaphore, #tpu.memory_space<semaphore_mem>>)
      %dma_wait3A = arith.constant 0 : i32
      %dma_wait3A_39 = arith.constant 0 : i32
      %dma_wait3A_40 = tpu.memref_slice %arg3[%arg0, %arg1, %run_scoped3A, %dma_wait3A, %dma_wait3A_39] : memref<2x16x2x41x128xi32, #tpu.memory_space<hbm>> -> memref<1x1x1x41x128xi32, #tpu.memory_space<hbm>>
      %dma_wait3A_41 = tpu.memref_squeeze %dma_wait3A_40 : memref<1x1x1x41x128xi32, #tpu.memory_space<hbm>> -> memref<41x128xi32, #tpu.memory_space<hbm>>
      %dma_wait3A_42 = arith.constant 0 : i32
      %dma_wait3A_43 = arith.constant 0 : i32
      %dma_wait3A_44 = tpu.memref_slice %arg3[%arg0, %arg1, %run_scoped3A, %dma_wait3A_42, %dma_wait3A_43] : memref<2x16x2x41x128xi32, #tpu.memory_space<hbm>> -> memref<1x1x1x41x128xi32, #tpu.memory_space<hbm>>
      %dma_wait3A_45 = tpu.memref_squeeze %dma_wait3A_44 : memref<1x1x1x41x128xi32, #tpu.memory_space<hbm>> -> memref<41x128xi32, #tpu.memory_space<hbm>>
      tpu.wait_dma2 semaphore(%run_scoped3A_31 : memref<!tpu.dma_semaphore, #tpu.memory_space<semaphore_mem>>) src(%dma_wait3A_45 : memref<41x128xi32, #tpu.memory_space<hbm>>) dst(%arg6 : memref<41x128xi32, #tpu.memory_space<vmem>>)
      tpu.yield
    }) : () -> ()
    %run_scoped3A_7 = arith.constant 0 : i32
    "tpu.region"() ({
      %run_scoped3A_31 = tpu.sem_alloc : memref<!tpu.dma_semaphore, #tpu.memory_space<semaphore_mem>>
      %dma_start3A = arith.constant 0 : i32
      %dma_start3A_32 = arith.constant 0 : i32
      %dma_start3A_33 = tpu.memref_slice %arg4[%arg0, %arg1, %run_scoped3A_7, %dma_start3A, %dma_start3A_32] : memref<2x16x2x40x128xi32, #tpu.memory_space<hbm>> -> memref<1x1x1x40x128xi32, #tpu.memory_space<hbm>>
      %dma_start3A_34 = tpu.memref_squeeze %dma_start3A_33 : memref<1x1x1x40x128xi32, #tpu.memory_space<hbm>> -> memref<40x128xi32, #tpu.memory_space<hbm>>
      %dma_start3A_35 = arith.constant 0 : i32
      %dma_start3A_36 = arith.constant 0 : i32
      %dma_start3A_37 = tpu.memref_slice %arg4[%arg0, %arg1, %run_scoped3A_7, %dma_start3A_35, %dma_start3A_36] : memref<2x16x2x40x128xi32, #tpu.memory_space<hbm>> -> memref<1x1x1x40x128xi32, #tpu.memory_space<hbm>>
      %dma_start3A_38 = tpu.memref_squeeze %dma_start3A_37 : memref<1x1x1x40x128xi32, #tpu.memory_space<hbm>> -> memref<40x128xi32, #tpu.memory_space<hbm>>
      tpu.enqueue_dma source(%dma_start3A_38 : memref<40x128xi32, #tpu.memory_space<hbm>>) target(%arg7 : memref<40x128xi32, #tpu.memory_space<vmem>>) target_semaphore(%run_scoped3A_31 : memref<!tpu.dma_semaphore, #tpu.memory_space<semaphore_mem>>)
      %dma_wait3A = arith.constant 0 : i32
      %dma_wait3A_39 = arith.constant 0 : i32
      %dma_wait3A_40 = tpu.memref_slice %arg4[%arg0, %arg1, %run_scoped3A_7, %dma_wait3A, %dma_wait3A_39] : memref<2x16x2x40x128xi32, #tpu.memory_space<hbm>> -> memref<1x1x1x40x128xi32, #tpu.memory_space<hbm>>
      %dma_wait3A_41 = tpu.memref_squeeze %dma_wait3A_40 : memref<1x1x1x40x128xi32, #tpu.memory_space<hbm>> -> memref<40x128xi32, #tpu.memory_space<hbm>>
      %dma_wait3A_42 = arith.constant 0 : i32
      %dma_wait3A_43 = arith.constant 0 : i32
      %dma_wait3A_44 = tpu.memref_slice %arg4[%arg0, %arg1, %run_scoped3A_7, %dma_wait3A_42, %dma_wait3A_43] : memref<2x16x2x40x128xi32, #tpu.memory_space<hbm>> -> memref<1x1x1x40x128xi32, #tpu.memory_space<hbm>>
      %dma_wait3A_45 = tpu.memref_squeeze %dma_wait3A_44 : memref<1x1x1x40x128xi32, #tpu.memory_space<hbm>> -> memref<40x128xi32, #tpu.memory_space<hbm>>
      tpu.wait_dma2 semaphore(%run_scoped3A_31 : memref<!tpu.dma_semaphore, #tpu.memory_space<semaphore_mem>>) src(%dma_wait3A_45 : memref<40x128xi32, #tpu.memory_space<hbm>>) dst(%arg7 : memref<40x128xi32, #tpu.memory_space<vmem>>)
      tpu.yield
    }) : () -> ()
    %scan3A = arith.constant 0 : i32
    %scan3A_8 = arith.constant 0 : i32
    %scan3A_9 = arith.constant 4 : i32
    %scan3A_10 = arith.addi %scan3A_8, %scan3A_9 : i32
    %scan3A_11 = arith.constant 1 : i32
    scf.for %scan3A_31 = %scan3A_8 to %scan3A_10 step %scan3A_11  : i32 {
      %mul3A_32 = arith.constant 10 : i32
      %mul3A_33 = arith.muli %scan3A_31, %mul3A_32 : i32
      %dma_start3A = arith.constant 0 : i32
      %dma_start3A_34 = tpu.memref_slice %arg6[%mul3A_33, %dma_start3A] : memref<41x128xi32, #tpu.memory_space<vmem>> -> memref<1x128xi32, #tpu.memory_space<vmem>>
      %dma_start3A_35 = tpu.memref_squeeze %dma_start3A_34 : memref<1x128xi32, #tpu.memory_space<vmem>> -> memref<128xi32, #tpu.memory_space<vmem>>
      %dma_start3A_36 = arith.constant 0 : i32
      %dma_start3A_37 = arith.constant 0 : i32
      %dma_start3A_38 = tpu.memref_slice %arg2[%dma_start3A_36, %dma_start3A_37] : memref<20000x128xf32, #tpu.memory_space<hbm>> -> memref<20000x128xf32, #tpu.memory_space<hbm>>
      tpu.enqueue_indirect_dma source(%dma_start3A_38 : memref<20000x128xf32, #tpu.memory_space<hbm>>) target(%arg8 : memref<128x128xf32, #tpu.memory_space<vmem>>) offsets(%dma_start3A_35 : memref<128xi32, #tpu.memory_space<vmem>>) semaphore(%arg11 : memref<!tpu.dma_semaphore, #tpu.memory_space<semaphore_mem>>)
      %add3A_39 = arith.constant 1 : i32
      %add3A_40 = arith.addi %mul3A_33, %add3A_39 : i32
      %dma_start3A_41 = arith.constant 0 : i32
      %dma_start3A_42 = tpu.memref_slice %arg6[%add3A_40, %dma_start3A_41] : memref<41x128xi32, #tpu.memory_space<vmem>> -> memref<1x128xi32, #tpu.memory_space<vmem>>
      %dma_start3A_43 = tpu.memref_squeeze %dma_start3A_42 : memref<1x128xi32, #tpu.memory_space<vmem>> -> memref<128xi32, #tpu.memory_space<vmem>>
      %dma_start3A_44 = arith.constant 0 : i32
      %dma_start3A_45 = arith.constant 0 : i32
      %dma_start3A_46 = tpu.memref_slice %arg2[%dma_start3A_44, %dma_start3A_45] : memref<20000x128xf32, #tpu.memory_space<hbm>> -> memref<20000x128xf32, #tpu.memory_space<hbm>>
      tpu.enqueue_indirect_dma source(%dma_start3A_46 : memref<20000x128xf32, #tpu.memory_space<hbm>>) target(%arg9 : memref<128x128xf32, #tpu.memory_space<vmem>>) offsets(%dma_start3A_43 : memref<128xi32, #tpu.memory_space<vmem>>) semaphore(%arg12 : memref<!tpu.dma_semaphore, #tpu.memory_space<semaphore_mem>>)
      %dma_wait3A = arith.constant 0 : i32
      %dma_wait3A_47 = tpu.memref_slice %arg6[%mul3A_33, %dma_wait3A] : memref<41x128xi32, #tpu.memory_space<vmem>> -> memref<1x128xi32, #tpu.memory_space<vmem>>
      %dma_wait3A_48 = tpu.memref_squeeze %dma_wait3A_47 : memref<1x128xi32, #tpu.memory_space<vmem>> -> memref<128xi32, #tpu.memory_space<vmem>>
      %dma_wait3A_49 = arith.constant 0 : i32
      %dma_wait3A_50 = arith.constant 0 : i32
      %dma_wait3A_51 = tpu.memref_slice %arg2[%dma_wait3A_49, %dma_wait3A_50] : memref<20000x128xf32, #tpu.memory_space<hbm>> -> memref<20000x128xf32, #tpu.memory_space<hbm>>
      tpu.wait_indirect_dma semaphore(%arg11 : memref<!tpu.dma_semaphore, #tpu.memory_space<semaphore_mem>>) src(%dma_wait3A_51 : memref<20000x128xf32, #tpu.memory_space<hbm>>) dst(%arg8 : memref<128x128xf32, #tpu.memory_space<vmem>>)
      %add3A_52 = arith.constant 0 : i32
      %add3A_53 = arith.addi %mul3A_33, %add3A_52 : i32
      "tpu.region"() ({
        %run_scoped3A_206 = tpu.sem_alloc : memref<!tpu.dma_semaphore, #tpu.memory_space<semaphore_mem>>
        %dma_start3A_207 = arith.constant 0 : i32
        %dma_start3A_208 = tpu.memref_slice %arg7[%add3A_53, %dma_start3A_207] : memref<40x128xi32, #tpu.memory_space<vmem>> -> memref<1x128xi32, #tpu.memory_space<vmem>>
        %dma_start3A_209 = tpu.memref_squeeze %dma_start3A_208 : memref<1x128xi32, #tpu.memory_space<vmem>> -> memref<128xi32, #tpu.memory_space<vmem>>
        %dma_start3A_210 = arith.constant 0 : i32
        %dma_start3A_211 = arith.constant 0 : i32
        %dma_start3A_212 = tpu.memref_slice %arg10[%dma_start3A_210, %dma_start3A_211] : memref<10008x128xf32, #tpu.memory_space<vmem_shared>> -> memref<10008x128xf32, #tpu.memory_space<vmem_shared>>
        tpu.enqueue_indirect_dma source(%arg8 : memref<128x128xf32, #tpu.memory_space<vmem>>) target(%dma_start3A_212 : memref<10008x128xf32, #tpu.memory_space<vmem_shared>>) offsets(%dma_start3A_209 : memref<128xi32, #tpu.memory_space<vmem>>) semaphore(%run_scoped3A_206 : memref<!tpu.dma_semaphore, #tpu.memory_space<semaphore_mem>>) {add = true}
        %dma_wait3A_213 = arith.constant 0 : i32
        %dma_wait3A_214 = tpu.memref_slice %arg7[%add3A_53, %dma_wait3A_213] : memref<40x128xi32, #tpu.memory_space<vmem>> -> memref<1x128xi32, #tpu.memory_space<vmem>>
        %dma_wait3A_215 = tpu.memref_squeeze %dma_wait3A_214 : memref<1x128xi32, #tpu.memory_space<vmem>> -> memref<128xi32, #tpu.memory_space<vmem>>
        %dma_wait3A_216 = arith.constant 0 : i32
        %dma_wait3A_217 = arith.constant 0 : i32
        %dma_wait3A_218 = tpu.memref_slice %arg10[%dma_wait3A_216, %dma_wait3A_217] : memref<10008x128xf32, #tpu.memory_space<vmem_shared>> -> memref<10008x128xf32, #tpu.memory_space<vmem_shared>>
        tpu.wait_indirect_dma semaphore(%run_scoped3A_206 : memref<!tpu.dma_semaphore, #tpu.memory_space<semaphore_mem>>) src(%arg8 : memref<128x128xf32, #tpu.memory_space<vmem>>) dst(%dma_wait3A_218 : memref<10008x128xf32, #tpu.memory_space<vmem_shared>>)
        tpu.yield
      }) : () -> ()
      %add3A_54 = arith.constant 0 : i32
      %add3A_55 = arith.addi %mul3A_33, %add3A_54 : i32
      %add3A_56 = arith.constant 2 : i32
      %add3A_57 = arith.addi %add3A_55, %add3A_56 : i32
      %dma_start3A_58 = arith.constant 0 : i32
      %dma_start3A_59 = tpu.memref_slice %arg6[%add3A_57, %dma_start3A_58] : memref<41x128xi32, #tpu.memory_space<vmem>> -> memref<1x128xi32, #tpu.memory_space<vmem>>
      %dma_start3A_60 = tpu.memref_squeeze %dma_start3A_59 : memref<1x128xi32, #tpu.memory_space<vmem>> -> memref<128xi32, #tpu.memory_space<vmem>>
      %dma_start3A_61 = arith.constant 0 : i32
      %dma_start3A_62 = arith.constant 0 : i32
      %dma_start3A_63 = tpu.memref_slice %arg2[%dma_start3A_61, %dma_start3A_62] : memref<20000x128xf32, #tpu.memory_space<hbm>> -> memref<20000x128xf32, #tpu.memory_space<hbm>>
      tpu.enqueue_indirect_dma source(%dma_start3A_63 : memref<20000x128xf32, #tpu.memory_space<hbm>>) target(%arg8 : memref<128x128xf32, #tpu.memory_space<vmem>>) offsets(%dma_start3A_60 : memref<128xi32, #tpu.memory_space<vmem>>) semaphore(%arg11 : memref<!tpu.dma_semaphore, #tpu.memory_space<semaphore_mem>>)
      %dma_wait3A_64 = arith.constant 0 : i32
      %dma_wait3A_65 = tpu.memref_slice %arg6[%add3A_40, %dma_wait3A_64] : memref<41x128xi32, #tpu.memory_space<vmem>> -> memref<1x128xi32, #tpu.memory_space<vmem>>
      %dma_wait3A_66 = tpu.memref_squeeze %dma_wait3A_65 : memref<1x128xi32, #tpu.memory_space<vmem>> -> memref<128xi32, #tpu.memory_space<vmem>>
      %dma_wait3A_67 = arith.constant 0 : i32
      %dma_wait3A_68 = arith.constant 0 : i32
      %dma_wait3A_69 = tpu.memref_slice %arg2[%dma_wait3A_67, %dma_wait3A_68] : memref<20000x128xf32, #tpu.memory_space<hbm>> -> memref<20000x128xf32, #tpu.memory_space<hbm>>
      tpu.wait_indirect_dma semaphore(%arg12 : memref<!tpu.dma_semaphore, #tpu.memory_space<semaphore_mem>>) src(%dma_wait3A_69 : memref<20000x128xf32, #tpu.memory_space<hbm>>) dst(%arg9 : memref<128x128xf32, #tpu.memory_space<vmem>>)
      %add3A_70 = arith.constant 1 : i32
      %add3A_71 = arith.addi %mul3A_33, %add3A_70 : i32
      "tpu.region"() ({
        %run_scoped3A_206 = tpu.sem_alloc : memref<!tpu.dma_semaphore, #tpu.memory_space<semaphore_mem>>
        %dma_start3A_207 = arith.constant 0 : i32
        %dma_start3A_208 = tpu.memref_slice %arg7[%add3A_71, %dma_start3A_207] : memref<40x128xi32, #tpu.memory_space<vmem>> -> memref<1x128xi32, #tpu.memory_space<vmem>>
        %dma_start3A_209 = tpu.memref_squeeze %dma_start3A_208 : memref<1x128xi32, #tpu.memory_space<vmem>> -> memref<128xi32, #tpu.memory_space<vmem>>
        %dma_start3A_210 = arith.constant 0 : i32
        %dma_start3A_211 = arith.constant 0 : i32
        %dma_start3A_212 = tpu.memref_slice %arg10[%dma_start3A_210, %dma_start3A_211] : memref<10008x128xf32, #tpu.memory_space<vmem_shared>> -> memref<10008x128xf32, #tpu.memory_space<vmem_shared>>
        tpu.enqueue_indirect_dma source(%arg9 : memref<128x128xf32, #tpu.memory_space<vmem>>) target(%dma_start3A_212 : memref<10008x128xf32, #tpu.memory_space<vmem_shared>>) offsets(%dma_start3A_209 : memref<128xi32, #tpu.memory_space<vmem>>) semaphore(%run_scoped3A_206 : memref<!tpu.dma_semaphore, #tpu.memory_space<semaphore_mem>>) {add = true}
        %dma_wait3A_213 = arith.constant 0 : i32
        %dma_wait3A_214 = tpu.memref_slice %arg7[%add3A_71, %dma_wait3A_213] : memref<40x128xi32, #tpu.memory_space<vmem>> -> memref<1x128xi32, #tpu.memory_space<vmem>>
        %dma_wait3A_215 = tpu.memref_squeeze %dma_wait3A_214 : memref<1x128xi32, #tpu.memory_space<vmem>> -> memref<128xi32, #tpu.memory_space<vmem>>
        %dma_wait3A_216 = arith.constant 0 : i32
        %dma_wait3A_217 = arith.constant 0 : i32
        %dma_wait3A_218 = tpu.memref_slice %arg10[%dma_wait3A_216, %dma_wait3A_217] : memref<10008x128xf32, #tpu.memory_space<vmem_shared>> -> memref<10008x128xf32, #tpu.memory_space<vmem_shared>>
        tpu.wait_indirect_dma semaphore(%run_scoped3A_206 : memref<!tpu.dma_semaphore, #tpu.memory_space<semaphore_mem>>) src(%arg9 : memref<128x128xf32, #tpu.memory_space<vmem>>) dst(%dma_wait3A_218 : memref<10008x128xf32, #tpu.memory_space<vmem_shared>>)
        tpu.yield
      }) : () -> ()
      %add3A_72 = arith.constant 1 : i32
      %add3A_73 = arith.addi %mul3A_33, %add3A_72 : i32
      %add3A_74 = arith.constant 2 : i32
      %add3A_75 = arith.addi %add3A_73, %add3A_74 : i32
      %dma_start3A_76 = arith.constant 0 : i32
      %dma_start3A_77 = tpu.memref_slice %arg6[%add3A_75, %dma_start3A_76] : memref<41x128xi32, #tpu.memory_space<vmem>> -> memref<1x128xi32, #tpu.memory_space<vmem>>
      %dma_start3A_78 = tpu.memref_squeeze %dma_start3A_77 : memref<1x128xi32, #tpu.memory_space<vmem>> -> memref<128xi32, #tpu.memory_space<vmem>>
      %dma_start3A_79 = arith.constant 0 : i32
      %dma_start3A_80 = arith.constant 0 : i32
      %dma_start3A_81 = tpu.memref_slice %arg2[%dma_start3A_79, %dma_start3A_80] : memref<20000x128xf32, #tpu.memory_space<hbm>> -> memref<20000x128xf32, #tpu.memory_space<hbm>>
      tpu.enqueue_indirect_dma source(%dma_start3A_81 : memref<20000x128xf32, #tpu.memory_space<hbm>>) target(%arg9 : memref<128x128xf32, #tpu.memory_space<vmem>>) offsets(%dma_start3A_78 : memref<128xi32, #tpu.memory_space<vmem>>) semaphore(%arg12 : memref<!tpu.dma_semaphore, #tpu.memory_space<semaphore_mem>>)
      %dma_wait3A_82 = arith.constant 0 : i32
      %dma_wait3A_83 = tpu.memref_slice %arg6[%add3A_57, %dma_wait3A_82] : memref<41x128xi32, #tpu.memory_space<vmem>> -> memref<1x128xi32, #tpu.memory_space<vmem>>
      %dma_wait3A_84 = tpu.memref_squeeze %dma_wait3A_83 : memref<1x128xi32, #tpu.memory_space<vmem>> -> memref<128xi32, #tpu.memory_space<vmem>>
      %dma_wait3A_85 = arith.constant 0 : i32
      %dma_wait3A_86 = arith.constant 0 : i32
      %dma_wait3A_87 = tpu.memref_slice %arg2[%dma_wait3A_85, %dma_wait3A_86] : memref<20000x128xf32, #tpu.memory_space<hbm>> -> memref<20000x128xf32, #tpu.memory_space<hbm>>
      tpu.wait_indirect_dma semaphore(%arg11 : memref<!tpu.dma_semaphore, #tpu.memory_space<semaphore_mem>>) src(%dma_wait3A_87 : memref<20000x128xf32, #tpu.memory_space<hbm>>) dst(%arg8 : memref<128x128xf32, #tpu.memory_space<vmem>>)
      %add3A_88 = arith.constant 2 : i32
      %add3A_89 = arith.addi %mul3A_33, %add3A_88 : i32
      "tpu.region"() ({
        %run_scoped3A_206 = tpu.sem_alloc : memref<!tpu.dma_semaphore, #tpu.memory_space<semaphore_mem>>
        %dma_start3A_207 = arith.constant 0 : i32
        %dma_start3A_208 = tpu.memref_slice %arg7[%add3A_89, %dma_start3A_207] : memref<40x128xi32, #tpu.memory_space<vmem>> -> memref<1x128xi32, #tpu.memory_space<vmem>>
        %dma_start3A_209 = tpu.memref_squeeze %dma_start3A_208 : memref<1x128xi32, #tpu.memory_space<vmem>> -> memref<128xi32, #tpu.memory_space<vmem>>
        %dma_start3A_210 = arith.constant 0 : i32
        %dma_start3A_211 = arith.constant 0 : i32
        %dma_start3A_212 = tpu.memref_slice %arg10[%dma_start3A_210, %dma_start3A_211] : memref<10008x128xf32, #tpu.memory_space<vmem_shared>> -> memref<10008x128xf32, #tpu.memory_space<vmem_shared>>
        tpu.enqueue_indirect_dma source(%arg8 : memref<128x128xf32, #tpu.memory_space<vmem>>) target(%dma_start3A_212 : memref<10008x128xf32, #tpu.memory_space<vmem_shared>>) offsets(%dma_start3A_209 : memref<128xi32, #tpu.memory_space<vmem>>) semaphore(%run_scoped3A_206 : memref<!tpu.dma_semaphore, #tpu.memory_space<semaphore_mem>>) {add = true}
        %dma_wait3A_213 = arith.constant 0 : i32
        %dma_wait3A_214 = tpu.memref_slice %arg7[%add3A_89, %dma_wait3A_213] : memref<40x128xi32, #tpu.memory_space<vmem>> -> memref<1x128xi32, #tpu.memory_space<vmem>>
        %dma_wait3A_215 = tpu.memref_squeeze %dma_wait3A_214 : memref<1x128xi32, #tpu.memory_space<vmem>> -> memref<128xi32, #tpu.memory_space<vmem>>
        %dma_wait3A_216 = arith.constant 0 : i32
        %dma_wait3A_217 = arith.constant 0 : i32
        %dma_wait3A_218 = tpu.memref_slice %arg10[%dma_wait3A_216, %dma_wait3A_217] : memref<10008x128xf32, #tpu.memory_space<vmem_shared>> -> memref<10008x128xf32, #tpu.memory_space<vmem_shared>>
        tpu.wait_indirect_dma semaphore(%run_scoped3A_206 : memref<!tpu.dma_semaphore, #tpu.memory_space<semaphore_mem>>) src(%arg8 : memref<128x128xf32, #tpu.memory_space<vmem>>) dst(%dma_wait3A_218 : memref<10008x128xf32, #tpu.memory_space<vmem_shared>>)
        tpu.yield
      }) : () -> ()
      %add3A_90 = arith.constant 2 : i32
      %add3A_91 = arith.addi %mul3A_33, %add3A_90 : i32
      %add3A_92 = arith.constant 2 : i32
      %add3A_93 = arith.addi %add3A_91, %add3A_92 : i32
      %dma_start3A_94 = arith.constant 0 : i32
      %dma_start3A_95 = tpu.memref_slice %arg6[%add3A_93, %dma_start3A_94] : memref<41x128xi32, #tpu.memory_space<vmem>> -> memref<1x128xi32, #tpu.memory_space<vmem>>
      %dma_start3A_96 = tpu.memref_squeeze %dma_start3A_95 : memref<1x128xi32, #tpu.memory_space<vmem>> -> memref<128xi32, #tpu.memory_space<vmem>>
      %dma_start3A_97 = arith.constant 0 : i32
      %dma_start3A_98 = arith.constant 0 : i32
      %dma_start3A_99 = tpu.memref_slice %arg2[%dma_start3A_97, %dma_start3A_98] : memref<20000x128xf32, #tpu.memory_space<hbm>> -> memref<20000x128xf32, #tpu.memory_space<hbm>>
      tpu.enqueue_indirect_dma source(%dma_start3A_99 : memref<20000x128xf32, #tpu.memory_space<hbm>>) target(%arg8 : memref<128x128xf32, #tpu.memory_space<vmem>>) offsets(%dma_start3A_96 : memref<128xi32, #tpu.memory_space<vmem>>) semaphore(%arg11 : memref<!tpu.dma_semaphore, #tpu.memory_space<semaphore_mem>>)
      %dma_wait3A_100 = arith.constant 0 : i32
      %dma_wait3A_101 = tpu.memref_slice %arg6[%add3A_75, %dma_wait3A_100] : memref<41x128xi32, #tpu.memory_space<vmem>> -> memref<1x128xi32, #tpu.memory_space<vmem>>
      %dma_wait3A_102 = tpu.memref_squeeze %dma_wait3A_101 : memref<1x128xi32, #tpu.memory_space<vmem>> -> memref<128xi32, #tpu.memory_space<vmem>>
      %dma_wait3A_103 = arith.constant 0 : i32
      %dma_wait3A_104 = arith.constant 0 : i32
      %dma_wait3A_105 = tpu.memref_slice %arg2[%dma_wait3A_103, %dma_wait3A_104] : memref<20000x128xf32, #tpu.memory_space<hbm>> -> memref<20000x128xf32, #tpu.memory_space<hbm>>
      tpu.wait_indirect_dma semaphore(%arg12 : memref<!tpu.dma_semaphore, #tpu.memory_space<semaphore_mem>>) src(%dma_wait3A_105 : memref<20000x128xf32, #tpu.memory_space<hbm>>) dst(%arg9 : memref<128x128xf32, #tpu.memory_space<vmem>>)
      %add3A_106 = arith.constant 3 : i32
      %add3A_107 = arith.addi %mul3A_33, %add3A_106 : i32
      "tpu.region"() ({
        %run_scoped3A_206 = tpu.sem_alloc : memref<!tpu.dma_semaphore, #tpu.memory_space<semaphore_mem>>
        %dma_start3A_207 = arith.constant 0 : i32
        %dma_start3A_208 = tpu.memref_slice %arg7[%add3A_107, %dma_start3A_207] : memref<40x128xi32, #tpu.memory_space<vmem>> -> memref<1x128xi32, #tpu.memory_space<vmem>>
        %dma_start3A_209 = tpu.memref_squeeze %dma_start3A_208 : memref<1x128xi32, #tpu.memory_space<vmem>> -> memref<128xi32, #tpu.memory_space<vmem>>
        %dma_start3A_210 = arith.constant 0 : i32
        %dma_start3A_211 = arith.constant 0 : i32
        %dma_start3A_212 = tpu.memref_slice %arg10[%dma_start3A_210, %dma_start3A_211] : memref<10008x128xf32, #tpu.memory_space<vmem_shared>> -> memref<10008x128xf32, #tpu.memory_space<vmem_shared>>
        tpu.enqueue_indirect_dma source(%arg9 : memref<128x128xf32, #tpu.memory_space<vmem>>) target(%dma_start3A_212 : memref<10008x128xf32, #tpu.memory_space<vmem_shared>>) offsets(%dma_start3A_209 : memref<128xi32, #tpu.memory_space<vmem>>) semaphore(%run_scoped3A_206 : memref<!tpu.dma_semaphore, #tpu.memory_space<semaphore_mem>>) {add = true}
        %dma_wait3A_213 = arith.constant 0 : i32
        %dma_wait3A_214 = tpu.memref_slice %arg7[%add3A_107, %dma_wait3A_213] : memref<40x128xi32, #tpu.memory_space<vmem>> -> memref<1x128xi32, #tpu.memory_space<vmem>>
        %dma_wait3A_215 = tpu.memref_squeeze %dma_wait3A_214 : memref<1x128xi32, #tpu.memory_space<vmem>> -> memref<128xi32, #tpu.memory_space<vmem>>
        %dma_wait3A_216 = arith.constant 0 : i32
        %dma_wait3A_217 = arith.constant 0 : i32
        %dma_wait3A_218 = tpu.memref_slice %arg10[%dma_wait3A_216, %dma_wait3A_217] : memref<10008x128xf32, #tpu.memory_space<vmem_shared>> -> memref<10008x128xf32, #tpu.memory_space<vmem_shared>>
        tpu.wait_indirect_dma semaphore(%run_scoped3A_206 : memref<!tpu.dma_semaphore, #tpu.memory_space<semaphore_mem>>) src(%arg9 : memref<128x128xf32, #tpu.memory_space<vmem>>) dst(%dma_wait3A_218 : memref<10008x128xf32, #tpu.memory_space<vmem_shared>>)
        tpu.yield
      }) : () -> ()
      %add3A_108 = arith.constant 3 : i32
      %add3A_109 = arith.addi %mul3A_33, %add3A_108 : i32
      %add3A_110 = arith.constant 2 : i32
      %add3A_111 = arith.addi %add3A_109, %add3A_110 : i32
      %dma_start3A_112 = arith.constant 0 : i32
      %dma_start3A_113 = tpu.memref_slice %arg6[%add3A_111, %dma_start3A_112] : memref<41x128xi32, #tpu.memory_space<vmem>> -> memref<1x128xi32, #tpu.memory_space<vmem>>
      %dma_start3A_114 = tpu.memref_squeeze %dma_start3A_113 : memref<1x128xi32, #tpu.memory_space<vmem>> -> memref<128xi32, #tpu.memory_space<vmem>>
      %dma_start3A_115 = arith.constant 0 : i32
      %dma_start3A_116 = arith.constant 0 : i32
      %dma_start3A_117 = tpu.memref_slice %arg2[%dma_start3A_115, %dma_start3A_116] : memref<20000x128xf32, #tpu.memory_space<hbm>> -> memref<20000x128xf32, #tpu.memory_space<hbm>>
      tpu.enqueue_indirect_dma source(%dma_start3A_117 : memref<20000x128xf32, #tpu.memory_space<hbm>>) target(%arg9 : memref<128x128xf32, #tpu.memory_space<vmem>>) offsets(%dma_start3A_114 : memref<128xi32, #tpu.memory_space<vmem>>) semaphore(%arg12 : memref<!tpu.dma_semaphore, #tpu.memory_space<semaphore_mem>>)
      %dma_wait3A_118 = arith.constant 0 : i32
      %dma_wait3A_119 = tpu.memref_slice %arg6[%add3A_93, %dma_wait3A_118] : memref<41x128xi32, #tpu.memory_space<vmem>> -> memref<1x128xi32, #tpu.memory_space<vmem>>
      %dma_wait3A_120 = tpu.memref_squeeze %dma_wait3A_119 : memref<1x128xi32, #tpu.memory_space<vmem>> -> memref<128xi32, #tpu.memory_space<vmem>>
      %dma_wait3A_121 = arith.constant 0 : i32
      %dma_wait3A_122 = arith.constant 0 : i32
      %dma_wait3A_123 = tpu.memref_slice %arg2[%dma_wait3A_121, %dma_wait3A_122] : memref<20000x128xf32, #tpu.memory_space<hbm>> -> memref<20000x128xf32, #tpu.memory_space<hbm>>
      tpu.wait_indirect_dma semaphore(%arg11 : memref<!tpu.dma_semaphore, #tpu.memory_space<semaphore_mem>>) src(%dma_wait3A_123 : memref<20000x128xf32, #tpu.memory_space<hbm>>) dst(%arg8 : memref<128x128xf32, #tpu.memory_space<vmem>>)
      %add3A_124 = arith.constant 4 : i32
      %add3A_125 = arith.addi %mul3A_33, %add3A_124 : i32
      "tpu.region"() ({
        %run_scoped3A_206 = tpu.sem_alloc : memref<!tpu.dma_semaphore, #tpu.memory_space<semaphore_mem>>
        %dma_start3A_207 = arith.constant 0 : i32
        %dma_start3A_208 = tpu.memref_slice %arg7[%add3A_125, %dma_start3A_207] : memref<40x128xi32, #tpu.memory_space<vmem>> -> memref<1x128xi32, #tpu.memory_space<vmem>>
        %dma_start3A_209 = tpu.memref_squeeze %dma_start3A_208 : memref<1x128xi32, #tpu.memory_space<vmem>> -> memref<128xi32, #tpu.memory_space<vmem>>
        %dma_start3A_210 = arith.constant 0 : i32
        %dma_start3A_211 = arith.constant 0 : i32
        %dma_start3A_212 = tpu.memref_slice %arg10[%dma_start3A_210, %dma_start3A_211] : memref<10008x128xf32, #tpu.memory_space<vmem_shared>> -> memref<10008x128xf32, #tpu.memory_space<vmem_shared>>
        tpu.enqueue_indirect_dma source(%arg8 : memref<128x128xf32, #tpu.memory_space<vmem>>) target(%dma_start3A_212 : memref<10008x128xf32, #tpu.memory_space<vmem_shared>>) offsets(%dma_start3A_209 : memref<128xi32, #tpu.memory_space<vmem>>) semaphore(%run_scoped3A_206 : memref<!tpu.dma_semaphore, #tpu.memory_space<semaphore_mem>>) {add = true}
        %dma_wait3A_213 = arith.constant 0 : i32
        %dma_wait3A_214 = tpu.memref_slice %arg7[%add3A_125, %dma_wait3A_213] : memref<40x128xi32, #tpu.memory_space<vmem>> -> memref<1x128xi32, #tpu.memory_space<vmem>>
        %dma_wait3A_215 = tpu.memref_squeeze %dma_wait3A_214 : memref<1x128xi32, #tpu.memory_space<vmem>> -> memref<128xi32, #tpu.memory_space<vmem>>
        %dma_wait3A_216 = arith.constant 0 : i32
        %dma_wait3A_217 = arith.constant 0 : i32
        %dma_wait3A_218 = tpu.memref_slice %arg10[%dma_wait3A_216, %dma_wait3A_217] : memref<10008x128xf32, #tpu.memory_space<vmem_shared>> -> memref<10008x128xf32, #tpu.memory_space<vmem_shared>>
        tpu.wait_indirect_dma semaphore(%run_scoped3A_206 : memref<!tpu.dma_semaphore, #tpu.memory_space<semaphore_mem>>) src(%arg8 : memref<128x128xf32, #tpu.memory_space<vmem>>) dst(%dma_wait3A_218 : memref<10008x128xf32, #tpu.memory_space<vmem_shared>>)
        tpu.yield
      }) : () -> ()
      %add3A_126 = arith.constant 4 : i32
      %add3A_127 = arith.addi %mul3A_33, %add3A_126 : i32
      %add3A_128 = arith.constant 2 : i32
      %add3A_129 = arith.addi %add3A_127, %add3A_128 : i32
      %dma_start3A_130 = arith.constant 0 : i32
      %dma_start3A_131 = tpu.memref_slice %arg6[%add3A_129, %dma_start3A_130] : memref<41x128xi32, #tpu.memory_space<vmem>> -> memref<1x128xi32, #tpu.memory_space<vmem>>
      %dma_start3A_132 = tpu.memref_squeeze %dma_start3A_131 : memref<1x128xi32, #tpu.memory_space<vmem>> -> memref<128xi32, #tpu.memory_space<vmem>>
      %dma_start3A_133 = arith.constant 0 : i32
      %dma_start3A_134 = arith.constant 0 : i32
      %dma_start3A_135 = tpu.memref_slice %arg2[%dma_start3A_133, %dma_start3A_134] : memref<20000x128xf32, #tpu.memory_space<hbm>> -> memref<20000x128xf32, #tpu.memory_space<hbm>>
      tpu.enqueue_indirect_dma source(%dma_start3A_135 : memref<20000x128xf32, #tpu.memory_space<hbm>>) target(%arg8 : memref<128x128xf32, #tpu.memory_space<vmem>>) offsets(%dma_start3A_132 : memref<128xi32, #tpu.memory_space<vmem>>) semaphore(%arg11 : memref<!tpu.dma_semaphore, #tpu.memory_space<semaphore_mem>>)
      %dma_wait3A_136 = arith.constant 0 : i32
      %dma_wait3A_137 = tpu.memref_slice %arg6[%add3A_111, %dma_wait3A_136] : memref<41x128xi32, #tpu.memory_space<vmem>> -> memref<1x128xi32, #tpu.memory_space<vmem>>
      %dma_wait3A_138 = tpu.memref_squeeze %dma_wait3A_137 : memref<1x128xi32, #tpu.memory_space<vmem>> -> memref<128xi32, #tpu.memory_space<vmem>>
      %dma_wait3A_139 = arith.constant 0 : i32
      %dma_wait3A_140 = arith.constant 0 : i32
      %dma_wait3A_141 = tpu.memref_slice %arg2[%dma_wait3A_139, %dma_wait3A_140] : memref<20000x128xf32, #tpu.memory_space<hbm>> -> memref<20000x128xf32, #tpu.memory_space<hbm>>
      tpu.wait_indirect_dma semaphore(%arg12 : memref<!tpu.dma_semaphore, #tpu.memory_space<semaphore_mem>>) src(%dma_wait3A_141 : memref<20000x128xf32, #tpu.memory_space<hbm>>) dst(%arg9 : memref<128x128xf32, #tpu.memory_space<vmem>>)
      %add3A_142 = arith.constant 5 : i32
      %add3A_143 = arith.addi %mul3A_33, %add3A_142 : i32
      "tpu.region"() ({
        %run_scoped3A_206 = tpu.sem_alloc : memref<!tpu.dma_semaphore, #tpu.memory_space<semaphore_mem>>
        %dma_start3A_207 = arith.constant 0 : i32
        %dma_start3A_208 = tpu.memref_slice %arg7[%add3A_143, %dma_start3A_207] : memref<40x128xi32, #tpu.memory_space<vmem>> -> memref<1x128xi32, #tpu.memory_space<vmem>>
        %dma_start3A_209 = tpu.memref_squeeze %dma_start3A_208 : memref<1x128xi32, #tpu.memory_space<vmem>> -> memref<128xi32, #tpu.memory_space<vmem>>
        %dma_start3A_210 = arith.constant 0 : i32
        %dma_start3A_211 = arith.constant 0 : i32
        %dma_start3A_212 = tpu.memref_slice %arg10[%dma_start3A_210, %dma_start3A_211] : memref<10008x128xf32, #tpu.memory_space<vmem_shared>> -> memref<10008x128xf32, #tpu.memory_space<vmem_shared>>
        tpu.enqueue_indirect_dma source(%arg9 : memref<128x128xf32, #tpu.memory_space<vmem>>) target(%dma_start3A_212 : memref<10008x128xf32, #tpu.memory_space<vmem_shared>>) offsets(%dma_start3A_209 : memref<128xi32, #tpu.memory_space<vmem>>) semaphore(%run_scoped3A_206 : memref<!tpu.dma_semaphore, #tpu.memory_space<semaphore_mem>>) {add = true}
        %dma_wait3A_213 = arith.constant 0 : i32
        %dma_wait3A_214 = tpu.memref_slice %arg7[%add3A_143, %dma_wait3A_213] : memref<40x128xi32, #tpu.memory_space<vmem>> -> memref<1x128xi32, #tpu.memory_space<vmem>>
        %dma_wait3A_215 = tpu.memref_squeeze %dma_wait3A_214 : memref<1x128xi32, #tpu.memory_space<vmem>> -> memref<128xi32, #tpu.memory_space<vmem>>
        %dma_wait3A_216 = arith.constant 0 : i32
        %dma_wait3A_217 = arith.constant 0 : i32
        %dma_wait3A_218 = tpu.memref_slice %arg10[%dma_wait3A_216, %dma_wait3A_217] : memref<10008x128xf32, #tpu.memory_space<vmem_shared>> -> memref<10008x128xf32, #tpu.memory_space<vmem_shared>>
        tpu.wait_indirect_dma semaphore(%run_scoped3A_206 : memref<!tpu.dma_semaphore, #tpu.memory_space<semaphore_mem>>) src(%arg9 : memref<128x128xf32, #tpu.memory_space<vmem>>) dst(%dma_wait3A_218 : memref<10008x128xf32, #tpu.memory_space<vmem_shared>>)
        tpu.yield
      }) : () -> ()
      %add3A_144 = arith.constant 5 : i32
      %add3A_145 = arith.addi %mul3A_33, %add3A_144 : i32
      %add3A_146 = arith.constant 2 : i32
      %add3A_147 = arith.addi %add3A_145, %add3A_146 : i32
      %dma_start3A_148 = arith.constant 0 : i32
      %dma_start3A_149 = tpu.memref_slice %arg6[%add3A_147, %dma_start3A_148] : memref<41x128xi32, #tpu.memory_space<vmem>> -> memref<1x128xi32, #tpu.memory_space<vmem>>
      %dma_start3A_150 = tpu.memref_squeeze %dma_start3A_149 : memref<1x128xi32, #tpu.memory_space<vmem>> -> memref<128xi32, #tpu.memory_space<vmem>>
      %dma_start3A_151 = arith.constant 0 : i32
      %dma_start3A_152 = arith.constant 0 : i32
      %dma_start3A_153 = tpu.memref_slice %arg2[%dma_start3A_151, %dma_start3A_152] : memref<20000x128xf32, #tpu.memory_space<hbm>> -> memref<20000x128xf32, #tpu.memory_space<hbm>>
      tpu.enqueue_indirect_dma source(%dma_start3A_153 : memref<20000x128xf32, #tpu.memory_space<hbm>>) target(%arg9 : memref<128x128xf32, #tpu.memory_space<vmem>>) offsets(%dma_start3A_150 : memref<128xi32, #tpu.memory_space<vmem>>) semaphore(%arg12 : memref<!tpu.dma_semaphore, #tpu.memory_space<semaphore_mem>>)
      %dma_wait3A_154 = arith.constant 0 : i32
      %dma_wait3A_155 = tpu.memref_slice %arg6[%add3A_129, %dma_wait3A_154] : memref<41x128xi32, #tpu.memory_space<vmem>> -> memref<1x128xi32, #tpu.memory_space<vmem>>
      %dma_wait3A_156 = tpu.memref_squeeze %dma_wait3A_155 : memref<1x128xi32, #tpu.memory_space<vmem>> -> memref<128xi32, #tpu.memory_space<vmem>>
      %dma_wait3A_157 = arith.constant 0 : i32
      %dma_wait3A_158 = arith.constant 0 : i32
      %dma_wait3A_159 = tpu.memref_slice %arg2[%dma_wait3A_157, %dma_wait3A_158] : memref<20000x128xf32, #tpu.memory_space<hbm>> -> memref<20000x128xf32, #tpu.memory_space<hbm>>
      tpu.wait_indirect_dma semaphore(%arg11 : memref<!tpu.dma_semaphore, #tpu.memory_space<semaphore_mem>>) src(%dma_wait3A_159 : memref<20000x128xf32, #tpu.memory_space<hbm>>) dst(%arg8 : memref<128x128xf32, #tpu.memory_space<vmem>>)
      %add3A_160 = arith.constant 6 : i32
      %add3A_161 = arith.addi %mul3A_33, %add3A_160 : i32
      "tpu.region"() ({
        %run_scoped3A_206 = tpu.sem_alloc : memref<!tpu.dma_semaphore, #tpu.memory_space<semaphore_mem>>
        %dma_start3A_207 = arith.constant 0 : i32
        %dma_start3A_208 = tpu.memref_slice %arg7[%add3A_161, %dma_start3A_207] : memref<40x128xi32, #tpu.memory_space<vmem>> -> memref<1x128xi32, #tpu.memory_space<vmem>>
        %dma_start3A_209 = tpu.memref_squeeze %dma_start3A_208 : memref<1x128xi32, #tpu.memory_space<vmem>> -> memref<128xi32, #tpu.memory_space<vmem>>
        %dma_start3A_210 = arith.constant 0 : i32
        %dma_start3A_211 = arith.constant 0 : i32
        %dma_start3A_212 = tpu.memref_slice %arg10[%dma_start3A_210, %dma_start3A_211] : memref<10008x128xf32, #tpu.memory_space<vmem_shared>> -> memref<10008x128xf32, #tpu.memory_space<vmem_shared>>
        tpu.enqueue_indirect_dma source(%arg8 : memref<128x128xf32, #tpu.memory_space<vmem>>) target(%dma_start3A_212 : memref<10008x128xf32, #tpu.memory_space<vmem_shared>>) offsets(%dma_start3A_209 : memref<128xi32, #tpu.memory_space<vmem>>) semaphore(%run_scoped3A_206 : memref<!tpu.dma_semaphore, #tpu.memory_space<semaphore_mem>>) {add = true}
        %dma_wait3A_213 = arith.constant 0 : i32
        %dma_wait3A_214 = tpu.memref_slice %arg7[%add3A_161, %dma_wait3A_213] : memref<40x128xi32, #tpu.memory_space<vmem>> -> memref<1x128xi32, #tpu.memory_space<vmem>>
        %dma_wait3A_215 = tpu.memref_squeeze %dma_wait3A_214 : memref<1x128xi32, #tpu.memory_space<vmem>> -> memref<128xi32, #tpu.memory_space<vmem>>
        %dma_wait3A_216 = arith.constant 0 : i32
        %dma_wait3A_217 = arith.constant 0 : i32
        %dma_wait3A_218 = tpu.memref_slice %arg10[%dma_wait3A_216, %dma_wait3A_217] : memref<10008x128xf32, #tpu.memory_space<vmem_shared>> -> memref<10008x128xf32, #tpu.memory_space<vmem_shared>>
        tpu.wait_indirect_dma semaphore(%run_scoped3A_206 : memref<!tpu.dma_semaphore, #tpu.memory_space<semaphore_mem>>) src(%arg8 : memref<128x128xf32, #tpu.memory_space<vmem>>) dst(%dma_wait3A_218 : memref<10008x128xf32, #tpu.memory_space<vmem_shared>>)
        tpu.yield
      }) : () -> ()
      %add3A_162 = arith.constant 6 : i32
      %add3A_163 = arith.addi %mul3A_33, %add3A_162 : i32
      %add3A_164 = arith.constant 2 : i32
      %add3A_165 = arith.addi %add3A_163, %add3A_164 : i32
      %dma_start3A_166 = arith.constant 0 : i32
      %dma_start3A_167 = tpu.memref_slice %arg6[%add3A_165, %dma_start3A_166] : memref<41x128xi32, #tpu.memory_space<vmem>> -> memref<1x128xi32, #tpu.memory_space<vmem>>
      %dma_start3A_168 = tpu.memref_squeeze %dma_start3A_167 : memref<1x128xi32, #tpu.memory_space<vmem>> -> memref<128xi32, #tpu.memory_space<vmem>>
      %dma_start3A_169 = arith.constant 0 : i32
      %dma_start3A_170 = arith.constant 0 : i32
      %dma_start3A_171 = tpu.memref_slice %arg2[%dma_start3A_169, %dma_start3A_170] : memref<20000x128xf32, #tpu.memory_space<hbm>> -> memref<20000x128xf32, #tpu.memory_space<hbm>>
      tpu.enqueue_indirect_dma source(%dma_start3A_171 : memref<20000x128xf32, #tpu.memory_space<hbm>>) target(%arg8 : memref<128x128xf32, #tpu.memory_space<vmem>>) offsets(%dma_start3A_168 : memref<128xi32, #tpu.memory_space<vmem>>) semaphore(%arg11 : memref<!tpu.dma_semaphore, #tpu.memory_space<semaphore_mem>>)
      %dma_wait3A_172 = arith.constant 0 : i32
      %dma_wait3A_173 = tpu.memref_slice %arg6[%add3A_147, %dma_wait3A_172] : memref<41x128xi32, #tpu.memory_space<vmem>> -> memref<1x128xi32, #tpu.memory_space<vmem>>
      %dma_wait3A_174 = tpu.memref_squeeze %dma_wait3A_173 : memref<1x128xi32, #tpu.memory_space<vmem>> -> memref<128xi32, #tpu.memory_space<vmem>>
      %dma_wait3A_175 = arith.constant 0 : i32
      %dma_wait3A_176 = arith.constant 0 : i32
      %dma_wait3A_177 = tpu.memref_slice %arg2[%dma_wait3A_175, %dma_wait3A_176] : memref<20000x128xf32, #tpu.memory_space<hbm>> -> memref<20000x128xf32, #tpu.memory_space<hbm>>
      tpu.wait_indirect_dma semaphore(%arg12 : memref<!tpu.dma_semaphore, #tpu.memory_space<semaphore_mem>>) src(%dma_wait3A_177 : memref<20000x128xf32, #tpu.memory_space<hbm>>) dst(%arg9 : memref<128x128xf32, #tpu.memory_space<vmem>>)
      %add3A_178 = arith.constant 7 : i32
      %add3A_179 = arith.addi %mul3A_33, %add3A_178 : i32
      "tpu.region"() ({
        %run_scoped3A_206 = tpu.sem_alloc : memref<!tpu.dma_semaphore, #tpu.memory_space<semaphore_mem>>
        %dma_start3A_207 = arith.constant 0 : i32
        %dma_start3A_208 = tpu.memref_slice %arg7[%add3A_179, %dma_start3A_207] : memref<40x128xi32, #tpu.memory_space<vmem>> -> memref<1x128xi32, #tpu.memory_space<vmem>>
        %dma_start3A_209 = tpu.memref_squeeze %dma_start3A_208 : memref<1x128xi32, #tpu.memory_space<vmem>> -> memref<128xi32, #tpu.memory_space<vmem>>
        %dma_start3A_210 = arith.constant 0 : i32
        %dma_start3A_211 = arith.constant 0 : i32
        %dma_start3A_212 = tpu.memref_slice %arg10[%dma_start3A_210, %dma_start3A_211] : memref<10008x128xf32, #tpu.memory_space<vmem_shared>> -> memref<10008x128xf32, #tpu.memory_space<vmem_shared>>
        tpu.enqueue_indirect_dma source(%arg9 : memref<128x128xf32, #tpu.memory_space<vmem>>) target(%dma_start3A_212 : memref<10008x128xf32, #tpu.memory_space<vmem_shared>>) offsets(%dma_start3A_209 : memref<128xi32, #tpu.memory_space<vmem>>) semaphore(%run_scoped3A_206 : memref<!tpu.dma_semaphore, #tpu.memory_space<semaphore_mem>>) {add = true}
        %dma_wait3A_213 = arith.constant 0 : i32
        %dma_wait3A_214 = tpu.memref_slice %arg7[%add3A_179, %dma_wait3A_213] : memref<40x128xi32, #tpu.memory_space<vmem>> -> memref<1x128xi32, #tpu.memory_space<vmem>>
        %dma_wait3A_215 = tpu.memref_squeeze %dma_wait3A_214 : memref<1x128xi32, #tpu.memory_space<vmem>> -> memref<128xi32, #tpu.memory_space<vmem>>
        %dma_wait3A_216 = arith.constant 0 : i32
        %dma_wait3A_217 = arith.constant 0 : i32
        %dma_wait3A_218 = tpu.memref_slice %arg10[%dma_wait3A_216, %dma_wait3A_217] : memref<10008x128xf32, #tpu.memory_space<vmem_shared>> -> memref<10008x128xf32, #tpu.memory_space<vmem_shared>>
        tpu.wait_indirect_dma semaphore(%run_scoped3A_206 : memref<!tpu.dma_semaphore, #tpu.memory_space<semaphore_mem>>) src(%arg9 : memref<128x128xf32, #tpu.memory_space<vmem>>) dst(%dma_wait3A_218 : memref<10008x128xf32, #tpu.memory_space<vmem_shared>>)
        tpu.yield
      }) : () -> ()
      %add3A_180 = arith.constant 7 : i32
      %add3A_181 = arith.addi %mul3A_33, %add3A_180 : i32
      %add3A_182 = arith.constant 2 : i32
      %add3A_183 = arith.addi %add3A_181, %add3A_182 : i32
      %dma_start3A_184 = arith.constant 0 : i32
      %dma_start3A_185 = tpu.memref_slice %arg6[%add3A_183, %dma_start3A_184] : memref<41x128xi32, #tpu.memory_space<vmem>> -> memref<1x128xi32, #tpu.memory_space<vmem>>
      %dma_start3A_186 = tpu.memref_squeeze %dma_start3A_185 : memref<1x128xi32, #tpu.memory_space<vmem>> -> memref<128xi32, #tpu.memory_space<vmem>>
      %dma_start3A_187 = arith.constant 0 : i32
      %dma_start3A_188 = arith.constant 0 : i32
      %dma_start3A_189 = tpu.memref_slice %arg2[%dma_start3A_187, %dma_start3A_188] : memref<20000x128xf32, #tpu.memory_space<hbm>> -> memref<20000x128xf32, #tpu.memory_space<hbm>>
      tpu.enqueue_indirect_dma source(%dma_start3A_189 : memref<20000x128xf32, #tpu.memory_space<hbm>>) target(%arg9 : memref<128x128xf32, #tpu.memory_space<vmem>>) offsets(%dma_start3A_186 : memref<128xi32, #tpu.memory_space<vmem>>) semaphore(%arg12 : memref<!tpu.dma_semaphore, #tpu.memory_space<semaphore_mem>>)
      %dma_wait3A_190 = arith.constant 0 : i32
      %dma_wait3A_191 = tpu.memref_slice %arg6[%add3A_165, %dma_wait3A_190] : memref<41x128xi32, #tpu.memory_space<vmem>> -> memref<1x128xi32, #tpu.memory_space<vmem>>
      %dma_wait3A_192 = tpu.memref_squeeze %dma_wait3A_191 : memref<1x128xi32, #tpu.memory_space<vmem>> -> memref<128xi32, #tpu.memory_space<vmem>>
      %dma_wait3A_193 = arith.constant 0 : i32
      %dma_wait3A_194 = arith.constant 0 : i32
      %dma_wait3A_195 = tpu.memref_slice %arg2[%dma_wait3A_193, %dma_wait3A_194] : memref<20000x128xf32, #tpu.memory_space<hbm>> -> memref<20000x128xf32, #tpu.memory_space<hbm>>
      tpu.wait_indirect_dma semaphore(%arg11 : memref<!tpu.dma_semaphore, #tpu.memory_space<semaphore_mem>>) src(%dma_wait3A_195 : memref<20000x128xf32, #tpu.memory_space<hbm>>) dst(%arg8 : memref<128x128xf32, #tpu.memory_space<vmem>>)
      %add3A_196 = arith.constant 8 : i32
      %add3A_197 = arith.addi %mul3A_33, %add3A_196 : i32
      "tpu.region"() ({
        %run_scoped3A_206 = tpu.sem_alloc : memref<!tpu.dma_semaphore, #tpu.memory_space<semaphore_mem>>
        %dma_start3A_207 = arith.constant 0 : i32
        %dma_start3A_208 = tpu.memref_slice %arg7[%add3A_197, %dma_start3A_207] : memref<40x128xi32, #tpu.memory_space<vmem>> -> memref<1x128xi32, #tpu.memory_space<vmem>>
        %dma_start3A_209 = tpu.memref_squeeze %dma_start3A_208 : memref<1x128xi32, #tpu.memory_space<vmem>> -> memref<128xi32, #tpu.memory_space<vmem>>
        %dma_start3A_210 = arith.constant 0 : i32
        %dma_start3A_211 = arith.constant 0 : i32
        %dma_start3A_212 = tpu.memref_slice %arg10[%dma_start3A_210, %dma_start3A_211] : memref<10008x128xf32, #tpu.memory_space<vmem_shared>> -> memref<10008x128xf32, #tpu.memory_space<vmem_shared>>
        tpu.enqueue_indirect_dma source(%arg8 : memref<128x128xf32, #tpu.memory_space<vmem>>) target(%dma_start3A_212 : memref<10008x128xf32, #tpu.memory_space<vmem_shared>>) offsets(%dma_start3A_209 : memref<128xi32, #tpu.memory_space<vmem>>) semaphore(%run_scoped3A_206 : memref<!tpu.dma_semaphore, #tpu.memory_space<semaphore_mem>>) {add = true}
        %dma_wait3A_213 = arith.constant 0 : i32
        %dma_wait3A_214 = tpu.memref_slice %arg7[%add3A_197, %dma_wait3A_213] : memref<40x128xi32, #tpu.memory_space<vmem>> -> memref<1x128xi32, #tpu.memory_space<vmem>>
        %dma_wait3A_215 = tpu.memref_squeeze %dma_wait3A_214 : memref<1x128xi32, #tpu.memory_space<vmem>> -> memref<128xi32, #tpu.memory_space<vmem>>
        %dma_wait3A_216 = arith.constant 0 : i32
        %dma_wait3A_217 = arith.constant 0 : i32
        %dma_wait3A_218 = tpu.memref_slice %arg10[%dma_wait3A_216, %dma_wait3A_217] : memref<10008x128xf32, #tpu.memory_space<vmem_shared>> -> memref<10008x128xf32, #tpu.memory_space<vmem_shared>>
        tpu.wait_indirect_dma semaphore(%run_scoped3A_206 : memref<!tpu.dma_semaphore, #tpu.memory_space<semaphore_mem>>) src(%arg8 : memref<128x128xf32, #tpu.memory_space<vmem>>) dst(%dma_wait3A_218 : memref<10008x128xf32, #tpu.memory_space<vmem_shared>>)
        tpu.yield
      }) : () -> ()
      %dma_wait3A_198 = arith.constant 0 : i32
      %dma_wait3A_199 = tpu.memref_slice %arg6[%add3A_183, %dma_wait3A_198] : memref<41x128xi32, #tpu.memory_space<vmem>> -> memref<1x128xi32, #tpu.memory_space<vmem>>
      %dma_wait3A_200 = tpu.memref_squeeze %dma_wait3A_199 : memref<1x128xi32, #tpu.memory_space<vmem>> -> memref<128xi32, #tpu.memory_space<vmem>>
      %dma_wait3A_201 = arith.constant 0 : i32
      %dma_wait3A_202 = arith.constant 0 : i32
      %dma_wait3A_203 = tpu.memref_slice %arg2[%dma_wait3A_201, %dma_wait3A_202] : memref<20000x128xf32, #tpu.memory_space<hbm>> -> memref<20000x128xf32, #tpu.memory_space<hbm>>
      tpu.wait_indirect_dma semaphore(%arg12 : memref<!tpu.dma_semaphore, #tpu.memory_space<semaphore_mem>>) src(%dma_wait3A_203 : memref<20000x128xf32, #tpu.memory_space<hbm>>) dst(%arg9 : memref<128x128xf32, #tpu.memory_space<vmem>>)
      %add3A_204 = arith.constant 9 : i32
      %add3A_205 = arith.addi %mul3A_33, %add3A_204 : i32
      "tpu.region"() ({
        %run_scoped3A_206 = tpu.sem_alloc : memref<!tpu.dma_semaphore, #tpu.memory_space<semaphore_mem>>
        %dma_start3A_207 = arith.constant 0 : i32
        %dma_start3A_208 = tpu.memref_slice %arg7[%add3A_205, %dma_start3A_207] : memref<40x128xi32, #tpu.memory_space<vmem>> -> memref<1x128xi32, #tpu.memory_space<vmem>>
        %dma_start3A_209 = tpu.memref_squeeze %dma_start3A_208 : memref<1x128xi32, #tpu.memory_space<vmem>> -> memref<128xi32, #tpu.memory_space<vmem>>
        %dma_start3A_210 = arith.constant 0 : i32
        %dma_start3A_211 = arith.constant 0 : i32
        %dma_start3A_212 = tpu.memref_slice %arg10[%dma_start3A_210, %dma_start3A_211] : memref<10008x128xf32, #tpu.memory_space<vmem_shared>> -> memref<10008x128xf32, #tpu.memory_space<vmem_shared>>
        tpu.enqueue_indirect_dma source(%arg9 : memref<128x128xf32, #tpu.memory_space<vmem>>) target(%dma_start3A_212 : memref<10008x128xf32, #tpu.memory_space<vmem_shared>>) offsets(%dma_start3A_209 : memref<128xi32, #tpu.memory_space<vmem>>) semaphore(%run_scoped3A_206 : memref<!tpu.dma_semaphore, #tpu.memory_space<semaphore_mem>>) {add = true}
        %dma_wait3A_213 = arith.constant 0 : i32
        %dma_wait3A_214 = tpu.memref_slice %arg7[%add3A_205, %dma_wait3A_213] : memref<40x128xi32, #tpu.memory_space<vmem>> -> memref<1x128xi32, #tpu.memory_space<vmem>>
        %dma_wait3A_215 = tpu.memref_squeeze %dma_wait3A_214 : memref<1x128xi32, #tpu.memory_space<vmem>> -> memref<128xi32, #tpu.memory_space<vmem>>
        %dma_wait3A_216 = arith.constant 0 : i32
        %dma_wait3A_217 = arith.constant 0 : i32
        %dma_wait3A_218 = tpu.memref_slice %arg10[%dma_wait3A_216, %dma_wait3A_217] : memref<10008x128xf32, #tpu.memory_space<vmem_shared>> -> memref<10008x128xf32, #tpu.memory_space<vmem_shared>>
        tpu.wait_indirect_dma semaphore(%run_scoped3A_206 : memref<!tpu.dma_semaphore, #tpu.memory_space<semaphore_mem>>) src(%arg9 : memref<128x128xf32, #tpu.memory_space<vmem>>) dst(%dma_wait3A_218 : memref<10008x128xf32, #tpu.memory_space<vmem_shared>>)
        tpu.yield
      }) : () -> ()
    }
    %scan3A_12 = arith.constant 4 : i32
    %run_scoped3A_13 = arith.constant 1 : i32
    "tpu.region"() ({
      %run_scoped3A_31 = tpu.sem_alloc : memref<!tpu.dma_semaphore, #tpu.memory_space<semaphore_mem>>
      %dma_start3A = arith.constant 0 : i32
      %dma_start3A_32 = arith.constant 0 : i32
      %dma_start3A_33 = tpu.memref_slice %arg3[%arg0, %arg1, %run_scoped3A_13, %dma_start3A, %dma_start3A_32] : memref<2x16x2x41x128xi32, #tpu.memory_space<hbm>> -> memref<1x1x1x41x128xi32, #tpu.memory_space<hbm>>
      %dma_start3A_34 = tpu.memref_squeeze %dma_start3A_33 : memref<1x1x1x41x128xi32, #tpu.memory_space<hbm>> -> memref<41x128xi32, #tpu.memory_space<hbm>>
      %dma_start3A_35 = arith.constant 0 : i32
      %dma_start3A_36 = arith.constant 0 : i32
      %dma_start3A_37 = tpu.memref_slice %arg3[%arg0, %arg1, %run_scoped3A_13, %dma_start3A_35, %dma_start3A_36] : memref<2x16x2x41x128xi32, #tpu.memory_space<hbm>> -> memref<1x1x1x41x128xi32, #tpu.memory_space<hbm>>
      %dma_start3A_38 = tpu.memref_squeeze %dma_start3A_37 : memref<1x1x1x41x128xi32, #tpu.memory_space<hbm>> -> memref<41x128xi32, #tpu.memory_space<hbm>>
      tpu.enqueue_dma source(%dma_start3A_38 : memref<41x128xi32, #tpu.memory_space<hbm>>) target(%arg6 : memref<41x128xi32, #tpu.memory_space<vmem>>) target_semaphore(%run_scoped3A_31 : memref<!tpu.dma_semaphore, #tpu.memory_space<semaphore_mem>>)
      %dma_wait3A = arith.constant 0 : i32
      %dma_wait3A_39 = arith.constant 0 : i32
      %dma_wait3A_40 = tpu.memref_slice %arg3[%arg0, %arg1, %run_scoped3A_13, %dma_wait3A, %dma_wait3A_39] : memref<2x16x2x41x128xi32, #tpu.memory_space<hbm>> -> memref<1x1x1x41x128xi32, #tpu.memory_space<hbm>>
      %dma_wait3A_41 = tpu.memref_squeeze %dma_wait3A_40 : memref<1x1x1x41x128xi32, #tpu.memory_space<hbm>> -> memref<41x128xi32, #tpu.memory_space<hbm>>
      %dma_wait3A_42 = arith.constant 0 : i32
      %dma_wait3A_43 = arith.constant 0 : i32
      %dma_wait3A_44 = tpu.memref_slice %arg3[%arg0, %arg1, %run_scoped3A_13, %dma_wait3A_42, %dma_wait3A_43] : memref<2x16x2x41x128xi32, #tpu.memory_space<hbm>> -> memref<1x1x1x41x128xi32, #tpu.memory_space<hbm>>
      %dma_wait3A_45 = tpu.memref_squeeze %dma_wait3A_44 : memref<1x1x1x41x128xi32, #tpu.memory_space<hbm>> -> memref<41x128xi32, #tpu.memory_space<hbm>>
      tpu.wait_dma2 semaphore(%run_scoped3A_31 : memref<!tpu.dma_semaphore, #tpu.memory_space<semaphore_mem>>) src(%dma_wait3A_45 : memref<41x128xi32, #tpu.memory_space<hbm>>) dst(%arg6 : memref<41x128xi32, #tpu.memory_space<vmem>>)
      tpu.yield
    }) : () -> ()
    %run_scoped3A_14 = arith.constant 1 : i32
    "tpu.region"() ({
      %run_scoped3A_31 = tpu.sem_alloc : memref<!tpu.dma_semaphore, #tpu.memory_space<semaphore_mem>>
      %dma_start3A = arith.constant 0 : i32
      %dma_start3A_32 = arith.constant 0 : i32
      %dma_start3A_33 = tpu.memref_slice %arg4[%arg0, %arg1, %run_scoped3A_14, %dma_start3A, %dma_start3A_32] : memref<2x16x2x40x128xi32, #tpu.memory_space<hbm>> -> memref<1x1x1x40x128xi32, #tpu.memory_space<hbm>>
      %dma_start3A_34 = tpu.memref_squeeze %dma_start3A_33 : memref<1x1x1x40x128xi32, #tpu.memory_space<hbm>> -> memref<40x128xi32, #tpu.memory_space<hbm>>
      %dma_start3A_35 = arith.constant 0 : i32
      %dma_start3A_36 = arith.constant 0 : i32
      %dma_start3A_37 = tpu.memref_slice %arg4[%arg0, %arg1, %run_scoped3A_14, %dma_start3A_35, %dma_start3A_36] : memref<2x16x2x40x128xi32, #tpu.memory_space<hbm>> -> memref<1x1x1x40x128xi32, #tpu.memory_space<hbm>>
      %dma_start3A_38 = tpu.memref_squeeze %dma_start3A_37 : memref<1x1x1x40x128xi32, #tpu.memory_space<hbm>> -> memref<40x128xi32, #tpu.memory_space<hbm>>
      tpu.enqueue_dma source(%dma_start3A_38 : memref<40x128xi32, #tpu.memory_space<hbm>>) target(%arg7 : memref<40x128xi32, #tpu.memory_space<vmem>>) target_semaphore(%run_scoped3A_31 : memref<!tpu.dma_semaphore, #tpu.memory_space<semaphore_mem>>)
      %dma_wait3A = arith.constant 0 : i32
      %dma_wait3A_39 = arith.constant 0 : i32
      %dma_wait3A_40 = tpu.memref_slice %arg4[%arg0, %arg1, %run_scoped3A_14, %dma_wait3A, %dma_wait3A_39] : memref<2x16x2x40x128xi32, #tpu.memory_space<hbm>> -> memref<1x1x1x40x128xi32, #tpu.memory_space<hbm>>
      %dma_wait3A_41 = tpu.memref_squeeze %dma_wait3A_40 : memref<1x1x1x40x128xi32, #tpu.memory_space<hbm>> -> memref<40x128xi32, #tpu.memory_space<hbm>>
      %dma_wait3A_42 = arith.constant 0 : i32
      %dma_wait3A_43 = arith.constant 0 : i32
      %dma_wait3A_44 = tpu.memref_slice %arg4[%arg0, %arg1, %run_scoped3A_14, %dma_wait3A_42, %dma_wait3A_43] : memref<2x16x2x40x128xi32, #tpu.memory_space<hbm>> -> memref<1x1x1x40x128xi32, #tpu.memory_space<hbm>>
      %dma_wait3A_45 = tpu.memref_squeeze %dma_wait3A_44 : memref<1x1x1x40x128xi32, #tpu.memory_space<hbm>> -> memref<40x128xi32, #tpu.memory_space<hbm>>
      tpu.wait_dma2 semaphore(%run_scoped3A_31 : memref<!tpu.dma_semaphore, #tpu.memory_space<semaphore_mem>>) src(%dma_wait3A_45 : memref<40x128xi32, #tpu.memory_space<hbm>>) dst(%arg7 : memref<40x128xi32, #tpu.memory_space<vmem>>)
      tpu.yield
    }) : () -> ()
    %scan3A_15 = arith.constant 0 : i32
    %scan3A_16 = arith.constant 0 : i32
    %scan3A_17 = arith.constant 4 : i32
    %scan3A_18 = arith.addi %scan3A_16, %scan3A_17 : i32
    %scan3A_19 = arith.constant 1 : i32
    scf.for %scan3A_31 = %scan3A_16 to %scan3A_18 step %scan3A_19  : i32 {
      %mul3A_32 = arith.constant 10 : i32
      %mul3A_33 = arith.muli %scan3A_31, %mul3A_32 : i32
      %dma_start3A = arith.constant 0 : i32
      %dma_start3A_34 = tpu.memref_slice %arg6[%mul3A_33, %dma_start3A] : memref<41x128xi32, #tpu.memory_space<vmem>> -> memref<1x128xi32, #tpu.memory_space<vmem>>
      %dma_start3A_35 = tpu.memref_squeeze %dma_start3A_34 : memref<1x128xi32, #tpu.memory_space<vmem>> -> memref<128xi32, #tpu.memory_space<vmem>>
      %dma_start3A_36 = arith.constant 0 : i32
      %dma_start3A_37 = arith.constant 0 : i32
      %dma_start3A_38 = tpu.memref_slice %arg2[%dma_start3A_36, %dma_start3A_37] : memref<20000x128xf32, #tpu.memory_space<hbm>> -> memref<20000x128xf32, #tpu.memory_space<hbm>>
      tpu.enqueue_indirect_dma source(%dma_start3A_38 : memref<20000x128xf32, #tpu.memory_space<hbm>>) target(%arg8 : memref<128x128xf32, #tpu.memory_space<vmem>>) offsets(%dma_start3A_35 : memref<128xi32, #tpu.memory_space<vmem>>) semaphore(%arg11 : memref<!tpu.dma_semaphore, #tpu.memory_space<semaphore_mem>>)
      %add3A_39 = arith.constant 1 : i32
      %add3A_40 = arith.addi %mul3A_33, %add3A_39 : i32
      %dma_start3A_41 = arith.constant 0 : i32
      %dma_start3A_42 = tpu.memref_slice %arg6[%add3A_40, %dma_start3A_41] : memref<41x128xi32, #tpu.memory_space<vmem>> -> memref<1x128xi32, #tpu.memory_space<vmem>>
      %dma_start3A_43 = tpu.memref_squeeze %dma_start3A_42 : memref<1x128xi32, #tpu.memory_space<vmem>> -> memref<128xi32, #tpu.memory_space<vmem>>
      %dma_start3A_44 = arith.constant 0 : i32
      %dma_start3A_45 = arith.constant 0 : i32
      %dma_start3A_46 = tpu.memref_slice %arg2[%dma_start3A_44, %dma_start3A_45] : memref<20000x128xf32, #tpu.memory_space<hbm>> -> memref<20000x128xf32, #tpu.memory_space<hbm>>
      tpu.enqueue_indirect_dma source(%dma_start3A_46 : memref<20000x128xf32, #tpu.memory_space<hbm>>) target(%arg9 : memref<128x128xf32, #tpu.memory_space<vmem>>) offsets(%dma_start3A_43 : memref<128xi32, #tpu.memory_space<vmem>>) semaphore(%arg12 : memref<!tpu.dma_semaphore, #tpu.memory_space<semaphore_mem>>)
      %dma_wait3A = arith.constant 0 : i32
      %dma_wait3A_47 = tpu.memref_slice %arg6[%mul3A_33, %dma_wait3A] : memref<41x128xi32, #tpu.memory_space<vmem>> -> memref<1x128xi32, #tpu.memory_space<vmem>>
      %dma_wait3A_48 = tpu.memref_squeeze %dma_wait3A_47 : memref<1x128xi32, #tpu.memory_space<vmem>> -> memref<128xi32, #tpu.memory_space<vmem>>
      %dma_wait3A_49 = arith.constant 0 : i32
      %dma_wait3A_50 = arith.constant 0 : i32
      %dma_wait3A_51 = tpu.memref_slice %arg2[%dma_wait3A_49, %dma_wait3A_50] : memref<20000x128xf32, #tpu.memory_space<hbm>> -> memref<20000x128xf32, #tpu.memory_space<hbm>>
      tpu.wait_indirect_dma semaphore(%arg11 : memref<!tpu.dma_semaphore, #tpu.memory_space<semaphore_mem>>) src(%dma_wait3A_51 : memref<20000x128xf32, #tpu.memory_space<hbm>>) dst(%arg8 : memref<128x128xf32, #tpu.memory_space<vmem>>)
      %add3A_52 = arith.constant 0 : i32
      %add3A_53 = arith.addi %mul3A_33, %add3A_52 : i32
      "tpu.region"() ({
        %run_scoped3A_206 = tpu.sem_alloc : memref<!tpu.dma_semaphore, #tpu.memory_space<semaphore_mem>>
        %dma_start3A_207 = arith.constant 0 : i32
        %dma_start3A_208 = tpu.memref_slice %arg7[%add3A_53, %dma_start3A_207] : memref<40x128xi32, #tpu.memory_space<vmem>> -> memref<1x128xi32, #tpu.memory_space<vmem>>
        %dma_start3A_209 = tpu.memref_squeeze %dma_start3A_208 : memref<1x128xi32, #tpu.memory_space<vmem>> -> memref<128xi32, #tpu.memory_space<vmem>>
        %dma_start3A_210 = arith.constant 0 : i32
        %dma_start3A_211 = arith.constant 0 : i32
        %dma_start3A_212 = tpu.memref_slice %arg10[%dma_start3A_210, %dma_start3A_211] : memref<10008x128xf32, #tpu.memory_space<vmem_shared>> -> memref<10008x128xf32, #tpu.memory_space<vmem_shared>>
        tpu.enqueue_indirect_dma source(%arg8 : memref<128x128xf32, #tpu.memory_space<vmem>>) target(%dma_start3A_212 : memref<10008x128xf32, #tpu.memory_space<vmem_shared>>) offsets(%dma_start3A_209 : memref<128xi32, #tpu.memory_space<vmem>>) semaphore(%run_scoped3A_206 : memref<!tpu.dma_semaphore, #tpu.memory_space<semaphore_mem>>) {add = true}
        %dma_wait3A_213 = arith.constant 0 : i32
        %dma_wait3A_214 = tpu.memref_slice %arg7[%add3A_53, %dma_wait3A_213] : memref<40x128xi32, #tpu.memory_space<vmem>> -> memref<1x128xi32, #tpu.memory_space<vmem>>
        %dma_wait3A_215 = tpu.memref_squeeze %dma_wait3A_214 : memref<1x128xi32, #tpu.memory_space<vmem>> -> memref<128xi32, #tpu.memory_space<vmem>>
        %dma_wait3A_216 = arith.constant 0 : i32
        %dma_wait3A_217 = arith.constant 0 : i32
        %dma_wait3A_218 = tpu.memref_slice %arg10[%dma_wait3A_216, %dma_wait3A_217] : memref<10008x128xf32, #tpu.memory_space<vmem_shared>> -> memref<10008x128xf32, #tpu.memory_space<vmem_shared>>
        tpu.wait_indirect_dma semaphore(%run_scoped3A_206 : memref<!tpu.dma_semaphore, #tpu.memory_space<semaphore_mem>>) src(%arg8 : memref<128x128xf32, #tpu.memory_space<vmem>>) dst(%dma_wait3A_218 : memref<10008x128xf32, #tpu.memory_space<vmem_shared>>)
        tpu.yield
      }) : () -> ()
      %add3A_54 = arith.constant 0 : i32
      %add3A_55 = arith.addi %mul3A_33, %add3A_54 : i32
      %add3A_56 = arith.constant 2 : i32
      %add3A_57 = arith.addi %add3A_55, %add3A_56 : i32
      %dma_start3A_58 = arith.constant 0 : i32
      %dma_start3A_59 = tpu.memref_slice %arg6[%add3A_57, %dma_start3A_58] : memref<41x128xi32, #tpu.memory_space<vmem>> -> memref<1x128xi32, #tpu.memory_space<vmem>>
      %dma_start3A_60 = tpu.memref_squeeze %dma_start3A_59 : memref<1x128xi32, #tpu.memory_space<vmem>> -> memref<128xi32, #tpu.memory_space<vmem>>
      %dma_start3A_61 = arith.constant 0 : i32
      %dma_start3A_62 = arith.constant 0 : i32
      %dma_start3A_63 = tpu.memref_slice %arg2[%dma_start3A_61, %dma_start3A_62] : memref<20000x128xf32, #tpu.memory_space<hbm>> -> memref<20000x128xf32, #tpu.memory_space<hbm>>
      tpu.enqueue_indirect_dma source(%dma_start3A_63 : memref<20000x128xf32, #tpu.memory_space<hbm>>) target(%arg8 : memref<128x128xf32, #tpu.memory_space<vmem>>) offsets(%dma_start3A_60 : memref<128xi32, #tpu.memory_space<vmem>>) semaphore(%arg11 : memref<!tpu.dma_semaphore, #tpu.memory_space<semaphore_mem>>)
      %dma_wait3A_64 = arith.constant 0 : i32
      %dma_wait3A_65 = tpu.memref_slice %arg6[%add3A_40, %dma_wait3A_64] : memref<41x128xi32, #tpu.memory_space<vmem>> -> memref<1x128xi32, #tpu.memory_space<vmem>>
      %dma_wait3A_66 = tpu.memref_squeeze %dma_wait3A_65 : memref<1x128xi32, #tpu.memory_space<vmem>> -> memref<128xi32, #tpu.memory_space<vmem>>
      %dma_wait3A_67 = arith.constant 0 : i32
      %dma_wait3A_68 = arith.constant 0 : i32
      %dma_wait3A_69 = tpu.memref_slice %arg2[%dma_wait3A_67, %dma_wait3A_68] : memref<20000x128xf32, #tpu.memory_space<hbm>> -> memref<20000x128xf32, #tpu.memory_space<hbm>>
      tpu.wait_indirect_dma semaphore(%arg12 : memref<!tpu.dma_semaphore, #tpu.memory_space<semaphore_mem>>) src(%dma_wait3A_69 : memref<20000x128xf32, #tpu.memory_space<hbm>>) dst(%arg9 : memref<128x128xf32, #tpu.memory_space<vmem>>)
      %add3A_70 = arith.constant 1 : i32
      %add3A_71 = arith.addi %mul3A_33, %add3A_70 : i32
      "tpu.region"() ({
        %run_scoped3A_206 = tpu.sem_alloc : memref<!tpu.dma_semaphore, #tpu.memory_space<semaphore_mem>>
        %dma_start3A_207 = arith.constant 0 : i32
        %dma_start3A_208 = tpu.memref_slice %arg7[%add3A_71, %dma_start3A_207] : memref<40x128xi32, #tpu.memory_space<vmem>> -> memref<1x128xi32, #tpu.memory_space<vmem>>
        %dma_start3A_209 = tpu.memref_squeeze %dma_start3A_208 : memref<1x128xi32, #tpu.memory_space<vmem>> -> memref<128xi32, #tpu.memory_space<vmem>>
        %dma_start3A_210 = arith.constant 0 : i32
        %dma_start3A_211 = arith.constant 0 : i32
        %dma_start3A_212 = tpu.memref_slice %arg10[%dma_start3A_210, %dma_start3A_211] : memref<10008x128xf32, #tpu.memory_space<vmem_shared>> -> memref<10008x128xf32, #tpu.memory_space<vmem_shared>>
        tpu.enqueue_indirect_dma source(%arg9 : memref<128x128xf32, #tpu.memory_space<vmem>>) target(%dma_start3A_212 : memref<10008x128xf32, #tpu.memory_space<vmem_shared>>) offsets(%dma_start3A_209 : memref<128xi32, #tpu.memory_space<vmem>>) semaphore(%run_scoped3A_206 : memref<!tpu.dma_semaphore, #tpu.memory_space<semaphore_mem>>) {add = true}
        %dma_wait3A_213 = arith.constant 0 : i32
        %dma_wait3A_214 = tpu.memref_slice %arg7[%add3A_71, %dma_wait3A_213] : memref<40x128xi32, #tpu.memory_space<vmem>> -> memref<1x128xi32, #tpu.memory_space<vmem>>
        %dma_wait3A_215 = tpu.memref_squeeze %dma_wait3A_214 : memref<1x128xi32, #tpu.memory_space<vmem>> -> memref<128xi32, #tpu.memory_space<vmem>>
        %dma_wait3A_216 = arith.constant 0 : i32
        %dma_wait3A_217 = arith.constant 0 : i32
        %dma_wait3A_218 = tpu.memref_slice %arg10[%dma_wait3A_216, %dma_wait3A_217] : memref<10008x128xf32, #tpu.memory_space<vmem_shared>> -> memref<10008x128xf32, #tpu.memory_space<vmem_shared>>
        tpu.wait_indirect_dma semaphore(%run_scoped3A_206 : memref<!tpu.dma_semaphore, #tpu.memory_space<semaphore_mem>>) src(%arg9 : memref<128x128xf32, #tpu.memory_space<vmem>>) dst(%dma_wait3A_218 : memref<10008x128xf32, #tpu.memory_space<vmem_shared>>)
        tpu.yield
      }) : () -> ()
      %add3A_72 = arith.constant 1 : i32
      %add3A_73 = arith.addi %mul3A_33, %add3A_72 : i32
      %add3A_74 = arith.constant 2 : i32
      %add3A_75 = arith.addi %add3A_73, %add3A_74 : i32
      %dma_start3A_76 = arith.constant 0 : i32
      %dma_start3A_77 = tpu.memref_slice %arg6[%add3A_75, %dma_start3A_76] : memref<41x128xi32, #tpu.memory_space<vmem>> -> memref<1x128xi32, #tpu.memory_space<vmem>>
      %dma_start3A_78 = tpu.memref_squeeze %dma_start3A_77 : memref<1x128xi32, #tpu.memory_space<vmem>> -> memref<128xi32, #tpu.memory_space<vmem>>
      %dma_start3A_79 = arith.constant 0 : i32
      %dma_start3A_80 = arith.constant 0 : i32
      %dma_start3A_81 = tpu.memref_slice %arg2[%dma_start3A_79, %dma_start3A_80] : memref<20000x128xf32, #tpu.memory_space<hbm>> -> memref<20000x128xf32, #tpu.memory_space<hbm>>
      tpu.enqueue_indirect_dma source(%dma_start3A_81 : memref<20000x128xf32, #tpu.memory_space<hbm>>) target(%arg9 : memref<128x128xf32, #tpu.memory_space<vmem>>) offsets(%dma_start3A_78 : memref<128xi32, #tpu.memory_space<vmem>>) semaphore(%arg12 : memref<!tpu.dma_semaphore, #tpu.memory_space<semaphore_mem>>)
      %dma_wait3A_82 = arith.constant 0 : i32
      %dma_wait3A_83 = tpu.memref_slice %arg6[%add3A_57, %dma_wait3A_82] : memref<41x128xi32, #tpu.memory_space<vmem>> -> memref<1x128xi32, #tpu.memory_space<vmem>>
      %dma_wait3A_84 = tpu.memref_squeeze %dma_wait3A_83 : memref<1x128xi32, #tpu.memory_space<vmem>> -> memref<128xi32, #tpu.memory_space<vmem>>
      %dma_wait3A_85 = arith.constant 0 : i32
      %dma_wait3A_86 = arith.constant 0 : i32
      %dma_wait3A_87 = tpu.memref_slice %arg2[%dma_wait3A_85, %dma_wait3A_86] : memref<20000x128xf32, #tpu.memory_space<hbm>> -> memref<20000x128xf32, #tpu.memory_space<hbm>>
      tpu.wait_indirect_dma semaphore(%arg11 : memref<!tpu.dma_semaphore, #tpu.memory_space<semaphore_mem>>) src(%dma_wait3A_87 : memref<20000x128xf32, #tpu.memory_space<hbm>>) dst(%arg8 : memref<128x128xf32, #tpu.memory_space<vmem>>)
      %add3A_88 = arith.constant 2 : i32
      %add3A_89 = arith.addi %mul3A_33, %add3A_88 : i32
      "tpu.region"() ({
        %run_scoped3A_206 = tpu.sem_alloc : memref<!tpu.dma_semaphore, #tpu.memory_space<semaphore_mem>>
        %dma_start3A_207 = arith.constant 0 : i32
        %dma_start3A_208 = tpu.memref_slice %arg7[%add3A_89, %dma_start3A_207] : memref<40x128xi32, #tpu.memory_space<vmem>> -> memref<1x128xi32, #tpu.memory_space<vmem>>
        %dma_start3A_209 = tpu.memref_squeeze %dma_start3A_208 : memref<1x128xi32, #tpu.memory_space<vmem>> -> memref<128xi32, #tpu.memory_space<vmem>>
        %dma_start3A_210 = arith.constant 0 : i32
        %dma_start3A_211 = arith.constant 0 : i32
        %dma_start3A_212 = tpu.memref_slice %arg10[%dma_start3A_210, %dma_start3A_211] : memref<10008x128xf32, #tpu.memory_space<vmem_shared>> -> memref<10008x128xf32, #tpu.memory_space<vmem_shared>>
        tpu.enqueue_indirect_dma source(%arg8 : memref<128x128xf32, #tpu.memory_space<vmem>>) target(%dma_start3A_212 : memref<10008x128xf32, #tpu.memory_space<vmem_shared>>) offsets(%dma_start3A_209 : memref<128xi32, #tpu.memory_space<vmem>>) semaphore(%run_scoped3A_206 : memref<!tpu.dma_semaphore, #tpu.memory_space<semaphore_mem>>) {add = true}
        %dma_wait3A_213 = arith.constant 0 : i32
        %dma_wait3A_214 = tpu.memref_slice %arg7[%add3A_89, %dma_wait3A_213] : memref<40x128xi32, #tpu.memory_space<vmem>> -> memref<1x128xi32, #tpu.memory_space<vmem>>
        %dma_wait3A_215 = tpu.memref_squeeze %dma_wait3A_214 : memref<1x128xi32, #tpu.memory_space<vmem>> -> memref<128xi32, #tpu.memory_space<vmem>>
        %dma_wait3A_216 = arith.constant 0 : i32
        %dma_wait3A_217 = arith.constant 0 : i32
        %dma_wait3A_218 = tpu.memref_slice %arg10[%dma_wait3A_216, %dma_wait3A_217] : memref<10008x128xf32, #tpu.memory_space<vmem_shared>> -> memref<10008x128xf32, #tpu.memory_space<vmem_shared>>
        tpu.wait_indirect_dma semaphore(%run_scoped3A_206 : memref<!tpu.dma_semaphore, #tpu.memory_space<semaphore_mem>>) src(%arg8 : memref<128x128xf32, #tpu.memory_space<vmem>>) dst(%dma_wait3A_218 : memref<10008x128xf32, #tpu.memory_space<vmem_shared>>)
        tpu.yield
      }) : () -> ()
      %add3A_90 = arith.constant 2 : i32
      %add3A_91 = arith.addi %mul3A_33, %add3A_90 : i32
      %add3A_92 = arith.constant 2 : i32
      %add3A_93 = arith.addi %add3A_91, %add3A_92 : i32
      %dma_start3A_94 = arith.constant 0 : i32
      %dma_start3A_95 = tpu.memref_slice %arg6[%add3A_93, %dma_start3A_94] : memref<41x128xi32, #tpu.memory_space<vmem>> -> memref<1x128xi32, #tpu.memory_space<vmem>>
      %dma_start3A_96 = tpu.memref_squeeze %dma_start3A_95 : memref<1x128xi32, #tpu.memory_space<vmem>> -> memref<128xi32, #tpu.memory_space<vmem>>
      %dma_start3A_97 = arith.constant 0 : i32
      %dma_start3A_98 = arith.constant 0 : i32
      %dma_start3A_99 = tpu.memref_slice %arg2[%dma_start3A_97, %dma_start3A_98] : memref<20000x128xf32, #tpu.memory_space<hbm>> -> memref<20000x128xf32, #tpu.memory_space<hbm>>
      tpu.enqueue_indirect_dma source(%dma_start3A_99 : memref<20000x128xf32, #tpu.memory_space<hbm>>) target(%arg8 : memref<128x128xf32, #tpu.memory_space<vmem>>) offsets(%dma_start3A_96 : memref<128xi32, #tpu.memory_space<vmem>>) semaphore(%arg11 : memref<!tpu.dma_semaphore, #tpu.memory_space<semaphore_mem>>)
      %dma_wait3A_100 = arith.constant 0 : i32
      %dma_wait3A_101 = tpu.memref_slice %arg6[%add3A_75, %dma_wait3A_100] : memref<41x128xi32, #tpu.memory_space<vmem>> -> memref<1x128xi32, #tpu.memory_space<vmem>>
      %dma_wait3A_102 = tpu.memref_squeeze %dma_wait3A_101 : memref<1x128xi32, #tpu.memory_space<vmem>> -> memref<128xi32, #tpu.memory_space<vmem>>
      %dma_wait3A_103 = arith.constant 0 : i32
      %dma_wait3A_104 = arith.constant 0 : i32
      %dma_wait3A_105 = tpu.memref_slice %arg2[%dma_wait3A_103, %dma_wait3A_104] : memref<20000x128xf32, #tpu.memory_space<hbm>> -> memref<20000x128xf32, #tpu.memory_space<hbm>>
      tpu.wait_indirect_dma semaphore(%arg12 : memref<!tpu.dma_semaphore, #tpu.memory_space<semaphore_mem>>) src(%dma_wait3A_105 : memref<20000x128xf32, #tpu.memory_space<hbm>>) dst(%arg9 : memref<128x128xf32, #tpu.memory_space<vmem>>)
      %add3A_106 = arith.constant 3 : i32
      %add3A_107 = arith.addi %mul3A_33, %add3A_106 : i32
      "tpu.region"() ({
        %run_scoped3A_206 = tpu.sem_alloc : memref<!tpu.dma_semaphore, #tpu.memory_space<semaphore_mem>>
        %dma_start3A_207 = arith.constant 0 : i32
        %dma_start3A_208 = tpu.memref_slice %arg7[%add3A_107, %dma_start3A_207] : memref<40x128xi32, #tpu.memory_space<vmem>> -> memref<1x128xi32, #tpu.memory_space<vmem>>
        %dma_start3A_209 = tpu.memref_squeeze %dma_start3A_208 : memref<1x128xi32, #tpu.memory_space<vmem>> -> memref<128xi32, #tpu.memory_space<vmem>>
        %dma_start3A_210 = arith.constant 0 : i32
        %dma_start3A_211 = arith.constant 0 : i32
        %dma_start3A_212 = tpu.memref_slice %arg10[%dma_start3A_210, %dma_start3A_211] : memref<10008x128xf32, #tpu.memory_space<vmem_shared>> -> memref<10008x128xf32, #tpu.memory_space<vmem_shared>>
        tpu.enqueue_indirect_dma source(%arg9 : memref<128x128xf32, #tpu.memory_space<vmem>>) target(%dma_start3A_212 : memref<10008x128xf32, #tpu.memory_space<vmem_shared>>) offsets(%dma_start3A_209 : memref<128xi32, #tpu.memory_space<vmem>>) semaphore(%run_scoped3A_206 : memref<!tpu.dma_semaphore, #tpu.memory_space<semaphore_mem>>) {add = true}
        %dma_wait3A_213 = arith.constant 0 : i32
        %dma_wait3A_214 = tpu.memref_slice %arg7[%add3A_107, %dma_wait3A_213] : memref<40x128xi32, #tpu.memory_space<vmem>> -> memref<1x128xi32, #tpu.memory_space<vmem>>
        %dma_wait3A_215 = tpu.memref_squeeze %dma_wait3A_214 : memref<1x128xi32, #tpu.memory_space<vmem>> -> memref<128xi32, #tpu.memory_space<vmem>>
        %dma_wait3A_216 = arith.constant 0 : i32
        %dma_wait3A_217 = arith.constant 0 : i32
        %dma_wait3A_218 = tpu.memref_slice %arg10[%dma_wait3A_216, %dma_wait3A_217] : memref<10008x128xf32, #tpu.memory_space<vmem_shared>> -> memref<10008x128xf32, #tpu.memory_space<vmem_shared>>
        tpu.wait_indirect_dma semaphore(%run_scoped3A_206 : memref<!tpu.dma_semaphore, #tpu.memory_space<semaphore_mem>>) src(%arg9 : memref<128x128xf32, #tpu.memory_space<vmem>>) dst(%dma_wait3A_218 : memref<10008x128xf32, #tpu.memory_space<vmem_shared>>)
        tpu.yield
      }) : () -> ()
      %add3A_108 = arith.constant 3 : i32
      %add3A_109 = arith.addi %mul3A_33, %add3A_108 : i32
      %add3A_110 = arith.constant 2 : i32
      %add3A_111 = arith.addi %add3A_109, %add3A_110 : i32
      %dma_start3A_112 = arith.constant 0 : i32
      %dma_start3A_113 = tpu.memref_slice %arg6[%add3A_111, %dma_start3A_112] : memref<41x128xi32, #tpu.memory_space<vmem>> -> memref<1x128xi32, #tpu.memory_space<vmem>>
      %dma_start3A_114 = tpu.memref_squeeze %dma_start3A_113 : memref<1x128xi32, #tpu.memory_space<vmem>> -> memref<128xi32, #tpu.memory_space<vmem>>
      %dma_start3A_115 = arith.constant 0 : i32
      %dma_start3A_116 = arith.constant 0 : i32
      %dma_start3A_117 = tpu.memref_slice %arg2[%dma_start3A_115, %dma_start3A_116] : memref<20000x128xf32, #tpu.memory_space<hbm>> -> memref<20000x128xf32, #tpu.memory_space<hbm>>
      tpu.enqueue_indirect_dma source(%dma_start3A_117 : memref<20000x128xf32, #tpu.memory_space<hbm>>) target(%arg9 : memref<128x128xf32, #tpu.memory_space<vmem>>) offsets(%dma_start3A_114 : memref<128xi32, #tpu.memory_space<vmem>>) semaphore(%arg12 : memref<!tpu.dma_semaphore, #tpu.memory_space<semaphore_mem>>)
      %dma_wait3A_118 = arith.constant 0 : i32
      %dma_wait3A_119 = tpu.memref_slice %arg6[%add3A_93, %dma_wait3A_118] : memref<41x128xi32, #tpu.memory_space<vmem>> -> memref<1x128xi32, #tpu.memory_space<vmem>>
      %dma_wait3A_120 = tpu.memref_squeeze %dma_wait3A_119 : memref<1x128xi32, #tpu.memory_space<vmem>> -> memref<128xi32, #tpu.memory_space<vmem>>
      %dma_wait3A_121 = arith.constant 0 : i32
      %dma_wait3A_122 = arith.constant 0 : i32
      %dma_wait3A_123 = tpu.memref_slice %arg2[%dma_wait3A_121, %dma_wait3A_122] : memref<20000x128xf32, #tpu.memory_space<hbm>> -> memref<20000x128xf32, #tpu.memory_space<hbm>>
      tpu.wait_indirect_dma semaphore(%arg11 : memref<!tpu.dma_semaphore, #tpu.memory_space<semaphore_mem>>) src(%dma_wait3A_123 : memref<20000x128xf32, #tpu.memory_space<hbm>>) dst(%arg8 : memref<128x128xf32, #tpu.memory_space<vmem>>)
      %add3A_124 = arith.constant 4 : i32
      %add3A_125 = arith.addi %mul3A_33, %add3A_124 : i32
      "tpu.region"() ({
        %run_scoped3A_206 = tpu.sem_alloc : memref<!tpu.dma_semaphore, #tpu.memory_space<semaphore_mem>>
        %dma_start3A_207 = arith.constant 0 : i32
        %dma_start3A_208 = tpu.memref_slice %arg7[%add3A_125, %dma_start3A_207] : memref<40x128xi32, #tpu.memory_space<vmem>> -> memref<1x128xi32, #tpu.memory_space<vmem>>
        %dma_start3A_209 = tpu.memref_squeeze %dma_start3A_208 : memref<1x128xi32, #tpu.memory_space<vmem>> -> memref<128xi32, #tpu.memory_space<vmem>>
        %dma_start3A_210 = arith.constant 0 : i32
        %dma_start3A_211 = arith.constant 0 : i32
        %dma_start3A_212 = tpu.memref_slice %arg10[%dma_start3A_210, %dma_start3A_211] : memref<10008x128xf32, #tpu.memory_space<vmem_shared>> -> memref<10008x128xf32, #tpu.memory_space<vmem_shared>>
        tpu.enqueue_indirect_dma source(%arg8 : memref<128x128xf32, #tpu.memory_space<vmem>>) target(%dma_start3A_212 : memref<10008x128xf32, #tpu.memory_space<vmem_shared>>) offsets(%dma_start3A_209 : memref<128xi32, #tpu.memory_space<vmem>>) semaphore(%run_scoped3A_206 : memref<!tpu.dma_semaphore, #tpu.memory_space<semaphore_mem>>) {add = true}
        %dma_wait3A_213 = arith.constant 0 : i32
        %dma_wait3A_214 = tpu.memref_slice %arg7[%add3A_125, %dma_wait3A_213] : memref<40x128xi32, #tpu.memory_space<vmem>> -> memref<1x128xi32, #tpu.memory_space<vmem>>
        %dma_wait3A_215 = tpu.memref_squeeze %dma_wait3A_214 : memref<1x128xi32, #tpu.memory_space<vmem>> -> memref<128xi32, #tpu.memory_space<vmem>>
        %dma_wait3A_216 = arith.constant 0 : i32
        %dma_wait3A_217 = arith.constant 0 : i32
        %dma_wait3A_218 = tpu.memref_slice %arg10[%dma_wait3A_216, %dma_wait3A_217] : memref<10008x128xf32, #tpu.memory_space<vmem_shared>> -> memref<10008x128xf32, #tpu.memory_space<vmem_shared>>
        tpu.wait_indirect_dma semaphore(%run_scoped3A_206 : memref<!tpu.dma_semaphore, #tpu.memory_space<semaphore_mem>>) src(%arg8 : memref<128x128xf32, #tpu.memory_space<vmem>>) dst(%dma_wait3A_218 : memref<10008x128xf32, #tpu.memory_space<vmem_shared>>)
        tpu.yield
      }) : () -> ()
      %add3A_126 = arith.constant 4 : i32
      %add3A_127 = arith.addi %mul3A_33, %add3A_126 : i32
      %add3A_128 = arith.constant 2 : i32
      %add3A_129 = arith.addi %add3A_127, %add3A_128 : i32
      %dma_start3A_130 = arith.constant 0 : i32
      %dma_start3A_131 = tpu.memref_slice %arg6[%add3A_129, %dma_start3A_130] : memref<41x128xi32, #tpu.memory_space<vmem>> -> memref<1x128xi32, #tpu.memory_space<vmem>>
      %dma_start3A_132 = tpu.memref_squeeze %dma_start3A_131 : memref<1x128xi32, #tpu.memory_space<vmem>> -> memref<128xi32, #tpu.memory_space<vmem>>
      %dma_start3A_133 = arith.constant 0 : i32
      %dma_start3A_134 = arith.constant 0 : i32
      %dma_start3A_135 = tpu.memref_slice %arg2[%dma_start3A_133, %dma_start3A_134] : memref<20000x128xf32, #tpu.memory_space<hbm>> -> memref<20000x128xf32, #tpu.memory_space<hbm>>
      tpu.enqueue_indirect_dma source(%dma_start3A_135 : memref<20000x128xf32, #tpu.memory_space<hbm>>) target(%arg8 : memref<128x128xf32, #tpu.memory_space<vmem>>) offsets(%dma_start3A_132 : memref<128xi32, #tpu.memory_space<vmem>>) semaphore(%arg11 : memref<!tpu.dma_semaphore, #tpu.memory_space<semaphore_mem>>)
      %dma_wait3A_136 = arith.constant 0 : i32
      %dma_wait3A_137 = tpu.memref_slice %arg6[%add3A_111, %dma_wait3A_136] : memref<41x128xi32, #tpu.memory_space<vmem>> -> memref<1x128xi32, #tpu.memory_space<vmem>>
      %dma_wait3A_138 = tpu.memref_squeeze %dma_wait3A_137 : memref<1x128xi32, #tpu.memory_space<vmem>> -> memref<128xi32, #tpu.memory_space<vmem>>
      %dma_wait3A_139 = arith.constant 0 : i32
      %dma_wait3A_140 = arith.constant 0 : i32
      %dma_wait3A_141 = tpu.memref_slice %arg2[%dma_wait3A_139, %dma_wait3A_140] : memref<20000x128xf32, #tpu.memory_space<hbm>> -> memref<20000x128xf32, #tpu.memory_space<hbm>>
      tpu.wait_indirect_dma semaphore(%arg12 : memref<!tpu.dma_semaphore, #tpu.memory_space<semaphore_mem>>) src(%dma_wait3A_141 : memref<20000x128xf32, #tpu.memory_space<hbm>>) dst(%arg9 : memref<128x128xf32, #tpu.memory_space<vmem>>)
      %add3A_142 = arith.constant 5 : i32
      %add3A_143 = arith.addi %mul3A_33, %add3A_142 : i32
      "tpu.region"() ({
        %run_scoped3A_206 = tpu.sem_alloc : memref<!tpu.dma_semaphore, #tpu.memory_space<semaphore_mem>>
        %dma_start3A_207 = arith.constant 0 : i32
        %dma_start3A_208 = tpu.memref_slice %arg7[%add3A_143, %dma_start3A_207] : memref<40x128xi32, #tpu.memory_space<vmem>> -> memref<1x128xi32, #tpu.memory_space<vmem>>
        %dma_start3A_209 = tpu.memref_squeeze %dma_start3A_208 : memref<1x128xi32, #tpu.memory_space<vmem>> -> memref<128xi32, #tpu.memory_space<vmem>>
        %dma_start3A_210 = arith.constant 0 : i32
        %dma_start3A_211 = arith.constant 0 : i32
        %dma_start3A_212 = tpu.memref_slice %arg10[%dma_start3A_210, %dma_start3A_211] : memref<10008x128xf32, #tpu.memory_space<vmem_shared>> -> memref<10008x128xf32, #tpu.memory_space<vmem_shared>>
        tpu.enqueue_indirect_dma source(%arg9 : memref<128x128xf32, #tpu.memory_space<vmem>>) target(%dma_start3A_212 : memref<10008x128xf32, #tpu.memory_space<vmem_shared>>) offsets(%dma_start3A_209 : memref<128xi32, #tpu.memory_space<vmem>>) semaphore(%run_scoped3A_206 : memref<!tpu.dma_semaphore, #tpu.memory_space<semaphore_mem>>) {add = true}
        %dma_wait3A_213 = arith.constant 0 : i32
        %dma_wait3A_214 = tpu.memref_slice %arg7[%add3A_143, %dma_wait3A_213] : memref<40x128xi32, #tpu.memory_space<vmem>> -> memref<1x128xi32, #tpu.memory_space<vmem>>
        %dma_wait3A_215 = tpu.memref_squeeze %dma_wait3A_214 : memref<1x128xi32, #tpu.memory_space<vmem>> -> memref<128xi32, #tpu.memory_space<vmem>>
        %dma_wait3A_216 = arith.constant 0 : i32
        %dma_wait3A_217 = arith.constant 0 : i32
        %dma_wait3A_218 = tpu.memref_slice %arg10[%dma_wait3A_216, %dma_wait3A_217] : memref<10008x128xf32, #tpu.memory_space<vmem_shared>> -> memref<10008x128xf32, #tpu.memory_space<vmem_shared>>
        tpu.wait_indirect_dma semaphore(%run_scoped3A_206 : memref<!tpu.dma_semaphore, #tpu.memory_space<semaphore_mem>>) src(%arg9 : memref<128x128xf32, #tpu.memory_space<vmem>>) dst(%dma_wait3A_218 : memref<10008x128xf32, #tpu.memory_space<vmem_shared>>)
        tpu.yield
      }) : () -> ()
      %add3A_144 = arith.constant 5 : i32
      %add3A_145 = arith.addi %mul3A_33, %add3A_144 : i32
      %add3A_146 = arith.constant 2 : i32
      %add3A_147 = arith.addi %add3A_145, %add3A_146 : i32
      %dma_start3A_148 = arith.constant 0 : i32
      %dma_start3A_149 = tpu.memref_slice %arg6[%add3A_147, %dma_start3A_148] : memref<41x128xi32, #tpu.memory_space<vmem>> -> memref<1x128xi32, #tpu.memory_space<vmem>>
      %dma_start3A_150 = tpu.memref_squeeze %dma_start3A_149 : memref<1x128xi32, #tpu.memory_space<vmem>> -> memref<128xi32, #tpu.memory_space<vmem>>
      %dma_start3A_151 = arith.constant 0 : i32
      %dma_start3A_152 = arith.constant 0 : i32
      %dma_start3A_153 = tpu.memref_slice %arg2[%dma_start3A_151, %dma_start3A_152] : memref<20000x128xf32, #tpu.memory_space<hbm>> -> memref<20000x128xf32, #tpu.memory_space<hbm>>
      tpu.enqueue_indirect_dma source(%dma_start3A_153 : memref<20000x128xf32, #tpu.memory_space<hbm>>) target(%arg9 : memref<128x128xf32, #tpu.memory_space<vmem>>) offsets(%dma_start3A_150 : memref<128xi32, #tpu.memory_space<vmem>>) semaphore(%arg12 : memref<!tpu.dma_semaphore, #tpu.memory_space<semaphore_mem>>)
      %dma_wait3A_154 = arith.constant 0 : i32
      %dma_wait3A_155 = tpu.memref_slice %arg6[%add3A_129, %dma_wait3A_154] : memref<41x128xi32, #tpu.memory_space<vmem>> -> memref<1x128xi32, #tpu.memory_space<vmem>>
      %dma_wait3A_156 = tpu.memref_squeeze %dma_wait3A_155 : memref<1x128xi32, #tpu.memory_space<vmem>> -> memref<128xi32, #tpu.memory_space<vmem>>
      %dma_wait3A_157 = arith.constant 0 : i32
      %dma_wait3A_158 = arith.constant 0 : i32
      %dma_wait3A_159 = tpu.memref_slice %arg2[%dma_wait3A_157, %dma_wait3A_158] : memref<20000x128xf32, #tpu.memory_space<hbm>> -> memref<20000x128xf32, #tpu.memory_space<hbm>>
      tpu.wait_indirect_dma semaphore(%arg11 : memref<!tpu.dma_semaphore, #tpu.memory_space<semaphore_mem>>) src(%dma_wait3A_159 : memref<20000x128xf32, #tpu.memory_space<hbm>>) dst(%arg8 : memref<128x128xf32, #tpu.memory_space<vmem>>)
      %add3A_160 = arith.constant 6 : i32
      %add3A_161 = arith.addi %mul3A_33, %add3A_160 : i32
      "tpu.region"() ({
        %run_scoped3A_206 = tpu.sem_alloc : memref<!tpu.dma_semaphore, #tpu.memory_space<semaphore_mem>>
        %dma_start3A_207 = arith.constant 0 : i32
        %dma_start3A_208 = tpu.memref_slice %arg7[%add3A_161, %dma_start3A_207] : memref<40x128xi32, #tpu.memory_space<vmem>> -> memref<1x128xi32, #tpu.memory_space<vmem>>
        %dma_start3A_209 = tpu.memref_squeeze %dma_start3A_208 : memref<1x128xi32, #tpu.memory_space<vmem>> -> memref<128xi32, #tpu.memory_space<vmem>>
        %dma_start3A_210 = arith.constant 0 : i32
        %dma_start3A_211 = arith.constant 0 : i32
        %dma_start3A_212 = tpu.memref_slice %arg10[%dma_start3A_210, %dma_start3A_211] : memref<10008x128xf32, #tpu.memory_space<vmem_shared>> -> memref<10008x128xf32, #tpu.memory_space<vmem_shared>>
        tpu.enqueue_indirect_dma source(%arg8 : memref<128x128xf32, #tpu.memory_space<vmem>>) target(%dma_start3A_212 : memref<10008x128xf32, #tpu.memory_space<vmem_shared>>) offsets(%dma_start3A_209 : memref<128xi32, #tpu.memory_space<vmem>>) semaphore(%run_scoped3A_206 : memref<!tpu.dma_semaphore, #tpu.memory_space<semaphore_mem>>) {add = true}
        %dma_wait3A_213 = arith.constant 0 : i32
        %dma_wait3A_214 = tpu.memref_slice %arg7[%add3A_161, %dma_wait3A_213] : memref<40x128xi32, #tpu.memory_space<vmem>> -> memref<1x128xi32, #tpu.memory_space<vmem>>
        %dma_wait3A_215 = tpu.memref_squeeze %dma_wait3A_214 : memref<1x128xi32, #tpu.memory_space<vmem>> -> memref<128xi32, #tpu.memory_space<vmem>>
        %dma_wait3A_216 = arith.constant 0 : i32
        %dma_wait3A_217 = arith.constant 0 : i32
        %dma_wait3A_218 = tpu.memref_slice %arg10[%dma_wait3A_216, %dma_wait3A_217] : memref<10008x128xf32, #tpu.memory_space<vmem_shared>> -> memref<10008x128xf32, #tpu.memory_space<vmem_shared>>
        tpu.wait_indirect_dma semaphore(%run_scoped3A_206 : memref<!tpu.dma_semaphore, #tpu.memory_space<semaphore_mem>>) src(%arg8 : memref<128x128xf32, #tpu.memory_space<vmem>>) dst(%dma_wait3A_218 : memref<10008x128xf32, #tpu.memory_space<vmem_shared>>)
        tpu.yield
      }) : () -> ()
      %add3A_162 = arith.constant 6 : i32
      %add3A_163 = arith.addi %mul3A_33, %add3A_162 : i32
      %add3A_164 = arith.constant 2 : i32
      %add3A_165 = arith.addi %add3A_163, %add3A_164 : i32
      %dma_start3A_166 = arith.constant 0 : i32
      %dma_start3A_167 = tpu.memref_slice %arg6[%add3A_165, %dma_start3A_166] : memref<41x128xi32, #tpu.memory_space<vmem>> -> memref<1x128xi32, #tpu.memory_space<vmem>>
      %dma_start3A_168 = tpu.memref_squeeze %dma_start3A_167 : memref<1x128xi32, #tpu.memory_space<vmem>> -> memref<128xi32, #tpu.memory_space<vmem>>
      %dma_start3A_169 = arith.constant 0 : i32
      %dma_start3A_170 = arith.constant 0 : i32
      %dma_start3A_171 = tpu.memref_slice %arg2[%dma_start3A_169, %dma_start3A_170] : memref<20000x128xf32, #tpu.memory_space<hbm>> -> memref<20000x128xf32, #tpu.memory_space<hbm>>
      tpu.enqueue_indirect_dma source(%dma_start3A_171 : memref<20000x128xf32, #tpu.memory_space<hbm>>) target(%arg8 : memref<128x128xf32, #tpu.memory_space<vmem>>) offsets(%dma_start3A_168 : memref<128xi32, #tpu.memory_space<vmem>>) semaphore(%arg11 : memref<!tpu.dma_semaphore, #tpu.memory_space<semaphore_mem>>)
      %dma_wait3A_172 = arith.constant 0 : i32
      %dma_wait3A_173 = tpu.memref_slice %arg6[%add3A_147, %dma_wait3A_172] : memref<41x128xi32, #tpu.memory_space<vmem>> -> memref<1x128xi32, #tpu.memory_space<vmem>>
      %dma_wait3A_174 = tpu.memref_squeeze %dma_wait3A_173 : memref<1x128xi32, #tpu.memory_space<vmem>> -> memref<128xi32, #tpu.memory_space<vmem>>
      %dma_wait3A_175 = arith.constant 0 : i32
      %dma_wait3A_176 = arith.constant 0 : i32
      %dma_wait3A_177 = tpu.memref_slice %arg2[%dma_wait3A_175, %dma_wait3A_176] : memref<20000x128xf32, #tpu.memory_space<hbm>> -> memref<20000x128xf32, #tpu.memory_space<hbm>>
      tpu.wait_indirect_dma semaphore(%arg12 : memref<!tpu.dma_semaphore, #tpu.memory_space<semaphore_mem>>) src(%dma_wait3A_177 : memref<20000x128xf32, #tpu.memory_space<hbm>>) dst(%arg9 : memref<128x128xf32, #tpu.memory_space<vmem>>)
      %add3A_178 = arith.constant 7 : i32
      %add3A_179 = arith.addi %mul3A_33, %add3A_178 : i32
      "tpu.region"() ({
        %run_scoped3A_206 = tpu.sem_alloc : memref<!tpu.dma_semaphore, #tpu.memory_space<semaphore_mem>>
        %dma_start3A_207 = arith.constant 0 : i32
        %dma_start3A_208 = tpu.memref_slice %arg7[%add3A_179, %dma_start3A_207] : memref<40x128xi32, #tpu.memory_space<vmem>> -> memref<1x128xi32, #tpu.memory_space<vmem>>
        %dma_start3A_209 = tpu.memref_squeeze %dma_start3A_208 : memref<1x128xi32, #tpu.memory_space<vmem>> -> memref<128xi32, #tpu.memory_space<vmem>>
        %dma_start3A_210 = arith.constant 0 : i32
        %dma_start3A_211 = arith.constant 0 : i32
        %dma_start3A_212 = tpu.memref_slice %arg10[%dma_start3A_210, %dma_start3A_211] : memref<10008x128xf32, #tpu.memory_space<vmem_shared>> -> memref<10008x128xf32, #tpu.memory_space<vmem_shared>>
        tpu.enqueue_indirect_dma source(%arg9 : memref<128x128xf32, #tpu.memory_space<vmem>>) target(%dma_start3A_212 : memref<10008x128xf32, #tpu.memory_space<vmem_shared>>) offsets(%dma_start3A_209 : memref<128xi32, #tpu.memory_space<vmem>>) semaphore(%run_scoped3A_206 : memref<!tpu.dma_semaphore, #tpu.memory_space<semaphore_mem>>) {add = true}
        %dma_wait3A_213 = arith.constant 0 : i32
        %dma_wait3A_214 = tpu.memref_slice %arg7[%add3A_179, %dma_wait3A_213] : memref<40x128xi32, #tpu.memory_space<vmem>> -> memref<1x128xi32, #tpu.memory_space<vmem>>
        %dma_wait3A_215 = tpu.memref_squeeze %dma_wait3A_214 : memref<1x128xi32, #tpu.memory_space<vmem>> -> memref<128xi32, #tpu.memory_space<vmem>>
        %dma_wait3A_216 = arith.constant 0 : i32
        %dma_wait3A_217 = arith.constant 0 : i32
        %dma_wait3A_218 = tpu.memref_slice %arg10[%dma_wait3A_216, %dma_wait3A_217] : memref<10008x128xf32, #tpu.memory_space<vmem_shared>> -> memref<10008x128xf32, #tpu.memory_space<vmem_shared>>
        tpu.wait_indirect_dma semaphore(%run_scoped3A_206 : memref<!tpu.dma_semaphore, #tpu.memory_space<semaphore_mem>>) src(%arg9 : memref<128x128xf32, #tpu.memory_space<vmem>>) dst(%dma_wait3A_218 : memref<10008x128xf32, #tpu.memory_space<vmem_shared>>)
        tpu.yield
      }) : () -> ()
      %add3A_180 = arith.constant 7 : i32
      %add3A_181 = arith.addi %mul3A_33, %add3A_180 : i32
      %add3A_182 = arith.constant 2 : i32
      %add3A_183 = arith.addi %add3A_181, %add3A_182 : i32
      %dma_start3A_184 = arith.constant 0 : i32
      %dma_start3A_185 = tpu.memref_slice %arg6[%add3A_183, %dma_start3A_184] : memref<41x128xi32, #tpu.memory_space<vmem>> -> memref<1x128xi32, #tpu.memory_space<vmem>>
      %dma_start3A_186 = tpu.memref_squeeze %dma_start3A_185 : memref<1x128xi32, #tpu.memory_space<vmem>> -> memref<128xi32, #tpu.memory_space<vmem>>
      %dma_start3A_187 = arith.constant 0 : i32
      %dma_start3A_188 = arith.constant 0 : i32
      %dma_start3A_189 = tpu.memref_slice %arg2[%dma_start3A_187, %dma_start3A_188] : memref<20000x128xf32, #tpu.memory_space<hbm>> -> memref<20000x128xf32, #tpu.memory_space<hbm>>
      tpu.enqueue_indirect_dma source(%dma_start3A_189 : memref<20000x128xf32, #tpu.memory_space<hbm>>) target(%arg9 : memref<128x128xf32, #tpu.memory_space<vmem>>) offsets(%dma_start3A_186 : memref<128xi32, #tpu.memory_space<vmem>>) semaphore(%arg12 : memref<!tpu.dma_semaphore, #tpu.memory_space<semaphore_mem>>)
      %dma_wait3A_190 = arith.constant 0 : i32
      %dma_wait3A_191 = tpu.memref_slice %arg6[%add3A_165, %dma_wait3A_190] : memref<41x128xi32, #tpu.memory_space<vmem>> -> memref<1x128xi32, #tpu.memory_space<vmem>>
      %dma_wait3A_192 = tpu.memref_squeeze %dma_wait3A_191 : memref<1x128xi32, #tpu.memory_space<vmem>> -> memref<128xi32, #tpu.memory_space<vmem>>
      %dma_wait3A_193 = arith.constant 0 : i32
      %dma_wait3A_194 = arith.constant 0 : i32
      %dma_wait3A_195 = tpu.memref_slice %arg2[%dma_wait3A_193, %dma_wait3A_194] : memref<20000x128xf32, #tpu.memory_space<hbm>> -> memref<20000x128xf32, #tpu.memory_space<hbm>>
      tpu.wait_indirect_dma semaphore(%arg11 : memref<!tpu.dma_semaphore, #tpu.memory_space<semaphore_mem>>) src(%dma_wait3A_195 : memref<20000x128xf32, #tpu.memory_space<hbm>>) dst(%arg8 : memref<128x128xf32, #tpu.memory_space<vmem>>)
      %add3A_196 = arith.constant 8 : i32
      %add3A_197 = arith.addi %mul3A_33, %add3A_196 : i32
      "tpu.region"() ({
        %run_scoped3A_206 = tpu.sem_alloc : memref<!tpu.dma_semaphore, #tpu.memory_space<semaphore_mem>>
        %dma_start3A_207 = arith.constant 0 : i32
        %dma_start3A_208 = tpu.memref_slice %arg7[%add3A_197, %dma_start3A_207] : memref<40x128xi32, #tpu.memory_space<vmem>> -> memref<1x128xi32, #tpu.memory_space<vmem>>
        %dma_start3A_209 = tpu.memref_squeeze %dma_start3A_208 : memref<1x128xi32, #tpu.memory_space<vmem>> -> memref<128xi32, #tpu.memory_space<vmem>>
        %dma_start3A_210 = arith.constant 0 : i32
        %dma_start3A_211 = arith.constant 0 : i32
        %dma_start3A_212 = tpu.memref_slice %arg10[%dma_start3A_210, %dma_start3A_211] : memref<10008x128xf32, #tpu.memory_space<vmem_shared>> -> memref<10008x128xf32, #tpu.memory_space<vmem_shared>>
        tpu.enqueue_indirect_dma source(%arg8 : memref<128x128xf32, #tpu.memory_space<vmem>>) target(%dma_start3A_212 : memref<10008x128xf32, #tpu.memory_space<vmem_shared>>) offsets(%dma_start3A_209 : memref<128xi32, #tpu.memory_space<vmem>>) semaphore(%run_scoped3A_206 : memref<!tpu.dma_semaphore, #tpu.memory_space<semaphore_mem>>) {add = true}
        %dma_wait3A_213 = arith.constant 0 : i32
        %dma_wait3A_214 = tpu.memref_slice %arg7[%add3A_197, %dma_wait3A_213] : memref<40x128xi32, #tpu.memory_space<vmem>> -> memref<1x128xi32, #tpu.memory_space<vmem>>
        %dma_wait3A_215 = tpu.memref_squeeze %dma_wait3A_214 : memref<1x128xi32, #tpu.memory_space<vmem>> -> memref<128xi32, #tpu.memory_space<vmem>>
        %dma_wait3A_216 = arith.constant 0 : i32
        %dma_wait3A_217 = arith.constant 0 : i32
        %dma_wait3A_218 = tpu.memref_slice %arg10[%dma_wait3A_216, %dma_wait3A_217] : memref<10008x128xf32, #tpu.memory_space<vmem_shared>> -> memref<10008x128xf32, #tpu.memory_space<vmem_shared>>
        tpu.wait_indirect_dma semaphore(%run_scoped3A_206 : memref<!tpu.dma_semaphore, #tpu.memory_space<semaphore_mem>>) src(%arg8 : memref<128x128xf32, #tpu.memory_space<vmem>>) dst(%dma_wait3A_218 : memref<10008x128xf32, #tpu.memory_space<vmem_shared>>)
        tpu.yield
      }) : () -> ()
      %dma_wait3A_198 = arith.constant 0 : i32
      %dma_wait3A_199 = tpu.memref_slice %arg6[%add3A_183, %dma_wait3A_198] : memref<41x128xi32, #tpu.memory_space<vmem>> -> memref<1x128xi32, #tpu.memory_space<vmem>>
      %dma_wait3A_200 = tpu.memref_squeeze %dma_wait3A_199 : memref<1x128xi32, #tpu.memory_space<vmem>> -> memref<128xi32, #tpu.memory_space<vmem>>
      %dma_wait3A_201 = arith.constant 0 : i32
      %dma_wait3A_202 = arith.constant 0 : i32
      %dma_wait3A_203 = tpu.memref_slice %arg2[%dma_wait3A_201, %dma_wait3A_202] : memref<20000x128xf32, #tpu.memory_space<hbm>> -> memref<20000x128xf32, #tpu.memory_space<hbm>>
      tpu.wait_indirect_dma semaphore(%arg12 : memref<!tpu.dma_semaphore, #tpu.memory_space<semaphore_mem>>) src(%dma_wait3A_203 : memref<20000x128xf32, #tpu.memory_space<hbm>>) dst(%arg9 : memref<128x128xf32, #tpu.memory_space<vmem>>)
      %add3A_204 = arith.constant 9 : i32
      %add3A_205 = arith.addi %mul3A_33, %add3A_204 : i32
      "tpu.region"() ({
        %run_scoped3A_206 = tpu.sem_alloc : memref<!tpu.dma_semaphore, #tpu.memory_space<semaphore_mem>>
        %dma_start3A_207 = arith.constant 0 : i32
        %dma_start3A_208 = tpu.memref_slice %arg7[%add3A_205, %dma_start3A_207] : memref<40x128xi32, #tpu.memory_space<vmem>> -> memref<1x128xi32, #tpu.memory_space<vmem>>
        %dma_start3A_209 = tpu.memref_squeeze %dma_start3A_208 : memref<1x128xi32, #tpu.memory_space<vmem>> -> memref<128xi32, #tpu.memory_space<vmem>>
        %dma_start3A_210 = arith.constant 0 : i32
        %dma_start3A_211 = arith.constant 0 : i32
        %dma_start3A_212 = tpu.memref_slice %arg10[%dma_start3A_210, %dma_start3A_211] : memref<10008x128xf32, #tpu.memory_space<vmem_shared>> -> memref<10008x128xf32, #tpu.memory_space<vmem_shared>>
        tpu.enqueue_indirect_dma source(%arg9 : memref<128x128xf32, #tpu.memory_space<vmem>>) target(%dma_start3A_212 : memref<10008x128xf32, #tpu.memory_space<vmem_shared>>) offsets(%dma_start3A_209 : memref<128xi32, #tpu.memory_space<vmem>>) semaphore(%run_scoped3A_206 : memref<!tpu.dma_semaphore, #tpu.memory_space<semaphore_mem>>) {add = true}
        %dma_wait3A_213 = arith.constant 0 : i32
        %dma_wait3A_214 = tpu.memref_slice %arg7[%add3A_205, %dma_wait3A_213] : memref<40x128xi32, #tpu.memory_space<vmem>> -> memref<1x128xi32, #tpu.memory_space<vmem>>
        %dma_wait3A_215 = tpu.memref_squeeze %dma_wait3A_214 : memref<1x128xi32, #tpu.memory_space<vmem>> -> memref<128xi32, #tpu.memory_space<vmem>>
        %dma_wait3A_216 = arith.constant 0 : i32
        %dma_wait3A_217 = arith.constant 0 : i32
        %dma_wait3A_218 = tpu.memref_slice %arg10[%dma_wait3A_216, %dma_wait3A_217] : memref<10008x128xf32, #tpu.memory_space<vmem_shared>> -> memref<10008x128xf32, #tpu.memory_space<vmem_shared>>
        tpu.wait_indirect_dma semaphore(%run_scoped3A_206 : memref<!tpu.dma_semaphore, #tpu.memory_space<semaphore_mem>>) src(%arg9 : memref<128x128xf32, #tpu.memory_space<vmem>>) dst(%dma_wait3A_218 : memref<10008x128xf32, #tpu.memory_space<vmem_shared>>)
        tpu.yield
      }) : () -> ()
    }
    %scan3A_20 = arith.constant 4 : i32
    %barrier3A_21 = arith.constant 0 : index
    tpu.barrier barrier_id(%barrier3A_21)
    %mul3A_22 = arith.constant 624 : i32
    %mul3A_23 = arith.muli %arg1, %mul3A_22 : i32
    %mul3A_24 = arith.constant 624 : i32
    %mul3A_25 = arith.muli %arg1, %mul3A_24 : i32
    "tpu.region"() ({
      %run_scoped3A_31 = tpu.sem_alloc : memref<!tpu.dma_semaphore, #tpu.memory_space<semaphore_mem>>
      %dma_start3A = arith.constant 0 : i32
      %dma_start3A_32 = tpu.memref_slice %arg5[%arg0, %mul3A_25, %dma_start3A] : memref<2x10000x128xf32, #tpu.memory_space<hbm>> -> memref<1x624x128xf32, #tpu.memory_space<hbm>>
      %dma_start3A_33 = tpu.memref_squeeze %dma_start3A_32 : memref<1x624x128xf32, #tpu.memory_space<hbm>> -> memref<624x128xf32, #tpu.memory_space<hbm>>
      %dma_start3A_34 = arith.constant 0 : i32
      %dma_start3A_35 = tpu.memref_slice %arg10[%mul3A_23, %dma_start3A_34] : memref<10008x128xf32, #tpu.memory_space<vmem_shared>> -> memref<624x128xf32, #tpu.memory_space<vmem_shared>>
      tpu.enqueue_dma source(%dma_start3A_35 : memref<624x128xf32, #tpu.memory_space<vmem_shared>>) target(%dma_start3A_33 : memref<624x128xf32, #tpu.memory_space<hbm>>) target_semaphore(%run_scoped3A_31 : memref<!tpu.dma_semaphore, #tpu.memory_space<semaphore_mem>>)
      %dma_wait3A = arith.constant 0 : i32
      %dma_wait3A_36 = tpu.memref_slice %arg5[%arg0, %mul3A_25, %dma_wait3A] : memref<2x10000x128xf32, #tpu.memory_space<hbm>> -> memref<1x624x128xf32, #tpu.memory_space<hbm>>
      %dma_wait3A_37 = tpu.memref_squeeze %dma_wait3A_36 : memref<1x624x128xf32, #tpu.memory_space<hbm>> -> memref<624x128xf32, #tpu.memory_space<hbm>>
      %dma_wait3A_38 = arith.constant 0 : i32
      %dma_wait3A_39 = tpu.memref_slice %arg10[%mul3A_23, %dma_wait3A_38] : memref<10008x128xf32, #tpu.memory_space<vmem_shared>> -> memref<624x128xf32, #tpu.memory_space<vmem_shared>>
      tpu.wait_dma2 semaphore(%run_scoped3A_31 : memref<!tpu.dma_semaphore, #tpu.memory_space<semaphore_mem>>) src(%dma_wait3A_39 : memref<624x128xf32, #tpu.memory_space<vmem_shared>>) dst(%dma_wait3A_37 : memref<624x128xf32, #tpu.memory_space<hbm>>)
      tpu.yield
    }) : () -> ()
    %eq3A_26 = arith.constant 15 : i32
    %eq3A_27 = arith.cmpi eq, %arg1, %eq3A_26 : i32
    %convert_element_type3A_28 = arith.extui %eq3A_27 : i1 to i32
    %cond3A_29 = arith.constant 0 : i32
    %cond3A_30 = arith.cmpi ne, %convert_element_type3A_28, %cond3A_29 : i32
    scf.if %cond3A_30 {
      "tpu.region"() ({
        %run_scoped3A_31 = tpu.sem_alloc : memref<!tpu.dma_semaphore, #tpu.memory_space<semaphore_mem>>
        %dma_start3A = arith.constant 9984 : i32
        %dma_start3A_32 = arith.constant 0 : i32
        %dma_start3A_33 = tpu.memref_slice %arg5[%arg0, %dma_start3A, %dma_start3A_32] : memref<2x10000x128xf32, #tpu.memory_space<hbm>> -> memref<1x16x128xf32, #tpu.memory_space<hbm>>
        %dma_start3A_34 = tpu.memref_squeeze %dma_start3A_33 : memref<1x16x128xf32, #tpu.memory_space<hbm>> -> memref<16x128xf32, #tpu.memory_space<hbm>>
        %dma_start3A_35 = arith.constant 9984 : i32
        %dma_start3A_36 = arith.constant 0 : i32
        %dma_start3A_37 = tpu.memref_slice %arg10[%dma_start3A_35, %dma_start3A_36] : memref<10008x128xf32, #tpu.memory_space<vmem_shared>> -> memref<16x128xf32, #tpu.memory_space<vmem_shared>>
        tpu.enqueue_dma source(%dma_start3A_37 : memref<16x128xf32, #tpu.memory_space<vmem_shared>>) target(%dma_start3A_34 : memref<16x128xf32, #tpu.memory_space<hbm>>) target_semaphore(%run_scoped3A_31 : memref<!tpu.dma_semaphore, #tpu.memory_space<semaphore_mem>>)
        %dma_wait3A = arith.constant 9984 : i32
        %dma_wait3A_38 = arith.constant 0 : i32
        %dma_wait3A_39 = tpu.memref_slice %arg5[%arg0, %dma_wait3A, %dma_wait3A_38] : memref<2x10000x128xf32, #tpu.memory_space<hbm>> -> memref<1x16x128xf32, #tpu.memory_space<hbm>>
        %dma_wait3A_40 = tpu.memref_squeeze %dma_wait3A_39 : memref<1x16x128xf32, #tpu.memory_space<hbm>> -> memref<16x128xf32, #tpu.memory_space<hbm>>
        %dma_wait3A_41 = arith.constant 9984 : i32
        %dma_wait3A_42 = arith.constant 0 : i32
        %dma_wait3A_43 = tpu.memref_slice %arg10[%dma_wait3A_41, %dma_wait3A_42] : memref<10008x128xf32, #tpu.memory_space<vmem_shared>> -> memref<16x128xf32, #tpu.memory_space<vmem_shared>>
        tpu.wait_dma2 semaphore(%run_scoped3A_31 : memref<!tpu.dma_semaphore, #tpu.memory_space<semaphore_mem>>) src(%dma_wait3A_43 : memref<16x128xf32, #tpu.memory_space<vmem_shared>>) dst(%dma_wait3A_40 : memref<16x128xf32, #tpu.memory_space<hbm>>)
        tpu.yield
      }) : () -> ()
    } else {
    }
    return
  }
}

#map = affine_map<(d0, d1) -> (0, 0)>
#map1 = affine_map<(d0, d1) -> (0, 0, 0, 0, 0)>
#map2 = affine_map<(d0, d1) -> (0, 0, 0)>
module attributes {stable_mosaic.version = 14 : i64} {
  func.func @_sc_degree_body(%arg0: i32, %arg1: i32, %arg2: memref<624x128xf32, #tpu.memory_space<hbm>>, %arg3: memref<2x16x2x40x128xi32, #tpu.memory_space<hbm>>, %arg4: memref<2x10000x128xf32, #tpu.memory_space<hbm>>, %arg5: memref<40x128xi32, #tpu.memory_space<vmem>>, %arg6: memref<128x128xf32, #tpu.memory_space<vmem>>, %arg7: memref<10008x128xf32, #tpu.memory_space<vmem_shared>>) attributes {dimension_semantics = [#tpu.dimension_semantics<core_parallel>, #tpu.dimension_semantics<subcore_parallel>], iteration_bounds = array<i64: 2, 16>, scalar_prefetch = 0 : i64, scratch_operands = 3 : i64, tpu.core_type = #tpu.core_type<sc_vector_subcore>, window_params = [{transform_indices = #map}, {transform_indices = #map1}, {transform_indices = #map2}]} {
    %mul3A = arith.constant 624 : i32
    %mul3A_0 = arith.muli %arg1, %mul3A : i32
    "tpu.region"() ({
      %run_scoped3A_25 = tpu.sem_alloc : memref<!tpu.dma_semaphore, #tpu.memory_space<semaphore_mem>>
      %dma_start3A = arith.constant 0 : i32
      %dma_start3A_26 = tpu.memref_slice %arg7[%mul3A_0, %dma_start3A] : memref<10008x128xf32, #tpu.memory_space<vmem_shared>> -> memref<624x128xf32, #tpu.memory_space<vmem_shared>>
      tpu.enqueue_dma source(%arg2 : memref<624x128xf32, #tpu.memory_space<hbm>>) target(%dma_start3A_26 : memref<624x128xf32, #tpu.memory_space<vmem_shared>>) target_semaphore(%run_scoped3A_25 : memref<!tpu.dma_semaphore, #tpu.memory_space<semaphore_mem>>)
      %dma_wait3A = arith.constant 0 : i32
      %dma_wait3A_27 = tpu.memref_slice %arg7[%mul3A_0, %dma_wait3A] : memref<10008x128xf32, #tpu.memory_space<vmem_shared>> -> memref<624x128xf32, #tpu.memory_space<vmem_shared>>
      tpu.wait_dma2 semaphore(%run_scoped3A_25 : memref<!tpu.dma_semaphore, #tpu.memory_space<semaphore_mem>>) src(%arg2 : memref<624x128xf32, #tpu.memory_space<hbm>>) dst(%dma_wait3A_27 : memref<624x128xf32, #tpu.memory_space<vmem_shared>>)
      tpu.yield
    }) : () -> ()
    %eq3A = arith.constant 15 : i32
    %eq3A_1 = arith.cmpi eq, %arg1, %eq3A : i32
    %convert_element_type3A = arith.extui %eq3A_1 : i1 to i32
    %cond3A = arith.constant 0 : i32
    %cond3A_2 = arith.cmpi ne, %convert_element_type3A, %cond3A : i32
    scf.if %cond3A_2 {
      "tpu.region"() ({
        %run_scoped3A_25 = tpu.sem_alloc : memref<!tpu.dma_semaphore, #tpu.memory_space<semaphore_mem>>
        %dma_start3A = arith.constant 9984 : i32
        %dma_start3A_26 = arith.constant 0 : i32
        %dma_start3A_27 = tpu.memref_slice %arg7[%dma_start3A, %dma_start3A_26] : memref<10008x128xf32, #tpu.memory_space<vmem_shared>> -> memref<16x128xf32, #tpu.memory_space<vmem_shared>>
        %dma_start3A_28 = arith.constant 0 : i32
        %dma_start3A_29 = arith.constant 0 : i32
        %dma_start3A_30 = tpu.memref_slice %arg2[%dma_start3A_28, %dma_start3A_29] : memref<624x128xf32, #tpu.memory_space<hbm>> -> memref<16x128xf32, #tpu.memory_space<hbm>>
        tpu.enqueue_dma source(%dma_start3A_30 : memref<16x128xf32, #tpu.memory_space<hbm>>) target(%dma_start3A_27 : memref<16x128xf32, #tpu.memory_space<vmem_shared>>) target_semaphore(%run_scoped3A_25 : memref<!tpu.dma_semaphore, #tpu.memory_space<semaphore_mem>>)
        %dma_wait3A = arith.constant 9984 : i32
        %dma_wait3A_31 = arith.constant 0 : i32
        %dma_wait3A_32 = tpu.memref_slice %arg7[%dma_wait3A, %dma_wait3A_31] : memref<10008x128xf32, #tpu.memory_space<vmem_shared>> -> memref<16x128xf32, #tpu.memory_space<vmem_shared>>
        %dma_wait3A_33 = arith.constant 0 : i32
        %dma_wait3A_34 = arith.constant 0 : i32
        %dma_wait3A_35 = tpu.memref_slice %arg2[%dma_wait3A_33, %dma_wait3A_34] : memref<624x128xf32, #tpu.memory_space<hbm>> -> memref<16x128xf32, #tpu.memory_space<hbm>>
        tpu.wait_dma2 semaphore(%run_scoped3A_25 : memref<!tpu.dma_semaphore, #tpu.memory_space<semaphore_mem>>) src(%dma_wait3A_35 : memref<16x128xf32, #tpu.memory_space<hbm>>) dst(%dma_wait3A_32 : memref<16x128xf32, #tpu.memory_space<vmem_shared>>)
        tpu.yield
      }) : () -> ()
    } else {
    }
    "tpu.region"() ({
      %run_scoped3A_25 = tpu.sem_alloc : memref<!tpu.dma_semaphore, #tpu.memory_space<semaphore_mem>>
      %dma_start3A = arith.constant 0 : i32
      %dma_start3A_26 = arith.constant 0 : i32
      %dma_start3A_27 = tpu.memref_slice %arg2[%dma_start3A, %dma_start3A_26] : memref<624x128xf32, #tpu.memory_space<hbm>> -> memref<128x128xf32, #tpu.memory_space<hbm>>
      %dma_start3A_28 = arith.constant 0 : i32
      %dma_start3A_29 = arith.constant 0 : i32
      %dma_start3A_30 = tpu.memref_slice %arg2[%dma_start3A_28, %dma_start3A_29] : memref<624x128xf32, #tpu.memory_space<hbm>> -> memref<128x128xf32, #tpu.memory_space<hbm>>
      tpu.enqueue_dma source(%dma_start3A_30 : memref<128x128xf32, #tpu.memory_space<hbm>>) target(%arg6 : memref<128x128xf32, #tpu.memory_space<vmem>>) target_semaphore(%run_scoped3A_25 : memref<!tpu.dma_semaphore, #tpu.memory_space<semaphore_mem>>)
      %dma_wait3A = arith.constant 0 : i32
      %dma_wait3A_31 = arith.constant 0 : i32
      %dma_wait3A_32 = tpu.memref_slice %arg2[%dma_wait3A, %dma_wait3A_31] : memref<624x128xf32, #tpu.memory_space<hbm>> -> memref<128x128xf32, #tpu.memory_space<hbm>>
      %dma_wait3A_33 = arith.constant 0 : i32
      %dma_wait3A_34 = arith.constant 0 : i32
      %dma_wait3A_35 = tpu.memref_slice %arg2[%dma_wait3A_33, %dma_wait3A_34] : memref<624x128xf32, #tpu.memory_space<hbm>> -> memref<128x128xf32, #tpu.memory_space<hbm>>
      tpu.wait_dma2 semaphore(%run_scoped3A_25 : memref<!tpu.dma_semaphore, #tpu.memory_space<semaphore_mem>>) src(%dma_wait3A_35 : memref<128x128xf32, #tpu.memory_space<hbm>>) dst(%arg6 : memref<128x128xf32, #tpu.memory_space<vmem>>)
      tpu.yield
    }) : () -> ()
    %barrier3A = arith.constant 0 : index
    tpu.barrier barrier_id(%barrier3A)
    %run_scoped3A = arith.constant 0 : i32
    "tpu.region"() ({
      %run_scoped3A_25 = tpu.sem_alloc : memref<!tpu.dma_semaphore, #tpu.memory_space<semaphore_mem>>
      %dma_start3A = arith.constant 0 : i32
      %dma_start3A_26 = arith.constant 0 : i32
      %dma_start3A_27 = tpu.memref_slice %arg3[%arg0, %arg1, %run_scoped3A, %dma_start3A, %dma_start3A_26] : memref<2x16x2x40x128xi32, #tpu.memory_space<hbm>> -> memref<1x1x1x40x128xi32, #tpu.memory_space<hbm>>
      %dma_start3A_28 = tpu.memref_squeeze %dma_start3A_27 : memref<1x1x1x40x128xi32, #tpu.memory_space<hbm>> -> memref<40x128xi32, #tpu.memory_space<hbm>>
      %dma_start3A_29 = arith.constant 0 : i32
      %dma_start3A_30 = arith.constant 0 : i32
      %dma_start3A_31 = tpu.memref_slice %arg3[%arg0, %arg1, %run_scoped3A, %dma_start3A_29, %dma_start3A_30] : memref<2x16x2x40x128xi32, #tpu.memory_space<hbm>> -> memref<1x1x1x40x128xi32, #tpu.memory_space<hbm>>
      %dma_start3A_32 = tpu.memref_squeeze %dma_start3A_31 : memref<1x1x1x40x128xi32, #tpu.memory_space<hbm>> -> memref<40x128xi32, #tpu.memory_space<hbm>>
      tpu.enqueue_dma source(%dma_start3A_32 : memref<40x128xi32, #tpu.memory_space<hbm>>) target(%arg5 : memref<40x128xi32, #tpu.memory_space<vmem>>) target_semaphore(%run_scoped3A_25 : memref<!tpu.dma_semaphore, #tpu.memory_space<semaphore_mem>>)
      %dma_wait3A = arith.constant 0 : i32
      %dma_wait3A_33 = arith.constant 0 : i32
      %dma_wait3A_34 = tpu.memref_slice %arg3[%arg0, %arg1, %run_scoped3A, %dma_wait3A, %dma_wait3A_33] : memref<2x16x2x40x128xi32, #tpu.memory_space<hbm>> -> memref<1x1x1x40x128xi32, #tpu.memory_space<hbm>>
      %dma_wait3A_35 = tpu.memref_squeeze %dma_wait3A_34 : memref<1x1x1x40x128xi32, #tpu.memory_space<hbm>> -> memref<40x128xi32, #tpu.memory_space<hbm>>
      %dma_wait3A_36 = arith.constant 0 : i32
      %dma_wait3A_37 = arith.constant 0 : i32
      %dma_wait3A_38 = tpu.memref_slice %arg3[%arg0, %arg1, %run_scoped3A, %dma_wait3A_36, %dma_wait3A_37] : memref<2x16x2x40x128xi32, #tpu.memory_space<hbm>> -> memref<1x1x1x40x128xi32, #tpu.memory_space<hbm>>
      %dma_wait3A_39 = tpu.memref_squeeze %dma_wait3A_38 : memref<1x1x1x40x128xi32, #tpu.memory_space<hbm>> -> memref<40x128xi32, #tpu.memory_space<hbm>>
      tpu.wait_dma2 semaphore(%run_scoped3A_25 : memref<!tpu.dma_semaphore, #tpu.memory_space<semaphore_mem>>) src(%dma_wait3A_39 : memref<40x128xi32, #tpu.memory_space<hbm>>) dst(%arg5 : memref<40x128xi32, #tpu.memory_space<vmem>>)
      tpu.yield
    }) : () -> ()
    %scan3A = arith.constant 0 : i32
    %scan3A_3 = arith.constant 0 : i32
    %scan3A_4 = arith.constant 40 : i32
    %scan3A_5 = arith.addi %scan3A_3, %scan3A_4 : i32
    %scan3A_6 = arith.constant 1 : i32
    scf.for %scan3A_25 = %scan3A_3 to %scan3A_5 step %scan3A_6  : i32 {
      "tpu.region"() ({
        %run_scoped3A_26 = tpu.sem_alloc : memref<!tpu.dma_semaphore, #tpu.memory_space<semaphore_mem>>
        %dma_start3A = arith.constant 0 : i32
        %dma_start3A_27 = tpu.memref_slice %arg5[%scan3A_25, %dma_start3A] : memref<40x128xi32, #tpu.memory_space<vmem>> -> memref<1x128xi32, #tpu.memory_space<vmem>>
        %dma_start3A_28 = tpu.memref_squeeze %dma_start3A_27 : memref<1x128xi32, #tpu.memory_space<vmem>> -> memref<128xi32, #tpu.memory_space<vmem>>
        %dma_start3A_29 = arith.constant 0 : i32
        %dma_start3A_30 = arith.constant 0 : i32
        %dma_start3A_31 = tpu.memref_slice %arg7[%dma_start3A_29, %dma_start3A_30] : memref<10008x128xf32, #tpu.memory_space<vmem_shared>> -> memref<10008x128xf32, #tpu.memory_space<vmem_shared>>
        tpu.enqueue_indirect_dma source(%arg6 : memref<128x128xf32, #tpu.memory_space<vmem>>) target(%dma_start3A_31 : memref<10008x128xf32, #tpu.memory_space<vmem_shared>>) offsets(%dma_start3A_28 : memref<128xi32, #tpu.memory_space<vmem>>) semaphore(%run_scoped3A_26 : memref<!tpu.dma_semaphore, #tpu.memory_space<semaphore_mem>>) {add = true}
        %dma_wait3A = arith.constant 0 : i32
        %dma_wait3A_32 = tpu.memref_slice %arg5[%scan3A_25, %dma_wait3A] : memref<40x128xi32, #tpu.memory_space<vmem>> -> memref<1x128xi32, #tpu.memory_space<vmem>>
        %dma_wait3A_33 = tpu.memref_squeeze %dma_wait3A_32 : memref<1x128xi32, #tpu.memory_space<vmem>> -> memref<128xi32, #tpu.memory_space<vmem>>
        %dma_wait3A_34 = arith.constant 0 : i32
        %dma_wait3A_35 = arith.constant 0 : i32
        %dma_wait3A_36 = tpu.memref_slice %arg7[%dma_wait3A_34, %dma_wait3A_35] : memref<10008x128xf32, #tpu.memory_space<vmem_shared>> -> memref<10008x128xf32, #tpu.memory_space<vmem_shared>>
        tpu.wait_indirect_dma semaphore(%run_scoped3A_26 : memref<!tpu.dma_semaphore, #tpu.memory_space<semaphore_mem>>) src(%arg6 : memref<128x128xf32, #tpu.memory_space<vmem>>) dst(%dma_wait3A_36 : memref<10008x128xf32, #tpu.memory_space<vmem_shared>>)
        tpu.yield
      }) : () -> ()
    }
    %scan3A_7 = arith.constant 40 : i32
    %run_scoped3A_8 = arith.constant 1 : i32
    "tpu.region"() ({
      %run_scoped3A_25 = tpu.sem_alloc : memref<!tpu.dma_semaphore, #tpu.memory_space<semaphore_mem>>
      %dma_start3A = arith.constant 0 : i32
      %dma_start3A_26 = arith.constant 0 : i32
      %dma_start3A_27 = tpu.memref_slice %arg3[%arg0, %arg1, %run_scoped3A_8, %dma_start3A, %dma_start3A_26] : memref<2x16x2x40x128xi32, #tpu.memory_space<hbm>> -> memref<1x1x1x40x128xi32, #tpu.memory_space<hbm>>
      %dma_start3A_28 = tpu.memref_squeeze %dma_start3A_27 : memref<1x1x1x40x128xi32, #tpu.memory_space<hbm>> -> memref<40x128xi32, #tpu.memory_space<hbm>>
      %dma_start3A_29 = arith.constant 0 : i32
      %dma_start3A_30 = arith.constant 0 : i32
      %dma_start3A_31 = tpu.memref_slice %arg3[%arg0, %arg1, %run_scoped3A_8, %dma_start3A_29, %dma_start3A_30] : memref<2x16x2x40x128xi32, #tpu.memory_space<hbm>> -> memref<1x1x1x40x128xi32, #tpu.memory_space<hbm>>
      %dma_start3A_32 = tpu.memref_squeeze %dma_start3A_31 : memref<1x1x1x40x128xi32, #tpu.memory_space<hbm>> -> memref<40x128xi32, #tpu.memory_space<hbm>>
      tpu.enqueue_dma source(%dma_start3A_32 : memref<40x128xi32, #tpu.memory_space<hbm>>) target(%arg5 : memref<40x128xi32, #tpu.memory_space<vmem>>) target_semaphore(%run_scoped3A_25 : memref<!tpu.dma_semaphore, #tpu.memory_space<semaphore_mem>>)
      %dma_wait3A = arith.constant 0 : i32
      %dma_wait3A_33 = arith.constant 0 : i32
      %dma_wait3A_34 = tpu.memref_slice %arg3[%arg0, %arg1, %run_scoped3A_8, %dma_wait3A, %dma_wait3A_33] : memref<2x16x2x40x128xi32, #tpu.memory_space<hbm>> -> memref<1x1x1x40x128xi32, #tpu.memory_space<hbm>>
      %dma_wait3A_35 = tpu.memref_squeeze %dma_wait3A_34 : memref<1x1x1x40x128xi32, #tpu.memory_space<hbm>> -> memref<40x128xi32, #tpu.memory_space<hbm>>
      %dma_wait3A_36 = arith.constant 0 : i32
      %dma_wait3A_37 = arith.constant 0 : i32
      %dma_wait3A_38 = tpu.memref_slice %arg3[%arg0, %arg1, %run_scoped3A_8, %dma_wait3A_36, %dma_wait3A_37] : memref<2x16x2x40x128xi32, #tpu.memory_space<hbm>> -> memref<1x1x1x40x128xi32, #tpu.memory_space<hbm>>
      %dma_wait3A_39 = tpu.memref_squeeze %dma_wait3A_38 : memref<1x1x1x40x128xi32, #tpu.memory_space<hbm>> -> memref<40x128xi32, #tpu.memory_space<hbm>>
      tpu.wait_dma2 semaphore(%run_scoped3A_25 : memref<!tpu.dma_semaphore, #tpu.memory_space<semaphore_mem>>) src(%dma_wait3A_39 : memref<40x128xi32, #tpu.memory_space<hbm>>) dst(%arg5 : memref<40x128xi32, #tpu.memory_space<vmem>>)
      tpu.yield
    }) : () -> ()
    %scan3A_9 = arith.constant 0 : i32
    %scan3A_10 = arith.constant 0 : i32
    %scan3A_11 = arith.constant 40 : i32
    %scan3A_12 = arith.addi %scan3A_10, %scan3A_11 : i32
    %scan3A_13 = arith.constant 1 : i32
    scf.for %scan3A_25 = %scan3A_10 to %scan3A_12 step %scan3A_13  : i32 {
      "tpu.region"() ({
        %run_scoped3A_26 = tpu.sem_alloc : memref<!tpu.dma_semaphore, #tpu.memory_space<semaphore_mem>>
        %dma_start3A = arith.constant 0 : i32
        %dma_start3A_27 = tpu.memref_slice %arg5[%scan3A_25, %dma_start3A] : memref<40x128xi32, #tpu.memory_space<vmem>> -> memref<1x128xi32, #tpu.memory_space<vmem>>
        %dma_start3A_28 = tpu.memref_squeeze %dma_start3A_27 : memref<1x128xi32, #tpu.memory_space<vmem>> -> memref<128xi32, #tpu.memory_space<vmem>>
        %dma_start3A_29 = arith.constant 0 : i32
        %dma_start3A_30 = arith.constant 0 : i32
        %dma_start3A_31 = tpu.memref_slice %arg7[%dma_start3A_29, %dma_start3A_30] : memref<10008x128xf32, #tpu.memory_space<vmem_shared>> -> memref<10008x128xf32, #tpu.memory_space<vmem_shared>>
        tpu.enqueue_indirect_dma source(%arg6 : memref<128x128xf32, #tpu.memory_space<vmem>>) target(%dma_start3A_31 : memref<10008x128xf32, #tpu.memory_space<vmem_shared>>) offsets(%dma_start3A_28 : memref<128xi32, #tpu.memory_space<vmem>>) semaphore(%run_scoped3A_26 : memref<!tpu.dma_semaphore, #tpu.memory_space<semaphore_mem>>) {add = true}
        %dma_wait3A = arith.constant 0 : i32
        %dma_wait3A_32 = tpu.memref_slice %arg5[%scan3A_25, %dma_wait3A] : memref<40x128xi32, #tpu.memory_space<vmem>> -> memref<1x128xi32, #tpu.memory_space<vmem>>
        %dma_wait3A_33 = tpu.memref_squeeze %dma_wait3A_32 : memref<1x128xi32, #tpu.memory_space<vmem>> -> memref<128xi32, #tpu.memory_space<vmem>>
        %dma_wait3A_34 = arith.constant 0 : i32
        %dma_wait3A_35 = arith.constant 0 : i32
        %dma_wait3A_36 = tpu.memref_slice %arg7[%dma_wait3A_34, %dma_wait3A_35] : memref<10008x128xf32, #tpu.memory_space<vmem_shared>> -> memref<10008x128xf32, #tpu.memory_space<vmem_shared>>
        tpu.wait_indirect_dma semaphore(%run_scoped3A_26 : memref<!tpu.dma_semaphore, #tpu.memory_space<semaphore_mem>>) src(%arg6 : memref<128x128xf32, #tpu.memory_space<vmem>>) dst(%dma_wait3A_36 : memref<10008x128xf32, #tpu.memory_space<vmem_shared>>)
        tpu.yield
      }) : () -> ()
    }
    %scan3A_14 = arith.constant 40 : i32
    %barrier3A_15 = arith.constant 0 : index
    tpu.barrier barrier_id(%barrier3A_15)
    %mul3A_16 = arith.constant 624 : i32
    %mul3A_17 = arith.muli %arg1, %mul3A_16 : i32
    %mul3A_18 = arith.constant 624 : i32
    %mul3A_19 = arith.muli %arg1, %mul3A_18 : i32
    "tpu.region"() ({
      %run_scoped3A_25 = tpu.sem_alloc : memref<!tpu.dma_semaphore, #tpu.memory_space<semaphore_mem>>
      %dma_start3A = arith.constant 0 : i32
      %dma_start3A_26 = tpu.memref_slice %arg4[%arg0, %mul3A_19, %dma_start3A] : memref<2x10000x128xf32, #tpu.memory_space<hbm>> -> memref<1x624x128xf32, #tpu.memory_space<hbm>>
      %dma_start3A_27 = tpu.memref_squeeze %dma_start3A_26 : memref<1x624x128xf32, #tpu.memory_space<hbm>> -> memref<624x128xf32, #tpu.memory_space<hbm>>
      %dma_start3A_28 = arith.constant 0 : i32
      %dma_start3A_29 = tpu.memref_slice %arg7[%mul3A_17, %dma_start3A_28] : memref<10008x128xf32, #tpu.memory_space<vmem_shared>> -> memref<624x128xf32, #tpu.memory_space<vmem_shared>>
      tpu.enqueue_dma source(%dma_start3A_29 : memref<624x128xf32, #tpu.memory_space<vmem_shared>>) target(%dma_start3A_27 : memref<624x128xf32, #tpu.memory_space<hbm>>) target_semaphore(%run_scoped3A_25 : memref<!tpu.dma_semaphore, #tpu.memory_space<semaphore_mem>>)
      %dma_wait3A = arith.constant 0 : i32
      %dma_wait3A_30 = tpu.memref_slice %arg4[%arg0, %mul3A_19, %dma_wait3A] : memref<2x10000x128xf32, #tpu.memory_space<hbm>> -> memref<1x624x128xf32, #tpu.memory_space<hbm>>
      %dma_wait3A_31 = tpu.memref_squeeze %dma_wait3A_30 : memref<1x624x128xf32, #tpu.memory_space<hbm>> -> memref<624x128xf32, #tpu.memory_space<hbm>>
      %dma_wait3A_32 = arith.constant 0 : i32
      %dma_wait3A_33 = tpu.memref_slice %arg7[%mul3A_17, %dma_wait3A_32] : memref<10008x128xf32, #tpu.memory_space<vmem_shared>> -> memref<624x128xf32, #tpu.memory_space<vmem_shared>>
      tpu.wait_dma2 semaphore(%run_scoped3A_25 : memref<!tpu.dma_semaphore, #tpu.memory_space<semaphore_mem>>) src(%dma_wait3A_33 : memref<624x128xf32, #tpu.memory_space<vmem_shared>>) dst(%dma_wait3A_31 : memref<624x128xf32, #tpu.memory_space<hbm>>)
      tpu.yield
    }) : () -> ()
    %eq3A_20 = arith.constant 15 : i32
    %eq3A_21 = arith.cmpi eq, %arg1, %eq3A_20 : i32
    %convert_element_type3A_22 = arith.extui %eq3A_21 : i1 to i32
    %cond3A_23 = arith.constant 0 : i32
    %cond3A_24 = arith.cmpi ne, %convert_element_type3A_22, %cond3A_23 : i32
    scf.if %cond3A_24 {
      "tpu.region"() ({
        %run_scoped3A_25 = tpu.sem_alloc : memref<!tpu.dma_semaphore, #tpu.memory_space<semaphore_mem>>
        %dma_start3A = arith.constant 9984 : i32
        %dma_start3A_26 = arith.constant 0 : i32
        %dma_start3A_27 = tpu.memref_slice %arg4[%arg0, %dma_start3A, %dma_start3A_26] : memref<2x10000x128xf32, #tpu.memory_space<hbm>> -> memref<1x16x128xf32, #tpu.memory_space<hbm>>
        %dma_start3A_28 = tpu.memref_squeeze %dma_start3A_27 : memref<1x16x128xf32, #tpu.memory_space<hbm>> -> memref<16x128xf32, #tpu.memory_space<hbm>>
        %dma_start3A_29 = arith.constant 9984 : i32
        %dma_start3A_30 = arith.constant 0 : i32
        %dma_start3A_31 = tpu.memref_slice %arg7[%dma_start3A_29, %dma_start3A_30] : memref<10008x128xf32, #tpu.memory_space<vmem_shared>> -> memref<16x128xf32, #tpu.memory_space<vmem_shared>>
        tpu.enqueue_dma source(%dma_start3A_31 : memref<16x128xf32, #tpu.memory_space<vmem_shared>>) target(%dma_start3A_28 : memref<16x128xf32, #tpu.memory_space<hbm>>) target_semaphore(%run_scoped3A_25 : memref<!tpu.dma_semaphore, #tpu.memory_space<semaphore_mem>>)
        %dma_wait3A = arith.constant 9984 : i32
        %dma_wait3A_32 = arith.constant 0 : i32
        %dma_wait3A_33 = tpu.memref_slice %arg4[%arg0, %dma_wait3A, %dma_wait3A_32] : memref<2x10000x128xf32, #tpu.memory_space<hbm>> -> memref<1x16x128xf32, #tpu.memory_space<hbm>>
        %dma_wait3A_34 = tpu.memref_squeeze %dma_wait3A_33 : memref<1x16x128xf32, #tpu.memory_space<hbm>> -> memref<16x128xf32, #tpu.memory_space<hbm>>
        %dma_wait3A_35 = arith.constant 9984 : i32
        %dma_wait3A_36 = arith.constant 0 : i32
        %dma_wait3A_37 = tpu.memref_slice %arg7[%dma_wait3A_35, %dma_wait3A_36] : memref<10008x128xf32, #tpu.memory_space<vmem_shared>> -> memref<16x128xf32, #tpu.memory_space<vmem_shared>>
        tpu.wait_dma2 semaphore(%run_scoped3A_25 : memref<!tpu.dma_semaphore, #tpu.memory_space<semaphore_mem>>) src(%dma_wait3A_37 : memref<16x128xf32, #tpu.memory_space<vmem_shared>>) dst(%dma_wait3A_34 : memref<16x128xf32, #tpu.memory_space<hbm>>)
        tpu.yield
      }) : () -> ()
    } else {
    }
    return
  }
}

module attributes {stable_mosaic.version = 14 : i64} {
  func.func @_tc_encode_body(%arg0: i32, %arg1: memref<1544x512xf32, #tpu.memory_space<vmem>>, %arg2: memref<1544x128xf32, #tpu.memory_space<vmem>>, %arg3: memref<1x128xf32, #tpu.memory_space<vmem>>, %arg4: memref<128x128xf32, #tpu.memory_space<vmem>>, %arg5: memref<1x128xf32, #tpu.memory_space<vmem>>, %arg6: memref<512x128xf32, #tpu.memory_space<vmem>>) attributes {dimension_semantics = [#tpu.dimension_semantics<arbitrary>], iteration_bounds = array<i64: 20>, scalar_prefetch = 0 : i64, scratch_operands = 0 : i64, tpu.core_type = #tpu.core_type<tc>, window_params = [{transform_indices = @transform_0, window_bounds = array<i64: 1544, 512>}, {pipeline_mode = #tpu.pipeline_mode<synchronous>, transform_indices = @transform_1, window_bounds = array<i64: 1544, 128>}, {pipeline_mode = #tpu.pipeline_mode<synchronous>, transform_indices = @transform_2, window_bounds = array<i64: 1, 128>}, {pipeline_mode = #tpu.pipeline_mode<synchronous>, transform_indices = @transform_3, window_bounds = array<i64: 128, 128>}, {pipeline_mode = #tpu.pipeline_mode<synchronous>, transform_indices = @transform_4, window_bounds = array<i64: 1, 128>}, {transform_indices = @transform_5, window_bounds = array<i64: 512, 128>}]} {
    %get3A = arith.constant 0 : index
    %get3A_0 = arith.constant 0 : index
    %get3A_1 = vector.load %arg1[%get3A, %get3A_0] : memref<1544x512xf32, #tpu.memory_space<vmem>>, vector<1544x512xf32>
    %get3A_2 = arith.constant 0 : index
    %get3A_3 = arith.constant 0 : index
    %get3A_4 = vector.load %arg2[%get3A_2, %get3A_3] : memref<1544x128xf32, #tpu.memory_space<vmem>>, vector<1544x128xf32>
    %dot_general3A = arith.constant dense<0.000000e+00> : vector<512x128xf32>
    %dot_general3A_5 = tpu.matmul %get3A_1, %get3A_4, %dot_general3A {dimension_numbers = #tpu.dot_dimension_numbers<[0], [0], [1], [1], [0, 1, 1, 1], [], []>, transpose_lhs_hint = false} : vector<1544x512xf32>, vector<1544x128xf32>, vector<512x128xf32> -> vector<512x128xf32>
    %get3A_6 = arith.constant 0 : index
    %get3A_7 = arith.constant 0 : index
    %get3A_8 = vector.load %arg3[%get3A_6, %get3A_7] : memref<1x128xf32, #tpu.memory_space<vmem>>, vector<1x128xf32>
    %add3A = vector.broadcast %get3A_8 : vector<1x128xf32> to vector<512x128xf32>
    %add3A_9 = arith.addf %dot_general3A_5, %add3A : vector<512x128xf32>
    %jit3A = arith.constant 0.00999999977 : f32
    %ge3A = arith.constant 0.000000e+00 : f32
    %ge3A_10 = vector.broadcast %ge3A : f32 to vector<512x128xf32>
    %ge3A_11 = arith.cmpf oge, %add3A_9, %ge3A_10 : vector<512x128xf32>
    %mul3A = vector.broadcast %jit3A : f32 to vector<512x128xf32>
    %mul3A_12 = arith.mulf %mul3A, %add3A_9 : vector<512x128xf32>
    %select_n3A = arith.select %ge3A_11, %add3A_9, %mul3A_12 : vector<512x128xi1>, vector<512x128xf32>
    %get3A_13 = arith.constant 0 : index
    %get3A_14 = arith.constant 0 : index
    %get3A_15 = vector.load %arg4[%get3A_13, %get3A_14] : memref<128x128xf32, #tpu.memory_space<vmem>>, vector<128x128xf32>
    %dot_general3A_16 = arith.constant dense<0.000000e+00> : vector<512x128xf32>
    %dot_general3A_17 = tpu.matmul %select_n3A, %get3A_15, %dot_general3A_16 {dimension_numbers = #tpu.dot_dimension_numbers<[1], [0], [0], [1], [0, 0, 1, 1], [], []>, transpose_lhs_hint = false} : vector<512x128xf32>, vector<128x128xf32>, vector<512x128xf32> -> vector<512x128xf32>
    %get3A_18 = arith.constant 0 : index
    %get3A_19 = arith.constant 0 : index
    %get3A_20 = vector.load %arg5[%get3A_18, %get3A_19] : memref<1x128xf32, #tpu.memory_space<vmem>>, vector<1x128xf32>
    %add3A_21 = vector.broadcast %get3A_20 : vector<1x128xf32> to vector<512x128xf32>
    %add3A_22 = arith.addf %dot_general3A_17, %add3A_21 : vector<512x128xf32>
    %jit3A_23 = arith.constant 0.00999999977 : f32
    %ge3A_24 = arith.constant 0.000000e+00 : f32
    %ge3A_25 = vector.broadcast %ge3A_24 : f32 to vector<512x128xf32>
    %ge3A_26 = arith.cmpf oge, %add3A_22, %ge3A_25 : vector<512x128xf32>
    %mul3A_27 = vector.broadcast %jit3A_23 : f32 to vector<512x128xf32>
    %mul3A_28 = arith.mulf %mul3A_27, %add3A_22 : vector<512x128xf32>
    %select_n3A_29 = arith.select %ge3A_26, %add3A_22, %mul3A_28 : vector<512x128xi1>, vector<512x128xf32>
    %swap3A = arith.constant 0 : index
    %swap3A_30 = arith.constant 0 : index
    %swap3A_31 = vector.load %arg6[%swap3A, %swap3A_30] : memref<512x128xf32, #tpu.memory_space<vmem>>, vector<512x128xf32>
    tpu.vector_store %arg6[%swap3A, %swap3A_30], %select_n3A_29 {strides = array<i32>} : memref<512x128xf32, #tpu.memory_space<vmem>>, vector<512x128xf32>,
    return
  }
  func.func @transform_0(%arg0: i32) -> (i32, i32) {
    %c0_i32 = arith.constant 0 : i32
    %c0_i32_0 = arith.constant 0 : i32
    return %c0_i32, %arg0 : i32, i32
  }
  func.func @transform_1(%arg0: i32) -> (i32, i32) {
    %c0_i32 = arith.constant 0 : i32
    %c0_i32_0 = arith.constant 0 : i32
    %c0_i32_1 = arith.constant 0 : i32
    return %c0_i32, %c0_i32_0 : i32, i32
  }
  func.func @transform_2(%arg0: i32) -> (i32, i32) {
    %c0_i32 = arith.constant 0 : i32
    %c0_i32_0 = arith.constant 0 : i32
    %c0_i32_1 = arith.constant 0 : i32
    return %c0_i32, %c0_i32_0 : i32, i32
  }
  func.func @transform_3(%arg0: i32) -> (i32, i32) {
    %c0_i32 = arith.constant 0 : i32
    %c0_i32_0 = arith.constant 0 : i32
    %c0_i32_1 = arith.constant 0 : i32
    return %c0_i32, %c0_i32_0 : i32, i32
  }
  func.func @transform_4(%arg0: i32) -> (i32, i32) {
    %c0_i32 = arith.constant 0 : i32
    %c0_i32_0 = arith.constant 0 : i32
    %c0_i32_1 = arith.constant 0 : i32
    return %c0_i32, %c0_i32_0 : i32, i32
  }
  func.func @transform_5(%arg0: i32) -> (i32, i32) {
    %c0_i32 = arith.constant 0 : i32
    %c0_i32_0 = arith.constant 0 : i32
    return %arg0, %c0_i32 : i32, i32
  }
}

module attributes {stable_mosaic.version = 14 : i64} {
  func.func @_tc_scale_body(%arg0: i32, %arg1: memref<400x128xf32, #tpu.memory_space<vmem>>, %arg2: memref<2x400x128xf32, #tpu.memory_space<vmem>>, %arg3: memref<128x128xf32, #tpu.memory_space<vmem>>, %arg4: memref<128x128xf32, #tpu.memory_space<vmem>>, %arg5: memref<2x400x128xf32, #tpu.memory_space<vmem>>, %arg6: memref<400x1xf32, #tpu.memory_space<vmem>>, %arg7: memref<400x1xf32, #tpu.memory_space<vmem>>) attributes {dimension_semantics = [#tpu.dimension_semantics<arbitrary>], iteration_bounds = array<i64: 25>, scalar_prefetch = 0 : i64, scratch_operands = 0 : i64, tpu.core_type = #tpu.core_type<tc>, window_params = [{transform_indices = @transform_0, window_bounds = array<i64: 400, 128>}, {transform_indices = @transform_1, window_bounds = array<i64: 2, 400, 128>}, {pipeline_mode = #tpu.pipeline_mode<synchronous>, transform_indices = @transform_2, window_bounds = array<i64: 128, 128>}, {pipeline_mode = #tpu.pipeline_mode<synchronous>, transform_indices = @transform_3, window_bounds = array<i64: 128, 128>}, {transform_indices = @transform_4, window_bounds = array<i64: 2, 400, 128>}, {transform_indices = @transform_5, window_bounds = array<i64: 400, 1>}, {transform_indices = @transform_6, window_bounds = array<i64: 400, 1>}]} {
    %get3A = arith.constant 0 : index
    %get3A_0 = arith.constant 0 : index
    %get3A_1 = vector.load %arg1[%get3A, %get3A_0] : memref<400x128xf32, #tpu.memory_space<vmem>>, vector<400x128xf32>
    %get3A_2 = arith.constant 0 : index
    %get3A_3 = arith.constant 0 : index
    %get3A_4 = arith.constant 0 : index
    %get3A_5 = vector.load %arg2[%get3A_2, %get3A_3, %get3A_4] : memref<2x400x128xf32, #tpu.memory_space<vmem>>, vector<1x400x1xf32>
    %get3A_6 = vector.shape_cast %get3A_5 : vector<1x400x1xf32> to vector<400x1xf32>
    %rsqrt3A = math.rsqrt %get3A_6 : vector<400x1xf32>
    %get3A_7 = arith.constant 1 : index
    %get3A_8 = arith.constant 0 : index
    %get3A_9 = arith.constant 0 : index
    %get3A_10 = vector.load %arg2[%get3A_7, %get3A_8, %get3A_9] : memref<2x400x128xf32, #tpu.memory_space<vmem>>, vector<1x400x1xf32>
    %get3A_11 = vector.shape_cast %get3A_10 : vector<1x400x1xf32> to vector<400x1xf32>
    %rsqrt3A_12 = math.rsqrt %get3A_11 : vector<400x1xf32>
    %swap3A = arith.constant 0 : index
    %swap3A_13 = arith.constant 0 : index
    %swap3A_14 = vector.load %arg6[%swap3A, %swap3A_13] : memref<400x1xf32, #tpu.memory_space<vmem>>, vector<400x1xf32>
    tpu.vector_store %arg6[%swap3A, %swap3A_13], %rsqrt3A {strides = array<i32>} : memref<400x1xf32, #tpu.memory_space<vmem>>, vector<400x1xf32>,
    %swap3A_15 = arith.constant 0 : index
    %swap3A_16 = arith.constant 0 : index
    %swap3A_17 = vector.load %arg7[%swap3A_15, %swap3A_16] : memref<400x1xf32, #tpu.memory_space<vmem>>, vector<400x1xf32>
    tpu.vector_store %arg7[%swap3A_15, %swap3A_16], %rsqrt3A_12 {strides = array<i32>} : memref<400x1xf32, #tpu.memory_space<vmem>>, vector<400x1xf32>,
    %get3A_18 = arith.constant 0 : index
    %get3A_19 = arith.constant 0 : index
    %get3A_20 = vector.load %arg3[%get3A_18, %get3A_19] : memref<128x128xf32, #tpu.memory_space<vmem>>, vector<128x128xf32>
    %dot_general3A = arith.constant dense<0.000000e+00> : vector<400x128xf32>
    %dot_general3A_21 = tpu.matmul %get3A_1, %get3A_20, %dot_general3A {dimension_numbers = #tpu.dot_dimension_numbers<[1], [0], [0], [1], [0, 0, 1, 1], [], []>, transpose_lhs_hint = false} : vector<400x128xf32>, vector<128x128xf32>, vector<400x128xf32> -> vector<400x128xf32>
    %mul3A = vector.broadcast %rsqrt3A : vector<400x1xf32> to vector<400x128xf32>
    %mul3A_22 = arith.mulf %dot_general3A_21, %mul3A : vector<400x128xf32>
    %get3A_23 = arith.constant 0 : index
    %get3A_24 = arith.constant 0 : index
    %get3A_25 = vector.load %arg4[%get3A_23, %get3A_24] : memref<128x128xf32, #tpu.memory_space<vmem>>, vector<128x128xf32>
    %dot_general3A_26 = arith.constant dense<0.000000e+00> : vector<400x128xf32>
    %dot_general3A_27 = tpu.matmul %get3A_1, %get3A_25, %dot_general3A_26 {dimension_numbers = #tpu.dot_dimension_numbers<[1], [0], [0], [1], [0, 0, 1, 1], [], []>, transpose_lhs_hint = false} : vector<400x128xf32>, vector<128x128xf32>, vector<400x128xf32> -> vector<400x128xf32>
    %mul3A_28 = vector.broadcast %rsqrt3A_12 : vector<400x1xf32> to vector<400x128xf32>
    %mul3A_29 = arith.mulf %dot_general3A_27, %mul3A_28 : vector<400x128xf32>
    %stack3A = vector.shape_cast %mul3A_22 : vector<400x128xf32> to vector<1x400x128xf32>
    %stack3A_30 = vector.shape_cast %mul3A_29 : vector<400x128xf32> to vector<1x400x128xf32>
    %stack3A_31 = tpu.concatenate %stack3A, %stack3A_30 in 0 : vector<1x400x128xf32>, vector<1x400x128xf32> -> vector<2x400x128xf32>
    %swap3A_32 = arith.constant 0 : index
    %swap3A_33 = arith.constant 0 : index
    %swap3A_34 = arith.constant 0 : index
    %swap3A_35 = vector.load %arg5[%swap3A_32, %swap3A_33, %swap3A_34] : memref<2x400x128xf32, #tpu.memory_space<vmem>>, vector<2x400x128xf32>
    tpu.vector_store %arg5[%swap3A_32, %swap3A_33, %swap3A_34], %stack3A_31 {strides = array<i32>} : memref<2x400x128xf32, #tpu.memory_space<vmem>>, vector<2x400x128xf32>,
    return
  }
  func.func @transform_0(%arg0: i32) -> (i32, i32) {
    %c0_i32 = arith.constant 0 : i32
    %c0_i32_0 = arith.constant 0 : i32
    return %arg0, %c0_i32 : i32, i32
  }
  func.func @transform_1(%arg0: i32) -> (i32, i32, i32) {
    %c0_i32 = arith.constant 0 : i32
    %c0_i32_0 = arith.constant 0 : i32
    %c0_i32_1 = arith.constant 0 : i32
    return %c0_i32, %arg0, %c0_i32_0 : i32, i32, i32
  }
  func.func @transform_2(%arg0: i32) -> (i32, i32) {
    %c0_i32 = arith.constant 0 : i32
    %c0_i32_0 = arith.constant 0 : i32
    %c0_i32_1 = arith.constant 0 : i32
    return %c0_i32, %c0_i32_0 : i32, i32
  }
  func.func @transform_3(%arg0: i32) -> (i32, i32) {
    %c0_i32 = arith.constant 0 : i32
    %c0_i32_0 = arith.constant 0 : i32
    %c0_i32_1 = arith.constant 0 : i32
    return %c0_i32, %c0_i32_0 : i32, i32
  }
  func.func @transform_4(%arg0: i32) -> (i32, i32, i32) {
    %c0_i32 = arith.constant 0 : i32
    %c0_i32_0 = arith.constant 0 : i32
    %c0_i32_1 = arith.constant 0 : i32
    return %c0_i32, %arg0, %c0_i32_0 : i32, i32, i32
  }
  func.func @transform_5(%arg0: i32) -> (i32, i32) {
    %c0_i32 = arith.constant 0 : i32
    %c0_i32_0 = arith.constant 0 : i32
    return %arg0, %c0_i32 : i32, i32
  }
  func.func @transform_6(%arg0: i32) -> (i32, i32) {
    %c0_i32 = arith.constant 0 : i32
    %c0_i32_0 = arith.constant 0 : i32
    return %arg0, %c0_i32 : i32, i32
  }
}

module attributes {stable_mosaic.version = 14 : i64} {
  func.func @_tc_mid_body(%arg0: i32, %arg1: memref<2x400x128xf32, #tpu.memory_space<vmem>>, %arg2: memref<400x1xf32, #tpu.memory_space<vmem>>, %arg3: memref<400x1xf32, #tpu.memory_space<vmem>>, %arg4: memref<1x128xf32, #tpu.memory_space<vmem>>, %arg5: memref<1x128xf32, #tpu.memory_space<vmem>>, %arg6: memref<128x128xf32, #tpu.memory_space<vmem>>, %arg7: memref<128x128xf32, #tpu.memory_space<vmem>>, %arg8: memref<2x400x128xf32, #tpu.memory_space<vmem>>) attributes {dimension_semantics = [#tpu.dimension_semantics<arbitrary>], iteration_bounds = array<i64: 25>, scalar_prefetch = 0 : i64, scratch_operands = 0 : i64, tpu.core_type = #tpu.core_type<tc>, window_params = [{transform_indices = @transform_0, window_bounds = array<i64: 2, 400, 128>}, {transform_indices = @transform_1, window_bounds = array<i64: 400, 1>}, {transform_indices = @transform_2, window_bounds = array<i64: 400, 1>}, {pipeline_mode = #tpu.pipeline_mode<synchronous>, transform_indices = @transform_3, window_bounds = array<i64: 1, 128>}, {pipeline_mode = #tpu.pipeline_mode<synchronous>, transform_indices = @transform_4, window_bounds = array<i64: 1, 128>}, {pipeline_mode = #tpu.pipeline_mode<synchronous>, transform_indices = @transform_5, window_bounds = array<i64: 128, 128>}, {pipeline_mode = #tpu.pipeline_mode<synchronous>, transform_indices = @transform_6, window_bounds = array<i64: 128, 128>}, {transform_indices = @transform_7, window_bounds = array<i64: 2, 400, 128>}]} {
    %get3A = arith.constant 0 : index
    %get3A_0 = arith.constant 0 : index
    %get3A_1 = vector.load %arg2[%get3A, %get3A_0] : memref<400x1xf32, #tpu.memory_space<vmem>>, vector<400x1xf32>
    %get3A_2 = arith.constant 0 : index
    %get3A_3 = arith.constant 0 : index
    %get3A_4 = arith.constant 0 : index
    %get3A_5 = vector.load %arg1[%get3A_2, %get3A_3, %get3A_4] : memref<2x400x128xf32, #tpu.memory_space<vmem>>, vector<1x400x128xf32>
    %get3A_6 = vector.shape_cast %get3A_5 : vector<1x400x128xf32> to vector<400x128xf32>
    %mul3A = vector.broadcast %get3A_1 : vector<400x1xf32> to vector<400x128xf32>
    %mul3A_7 = arith.mulf %mul3A, %get3A_6 : vector<400x128xf32>
    %get3A_8 = arith.constant 0 : index
    %get3A_9 = arith.constant 0 : index
    %get3A_10 = vector.load %arg4[%get3A_8, %get3A_9] : memref<1x128xf32, #tpu.memory_space<vmem>>, vector<1x128xf32>
    %add3A = vector.broadcast %get3A_10 : vector<1x128xf32> to vector<400x128xf32>
    %add3A_11 = arith.addf %mul3A_7, %add3A : vector<400x128xf32>
    %get3A_12 = arith.constant 0 : index
    %get3A_13 = arith.constant 0 : index
    %get3A_14 = vector.load %arg3[%get3A_12, %get3A_13] : memref<400x1xf32, #tpu.memory_space<vmem>>, vector<400x1xf32>
    %get3A_15 = arith.constant 1 : index
    %get3A_16 = arith.constant 0 : index
    %get3A_17 = arith.constant 0 : index
    %get3A_18 = vector.load %arg1[%get3A_15, %get3A_16, %get3A_17] : memref<2x400x128xf32, #tpu.memory_space<vmem>>, vector<1x400x128xf32>
    %get3A_19 = vector.shape_cast %get3A_18 : vector<1x400x128xf32> to vector<400x128xf32>
    %mul3A_20 = vector.broadcast %get3A_14 : vector<400x1xf32> to vector<400x128xf32>
    %mul3A_21 = arith.mulf %mul3A_20, %get3A_19 : vector<400x128xf32>
    %add3A_22 = arith.addf %add3A_11, %mul3A_21 : vector<400x128xf32>
    %get3A_23 = arith.constant 0 : index
    %get3A_24 = arith.constant 0 : index
    %get3A_25 = vector.load %arg5[%get3A_23, %get3A_24] : memref<1x128xf32, #tpu.memory_space<vmem>>, vector<1x128xf32>
    %add3A_26 = vector.broadcast %get3A_25 : vector<1x128xf32> to vector<400x128xf32>
    %add3A_27 = arith.addf %add3A_22, %add3A_26 : vector<400x128xf32>
    %max3A = arith.constant 0.000000e+00 : f32
    %max3A_28 = vector.broadcast %max3A : f32 to vector<400x128xf32>
    %max3A_29 = arith.maximumf %add3A_27, %max3A_28 : vector<400x128xf32>
    %get3A_30 = arith.constant 0 : index
    %get3A_31 = arith.constant 0 : index
    %get3A_32 = vector.load %arg6[%get3A_30, %get3A_31] : memref<128x128xf32, #tpu.memory_space<vmem>>, vector<128x128xf32>
    %dot_general3A = arith.constant dense<0.000000e+00> : vector<400x128xf32>
    %dot_general3A_33 = tpu.matmul %max3A_29, %get3A_32, %dot_general3A {dimension_numbers = #tpu.dot_dimension_numbers<[1], [0], [0], [1], [0, 0, 1, 1], [], []>, transpose_lhs_hint = false} : vector<400x128xf32>, vector<128x128xf32>, vector<400x128xf32> -> vector<400x128xf32>
    %get3A_34 = arith.constant 0 : index
    %get3A_35 = arith.constant 0 : index
    %get3A_36 = vector.load %arg2[%get3A_34, %get3A_35] : memref<400x1xf32, #tpu.memory_space<vmem>>, vector<400x1xf32>
    %mul3A_37 = vector.broadcast %get3A_36 : vector<400x1xf32> to vector<400x128xf32>
    %mul3A_38 = arith.mulf %dot_general3A_33, %mul3A_37 : vector<400x128xf32>
    %get3A_39 = arith.constant 0 : index
    %get3A_40 = arith.constant 0 : index
    %get3A_41 = vector.load %arg7[%get3A_39, %get3A_40] : memref<128x128xf32, #tpu.memory_space<vmem>>, vector<128x128xf32>
    %dot_general3A_42 = arith.constant dense<0.000000e+00> : vector<400x128xf32>
    %dot_general3A_43 = tpu.matmul %max3A_29, %get3A_41, %dot_general3A_42 {dimension_numbers = #tpu.dot_dimension_numbers<[1], [0], [0], [1], [0, 0, 1, 1], [], []>, transpose_lhs_hint = false} : vector<400x128xf32>, vector<128x128xf32>, vector<400x128xf32> -> vector<400x128xf32>
    %get3A_44 = arith.constant 0 : index
    %get3A_45 = arith.constant 0 : index
    %get3A_46 = vector.load %arg3[%get3A_44, %get3A_45] : memref<400x1xf32, #tpu.memory_space<vmem>>, vector<400x1xf32>
    %mul3A_47 = vector.broadcast %get3A_46 : vector<400x1xf32> to vector<400x128xf32>
    %mul3A_48 = arith.mulf %dot_general3A_43, %mul3A_47 : vector<400x128xf32>
    %stack3A = vector.shape_cast %mul3A_38 : vector<400x128xf32> to vector<1x400x128xf32>
    %stack3A_49 = vector.shape_cast %mul3A_48 : vector<400x128xf32> to vector<1x400x128xf32>
    %stack3A_50 = tpu.concatenate %stack3A, %stack3A_49 in 0 : vector<1x400x128xf32>, vector<1x400x128xf32> -> vector<2x400x128xf32>
    %swap3A = arith.constant 0 : index
    %swap3A_51 = arith.constant 0 : index
    %swap3A_52 = arith.constant 0 : index
    %swap3A_53 = vector.load %arg8[%swap3A, %swap3A_51, %swap3A_52] : memref<2x400x128xf32, #tpu.memory_space<vmem>>, vector<2x400x128xf32>
    tpu.vector_store %arg8[%swap3A, %swap3A_51, %swap3A_52], %stack3A_50 {strides = array<i32>} : memref<2x400x128xf32, #tpu.memory_space<vmem>>, vector<2x400x128xf32>,
    return
  }
  func.func @transform_0(%arg0: i32) -> (i32, i32, i32) {
    %c0_i32 = arith.constant 0 : i32
    %c0_i32_0 = arith.constant 0 : i32
    %c0_i32_1 = arith.constant 0 : i32
    return %c0_i32, %arg0, %c0_i32_0 : i32, i32, i32
  }
  func.func @transform_1(%arg0: i32) -> (i32, i32) {
    %c0_i32 = arith.constant 0 : i32
    %c0_i32_0 = arith.constant 0 : i32
    return %arg0, %c0_i32 : i32, i32
  }
  func.func @transform_2(%arg0: i32) -> (i32, i32) {
    %c0_i32 = arith.constant 0 : i32
    %c0_i32_0 = arith.constant 0 : i32
    return %arg0, %c0_i32 : i32, i32
  }
  func.func @transform_3(%arg0: i32) -> (i32, i32) {
    %c0_i32 = arith.constant 0 : i32
    %c0_i32_0 = arith.constant 0 : i32
    %c0_i32_1 = arith.constant 0 : i32
    return %c0_i32, %c0_i32_0 : i32, i32
  }
  func.func @transform_4(%arg0: i32) -> (i32, i32) {
    %c0_i32 = arith.constant 0 : i32
    %c0_i32_0 = arith.constant 0 : i32
    %c0_i32_1 = arith.constant 0 : i32
    return %c0_i32, %c0_i32_0 : i32, i32
  }
  func.func @transform_5(%arg0: i32) -> (i32, i32) {
    %c0_i32 = arith.constant 0 : i32
    %c0_i32_0 = arith.constant 0 : i32
    %c0_i32_1 = arith.constant 0 : i32
    return %c0_i32, %c0_i32_0 : i32, i32
  }
  func.func @transform_6(%arg0: i32) -> (i32, i32) {
    %c0_i32 = arith.constant 0 : i32
    %c0_i32_0 = arith.constant 0 : i32
    %c0_i32_1 = arith.constant 0 : i32
    return %c0_i32, %c0_i32_0 : i32, i32
  }
  func.func @transform_7(%arg0: i32) -> (i32, i32, i32) {
    %c0_i32 = arith.constant 0 : i32
    %c0_i32_0 = arith.constant 0 : i32
    %c0_i32_1 = arith.constant 0 : i32
    return %c0_i32, %arg0, %c0_i32_0 : i32, i32, i32
  }
}

module attributes {stable_mosaic.version = 14 : i64} {
  func.func @_tc_out_body(%arg0: i32, %arg1: memref<2x400x128xf32, #tpu.memory_space<vmem>>, %arg2: memref<400x1xf32, #tpu.memory_space<vmem>>, %arg3: memref<400x1xf32, #tpu.memory_space<vmem>>, %arg4: memref<1x128xf32, #tpu.memory_space<vmem>>, %arg5: memref<1x128xf32, #tpu.memory_space<vmem>>, %arg6: memref<400x128xf32, #tpu.memory_space<vmem>>) attributes {dimension_semantics = [#tpu.dimension_semantics<arbitrary>], iteration_bounds = array<i64: 25>, scalar_prefetch = 0 : i64, scratch_operands = 0 : i64, tpu.core_type = #tpu.core_type<tc>, window_params = [{transform_indices = @transform_0, window_bounds = array<i64: 2, 400, 128>}, {transform_indices = @transform_1, window_bounds = array<i64: 400, 1>}, {transform_indices = @transform_2, window_bounds = array<i64: 400, 1>}, {pipeline_mode = #tpu.pipeline_mode<synchronous>, transform_indices = @transform_3, window_bounds = array<i64: 1, 128>}, {pipeline_mode = #tpu.pipeline_mode<synchronous>, transform_indices = @transform_4, window_bounds = array<i64: 1, 128>}, {transform_indices = @transform_5, window_bounds = array<i64: 400, 128>}]} {
    %get3A = arith.constant 0 : index
    %get3A_0 = arith.constant 0 : index
    %get3A_1 = vector.load %arg2[%get3A, %get3A_0] : memref<400x1xf32, #tpu.memory_space<vmem>>, vector<400x1xf32>
    %get3A_2 = arith.constant 0 : index
    %get3A_3 = arith.constant 0 : index
    %get3A_4 = arith.constant 0 : index
    %get3A_5 = vector.load %arg1[%get3A_2, %get3A_3, %get3A_4] : memref<2x400x128xf32, #tpu.memory_space<vmem>>, vector<1x400x128xf32>
    %get3A_6 = vector.shape_cast %get3A_5 : vector<1x400x128xf32> to vector<400x128xf32>
    %mul3A = vector.broadcast %get3A_1 : vector<400x1xf32> to vector<400x128xf32>
    %mul3A_7 = arith.mulf %mul3A, %get3A_6 : vector<400x128xf32>
    %get3A_8 = arith.constant 0 : index
    %get3A_9 = arith.constant 0 : index
    %get3A_10 = vector.load %arg4[%get3A_8, %get3A_9] : memref<1x128xf32, #tpu.memory_space<vmem>>, vector<1x128xf32>
    %add3A = vector.broadcast %get3A_10 : vector<1x128xf32> to vector<400x128xf32>
    %add3A_11 = arith.addf %mul3A_7, %add3A : vector<400x128xf32>
    %get3A_12 = arith.constant 0 : index
    %get3A_13 = arith.constant 0 : index
    %get3A_14 = vector.load %arg3[%get3A_12, %get3A_13] : memref<400x1xf32, #tpu.memory_space<vmem>>, vector<400x1xf32>
    %get3A_15 = arith.constant 1 : index
    %get3A_16 = arith.constant 0 : index
    %get3A_17 = arith.constant 0 : index
    %get3A_18 = vector.load %arg1[%get3A_15, %get3A_16, %get3A_17] : memref<2x400x128xf32, #tpu.memory_space<vmem>>, vector<1x400x128xf32>
    %get3A_19 = vector.shape_cast %get3A_18 : vector<1x400x128xf32> to vector<400x128xf32>
    %mul3A_20 = vector.broadcast %get3A_14 : vector<400x1xf32> to vector<400x128xf32>
    %mul3A_21 = arith.mulf %mul3A_20, %get3A_19 : vector<400x128xf32>
    %add3A_22 = arith.addf %add3A_11, %mul3A_21 : vector<400x128xf32>
    %get3A_23 = arith.constant 0 : index
    %get3A_24 = arith.constant 0 : index
    %get3A_25 = vector.load %arg5[%get3A_23, %get3A_24] : memref<1x128xf32, #tpu.memory_space<vmem>>, vector<1x128xf32>
    %add3A_26 = vector.broadcast %get3A_25 : vector<1x128xf32> to vector<400x128xf32>
    %add3A_27 = arith.addf %add3A_22, %add3A_26 : vector<400x128xf32>
    %max3A = arith.constant 0.000000e+00 : f32
    %max3A_28 = vector.broadcast %max3A : f32 to vector<400x128xf32>
    %max3A_29 = arith.maximumf %add3A_27, %max3A_28 : vector<400x128xf32>
    %swap3A = arith.constant 0 : index
    %swap3A_30 = arith.constant 0 : index
    %swap3A_31 = vector.load %arg6[%swap3A, %swap3A_30] : memref<400x128xf32, #tpu.memory_space<vmem>>, vector<400x128xf32>
    tpu.vector_store %arg6[%swap3A, %swap3A_30], %max3A_29 {strides = array<i32>} : memref<400x128xf32, #tpu.memory_space<vmem>>, vector<400x128xf32>,
    return
  }
  func.func @transform_0(%arg0: i32) -> (i32, i32, i32) {
    %c0_i32 = arith.constant 0 : i32
    %c0_i32_0 = arith.constant 0 : i32
    %c0_i32_1 = arith.constant 0 : i32
    return %c0_i32, %arg0, %c0_i32_0 : i32, i32, i32
  }
  func.func @transform_1(%arg0: i32) -> (i32, i32) {
    %c0_i32 = arith.constant 0 : i32
    %c0_i32_0 = arith.constant 0 : i32
    return %arg0, %c0_i32 : i32, i32
  }
  func.func @transform_2(%arg0: i32) -> (i32, i32) {
    %c0_i32 = arith.constant 0 : i32
    %c0_i32_0 = arith.constant 0 : i32
    return %arg0, %c0_i32 : i32, i32
  }
  func.func @transform_3(%arg0: i32) -> (i32, i32) {
    %c0_i32 = arith.constant 0 : i32
    %c0_i32_0 = arith.constant 0 : i32
    %c0_i32_1 = arith.constant 0 : i32
    return %c0_i32, %c0_i32_0 : i32, i32
  }
  func.func @transform_4(%arg0: i32) -> (i32, i32) {
    %c0_i32 = arith.constant 0 : i32
    %c0_i32_0 = arith.constant 0 : i32
    %c0_i32_1 = arith.constant 0 : i32
    return %c0_i32, %c0_i32_0 : i32, i32
  }
  func.func @transform_5(%arg0: i32) -> (i32, i32) {
    %c0_i32 = arith.constant 0 : i32
    %c0_i32_0 = arith.constant 0 : i32
    return %arg0, %c0_i32 : i32, i32
  }
}

</mosaic_0001>

<sc_bundles>
// kernel: kernel.12.cloned.1.call-start
scs
__scs_entry_jumppad:
0x0: {  	(pc) =	sbr.rel $0x88, $3  }
0x1: {  	(tag) =	ssettag $0x0;
	lr =	simm.s32 $0x1  }
0x2: {  	[smem:$0x3F8C] =	sst lr;
	_ =	strace $0xD0000000  }
0x3: {  	_ = 	snop  }
0x4: {  	_ = 	snop  }
0x5: {  	_ = 	snop  }
0x6: {  	_ = 	snop  }
0x7: {  	_ = 	snop  }
__scs_overlays_trampoline_lowered:
0x8: {  	[smem:$0x3F9B] =	sst s0  }
0x9: {  	[smem:$0x3F9C] =	sst s1  }
0xa: {  	[smem:$0x3F9D] =	sst s2  }
0xb: {  	[smem:$0x3F9E] =	sst s3  }
0xc: {  	[smem:$0x3F9F] =	sst s4  }
0xd: {  	[smem:$0x3FA0] =	sst s5  }
0xe: {  	[smem:$0x3FA1] =	sst s6  }
0xf: {  	[smem:$0x3FA2] =	sst s7  }
0x10: {  	[smem:$0x3FA3] =	sst s8  }
0x11: {  	[smem:$0x3FA4] =	sst s9;
	s0 =	simm.s32 @!p0 $0x0  }
0x12: {  	s1 =	sld [smem:$0x3F8A];
	s0 =	simm.s32 @p0 $0x1  }
0x13: {  	[smem:$0x3FA5] =	sst s0;
	s0 =	simm.s32 @!p1 $0x0  }
0x14: {  	s2 =	sld [smem:$0x3F89];
	s0 =	simm.s32 @p1 $0x1  }
0x15: {  	[smem:$0x3FA6] =	sst s0;
	s0 =	simm.s32 @!p2 $0x0  }
0x16: {  	s3 =	sld [smem:$0x3FDB];
	s0 =	simm.s32 @p2 $0x1  }
0x17: {  	s4 =	simm.s32 $0x1BF5;
	[smem:$0x3FA8] =	sst s0  }
0x18: {  	s0 =	sld [smem:$0x3F8B];
	_ =	swait.ge [sflag:s4], $0x0  }
0x19: {  	s7 =	sld [smem:$0x3F8C]  }
0x1a: {  	s8 =	sadd.s32 $0xFFFFE003, lr  }
0x1b: {  	s9 =	sadd.s32 $0xFFFFFEF7, lr;
	s5 =	simm.s32 $0xFFFFFFFF;
	p2 =	slt.u32 s8, $0xFFFFF086  }
0x1c: {  	p1 =	slt.u32 s9, $0xF7A;
	s5 =	simm.s32 @!p2 $0x0  }
0x1d: {  	s5 =	simm.s32 @p1 $0x1;
	p0 =	seq.s32 s7, s2  }
0x1e: {  	s7 =	smul.u32 @!p0 $0xF7A, s2;
	p2 =	seq.s32 @!p0 s5, $0x0  }
0x1f: {  	s9 =	smul.u32 $0xF7A, s1;
	s8 =	simm.s32 @!p0 $0x1BF5;
	p2 =	por !p2, p0  }
0x20: {  	[sflag:s8] =	ssyncset.s32 @!p0 $0xFFFFF086;
	s6 =	sadd.s32 @!p0 s3, s7;
	s7 =	simm.s32 @!p0 $0x108  }
0x21: {  	s3 =	sadd.s32 s3, s9;
	s6 =	sadd.s32 @!p0 $0x88, s6;
	s7 =	simm.s32 @p2 $0x1082  }
0x22: {  	[simem:s7], [sflag:s8] =	dma.local @!p0 [hbm:s6], $0xF7A  }
0x23: {  	s9 =	sor.u32 $0xD0000000, s2;
	s6 =	simm.s32 $0x108;
	_ =	swait.ge @!p0 [sflag:s8], $0x0  }
0x24: {  	s3 =	sadd.s32 $0x88, s3;
	s6 =	simm.s32 @!p1 $0x1082;
	[sflag:s4] =	ssyncset.s32 $0xFFFFF086  }
0x25: {  	[simem:s6], [sflag:s4] =	dma.local [hbm:s3], $0xF7A  }
0x26: {  	[smem:$0x3F8C] =	sst s1;
	(tag) =	ssettag s2;
	_ =	strace s9  }
0x27: {  	s1 =	sld [smem:$0x3F9C]  }
0x28: {  	s2 =	sld [smem:$0x3F9D]  }
0x29: {  	s4 =	sld [smem:$0x3F9F]  }
0x2a: {  	p0 =	seq.s32 s5, $0x0;
	s5 =	sld [smem:$0x3FA0]  }
0x2b: {  	s6 =	sld [smem:$0x3FA1]  }
0x2c: {  	s7 =	sld [smem:$0x3FA2]  }
0x2d: {  	s3 =	simm.s32 $0x108;
	s8 =	sld [smem:$0x3FA3]  }
0x2e: {  	s3 =	simm.s32 @!p0 $0x1082;
	s9 =	sld [smem:$0x3FA4]  }
0x2f: {  	lr =	sadd.s32 s0, s3;
	s0 =	sld [smem:$0x3F9B]  }
0x30: {  	s3 =	sld [smem:$0x3F9E]  }
0x31: {  	[smem:$0x3FA7] =	sst s10  }
0x32: {  	s10 =	sld [smem:$0x3FA5];
	_ =	sdelay $0x3  }
0x33: {  	p0 =	seq.s32 s10, $0x1;
	s10 =	sld [smem:$0x3FA7];
	_ =	sdelay $0x3  }
0x34: {  	[smem:$0x3FA7] =	sst s10  }
0x35: {  	s10 =	sld [smem:$0x3FA6];
	_ =	sdelay $0x3  }
0x36: {  	p1 =	seq.s32 s10, $0x1;
	s10 =	sld [smem:$0x3FA7];
	_ =	sdelay $0x3  }
0x37: {  	[smem:$0x3FA7] =	sst s10  }
0x38: {  	s10 =	sld [smem:$0x3FA8]  }
0x39: {  	_ = 	snop;
	(pc) =	sbr.ind lr, $3  }
0x3a: {  	_ = 	snop  }
0x3b: {  	_ = 	snop  }
0x3c: {  	p2 =	seq.s32 s10, $0x1;
	s10 =	sld [smem:$0x3FA7]  }
0x3d: {  	_ =	shalt  }
0x3e: {  	_ =	shalt  }
0x3f: {  	_ =	shalt  }
0x40: {  	_ =	shalt  }
0x41: {  	_ =	shalt  }
0x42: {  	_ =	shalt  }
0x43: {  	_ =	shalt  }
0x44: {  	_ =	shalt  }
0x45: {  	_ =	shalt  }
0x46: {  	_ =	shalt  }
0x47: {  	_ =	shalt  }
0x48: {  	_ =	shalt  }
0x49: {  	_ =	shalt  }
0x4a: {  	_ =	shalt  }
0x4b: {  	_ =	shalt  }
0x4c: {  	_ =	shalt  }
0x4d: {  	_ =	shalt  }
0x4e: {  	_ =	shalt  }
0x4f: {  	_ =	shalt  }
0x50: {  	_ =	shalt  }
0x51: {  	_ =	shalt  }
0x52: {  	_ =	shalt  }
0x53: {  	_ =	shalt  }
0x54: {  	_ =	shalt  }
0x55: {  	_ =	shalt  }
0x56: {  	_ =	shalt  }
0x57: {  	_ =	shalt  }
0x58: {  	_ =	shalt  }
0x59: {  	_ =	shalt  }
0x5a: {  	_ =	shalt  }
0x5b: {  	_ =	shalt  }
0x5c: {  	_ =	shalt  }
0x5d: {  	_ =	shalt  }
0x5e: {  	_ =	shalt  }
0x5f: {  	_ =	shalt  }
0x60: {  	_ =	shalt  }
0x61: {  	_ =	shalt  }
0x62: {  	_ =	shalt  }
0x63: {  	_ =	shalt  }
0x64: {  	_ =	shalt  }
0x65: {  	_ =	shalt  }
0x66: {  	_ =	shalt  }
0x67: {  	_ =	shalt  }
0x68: {  	_ =	shalt  }
0x69: {  	_ =	shalt  }
0x6a: {  	_ =	shalt  }
0x6b: {  	_ =	shalt  }
0x6c: {  	_ =	shalt  }
0x6d: {  	_ =	shalt  }
0x6e: {  	_ =	shalt  }
0x6f: {  	_ =	shalt  }
0x70: {  	_ =	shalt  }
0x71: {  	_ =	shalt  }
0x72: {  	_ =	shalt  }
0x73: {  	_ =	shalt  }
0x74: {  	_ =	shalt  }
0x75: {  	_ =	shalt  }
0x76: {  	_ =	shalt  }
0x77: {  	_ =	shalt  }
0x78: {  	_ =	shalt  }
0x79: {  	_ =	shalt  }
0x7a: {  	_ =	shalt  }
0x7b: {  	_ =	shalt  }
0x7c: {  	_ =	shalt  }
0x7d: {  	_ =	shalt  }
0x7e: {  	_ =	shalt  }
0x7f: {  	_ =	shalt  }
0x80: {  	_ =	shalt  }
0x81: {  	_ =	shalt  }
0x82: {  	_ =	shalt  }
0x83: {  	_ =	shalt  }
0x84: {  	_ =	shalt  }
0x85: {  	_ =	shalt  }
0x86: {  	_ =	shalt  }
0x87: {  	_ =	shalt  }
.Lfunc_end0:
.L_simem_size_0:
called_computation.1_lowered:
.L_overlay_start_0:
0x88: {  	s2 =	sld [smem:$0x3FD9]  }
0x89: {  	s3 =	sld [smem:$0x3FFE];
	_ =	sdelay $0x1  }
0x8a: {  	s1 =	srdreg.scid  }
0x8b: {  	s0 =	sand.u32 $0x1, s1  }
0x8c: {  	s17 =	sshll.u32 s0, $0xA;
	s2 =	sadd.s32 s3, s2  }
0x8d: {  	s2 =	sadd.s32 s2, s17  }
0x8e: {  	[smem:$0x3FB3] =	sst s2  }
0x8f: {  	_ = 	snop  }
0x90: {  	s2 =	sld [smem:$0x3FD0];
	(tm) =	ssettm $0x1  }
0x91: {  	s18 =	sld [smem:$0x3FFB];
	_ =	sdelay $0x3  }
0x92: {  	_ =	strace s18  }
0x93: {  	s3 =	sld [smem:$0x3FFC];
	_ =	sdelay $0x3  }
0x94: {  	_ =	strace s3  }
0x95: {  	s3 =	sld [smem:$0x3FFD];
	_ =	sdelay $0x3  }
0x96: {  	_ =	strace s3  }
0x97: {  	_ =	strace $0x8FFFFFFF  }
0x98: {  	s19 =	sld [smem:$0x3FDB];
	_ =	sdelay $0x1  }
0x99: {  	s4 =	simm.s32 $_scs_section_size  }
0x9a: {  	s5 =	simm.s32 $_size__tile_overlayer_lowered;
	s6 =	simm.s32 $_tile_overlayer_lowered  }
0x9b: {  	s22 =	simm.s32 $0x1BFF;
	s21 =	sshll.u32 s6, $0x1;
	s3 =	sadd.s32 s4, s19  }
0x9c: {  	s7 =	simm.s32 $0x0;
	s20 =	sshll.u32 s5, $0x1;
	s5 =	sadd.s32 s21, s3  }
0x9d: {  	[timem:s7], [sflag:s22] =	dma.local [hbm:s5], s20  }
0x9e: {  	_ =	swait.ge [sflag:s22], s20  }
0x9f: {  	s4 =	ssub.s32 $0x0, s20;
	[sflag:s22] =	ssyncset.done $0x0  }
0xa0: {  	[sflag:s22] =	ssyncadd.s32 s4;
	_ =	sdelay $0x1  }
0xa1: {  	s23 =	simm.s32 $0x1B8B  }
0xa2: {  	_ =	swait.ge [sflag:s23], $0x1  }
0xa3: {  	[sflag:s23] =	ssyncset.done $0x0  }
0xa4: {  	s25 =	simm.s32 $0x1B8E;
	s24 =	sld [smem:$0x3FFE];
	[sflag:s23] =	ssyncadd.s32 $0xFFFFFFFF  }
0xa5: {  	s26 =	simm.s32 $execute0_lowered;
	[smem:$0x3FD2] =	sst s25  }
0xa6: {  	s5 =	sshll.u32 s26, $0x1;
	_ =	strace $0x80000049;
	[dreg:$0x1] =	wrdreg $0xFFFFFFFF  }
0xa7: {  	s28 =	simm.s32 $_size_execute0_lowered;
	s3 =	sadd.s32 s3, s5;
	[dreg:$0x0] =	wrdreg $0x0  }
0xa8: {  	s5 =	sshll.u32 s28, $0x1;
	[dreg:$0x2] =	wrdreg s3  }
0xa9: {  	[dreg:$0x3] =	wrdreg s5  }
0xaa: {  	[dreg:$0x4] =	wrdreg $0xC0  }
0xab: {  	_ =	task [dreg:s7], $0x5FFFF  }
0xac: {  	[dreg:$0x1] =	wrdreg $0xFFFFFFFF  }
0xad: {  	[dreg:$0x0] =	wrdreg $0x60  }
0xae: {  	[dreg:$0x2] =	wrdreg s24  }
0xaf: {  	[dreg:$0x3] =	wrdreg s2  }
0xb0: {  	[dreg:$0x4] =	wrdreg $0xAC000  }
0xb1: {  	[dreg:$0x5] =	wrdreg $0x9  }
0xb2: {  	_ =	task.clear_ibuf [dreg:s7], $0x6FFFF;
	_ =	strace $0x90000049  }
0xb3: {  	s29 =	simm.s32 $0x9;
	_ =	strace $0x8000004B  }
0xb4: {  	_ =	swait.ge [sflag:s29], $0x1  }
0xb5: {  	[sflag:s29] =	ssyncadd.s32 $0xFFFFFFFF  }
0xb6: {  	_ =	strace $0x9000004B  }
0xb7: {  	_ =	sfence  }
0xb8: {  	s30 =	sld [smem:$0x0];
	_ =	sdelay $0x2  }
0xb9: {  	s31 =	sshll.u32 s1, $0xD;
	s1 =	sshrl.u32 s1, $0x2  }
0xba: {  	s3 =	sand.u32 $0x4000, s31;
	s1 =	sadd.s32 s1, s30  }
0xbb: {  	s0 =	sor.u32 s3, s0;
	s1 =	sshll.u32 s1, $0x11  }
0xbc: {  	s0 =	sor.u32 s1, s0  }
0xbd: {  	s0 =	sadd.s32 $0x8F2B, s0  }
0xbe: {  	[sflag:s0] =	ssyncadd.remote.s32 $0x1  }
0xbf: {  	_ =	sfence.sel $0xFFFF  }
0xc0: {  	[dreg:$0x0] =	wrdreg $0xFFFFFFFF;
	(pc) =	sbr.abs _section_cstart, $3  }
0xc1: {  	[dreg:$0x1] =	wrdreg $0xFFFFFFFF  }
0xc2: {  	_ =	task.clear_ibuf [dreg:s7], $0x2FFFF;
	_ =	strace $0x9FFFFFFF  }
0xc3: {  	(tm) =	ssettm $0x7FFFFFFF  }
tec
execute0_lowered:
.L_overlay_start_1:
0x0: {  	(tag) =	ssettag $0x1  }
0x1: {  	s5 =	rddreg [dreg:$0x0];
	s1 =	stileid.u32  }
0x2: {  	s8 =	rddreg [dreg:$0x1];
	s7 =	smul.u32 $0x2800, s1  }
0x3: {  	s0 =	srdreg.scid;
	s9 =	smul.u32 $0x4E000, s1  }
0x4: {  	s2 =	rddreg [dreg:$0x2];
	s12 =	smul.u32 $0x2700, s1  }
0x5: {  	s3 =	simm.s32 $0x0;
	s19 =	simm.s32 $0x80;
	s26 =	smul.u32 $0x3000, s1  }
0x6: {  	s6 =	sand.u32 $0x1, s0;
	s0 =	rddreg [dreg:$0x3];
	s29 =	smul.u32 $0x13800, s1  }
0x7: {  	[smem:$0x7FF] =	sst s3;
	s13 =	sadd.s32 $0xC800, s5;
	s4 =	smul.u32 $0x28000, s6  }
0x8: {  	s17 =	sadd.s32 $0x138000, s2;
	p0 =	sne.s32 s1, $0xF;
	s10 =	smul.u32 $0x27100, s6  }
0x9: {  	s25 =	sshll.u32 s1, $0x6;
	_ =	strace $0x8000004A;
	s14 =	smul.u32 $0x138800, s6  }
0xa: {  	s20 =	ssub.s32 $0x2, s6;
	s23 =	smul.u32 $0x30000, s6;
	s6 =	sor.u32 $0x1C03, s25  }
0xb: {  	s17 =	sshrl.u32 @!p0 s17, $0x3;
	s21 =	sshrl.u32 s20, $0x1;
	s22 =	sshrl.u32 s9, $0x2  }
0xc: {  	s7 =	sadd.s32 s7, s4;
	s4 =	sadd.s32 $0x5D200, s5;
	s15 =	ssub.s32 s20, s21  }
0xd: {  	s24 =	sadd.s32 s12, s10;
	s16 =	sadd.s32 s22, s2;
	s28 =	sshrl.u32 s14, $0x3  }
0xe: {  	s31 =	sadd.s32 s29, s14;
	s20 =	simm.s32 $0x2C00;
	s21 =	simm.s32 $0x6C00  }
0xf: {  	s22 =	simm.s32 $0x1;
	s7 =	sshrl.u32 s7, $0x3;
	s18 =	sadd.s32 $0x27000, s28  }
0x10: {  	s12 =	sshrl.u32 s31, $0x3;
	s14 =	smax.u32 s15, $0x1;
	s15 =	sshrl.u32 s16, $0x3  }
0x11: {  	s16 =	simm.s32 $0x3;
	s11 =	sadd.s32 s7, s5;
	s5 =	sadd.s32 s4, s24  }
0x12: {  	s7 =	sadd.s32 s26, s23;
	s12 =	sadd.s32 s13, s12;
	s13 =	sadd.s32 s13, s18  }
0x13: {  	s23 =	simm.s32 $0x2;
	s24 =	simm.s32 $0x0;
	s30 =	sshrl.u32 s7, $0x3  }
0x14: {  	s7 =	sadd.s32 s4, s18;
	s9 =	sadd.s32 $0x2800, s11;
	s8 =	sadd.s32 s8, s30  }
0x15: {  	s11 =	sadd.s32 $0x2A80, s11;
	s18 =	simm.s32 $0x1800;
	s10 =	sadd.s32 $0x300, s8  }
.LBB2_1:
0x16: {  	[spmem:s15], [sflag:s6] =	dma.local [hbm:s5], $0x2700  }
0x17: {  	_ =	swait.ge [sflag:s16], $0x2700  }
0x18: {  	[sflag:s16] =	ssyncset.done $0x0  }
0x19: {  	s25 =	simm.s32 @!p0 $0x3;
	[sflag:s16] =	ssyncadd.s32 $0xFFFFD900  }
0x1a: {  	[spmem:s17], [sflag:s6] =	dma.local @!p0 [hbm:s7], $0x100  }
0x1b: {  	_ =	swait.ge @!p0 [sflag:s25], $0x100  }
0x1c: {  	[sflag:s25] =	ssyncset.done @!p0 $0x0  }
0x1d: {  	[sflag:s25] =	ssyncadd.s32 @!p0 $0xFFFFFF00  }
0x1e: {  	[bflag:$0x0] =	sbarrier.arrive $0xFFFF  }
0x1f: {  	[tilespmem:s3], [sflag:$0x3] =	stream.linear.gather [hbm4b:s8+s3], $0x1480, $0x38;
	[tilespmem:$0x1E4C0] =	vst v63  }
0x20: {  	_ =	swait.ge [sflag:s16], $0x1480  }
0x21: {  	[sflag:s16] =	ssyncset.done $0x0  }
0x22: {  	[sflag:s16] =	ssyncadd.s32 $0xFFFFEB80  }
0x23: {  	[tilespmem:s18], [sflag:$0x3] =	stream.linear.gather [hbm4b:s9+s3], $0x1400, $0x38;
	[tilespmem:$0x1E4C0] =	vst v63  }
0x24: {  	_ =	swait.ge [sflag:s16], $0x1400  }
0x25: {  	[sflag:s16] =	ssyncset.done $0x0  }
0x26: {  	s26 =	simm.s32 $0x0;
	[sflag:s16] =	ssyncadd.s32 $0xFFFFEC00  }
0x27: {  	[tilespmem:s20], [sflag:$0x1] =	stream.indirect.gather [hbm4b:s4+s19], $0x80, s26, s19, $0xb8;
	[tilespmem:$0x1E4C0] =	vst v63  }
0x28: {  	s28 =	simm.s32 $0x80  }
0x29: {  	[tilespmem:s21], [sflag:$0x2] =	stream.indirect.gather [hbm4b:s4+s19], $0x80, s28, s19, $0xb8;
	[tilespmem:$0x1E4C0] =	vst v63  }
0x2a: {  	_ =	swait.ge [sflag:s22], $0x4000  }
0x2b: {  	[sflag:s22] =	ssyncset.done $0x0  }
0x2c: {  	s30 =	simm.s32 $0x1800;
	[sflag:s22] =	ssyncadd.s32 $0xFFFFC000  }
0x2d: {  	[spmem:s2] =	stream.indirect.scatter.add.f32 [tilespmem:s20], [sflag:$0x3], $0x80, s30, s19, $0xb8;
	[tilespmem:$0x1E4C0] =	vst v63  }
0x2e: {  	_ =	swait.ge [sflag:s16], $0x4000  }
0x2f: {  	[sflag:s16] =	ssyncset.done $0x0  }
0x30: {  	s31 =	simm.s32 $0x100;
	[sflag:s16] =	ssyncadd.s32 $0xFFFFC000  }
0x31: {  	[tilespmem:s20], [sflag:$0x1] =	stream.indirect.gather [hbm4b:s4+s19], $0x80, s31, s19, $0xb8;
	[tilespmem:$0x1E4C0] =	vst v63  }
0x32: {  	_ =	swait.ge [sflag:s23], $0x4000  }
0x33: {  	[sflag:s23] =	ssyncset.done $0x0  }
0x34: {  	s26 =	simm.s32 $0x1880;
	[sflag:s23] =	ssyncadd.s32 $0xFFFFC000  }
0x35: {  	[spmem:s2] =	stream.indirect.scatter.add.f32 [tilespmem:s21], [sflag:$0x3], $0x80, s26, s19, $0xb8;
	[tilespmem:$0x1E4C0] =	vst v63  }
0x36: {  	_ =	swait.ge [sflag:s16], $0x4000  }
0x37: {  	[sflag:s16] =	ssyncset.done $0x0  }
0x38: {  	s28 =	simm.s32 $0x180;
	[sflag:s16] =	ssyncadd.s32 $0xFFFFC000  }
0x39: {  	[tilespmem:s21], [sflag:$0x2] =	stream.indirect.gather [hbm4b:s4+s19], $0x80, s28, s19, $0xb8;
	[tilespmem:$0x1E4C0] =	vst v63  }
0x3a: {  	_ =	swait.ge [sflag:s22], $0x4000  }
0x3b: {  	[sflag:s22] =	ssyncset.done $0x0  }
0x3c: {  	s30 =	simm.s32 $0x1900;
	[sflag:s22] =	ssyncadd.s32 $0xFFFFC000  }
0x3d: {  	[spmem:s2] =	stream.indirect.scatter.add.f32 [tilespmem:s20], [sflag:$0x3], $0x80, s30, s19, $0xb8;
	[tilespmem:$0x1E4C0] =	vst v63  }
0x3e: {  	_ =	swait.ge [sflag:s16], $0x4000  }
0x3f: {  	[sflag:s16] =	ssyncset.done $0x0  }
0x40: {  	s31 =	simm.s32 $0x200;
	[sflag:s16] =	ssyncadd.s32 $0xFFFFC000  }
0x41: {  	[tilespmem:s20], [sflag:$0x1] =	stream.indirect.gather [hbm4b:s4+s19], $0x80, s31, s19, $0xb8;
	[tilespmem:$0x1E4C0] =	vst v63  }
0x42: {  	_ =	swait.ge [sflag:s23], $0x4000  }
0x43: {  	[sflag:s23] =	ssyncset.done $0x0  }
0x44: {  	s26 =	simm.s32 $0x1980;
	[sflag:s23] =	ssyncadd.s32 $0xFFFFC000  }
0x45: {  	[spmem:s2] =	stream.indirect.scatter.add.f32 [tilespmem:s21], [sflag:$0x3], $0x80, s26, s19, $0xb8;
	[tilespmem:$0x1E4C0] =	vst v63  }
0x46: {  	_ =	swait.ge [sflag:s16], $0x4000  }
0x47: {  	[sflag:s16] =	ssyncset.done $0x0  }
0x48: {  	s28 =	simm.s32 $0x280;
	[sflag:s16] =	ssyncadd.s32 $0xFFFFC000  }
0x49: {  	[tilespmem:s21], [sflag:$0x2] =	stream.indirect.gather [hbm4b:s4+s19], $0x80, s28, s19, $0xb8;
	[tilespmem:$0x1E4C0] =	vst v63  }
0x4a: {  	_ =	swait.ge [sflag:s22], $0x4000  }
0x4b: {  	[sflag:s22] =	ssyncset.done $0x0  }
0x4c: {  	s30 =	simm.s32 $0x1A00;
	[sflag:s22] =	ssyncadd.s32 $0xFFFFC000  }
0x4d: {  	[spmem:s2] =	stream.indirect.scatter.add.f32 [tilespmem:s20], [sflag:$0x3], $0x80, s30, s19, $0xb8;
	[tilespmem:$0x1E4C0] =	vst v63  }
0x4e: {  	_ =	swait.ge [sflag:s16], $0x4000  }
0x4f: {  	[sflag:s16] =	ssyncset.done $0x0  }
0x50: {  	s31 =	simm.s32 $0x300;
	[sflag:s16] =	ssyncadd.s32 $0xFFFFC000  }
0x51: {  	[tilespmem:s20], [sflag:$0x1] =	stream.indirect.gather [hbm4b:s4+s19], $0x80, s31, s19, $0xb8;
	[tilespmem:$0x1E4C0] =	vst v63  }
0x52: {  	_ =	swait.ge [sflag:s23], $0x4000  }
0x53: {  	[sflag:s23] =	ssyncset.done $0x0  }
0x54: {  	s26 =	simm.s32 $0x1A80;
	[sflag:s23] =	ssyncadd.s32 $0xFFFFC000  }
0x55: {  	[spmem:s2] =	stream.indirect.scatter.add.f32 [tilespmem:s21], [sflag:$0x3], $0x80, s26, s19, $0xb8;
	[tilespmem:$0x1E4C0] =	vst v63  }
0x56: {  	_ =	swait.ge [sflag:s16], $0x4000  }
0x57: {  	[sflag:s16] =	ssyncset.done $0x0  }
0x58: {  	s28 =	simm.s32 $0x380;
	[sflag:s16] =	ssyncadd.s32 $0xFFFFC000  }
0x59: {  	[tilespmem:s21], [sflag:$0x2] =	stream.indirect.gather [hbm4b:s4+s19], $0x80, s28, s19, $0xb8;
	[tilespmem:$0x1E4C0] =	vst v63  }
0x5a: {  	_ =	swait.ge [sflag:s22], $0x4000  }
0x5b: {  	[sflag:s22] =	ssyncset.done $0x0  }
0x5c: {  	s30 =	simm.s32 $0x1B00;
	[sflag:s22] =	ssyncadd.s32 $0xFFFFC000  }
0x5d: {  	[spmem:s2] =	stream.indirect.scatter.add.f32 [tilespmem:s20], [sflag:$0x3], $0x80, s30, s19, $0xb8;
	[tilespmem:$0x1E4C0] =	vst v63  }
0x5e: {  	_ =	swait.ge [sflag:s16], $0x4000  }
0x5f: {  	[sflag:s16] =	ssyncset.done $0x0  }
0x60: {  	s31 =	simm.s32 $0x400;
	[sflag:s16] =	ssyncadd.s32 $0xFFFFC000  }
0x61: {  	[tilespmem:s20], [sflag:$0x1] =	stream.indirect.gather [hbm4b:s4+s19], $0x80, s31, s19, $0xb8;
	[tilespmem:$0x1E4C0] =	vst v63  }
0x62: {  	_ =	swait.ge [sflag:s23], $0x4000  }
0x63: {  	[sflag:s23] =	ssyncset.done $0x0  }
0x64: {  	s26 =	simm.s32 $0x1B80;
	[sflag:s23] =	ssyncadd.s32 $0xFFFFC000  }
0x65: {  	[spmem:s2] =	stream.indirect.scatter.add.f32 [tilespmem:s21], [sflag:$0x3], $0x80, s26, s19, $0xb8;
	[tilespmem:$0x1E4C0] =	vst v63  }
0x66: {  	_ =	swait.ge [sflag:s16], $0x4000  }
0x67: {  	[sflag:s16] =	ssyncset.done $0x0  }
0x68: {  	s28 =	simm.s32 $0x480;
	[sflag:s16] =	ssyncadd.s32 $0xFFFFC000  }
0x69: {  	[tilespmem:s21], [sflag:$0x2] =	stream.indirect.gather [hbm4b:s4+s19], $0x80, s28, s19, $0xb8;
	[tilespmem:$0x1E4C0] =	vst v63  }
0x6a: {  	_ =	swait.ge [sflag:s22], $0x4000  }
0x6b: {  	[sflag:s22] =	ssyncset.done $0x0  }
0x6c: {  	s30 =	simm.s32 $0x1C00;
	[sflag:s22] =	ssyncadd.s32 $0xFFFFC000  }
0x6d: {  	[spmem:s2] =	stream.indirect.scatter.add.f32 [tilespmem:s20], [sflag:$0x3], $0x80, s30, s19, $0xb8;
	[tilespmem:$0x1E4C0] =	vst v63  }
0x6e: {  	_ =	swait.ge [sflag:s16], $0x4000  }
0x6f: {  	[sflag:s16] =	ssyncset.done $0x0  }
0x70: {  	[sflag:s16] =	ssyncadd.s32 $0xFFFFC000  }
0x71: {  	_ =	swait.ge [sflag:s23], $0x4000  }
0x72: {  	[sflag:s23] =	ssyncset.done $0x0  }
0x73: {  	s31 =	simm.s32 $0x1C80;
	[sflag:s23] =	ssyncadd.s32 $0xFFFFC000  }
0x74: {  	[spmem:s2] =	stream.indirect.scatter.add.f32 [tilespmem:s21], [sflag:$0x3], $0x80, s31, s19, $0xb8;
	[tilespmem:$0x1E4C0] =	vst v63  }
0x75: {  	_ =	swait.ge [sflag:s16], $0x4000  }
0x76: {  	s29 =	simm.s32 $0x2800;
	s25 =	simm.s32 $0x1400;
	[sflag:s16] =	ssyncset.done $0x0  }
.LBB2_2:
0x77: {  	s28 =	sshra.s32 s25, $0x2  }
0x78: {  	[sflag:s16] =	ssyncadd.s32 $0xFFFFC000;
	s25 =	smov.u32 s29;
	s26 =	sadd.s32 $0x1400, s29  }
0x79: {  	[tilespmem:s20], [sflag:$0x1] =	stream.indirect.gather [hbm4b:s4+s19], $0x80, s28, s19, $0xb8;
	[tilespmem:$0x1E4C0] =	vst v63  }
0x7a: {  	p1 =	sne.s32 s29, $0x3C00;
	s29 =	sadd.s32 $0x80, s28  }
0x7b: {  	[tilespmem:s21], [sflag:$0x2] =	stream.indirect.gather [hbm4b:s4+s19], $0x80, s29, s19, $0xb8;
	[tilespmem:$0x1E4C0] =	vst v63  }
0x7c: {  	_ =	swait.ge [sflag:s22], $0x4000  }
0x7d: {  	[sflag:s22] =	ssyncset.done $0x0  }
0x7e: {  	s29 =	sadd.s32 $0x1800, s28;
	[sflag:s22] =	ssyncadd.s32 $0xFFFFC000  }
0x7f: {  	[spmem:s2] =	stream.indirect.scatter.add.f32 [tilespmem:s20], [sflag:$0x3], $0x80, s29, s19, $0xb8;
	[tilespmem:$0x1E4C0] =	vst v63  }
0x80: {  	_ =	swait.ge [sflag:s16], $0x4000  }
0x81: {  	[sflag:s16] =	ssyncset.done $0x0  }
0x82: {  	s29 =	sadd.s32 $0x100, s28;
	[sflag:s16] =	ssyncadd.s32 $0xFFFFC000  }
0x83: {  	[tilespmem:s20], [sflag:$0x1] =	stream.indirect.gather [hbm4b:s4+s19], $0x80, s29, s19, $0xb8;
	[tilespmem:$0x1E4C0] =	vst v63  }
0x84: {  	_ =	swait.ge [sflag:s23], $0x4000  }
0x85: {  	[sflag:s23] =	ssyncset.done $0x0  }
0x86: {  	s29 =	sadd.s32 $0x1880, s28;
	[sflag:s23] =	ssyncadd.s32 $0xFFFFC000  }
0x87: {  	[spmem:s2] =	stream.indirect.scatter.add.f32 [tilespmem:s21], [sflag:$0x3], $0x80, s29, s19, $0xb8;
	[tilespmem:$0x1E4C0] =	vst v63  }
0x88: {  	_ =	swait.ge [sflag:s16], $0x4000  }
0x89: {  	[sflag:s16] =	ssyncset.done $0x0  }
0x8a: {  	s29 =	sadd.s32 $0x180, s28;
	[sflag:s16] =	ssyncadd.s32 $0xFFFFC000  }
0x8b: {  	[tilespmem:s21], [sflag:$0x2] =	stream.indirect.gather [hbm4b:s4+s19], $0x80, s29, s19, $0xb8;
	[tilespmem:$0x1E4C0] =	vst v63  }
0x8c: {  	_ =	swait.ge [sflag:s22], $0x4000  }
0x8d: {  	[sflag:s22] =	ssyncset.done $0x0  }
0x8e: {  	s29 =	sadd.s32 $0x1900, s28;
	[sflag:s22] =	ssyncadd.s32 $0xFFFFC000  }
0x8f: {  	[spmem:s2] =	stream.indirect.scatter.add.f32 [tilespmem:s20], [sflag:$0x3], $0x80, s29, s19, $0xb8;
	[tilespmem:$0x1E4C0] =	vst v63  }
0x90: {  	_ =	swait.ge [sflag:s16], $0x4000  }
0x91: {  	[sflag:s16] =	ssyncset.done $0x0  }
0x92: {  	s29 =	sadd.s32 $0x200, s28;
	[sflag:s16] =	ssyncadd.s32 $0xFFFFC000  }
0x93: {  	[tilespmem:s20], [sflag:$0x1] =	stream.indirect.gather [hbm4b:s4+s19], $0x80, s29, s19, $0xb8;
	[tilespmem:$0x1E4C0] =	vst v63  }
0x94: {  	_ =	swait.ge [sflag:s23], $0x4000  }
0x95: {  	[sflag:s23] =	ssyncset.done $0x0  }
0x96: {  	s29 =	sadd.s32 $0x1980, s28;
	[sflag:s23] =	ssyncadd.s32 $0xFFFFC000  }
0x97: {  	[spmem:s2] =	stream.indirect.scatter.add.f32 [tilespmem:s21], [sflag:$0x3], $0x80, s29, s19, $0xb8;
	[tilespmem:$0x1E4C0] =	vst v63  }
0x98: {  	_ =	swait.ge [sflag:s16], $0x4000  }
0x99: {  	[sflag:s16] =	ssyncset.done $0x0  }
0x9a: {  	s29 =	sadd.s32 $0x280, s28;
	[sflag:s16] =	ssyncadd.s32 $0xFFFFC000  }
0x9b: {  	[tilespmem:s21], [sflag:$0x2] =	stream.indirect.gather [hbm4b:s4+s19], $0x80, s29, s19, $0xb8;
	[tilespmem:$0x1E4C0] =	vst v63  }
0x9c: {  	_ =	swait.ge [sflag:s22], $0x4000  }
0x9d: {  	[sflag:s22] =	ssyncset.done $0x0  }
0x9e: {  	s29 =	sadd.s32 $0x1A00, s28;
	[sflag:s22] =	ssyncadd.s32 $0xFFFFC000  }
0x9f: {  	[spmem:s2] =	stream.indirect.scatter.add.f32 [tilespmem:s20], [sflag:$0x3], $0x80, s29, s19, $0xb8;
	[tilespmem:$0x1E4C0] =	vst v63  }
0xa0: {  	_ =	swait.ge [sflag:s16], $0x4000  }
0xa1: {  	[sflag:s16] =	ssyncset.done $0x0  }
0xa2: {  	s29 =	sadd.s32 $0x300, s28;
	[sflag:s16] =	ssyncadd.s32 $0xFFFFC000  }
0xa3: {  	[tilespmem:s20], [sflag:$0x1] =	stream.indirect.gather [hbm4b:s4+s19], $0x80, s29, s19, $0xb8;
	[tilespmem:$0x1E4C0] =	vst v63  }
0xa4: {  	_ =	swait.ge [sflag:s23], $0x4000  }
0xa5: {  	[sflag:s23] =	ssyncset.done $0x0  }
0xa6: {  	s29 =	sadd.s32 $0x1A80, s28;
	[sflag:s23] =	ssyncadd.s32 $0xFFFFC000  }
0xa7: {  	[spmem:s2] =	stream.indirect.scatter.add.f32 [tilespmem:s21], [sflag:$0x3], $0x80, s29, s19, $0xb8;
	[tilespmem:$0x1E4C0] =	vst v63  }
0xa8: {  	_ =	swait.ge [sflag:s16], $0x4000  }
0xa9: {  	[sflag:s16] =	ssyncset.done $0x0  }
0xaa: {  	s29 =	sadd.s32 $0x380, s28;
	[sflag:s16] =	ssyncadd.s32 $0xFFFFC000  }
0xab: {  	[tilespmem:s21], [sflag:$0x2] =	stream.indirect.gather [hbm4b:s4+s19], $0x80, s29, s19, $0xb8;
	[tilespmem:$0x1E4C0] =	vst v63  }
0xac: {  	_ =	swait.ge [sflag:s22], $0x4000  }
0xad: {  	[sflag:s22] =	ssyncset.done $0x0  }
0xae: {  	s29 =	sadd.s32 $0x1B00, s28;
	[sflag:s22] =	ssyncadd.s32 $0xFFFFC000  }
0xaf: {  	[spmem:s2] =	stream.indirect.scatter.add.f32 [tilespmem:s20], [sflag:$0x3], $0x80, s29, s19, $0xb8;
	[tilespmem:$0x1E4C0] =	vst v63  }
0xb0: {  	_ =	swait.ge [sflag:s16], $0x4000  }
0xb1: {  	[sflag:s16] =	ssyncset.done $0x0  }
0xb2: {  	s29 =	sadd.s32 $0x400, s28;
	[sflag:s16] =	ssyncadd.s32 $0xFFFFC000  }
0xb3: {  	[tilespmem:s20], [sflag:$0x1] =	stream.indirect.gather [hbm4b:s4+s19], $0x80, s29, s19, $0xb8;
	[tilespmem:$0x1E4C0] =	vst v63  }
0xb4: {  	_ =	swait.ge [sflag:s23], $0x4000  }
0xb5: {  	[sflag:s23] =	ssyncset.done $0x0  }
0xb6: {  	s29 =	sadd.s32 $0x1B80, s28;
	[sflag:s23] =	ssyncadd.s32 $0xFFFFC000  }
0xb7: {  	[spmem:s2] =	stream.indirect.scatter.add.f32 [tilespmem:s21], [sflag:$0x3], $0x80, s29, s19, $0xb8;
	[tilespmem:$0x1E4C0] =	vst v63  }
0xb8: {  	_ =	swait.ge [sflag:s16], $0x4000  }
0xb9: {  	[sflag:s16] =	ssyncset.done $0x0  }
0xba: {  	s29 =	sadd.s32 $0x480, s28;
	[sflag:s16] =	ssyncadd.s32 $0xFFFFC000  }
0xbb: {  	[tilespmem:s21], [sflag:$0x2] =	stream.indirect.gather [hbm4b:s4+s19], $0x80, s29, s19, $0xb8;
	[tilespmem:$0x1E4C0] =	vst v63  }
0xbc: {  	_ =	swait.ge [sflag:s22], $0x4000  }
0xbd: {  	[sflag:s22] =	ssyncset.done $0x0  }
0xbe: {  	s29 =	sadd.s32 $0x1C00, s28;
	[sflag:s22] =	ssyncadd.s32 $0xFFFFC000  }
0xbf: {  	[spmem:s2] =	stream.indirect.scatter.add.f32 [tilespmem:s20], [sflag:$0x3], $0x80, s29, s19, $0xb8;
	[tilespmem:$0x1E4C0] =	vst v63  }
0xc0: {  	_ =	swait.ge [sflag:s16], $0x4000  }
0xc1: {  	[sflag:s16] =	ssyncset.done $0x0  }
0xc2: {  	[sflag:s16] =	ssyncadd.s32 $0xFFFFC000  }
0xc3: {  	_ =	swait.ge [sflag:s23], $0x4000  }
.Ltmp0:
0xc4: {  	[sflag:s23] =	ssyncset.done $0x0;
	(pc) =	sbr.rel @p1 .LBB2_2-.Ltmp0, $4  }
0xc5: {  	s28 =	sadd.s32 $0x1C80, s28;
	[sflag:s23] =	ssyncadd.s32 $0xFFFFC000  }
0xc6: {  	[spmem:s2] =	stream.indirect.scatter.add.f32 [tilespmem:s21], [sflag:$0x3], $0x80, s28, s19, $0xb8;
	[tilespmem:$0x1E4C0] =	vst v63  }
0xc7: {  	_ =	swait.ge [sflag:s16], $0x4000  }
0xc8: {  	s29 =	smov.u32 s26;
	[sflag:s16] =	ssyncset.done $0x0  }
0xc9: {  	s25 =	sshra.s32 s25, $0x2;
	[sflag:s16] =	ssyncadd.s32 $0xFFFFC000  }
0xca: {  	[tilespmem:s20], [sflag:$0x1] =	stream.indirect.gather [hbm4b:s4+s19], $0x80, s25, s19, $0xb8;
	[tilespmem:$0x1E4C0] =	vst v63  }
0xcb: {  	s26 =	sadd.s32 $0x80, s25  }
0xcc: {  	[tilespmem:s21], [sflag:$0x2] =	stream.indirect.gather [hbm4b:s4+s19], $0x80, s26, s19, $0xb8;
	[tilespmem:$0x1E4C0] =	vst v63  }
0xcd: {  	_ =	swait.ge [sflag:s22], $0x4000  }
0xce: {  	[sflag:s22] =	ssyncset.done $0x0  }
0xcf: {  	s28 =	sadd.s32 $0x1800, s25;
	[sflag:s22] =	ssyncadd.s32 $0xFFFFC000  }
0xd0: {  	[spmem:s2] =	stream.indirect.scatter.add.f32 [tilespmem:s20], [sflag:$0x3], $0x80, s28, s19, $0xb8;
	[tilespmem:$0x1E4C0] =	vst v63  }
0xd1: {  	_ =	swait.ge [sflag:s16], $0x4000  }
0xd2: {  	[sflag:s16] =	ssyncset.done $0x0  }
0xd3: {  	s30 =	sadd.s32 $0x100, s25;
	[sflag:s16] =	ssyncadd.s32 $0xFFFFC000  }
0xd4: {  	[tilespmem:s20], [sflag:$0x1] =	stream.indirect.gather [hbm4b:s4+s19], $0x80, s30, s19, $0xb8;
	[tilespmem:$0x1E4C0] =	vst v63  }
0xd5: {  	_ =	swait.ge [sflag:s23], $0x4000  }
0xd6: {  	[sflag:s23] =	ssyncset.done $0x0  }
0xd7: {  	s31 =	sadd.s32 $0x1880, s25;
	[sflag:s23] =	ssyncadd.s32 $0xFFFFC000  }
0xd8: {  	[spmem:s2] =	stream.indirect.scatter.add.f32 [tilespmem:s21], [sflag:$0x3], $0x80, s31, s19, $0xb8;
	[tilespmem:$0x1E4C0] =	vst v63  }
0xd9: {  	_ =	swait.ge [sflag:s16], $0x4000  }
0xda: {  	[sflag:s16] =	ssyncset.done $0x0  }
0xdb: {  	s28 =	sadd.s32 $0x180, s25;
	[sflag:s16] =	ssyncadd.s32 $0xFFFFC000  }
0xdc: {  	[tilespmem:s21], [sflag:$0x2] =	stream.indirect.gather [hbm4b:s4+s19], $0x80, s28, s19, $0xb8;
	[tilespmem:$0x1E4C0] =	vst v63  }
0xdd: {  	_ =	swait.ge [sflag:s22], $0x4000  }
0xde: {  	[sflag:s22] =	ssyncset.done $0x0  }
0xdf: {  	s30 =	sadd.s32 $0x1900, s25;
	[sflag:s22] =	ssyncadd.s32 $0xFFFFC000  }
0xe0: {  	[spmem:s2] =	stream.indirect.scatter.add.f32 [tilespmem:s20], [sflag:$0x3], $0x80, s30, s19, $0xb8;
	[tilespmem:$0x1E4C0] =	vst v63  }
0xe1: {  	_ =	swait.ge [sflag:s16], $0x4000  }
0xe2: {  	[sflag:s16] =	ssyncset.done $0x0  }
0xe3: {  	s31 =	sadd.s32 $0x200, s25;
	[sflag:s16] =	ssyncadd.s32 $0xFFFFC000  }
0xe4: {  	[tilespmem:s20], [sflag:$0x1] =	stream.indirect.gather [hbm4b:s4+s19], $0x80, s31, s19, $0xb8;
	[tilespmem:$0x1E4C0] =	vst v63  }
0xe5: {  	_ =	swait.ge [sflag:s23], $0x4000  }
0xe6: {  	[sflag:s23] =	ssyncset.done $0x0  }
0xe7: {  	s28 =	sadd.s32 $0x1980, s25;
	[sflag:s23] =	ssyncadd.s32 $0xFFFFC000  }
0xe8: {  	[spmem:s2] =	stream.indirect.scatter.add.f32 [tilespmem:s21], [sflag:$0x3], $0x80, s28, s19, $0xb8;
	[tilespmem:$0x1E4C0] =	vst v63  }
0xe9: {  	_ =	swait.ge [sflag:s16], $0x4000  }
0xea: {  	[sflag:s16] =	ssyncset.done $0x0  }
0xeb: {  	s30 =	sadd.s32 $0x280, s25;
	[sflag:s16] =	ssyncadd.s32 $0xFFFFC000  }
0xec: {  	[tilespmem:s21], [sflag:$0x2] =	stream.indirect.gather [hbm4b:s4+s19], $0x80, s30, s19, $0xb8;
	[tilespmem:$0x1E4C0] =	vst v63  }
0xed: {  	_ =	swait.ge [sflag:s22], $0x4000  }
0xee: {  	[sflag:s22] =	ssyncset.done $0x0  }
0xef: {  	s31 =	sadd.s32 $0x1A00, s25;
	[sflag:s22] =	ssyncadd.s32 $0xFFFFC000  }
0xf0: {  	[spmem:s2] =	stream.indirect.scatter.add.f32 [tilespmem:s20], [sflag:$0x3], $0x80, s31, s19, $0xb8;
	[tilespmem:$0x1E4C0] =	vst v63  }
0xf1: {  	_ =	swait.ge [sflag:s16], $0x4000  }
0xf2: {  	[sflag:s16] =	ssyncset.done $0x0  }
0xf3: {  	s28 =	sadd.s32 $0x300, s25;
	[sflag:s16] =	ssyncadd.s32 $0xFFFFC000  }
0xf4: {  	[tilespmem:s20], [sflag:$0x1] =	stream.indirect.gather [hbm4b:s4+s19], $0x80, s28, s19, $0xb8;
	[tilespmem:$0x1E4C0] =	vst v63  }
0xf5: {  	_ =	swait.ge [sflag:s23], $0x4000  }
0xf6: {  	[sflag:s23] =	ssyncset.done $0x0  }
0xf7: {  	s30 =	sadd.s32 $0x1A80, s25;
	[sflag:s23] =	ssyncadd.s32 $0xFFFFC000  }
0xf8: {  	[spmem:s2] =	stream.indirect.scatter.add.f32 [tilespmem:s21], [sflag:$0x3], $0x80, s30, s19, $0xb8;
	[tilespmem:$0x1E4C0] =	vst v63  }
0xf9: {  	_ =	swait.ge [sflag:s16], $0x4000  }
0xfa: {  	[sflag:s16] =	ssyncset.done $0x0  }
0xfb: {  	s31 =	sadd.s32 $0x380, s25;
	[sflag:s16] =	ssyncadd.s32 $0xFFFFC000  }
0xfc: {  	[tilespmem:s21], [sflag:$0x2] =	stream.indirect.gather [hbm4b:s4+s19], $0x80, s31, s19, $0xb8;
	[tilespmem:$0x1E4C0] =	vst v63  }
0xfd: {  	_ =	swait.ge [sflag:s22], $0x4000  }
0xfe: {  	[sflag:s22] =	ssyncset.done $0x0  }
0xff: {  	s28 =	sadd.s32 $0x1B00, s25;
	[sflag:s22] =	ssyncadd.s32 $0xFFFFC000  }
0x100: {  	[spmem:s2] =	stream.indirect.scatter.add.f32 [tilespmem:s20], [sflag:$0x3], $0x80, s28, s19, $0xb8;
	[tilespmem:$0x1E4C0] =	vst v63  }
0x101: {  	_ =	swait.ge [sflag:s16], $0x4000  }
0x102: {  	[sflag:s16] =	ssyncset.done $0x0  }
0x103: {  	s30 =	sadd.s32 $0x400, s25;
	[sflag:s16] =	ssyncadd.s32 $0xFFFFC000  }
0x104: {  	[tilespmem:s20], [sflag:$0x1] =	stream.indirect.gather [hbm4b:s4+s19], $0x80, s30, s19, $0xb8;
	[tilespmem:$0x1E4C0] =	vst v63  }
0x105: {  	_ =	swait.ge [sflag:s23], $0x4000  }
0x106: {  	[sflag:s23] =	ssyncset.done $0x0  }
0x107: {  	s31 =	sadd.s32 $0x1B80, s25;
	[sflag:s23] =	ssyncadd.s32 $0xFFFFC000  }
0x108: {  	[spmem:s2] =	stream.indirect.scatter.add.f32 [tilespmem:s21], [sflag:$0x3], $0x80, s31, s19, $0xb8;
	[tilespmem:$0x1E4C0] =	vst v63  }
0x109: {  	_ =	swait.ge [sflag:s16], $0x4000  }
0x10a: {  	[sflag:s16] =	ssyncset.done $0x0  }
0x10b: {  	s28 =	sadd.s32 $0x480, s25;
	[sflag:s16] =	ssyncadd.s32 $0xFFFFC000  }
0x10c: {  	[tilespmem:s21], [sflag:$0x2] =	stream.indirect.gather [hbm4b:s4+s19], $0x80, s28, s19, $0xb8;
	[tilespmem:$0x1E4C0] =	vst v63  }
0x10d: {  	_ =	swait.ge [sflag:s22], $0x4000  }
0x10e: {  	[sflag:s22] =	ssyncset.done $0x0  }
0x10f: {  	s30 =	sadd.s32 $0x1C00, s25;
	[sflag:s22] =	ssyncadd.s32 $0xFFFFC000  }
0x110: {  	[spmem:s2] =	stream.indirect.scatter.add.f32 [tilespmem:s20], [sflag:$0x3], $0x80, s30, s19, $0xb8;
	[tilespmem:$0x1E4C0] =	vst v63  }
0x111: {  	_ =	swait.ge [sflag:s16], $0x4000  }
0x112: {  	[sflag:s16] =	ssyncset.done $0x0  }
0x113: {  	[sflag:s16] =	ssyncadd.s32 $0xFFFFC000  }
0x114: {  	_ =	swait.ge [sflag:s23], $0x4000  }
0x115: {  	[sflag:s23] =	ssyncset.done $0x0  }
0x116: {  	s25 =	sadd.s32 $0x1C80, s25;
	[sflag:s23] =	ssyncadd.s32 $0xFFFFC000  }
0x117: {  	[spmem:s2] =	stream.indirect.scatter.add.f32 [tilespmem:s21], [sflag:$0x3], $0x80, s25, s19, $0xb8;
	[tilespmem:$0x1E4C0] =	vst v63  }
0x118: {  	_ =	swait.ge [sflag:s16], $0x4000  }
0x119: {  	[sflag:s16] =	ssyncset.done $0x0  }
0x11a: {  	s31 =	simm.s32 $0x0;
	[sflag:s16] =	ssyncadd.s32 $0xFFFFC000  }
0x11b: {  	[tilespmem:s31], [sflag:$0x3] =	stream.linear.gather [hbm4b:s10+s31], $0x1480, $0x38;
	[tilespmem:$0x1E4C0] =	vst v63  }
0x11c: {  	_ =	swait.ge [sflag:s16], $0x1480  }
0x11d: {  	[sflag:s16] =	ssyncset.done $0x0  }
0x11e: {  	[sflag:s16] =	ssyncadd.s32 $0xFFFFEB80  }
0x11f: {  	[tilespmem:s18], [sflag:$0x3] =	stream.linear.gather [hbm4b:s11+s31], $0x1400, $0x38;
	[tilespmem:$0x1E4C0] =	vst v63  }
0x120: {  	_ =	swait.ge [sflag:s16], $0x1400  }
0x121: {  	[sflag:s16] =	ssyncset.done $0x0  }
0x122: {  	s26 =	simm.s32 $0x0;
	[sflag:s16] =	ssyncadd.s32 $0xFFFFEC00  }
0x123: {  	[tilespmem:s20], [sflag:$0x1] =	stream.indirect.gather [hbm4b:s4+s19], $0x80, s26, s19, $0xb8;
	[tilespmem:$0x1E4C0] =	vst v63  }
0x124: {  	s28 =	simm.s32 $0x80  }
0x125: {  	[tilespmem:s21], [sflag:$0x2] =	stream.indirect.gather [hbm4b:s4+s19], $0x80, s28, s19, $0xb8;
	[tilespmem:$0x1E4C0] =	vst v63  }
0x126: {  	_ =	swait.ge [sflag:s22], $0x4000  }
0x127: {  	[sflag:s22] =	ssyncset.done $0x0  }
0x128: {  	s30 =	simm.s32 $0x1800;
	[sflag:s22] =	ssyncadd.s32 $0xFFFFC000  }
0x129: {  	[spmem:s2] =	stream.indirect.scatter.add.f32 [tilespmem:s20], [sflag:$0x3], $0x80, s30, s19, $0xb8;
	[tilespmem:$0x1E4C0] =	vst v63  }
0x12a: {  	_ =	swait.ge [sflag:s16], $0x4000  }
0x12b: {  	[sflag:s16] =	ssyncset.done $0x0  }
0x12c: {  	s31 =	simm.s32 $0x100;
	[sflag:s16] =	ssyncadd.s32 $0xFFFFC000  }
0x12d: {  	[tilespmem:s20], [sflag:$0x1] =	stream.indirect.gather [hbm4b:s4+s19], $0x80, s31, s19, $0xb8;
	[tilespmem:$0x1E4C0] =	vst v63  }
0x12e: {  	_ =	swait.ge [sflag:s23], $0x4000  }
0x12f: {  	[sflag:s23] =	ssyncset.done $0x0  }
0x130: {  	s26 =	simm.s32 $0x1880;
	[sflag:s23] =	ssyncadd.s32 $0xFFFFC000  }
0x131: {  	[spmem:s2] =	stream.indirect.scatter.add.f32 [tilespmem:s21], [sflag:$0x3], $0x80, s26, s19, $0xb8;
	[tilespmem:$0x1E4C0] =	vst v63  }
0x132: {  	_ =	swait.ge [sflag:s16], $0x4000  }
0x133: {  	[sflag:s16] =	ssyncset.done $0x0  }
0x134: {  	s28 =	simm.s32 $0x180;
	[sflag:s16] =	ssyncadd.s32 $0xFFFFC000  }
0x135: {  	[tilespmem:s21], [sflag:$0x2] =	stream.indirect.gather [hbm4b:s4+s19], $0x80, s28, s19, $0xb8;
	[tilespmem:$0x1E4C0] =	vst v63  }
0x136: {  	_ =	swait.ge [sflag:s22], $0x4000  }
0x137: {  	[sflag:s22] =	ssyncset.done $0x0  }
0x138: {  	s30 =	simm.s32 $0x1900;
	[sflag:s22] =	ssyncadd.s32 $0xFFFFC000  }
0x139: {  	[spmem:s2] =	stream.indirect.scatter.add.f32 [tilespmem:s20], [sflag:$0x3], $0x80, s30, s19, $0xb8;
	[tilespmem:$0x1E4C0] =	vst v63  }
0x13a: {  	_ =	swait.ge [sflag:s16], $0x4000  }
0x13b: {  	[sflag:s16] =	ssyncset.done $0x0  }
0x13c: {  	s31 =	simm.s32 $0x200;
	[sflag:s16] =	ssyncadd.s32 $0xFFFFC000  }
0x13d: {  	[tilespmem:s20], [sflag:$0x1] =	stream.indirect.gather [hbm4b:s4+s19], $0x80, s31, s19, $0xb8;
	[tilespmem:$0x1E4C0] =	vst v63  }
0x13e: {  	_ =	swait.ge [sflag:s23], $0x4000  }
0x13f: {  	[sflag:s23] =	ssyncset.done $0x0  }
0x140: {  	s26 =	simm.s32 $0x1980;
	[sflag:s23] =	ssyncadd.s32 $0xFFFFC000  }
0x141: {  	[spmem:s2] =	stream.indirect.scatter.add.f32 [tilespmem:s21], [sflag:$0x3], $0x80, s26, s19, $0xb8;
	[tilespmem:$0x1E4C0] =	vst v63  }
0x142: {  	_ =	swait.ge [sflag:s16], $0x4000  }
0x143: {  	[sflag:s16] =	ssyncset.done $0x0  }
0x144: {  	s28 =	simm.s32 $0x280;
	[sflag:s16] =	ssyncadd.s32 $0xFFFFC000  }
0x145: {  	[tilespmem:s21], [sflag:$0x2] =	stream.indirect.gather [hbm4b:s4+s19], $0x80, s28, s19, $0xb8;
	[tilespmem:$0x1E4C0] =	vst v63  }
0x146: {  	_ =	swait.ge [sflag:s22], $0x4000  }
0x147: {  	[sflag:s22] =	ssyncset.done $0x0  }
0x148: {  	s30 =	simm.s32 $0x1A00;
	[sflag:s22] =	ssyncadd.s32 $0xFFFFC000  }
0x149: {  	[spmem:s2] =	stream.indirect.scatter.add.f32 [tilespmem:s20], [sflag:$0x3], $0x80, s30, s19, $0xb8;
	[tilespmem:$0x1E4C0] =	vst v63  }
0x14a: {  	_ =	swait.ge [sflag:s16], $0x4000  }
0x14b: {  	[sflag:s16] =	ssyncset.done $0x0  }
0x14c: {  	s31 =	simm.s32 $0x300;
	[sflag:s16] =	ssyncadd.s32 $0xFFFFC000  }
0x14d: {  	[tilespmem:s20], [sflag:$0x1] =	stream.indirect.gather [hbm4b:s4+s19], $0x80, s31, s19, $0xb8;
	[tilespmem:$0x1E4C0] =	vst v63  }
0x14e: {  	_ =	swait.ge [sflag:s23], $0x4000  }
0x14f: {  	[sflag:s23] =	ssyncset.done $0x0  }
0x150: {  	s26 =	simm.s32 $0x1A80;
	[sflag:s23] =	ssyncadd.s32 $0xFFFFC000  }
0x151: {  	[spmem:s2] =	stream.indirect.scatter.add.f32 [tilespmem:s21], [sflag:$0x3], $0x80, s26, s19, $0xb8;
	[tilespmem:$0x1E4C0] =	vst v63  }
0x152: {  	_ =	swait.ge [sflag:s16], $0x4000  }
0x153: {  	[sflag:s16] =	ssyncset.done $0x0  }
0x154: {  	s28 =	simm.s32 $0x380;
	[sflag:s16] =	ssyncadd.s32 $0xFFFFC000  }
0x155: {  	[tilespmem:s21], [sflag:$0x2] =	stream.indirect.gather [hbm4b:s4+s19], $0x80, s28, s19, $0xb8;
	[tilespmem:$0x1E4C0] =	vst v63  }
0x156: {  	_ =	swait.ge [sflag:s22], $0x4000  }
0x157: {  	[sflag:s22] =	ssyncset.done $0x0  }
0x158: {  	s30 =	simm.s32 $0x1B00;
	[sflag:s22] =	ssyncadd.s32 $0xFFFFC000  }
0x159: {  	[spmem:s2] =	stream.indirect.scatter.add.f32 [tilespmem:s20], [sflag:$0x3], $0x80, s30, s19, $0xb8;
	[tilespmem:$0x1E4C0] =	vst v63  }
0x15a: {  	_ =	swait.ge [sflag:s16], $0x4000  }
0x15b: {  	[sflag:s16] =	ssyncset.done $0x0  }
0x15c: {  	s31 =	simm.s32 $0x400;
	[sflag:s16] =	ssyncadd.s32 $0xFFFFC000  }
0x15d: {  	[tilespmem:s20], [sflag:$0x1] =	stream.indirect.gather [hbm4b:s4+s19], $0x80, s31, s19, $0xb8;
	[tilespmem:$0x1E4C0] =	vst v63  }
0x15e: {  	_ =	swait.ge [sflag:s23], $0x4000  }
0x15f: {  	[sflag:s23] =	ssyncset.done $0x0  }
0x160: {  	s26 =	simm.s32 $0x1B80;
	[sflag:s23] =	ssyncadd.s32 $0xFFFFC000  }
0x161: {  	[spmem:s2] =	stream.indirect.scatter.add.f32 [tilespmem:s21], [sflag:$0x3], $0x80, s26, s19, $0xb8;
	[tilespmem:$0x1E4C0] =	vst v63  }
0x162: {  	_ =	swait.ge [sflag:s16], $0x4000  }
0x163: {  	[sflag:s16] =	ssyncset.done $0x0  }
0x164: {  	s28 =	simm.s32 $0x480;
	[sflag:s16] =	ssyncadd.s32 $0xFFFFC000  }
0x165: {  	[tilespmem:s21], [sflag:$0x2] =	stream.indirect.gather [hbm4b:s4+s19], $0x80, s28, s19, $0xb8;
	[tilespmem:$0x1E4C0] =	vst v63  }
0x166: {  	_ =	swait.ge [sflag:s22], $0x4000  }
0x167: {  	[sflag:s22] =	ssyncset.done $0x0  }
0x168: {  	s30 =	simm.s32 $0x1C00;
	[sflag:s22] =	ssyncadd.s32 $0xFFFFC000  }
0x169: {  	[spmem:s2] =	stream.indirect.scatter.add.f32 [tilespmem:s20], [sflag:$0x3], $0x80, s30, s19, $0xb8;
	[tilespmem:$0x1E4C0] =	vst v63  }
0x16a: {  	_ =	swait.ge [sflag:s16], $0x4000  }
0x16b: {  	[sflag:s16] =	ssyncset.done $0x0  }
0x16c: {  	[sflag:s16] =	ssyncadd.s32 $0xFFFFC000  }
0x16d: {  	_ =	swait.ge [sflag:s23], $0x4000  }
0x16e: {  	[sflag:s23] =	ssyncset.done $0x0  }
0x16f: {  	s31 =	simm.s32 $0x1C80;
	[sflag:s23] =	ssyncadd.s32 $0xFFFFC000  }
0x170: {  	[spmem:s2] =	stream.indirect.scatter.add.f32 [tilespmem:s21], [sflag:$0x3], $0x80, s31, s19, $0xb8;
	[tilespmem:$0x1E4C0] =	vst v63  }
0x171: {  	_ =	swait.ge [sflag:s16], $0x4000  }
0x172: {  	s29 =	simm.s32 $0x2800;
	s25 =	simm.s32 $0x1400;
	[sflag:s16] =	ssyncset.done $0x0  }
.LBB2_4:
0x173: {  	s28 =	sshra.s32 s25, $0x2  }
0x174: {  	[sflag:s16] =	ssyncadd.s32 $0xFFFFC000;
	s25 =	smov.u32 s29;
	s26 =	sadd.s32 $0x1400, s29  }
0x175: {  	[tilespmem:s20], [sflag:$0x1] =	stream.indirect.gather [hbm4b:s4+s19], $0x80, s28, s19, $0xb8;
	[tilespmem:$0x1E4C0] =	vst v63  }
0x176: {  	p1 =	sne.s32 s29, $0x3C00;
	s29 =	sadd.s32 $0x80, s28  }
0x177: {  	[tilespmem:s21], [sflag:$0x2] =	stream.indirect.gather [hbm4b:s4+s19], $0x80, s29, s19, $0xb8;
	[tilespmem:$0x1E4C0] =	vst v63  }
0x178: {  	_ =	swait.ge [sflag:s22], $0x4000  }
0x179: {  	[sflag:s22] =	ssyncset.done $0x0  }
0x17a: {  	s29 =	sadd.s32 $0x1800, s28;
	[sflag:s22] =	ssyncadd.s32 $0xFFFFC000  }
0x17b: {  	[spmem:s2] =	stream.indirect.scatter.add.f32 [tilespmem:s20], [sflag:$0x3], $0x80, s29, s19, $0xb8;
	[tilespmem:$0x1E4C0] =	vst v63  }
0x17c: {  	_ =	swait.ge [sflag:s16], $0x4000  }
0x17d: {  	[sflag:s16] =	ssyncset.done $0x0  }
0x17e: {  	s29 =	sadd.s32 $0x100, s28;
	[sflag:s16] =	ssyncadd.s32 $0xFFFFC000  }
0x17f: {  	[tilespmem:s20], [sflag:$0x1] =	stream.indirect.gather [hbm4b:s4+s19], $0x80, s29, s19, $0xb8;
	[tilespmem:$0x1E4C0] =	vst v63  }
0x180: {  	_ =	swait.ge [sflag:s23], $0x4000  }
0x181: {  	[sflag:s23] =	ssyncset.done $0x0  }
0x182: {  	s29 =	sadd.s32 $0x1880, s28;
	[sflag:s23] =	ssyncadd.s32 $0xFFFFC000  }
0x183: {  	[spmem:s2] =	stream.indirect.scatter.add.f32 [tilespmem:s21], [sflag:$0x3], $0x80, s29, s19, $0xb8;
	[tilespmem:$0x1E4C0] =	vst v63  }
0x184: {  	_ =	swait.ge [sflag:s16], $0x4000  }
0x185: {  	[sflag:s16] =	ssyncset.done $0x0  }
0x186: {  	s29 =	sadd.s32 $0x180, s28;
	[sflag:s16] =	ssyncadd.s32 $0xFFFFC000  }
0x187: {  	[tilespmem:s21], [sflag:$0x2] =	stream.indirect.gather [hbm4b:s4+s19], $0x80, s29, s19, $0xb8;
	[tilespmem:$0x1E4C0] =	vst v63  }
0x188: {  	_ =	swait.ge [sflag:s22], $0x4000  }
0x189: {  	[sflag:s22] =	ssyncset.done $0x0  }
0x18a: {  	s29 =	sadd.s32 $0x1900, s28;
	[sflag:s22] =	ssyncadd.s32 $0xFFFFC000  }
0x18b: {  	[spmem:s2] =	stream.indirect.scatter.add.f32 [tilespmem:s20], [sflag:$0x3], $0x80, s29, s19, $0xb8;
	[tilespmem:$0x1E4C0] =	vst v63  }
0x18c: {  	_ =	swait.ge [sflag:s16], $0x4000  }
0x18d: {  	[sflag:s16] =	ssyncset.done $0x0  }
0x18e: {  	s29 =	sadd.s32 $0x200, s28;
	[sflag:s16] =	ssyncadd.s32 $0xFFFFC000  }
0x18f: {  	[tilespmem:s20], [sflag:$0x1] =	stream.indirect.gather [hbm4b:s4+s19], $0x80, s29, s19, $0xb8;
	[tilespmem:$0x1E4C0] =	vst v63  }
0x190: {  	_ =	swait.ge [sflag:s23], $0x4000  }
0x191: {  	[sflag:s23] =	ssyncset.done $0x0  }
0x192: {  	s29 =	sadd.s32 $0x1980, s28;
	[sflag:s23] =	ssyncadd.s32 $0xFFFFC000  }
0x193: {  	[spmem:s2] =	stream.indirect.scatter.add.f32 [tilespmem:s21], [sflag:$0x3], $0x80, s29, s19, $0xb8;
	[tilespmem:$0x1E4C0] =	vst v63  }
0x194: {  	_ =	swait.ge [sflag:s16], $0x4000  }
0x195: {  	[sflag:s16] =	ssyncset.done $0x0  }
0x196: {  	s29 =	sadd.s32 $0x280, s28;
	[sflag:s16] =	ssyncadd.s32 $0xFFFFC000  }
0x197: {  	[tilespmem:s21], [sflag:$0x2] =	stream.indirect.gather [hbm4b:s4+s19], $0x80, s29, s19, $0xb8;
	[tilespmem:$0x1E4C0] =	vst v63  }
0x198: {  	_ =	swait.ge [sflag:s22], $0x4000  }
0x199: {  	[sflag:s22] =	ssyncset.done $0x0  }
0x19a: {  	s29 =	sadd.s32 $0x1A00, s28;
	[sflag:s22] =	ssyncadd.s32 $0xFFFFC000  }
0x19b: {  	[spmem:s2] =	stream.indirect.scatter.add.f32 [tilespmem:s20], [sflag:$0x3], $0x80, s29, s19, $0xb8;
	[tilespmem:$0x1E4C0] =	vst v63  }
0x19c: {  	_ =	swait.ge [sflag:s16], $0x4000  }
0x19d: {  	[sflag:s16] =	ssyncset.done $0x0  }
0x19e: {  	s29 =	sadd.s32 $0x300, s28;
	[sflag:s16] =	ssyncadd.s32 $0xFFFFC000  }
0x19f: {  	[tilespmem:s20], [sflag:$0x1] =	stream.indirect.gather [hbm4b:s4+s19], $0x80, s29, s19, $0xb8;
	[tilespmem:$0x1E4C0] =	vst v63  }
0x1a0: {  	_ =	swait.ge [sflag:s23], $0x4000  }
0x1a1: {  	[sflag:s23] =	ssyncset.done $0x0  }
0x1a2: {  	s29 =	sadd.s32 $0x1A80, s28;
	[sflag:s23] =	ssyncadd.s32 $0xFFFFC000  }
0x1a3: {  	[spmem:s2] =	stream.indirect.scatter.add.f32 [tilespmem:s21], [sflag:$0x3], $0x80, s29, s19, $0xb8;
	[tilespmem:$0x1E4C0] =	vst v63  }
0x1a4: {  	_ =	swait.ge [sflag:s16], $0x4000  }
0x1a5: {  	[sflag:s16] =	ssyncset.done $0x0  }
0x1a6: {  	s29 =	sadd.s32 $0x380, s28;
	[sflag:s16] =	ssyncadd.s32 $0xFFFFC000  }
0x1a7: {  	[tilespmem:s21], [sflag:$0x2] =	stream.indirect.gather [hbm4b:s4+s19], $0x80, s29, s19, $0xb8;
	[tilespmem:$0x1E4C0] =	vst v63  }
0x1a8: {  	_ =	swait.ge [sflag:s22], $0x4000  }
0x1a9: {  	[sflag:s22] =	ssyncset.done $0x0  }
0x1aa: {  	s29 =	sadd.s32 $0x1B00, s28;
	[sflag:s22] =	ssyncadd.s32 $0xFFFFC000  }
0x1ab: {  	[spmem:s2] =	stream.indirect.scatter.add.f32 [tilespmem:s20], [sflag:$0x3], $0x80, s29, s19, $0xb8;
	[tilespmem:$0x1E4C0] =	vst v63  }
0x1ac: {  	_ =	swait.ge [sflag:s16], $0x4000  }
0x1ad: {  	[sflag:s16] =	ssyncset.done $0x0  }
0x1ae: {  	s29 =	sadd.s32 $0x400, s28;
	[sflag:s16] =	ssyncadd.s32 $0xFFFFC000  }
0x1af: {  	[tilespmem:s20], [sflag:$0x1] =	stream.indirect.gather [hbm4b:s4+s19], $0x80, s29, s19, $0xb8;
	[tilespmem:$0x1E4C0] =	vst v63  }
0x1b0: {  	_ =	swait.ge [sflag:s23], $0x4000  }
0x1b1: {  	[sflag:s23] =	ssyncset.done $0x0  }
0x1b2: {  	s29 =	sadd.s32 $0x1B80, s28;
	[sflag:s23] =	ssyncadd.s32 $0xFFFFC000  }
0x1b3: {  	[spmem:s2] =	stream.indirect.scatter.add.f32 [tilespmem:s21], [sflag:$0x3], $0x80, s29, s19, $0xb8;
	[tilespmem:$0x1E4C0] =	vst v63  }
0x1b4: {  	_ =	swait.ge [sflag:s16], $0x4000  }
0x1b5: {  	[sflag:s16] =	ssyncset.done $0x0  }
0x1b6: {  	s29 =	sadd.s32 $0x480, s28;
	[sflag:s16] =	ssyncadd.s32 $0xFFFFC000  }
0x1b7: {  	[tilespmem:s21], [sflag:$0x2] =	stream.indirect.gather [hbm4b:s4+s19], $0x80, s29, s19, $0xb8;
	[tilespmem:$0x1E4C0] =	vst v63  }
0x1b8: {  	_ =	swait.ge [sflag:s22], $0x4000  }
0x1b9: {  	[sflag:s22] =	ssyncset.done $0x0  }
0x1ba: {  	s29 =	sadd.s32 $0x1C00, s28;
	[sflag:s22] =	ssyncadd.s32 $0xFFFFC000  }
0x1bb: {  	[spmem:s2] =	stream.indirect.scatter.add.f32 [tilespmem:s20], [sflag:$0x3], $0x80, s29, s19, $0xb8;
	[tilespmem:$0x1E4C0] =	vst v63  }
0x1bc: {  	_ =	swait.ge [sflag:s16], $0x4000  }
0x1bd: {  	[sflag:s16] =	ssyncset.done $0x0  }
0x1be: {  	[sflag:s16] =	ssyncadd.s32 $0xFFFFC000  }
0x1bf: {  	_ =	swait.ge [sflag:s23], $0x4000  }
.Ltmp1:
0x1c0: {  	[sflag:s23] =	ssyncset.done $0x0;
	(pc) =	sbr.rel @p1 .LBB2_4-.Ltmp1, $4  }
0x1c1: {  	s28 =	sadd.s32 $0x1C80, s28;
	[sflag:s23] =	ssyncadd.s32 $0xFFFFC000  }
0x1c2: {  	[spmem:s2] =	stream.indirect.scatter.add.f32 [tilespmem:s21], [sflag:$0x3], $0x80, s28, s19, $0xb8;
	[tilespmem:$0x1E4C0] =	vst v63  }
0x1c3: {  	_ =	swait.ge [sflag:s16], $0x4000  }
0x1c4: {  	s29 =	smov.u32 s26;
	[sflag:s16] =	ssyncset.done $0x0  }
0x1c5: {  	s25 =	sshra.s32 s25, $0x2;
	[sflag:s16] =	ssyncadd.s32 $0xFFFFC000  }
0x1c6: {  	[tilespmem:s20], [sflag:$0x1] =	stream.indirect.gather [hbm4b:s4+s19], $0x80, s25, s19, $0xb8;
	[tilespmem:$0x1E4C0] =	vst v63  }
0x1c7: {  	s26 =	sadd.s32 $0x80, s25  }
0x1c8: {  	[tilespmem:s21], [sflag:$0x2] =	stream.indirect.gather [hbm4b:s4+s19], $0x80, s26, s19, $0xb8;
	[tilespmem:$0x1E4C0] =	vst v63  }
0x1c9: {  	_ =	swait.ge [sflag:s22], $0x4000  }
0x1ca: {  	[sflag:s22] =	ssyncset.done $0x0  }
0x1cb: {  	s31 =	sadd.s32 $0x1800, s25;
	[sflag:s22] =	ssyncadd.s32 $0xFFFFC000  }
0x1cc: {  	[spmem:s2] =	stream.indirect.scatter.add.f32 [tilespmem:s20], [sflag:$0x3], $0x80, s31, s19, $0xb8;
	[tilespmem:$0x1E4C0] =	vst v63  }
0x1cd: {  	_ =	swait.ge [sflag:s16], $0x4000  }
0x1ce: {  	[sflag:s16] =	ssyncset.done $0x0  }
0x1cf: {  	s28 =	sadd.s32 $0x100, s25;
	[sflag:s16] =	ssyncadd.s32 $0xFFFFC000  }
0x1d0: {  	[tilespmem:s20], [sflag:$0x1] =	stream.indirect.gather [hbm4b:s4+s19], $0x80, s28, s19, $0xb8;
	[tilespmem:$0x1E4C0] =	vst v63  }
0x1d1: {  	_ =	swait.ge [sflag:s23], $0x4000  }
0x1d2: {  	[sflag:s23] =	ssyncset.done $0x0  }
0x1d3: {  	s29 =	sadd.s32 $0x1880, s25;
	[sflag:s23] =	ssyncadd.s32 $0xFFFFC000  }
0x1d4: {  	[spmem:s2] =	stream.indirect.scatter.add.f32 [tilespmem:s21], [sflag:$0x3], $0x80, s29, s19, $0xb8;
	[tilespmem:$0x1E4C0] =	vst v63  }
0x1d5: {  	_ =	swait.ge [sflag:s16], $0x4000  }
0x1d6: {  	[sflag:s16] =	ssyncset.done $0x0  }
0x1d7: {  	s30 =	sadd.s32 $0x180, s25;
	[sflag:s16] =	ssyncadd.s32 $0xFFFFC000  }
0x1d8: {  	[tilespmem:s21], [sflag:$0x2] =	stream.indirect.gather [hbm4b:s4+s19], $0x80, s30, s19, $0xb8;
	[tilespmem:$0x1E4C0] =	vst v63  }
0x1d9: {  	_ =	swait.ge [sflag:s22], $0x4000  }
0x1da: {  	[sflag:s22] =	ssyncset.done $0x0  }
0x1db: {  	s31 =	sadd.s32 $0x1900, s25;
	[sflag:s22] =	ssyncadd.s32 $0xFFFFC000  }
0x1dc: {  	[spmem:s2] =	stream.indirect.scatter.add.f32 [tilespmem:s20], [sflag:$0x3], $0x80, s31, s19, $0xb8;
	[tilespmem:$0x1E4C0] =	vst v63  }
0x1dd: {  	_ =	swait.ge [sflag:s16], $0x4000  }
0x1de: {  	[sflag:s16] =	ssyncset.done $0x0  }
0x1df: {  	s28 =	sadd.s32 $0x200, s25;
	[sflag:s16] =	ssyncadd.s32 $0xFFFFC000  }
0x1e0: {  	[tilespmem:s20], [sflag:$0x1] =	stream.indirect.gather [hbm4b:s4+s19], $0x80, s28, s19, $0xb8;
	[tilespmem:$0x1E4C0] =	vst v63  }
0x1e1: {  	_ =	swait.ge [sflag:s23], $0x4000  }
0x1e2: {  	[sflag:s23] =	ssyncset.done $0x0  }
0x1e3: {  	s29 =	sadd.s32 $0x1980, s25;
	[sflag:s23] =	ssyncadd.s32 $0xFFFFC000  }
0x1e4: {  	[spmem:s2] =	stream.indirect.scatter.add.f32 [tilespmem:s21], [sflag:$0x3], $0x80, s29, s19, $0xb8;
	[tilespmem:$0x1E4C0] =	vst v63  }
0x1e5: {  	_ =	swait.ge [sflag:s16], $0x4000  }
0x1e6: {  	[sflag:s16] =	ssyncset.done $0x0  }
0x1e7: {  	s30 =	sadd.s32 $0x280, s25;
	[sflag:s16] =	ssyncadd.s32 $0xFFFFC000  }
0x1e8: {  	[tilespmem:s21], [sflag:$0x2] =	stream.indirect.gather [hbm4b:s4+s19], $0x80, s30, s19, $0xb8;
	[tilespmem:$0x1E4C0] =	vst v63  }
0x1e9: {  	_ =	swait.ge [sflag:s22], $0x4000  }
0x1ea: {  	[sflag:s22] =	ssyncset.done $0x0  }
0x1eb: {  	s31 =	sadd.s32 $0x1A00, s25;
	[sflag:s22] =	ssyncadd.s32 $0xFFFFC000  }
0x1ec: {  	[spmem:s2] =	stream.indirect.scatter.add.f32 [tilespmem:s20], [sflag:$0x3], $0x80, s31, s19, $0xb8;
	[tilespmem:$0x1E4C0] =	vst v63  }
0x1ed: {  	_ =	swait.ge [sflag:s16], $0x4000  }
0x1ee: {  	[sflag:s16] =	ssyncset.done $0x0  }
0x1ef: {  	s28 =	sadd.s32 $0x300, s25;
	[sflag:s16] =	ssyncadd.s32 $0xFFFFC000  }
0x1f0: {  	[tilespmem:s20], [sflag:$0x1] =	stream.indirect.gather [hbm4b:s4+s19], $0x80, s28, s19, $0xb8;
	[tilespmem:$0x1E4C0] =	vst v63  }
0x1f1: {  	_ =	swait.ge [sflag:s23], $0x4000  }
0x1f2: {  	[sflag:s23] =	ssyncset.done $0x0  }
0x1f3: {  	s29 =	sadd.s32 $0x1A80, s25;
	[sflag:s23] =	ssyncadd.s32 $0xFFFFC000  }
0x1f4: {  	[spmem:s2] =	stream.indirect.scatter.add.f32 [tilespmem:s21], [sflag:$0x3], $0x80, s29, s19, $0xb8;
	[tilespmem:$0x1E4C0] =	vst v63  }
0x1f5: {  	_ =	swait.ge [sflag:s16], $0x4000  }
0x1f6: {  	[sflag:s16] =	ssyncset.done $0x0  }
0x1f7: {  	s30 =	sadd.s32 $0x380, s25;
	[sflag:s16] =	ssyncadd.s32 $0xFFFFC000  }
0x1f8: {  	[tilespmem:s21], [sflag:$0x2] =	stream.indirect.gather [hbm4b:s4+s19], $0x80, s30, s19, $0xb8;
	[tilespmem:$0x1E4C0] =	vst v63  }
0x1f9: {  	_ =	swait.ge [sflag:s22], $0x4000  }
0x1fa: {  	[sflag:s22] =	ssyncset.done $0x0  }
0x1fb: {  	s31 =	sadd.s32 $0x1B00, s25;
	[sflag:s22] =	ssyncadd.s32 $0xFFFFC000  }
0x1fc: {  	[spmem:s2] =	stream.indirect.scatter.add.f32 [tilespmem:s20], [sflag:$0x3], $0x80, s31, s19, $0xb8;
	[tilespmem:$0x1E4C0] =	vst v63  }
0x1fd: {  	_ =	swait.ge [sflag:s16], $0x4000  }
0x1fe: {  	[sflag:s16] =	ssyncset.done $0x0  }
0x1ff: {  	s28 =	sadd.s32 $0x400, s25;
	[sflag:s16] =	ssyncadd.s32 $0xFFFFC000  }
0x200: {  	[tilespmem:s20], [sflag:$0x1] =	stream.indirect.gather [hbm4b:s4+s19], $0x80, s28, s19, $0xb8;
	[tilespmem:$0x1E4C0] =	vst v63  }
0x201: {  	_ =	swait.ge [sflag:s23], $0x4000  }
0x202: {  	[sflag:s23] =	ssyncset.done $0x0  }
0x203: {  	s29 =	sadd.s32 $0x1B80, s25;
	[sflag:s23] =	ssyncadd.s32 $0xFFFFC000  }
0x204: {  	[spmem:s2] =	stream.indirect.scatter.add.f32 [tilespmem:s21], [sflag:$0x3], $0x80, s29, s19, $0xb8;
	[tilespmem:$0x1E4C0] =	vst v63  }
0x205: {  	_ =	swait.ge [sflag:s16], $0x4000  }
0x206: {  	[sflag:s16] =	ssyncset.done $0x0  }
0x207: {  	s30 =	sadd.s32 $0x480, s25;
	[sflag:s16] =	ssyncadd.s32 $0xFFFFC000  }
0x208: {  	[tilespmem:s21], [sflag:$0x2] =	stream.indirect.gather [hbm4b:s4+s19], $0x80, s30, s19, $0xb8;
	[tilespmem:$0x1E4C0] =	vst v63  }
0x209: {  	_ =	swait.ge [sflag:s22], $0x4000  }
0x20a: {  	[sflag:s22] =	ssyncset.done $0x0  }
0x20b: {  	s31 =	sadd.s32 $0x1C00, s25;
	[sflag:s22] =	ssyncadd.s32 $0xFFFFC000  }
0x20c: {  	[spmem:s2] =	stream.indirect.scatter.add.f32 [tilespmem:s20], [sflag:$0x3], $0x80, s31, s19, $0xb8;
	[tilespmem:$0x1E4C0] =	vst v63  }
0x20d: {  	_ =	swait.ge [sflag:s16], $0x4000  }
0x20e: {  	[sflag:s16] =	ssyncset.done $0x0  }
0x20f: {  	[sflag:s16] =	ssyncadd.s32 $0xFFFFC000  }
0x210: {  	_ =	swait.ge [sflag:s23], $0x4000  }
0x211: {  	[sflag:s23] =	ssyncset.done $0x0  }
0x212: {  	s25 =	sadd.s32 $0x1C80, s25;
	[sflag:s23] =	ssyncadd.s32 $0xFFFFC000  }
0x213: {  	[spmem:s2] =	stream.indirect.scatter.add.f32 [tilespmem:s21], [sflag:$0x3], $0x80, s25, s19, $0xb8;
	[tilespmem:$0x1E4C0] =	vst v63  }
0x214: {  	_ =	swait.ge [sflag:s16], $0x4000  }
0x215: {  	[sflag:s16] =	ssyncset.done $0x0  }
0x216: {  	[sflag:s16] =	ssyncadd.s32 $0xFFFFC000  }
0x217: {  	[bflag:$0x0] =	sbarrier.arrive $0xFFFF  }
0x218: {  	[hbm:s12], [sflag:s6] =	dma.local [spmem:s15], $0x2700  }
0x219: {  	s24 =	sadd.s32 $0x1, s24;
	_ =	swait.ge [sflag:s16], $0x2700  }
0x21a: {  	p1 =	sne.s32 s24, s14;
	[sflag:s16] =	ssyncset.done $0x0  }
.Ltmp2:
0x21b: {  	s25 =	simm.s32 @!p0 $0x3;
	[sflag:s16] =	ssyncadd.s32 $0xFFFFD900;
	(pc) =	sbr.rel @p1 .LBB2_1-.Ltmp2, $4  }
0x21c: {  	[hbm:s13], [sflag:s6] =	dma.local @!p0 [spmem:s17], $0x100  }
0x21d: {  	_ =	swait.ge @!p0 [sflag:s25], $0x100  }
0x21e: {  	[sflag:s25] =	ssyncset.done @!p0 $0x0  }
0x21f: {  	[sflag:s25] =	ssyncadd.s32 @!p0 $0xFFFFFF00  }
0x220: {  	_ =	sfence.sel $0x180000  }
0x221: {  	[bflag:$0x0] =	sbarrier.arrive $0xFFFF  }
0x222: {  	p0 =	sne.s32 s1, $0x0;
	_ =	strace $0x9000004A  }
0x223: {  	s0 =	sadd.s32 @!p0 $0x100000, s0;
	[bflag:$0x2] =	sbarrier.arrive $0xFFFF  }
0x224: {  	[sflag:s0] =	ssyncadd.tile.s32 @!p0 $0x1;
	_ =	shalt  }
.Lfunc_end2:
_tile_overlayer_lowered:
.L_overlay_start_2:
0x225: {  	(tag) =	ssettag $0x2  }
0x226: {  	s0 =	rddreg [dreg:$0x0];
	s2 =	stileid.u32  }
0x227: {  	s1 =	rddreg [dreg:$0x1];
	p0 =	sne.s32 s2, $0x0  }
0x228: {  	s3 =	rddreg [dreg:$0x2];
	[bflag:$0x3] =	sbarrier.arrive $0xFFFF;
	s2 =	simm.s32 @!p0 $0x1C03  }
0x229: {  	[timem:s3], [sflag:s2] =	dma.local @!p0 [hbm:s0], s1  }
0x22a: {  	s0 =	simm.s32 @!p0 $0x3  }
0x22b: {  	_ =	swait.ge @!p0 [sflag:s0], s1  }
0x22c: {  	s1 =	ssub.s32 @!p0 $0x0, s1;
	[sflag:s0] =	ssyncset.done @!p0 $0x0  }
0x22d: {  	[sflag:s0] =	ssyncadd.s32 @!p0 s1  }
0x22e: {  	[bflag:$0x3] =	sbarrier.arrive $0xFFFF  }
0x22f: {  	_ =	shalt  }

// kernel: kernel.15.cloned.1.call-start
scs
__scs_entry_jumppad:
0x0: {  	(pc) =	sbr.rel $0x88, $3  }
0x1: {  	(tag) =	ssettag $0x0;
	lr =	simm.s32 $0x1  }
0x2: {  	[smem:$0x3F8C] =	sst lr;
	_ =	strace $0xD0000000  }
0x3: {  	_ = 	snop  }
0x4: {  	_ = 	snop  }
0x5: {  	_ = 	snop  }
0x6: {  	_ = 	snop  }
0x7: {  	_ = 	snop  }
__scs_overlays_trampoline_lowered:
0x8: {  	[smem:$0x3F9B] =	sst s0  }
0x9: {  	[smem:$0x3F9C] =	sst s1  }
0xa: {  	[smem:$0x3F9D] =	sst s2  }
0xb: {  	[smem:$0x3F9E] =	sst s3  }
0xc: {  	[smem:$0x3F9F] =	sst s4  }
0xd: {  	[smem:$0x3FA0] =	sst s5  }
0xe: {  	[smem:$0x3FA1] =	sst s6  }
0xf: {  	[smem:$0x3FA2] =	sst s7  }
0x10: {  	[smem:$0x3FA3] =	sst s8  }
0x11: {  	[smem:$0x3FA4] =	sst s9;
	s0 =	simm.s32 @!p0 $0x0  }
0x12: {  	s1 =	sld [smem:$0x3F8A];
	s0 =	simm.s32 @p0 $0x1  }
0x13: {  	[smem:$0x3FA5] =	sst s0;
	s0 =	simm.s32 @!p1 $0x0  }
0x14: {  	s2 =	sld [smem:$0x3F89];
	s0 =	simm.s32 @p1 $0x1  }
0x15: {  	[smem:$0x3FA6] =	sst s0;
	s0 =	simm.s32 @!p2 $0x0  }
0x16: {  	s3 =	sld [smem:$0x3FDB];
	s0 =	simm.s32 @p2 $0x1  }
0x17: {  	s4 =	simm.s32 $0x1BF5;
	[smem:$0x3FA8] =	sst s0  }
0x18: {  	s0 =	sld [smem:$0x3F8B];
	_ =	swait.ge [sflag:s4], $0x0  }
0x19: {  	s7 =	sld [smem:$0x3F8C]  }
0x1a: {  	s8 =	sadd.s32 $0xFFFFE003, lr  }
0x1b: {  	s9 =	sadd.s32 $0xFFFFFEF7, lr;
	s5 =	simm.s32 $0xFFFFFFFF;
	p2 =	slt.u32 s8, $0xFFFFF086  }
0x1c: {  	p1 =	slt.u32 s9, $0xF7A;
	s5 =	simm.s32 @!p2 $0x0  }
0x1d: {  	s5 =	simm.s32 @p1 $0x1;
	p0 =	seq.s32 s7, s2  }
0x1e: {  	s7 =	smul.u32 @!p0 $0xF7A, s2;
	p2 =	seq.s32 @!p0 s5, $0x0  }
0x1f: {  	s9 =	smul.u32 $0xF7A, s1;
	s8 =	simm.s32 @!p0 $0x1BF5;
	p2 =	por !p2, p0  }
0x20: {  	[sflag:s8] =	ssyncset.s32 @!p0 $0xFFFFF086;
	s6 =	sadd.s32 @!p0 s3, s7;
	s7 =	simm.s32 @!p0 $0x108  }
0x21: {  	s3 =	sadd.s32 s3, s9;
	s6 =	sadd.s32 @!p0 $0x88, s6;
	s7 =	simm.s32 @p2 $0x1082  }
0x22: {  	[simem:s7], [sflag:s8] =	dma.local @!p0 [hbm:s6], $0xF7A  }
0x23: {  	s9 =	sor.u32 $0xD0000000, s2;
	s6 =	simm.s32 $0x108;
	_ =	swait.ge @!p0 [sflag:s8], $0x0  }
0x24: {  	s3 =	sadd.s32 $0x88, s3;
	s6 =	simm.s32 @!p1 $0x1082;
	[sflag:s4] =	ssyncset.s32 $0xFFFFF086  }
0x25: {  	[simem:s6], [sflag:s4] =	dma.local [hbm:s3], $0xF7A  }
0x26: {  	[smem:$0x3F8C] =	sst s1;
	(tag) =	ssettag s2;
	_ =	strace s9  }
0x27: {  	s1 =	sld [smem:$0x3F9C]  }
0x28: {  	s2 =	sld [smem:$0x3F9D]  }
0x29: {  	s4 =	sld [smem:$0x3F9F]  }
0x2a: {  	p0 =	seq.s32 s5, $0x0;
	s5 =	sld [smem:$0x3FA0]  }
0x2b: {  	s6 =	sld [smem:$0x3FA1]  }
0x2c: {  	s7 =	sld [smem:$0x3FA2]  }
0x2d: {  	s3 =	simm.s32 $0x108;
	s8 =	sld [smem:$0x3FA3]  }
0x2e: {  	s3 =	simm.s32 @!p0 $0x1082;
	s9 =	sld [smem:$0x3FA4]  }
0x2f: {  	lr =	sadd.s32 s0, s3;
	s0 =	sld [smem:$0x3F9B]  }
0x30: {  	s3 =	sld [smem:$0x3F9E]  }
0x31: {  	[smem:$0x3FA7] =	sst s10  }
0x32: {  	s10 =	sld [smem:$0x3FA5];
	_ =	sdelay $0x3  }
0x33: {  	p0 =	seq.s32 s10, $0x1;
	s10 =	sld [smem:$0x3FA7];
	_ =	sdelay $0x3  }
0x34: {  	[smem:$0x3FA7] =	sst s10  }
0x35: {  	s10 =	sld [smem:$0x3FA6];
	_ =	sdelay $0x3  }
0x36: {  	p1 =	seq.s32 s10, $0x1;
	s10 =	sld [smem:$0x3FA7];
	_ =	sdelay $0x3  }
0x37: {  	[smem:$0x3FA7] =	sst s10  }
0x38: {  	s10 =	sld [smem:$0x3FA8]  }
0x39: {  	_ = 	snop;
	(pc) =	sbr.ind lr, $3  }
0x3a: {  	_ = 	snop  }
0x3b: {  	_ = 	snop  }
0x3c: {  	p2 =	seq.s32 s10, $0x1;
	s10 =	sld [smem:$0x3FA7]  }
0x3d: {  	_ =	shalt  }
0x3e: {  	_ =	shalt  }
0x3f: {  	_ =	shalt  }
0x40: {  	_ =	shalt  }
0x41: {  	_ =	shalt  }
0x42: {  	_ =	shalt  }
0x43: {  	_ =	shalt  }
0x44: {  	_ =	shalt  }
0x45: {  	_ =	shalt  }
0x46: {  	_ =	shalt  }
0x47: {  	_ =	shalt  }
0x48: {  	_ =	shalt  }
0x49: {  	_ =	shalt  }
0x4a: {  	_ =	shalt  }
0x4b: {  	_ =	shalt  }
0x4c: {  	_ =	shalt  }
0x4d: {  	_ =	shalt  }
0x4e: {  	_ =	shalt  }
0x4f: {  	_ =	shalt  }
0x50: {  	_ =	shalt  }
0x51: {  	_ =	shalt  }
0x52: {  	_ =	shalt  }
0x53: {  	_ =	shalt  }
0x54: {  	_ =	shalt  }
0x55: {  	_ =	shalt  }
0x56: {  	_ =	shalt  }
0x57: {  	_ =	shalt  }
0x58: {  	_ =	shalt  }
0x59: {  	_ =	shalt  }
0x5a: {  	_ =	shalt  }
0x5b: {  	_ =	shalt  }
0x5c: {  	_ =	shalt  }
0x5d: {  	_ =	shalt  }
0x5e: {  	_ =	shalt  }
0x5f: {  	_ =	shalt  }
0x60: {  	_ =	shalt  }
0x61: {  	_ =	shalt  }
0x62: {  	_ =	shalt  }
0x63: {  	_ =	shalt  }
0x64: {  	_ =	shalt  }
0x65: {  	_ =	shalt  }
0x66: {  	_ =	shalt  }
0x67: {  	_ =	shalt  }
0x68: {  	_ =	shalt  }
0x69: {  	_ =	shalt  }
0x6a: {  	_ =	shalt  }
0x6b: {  	_ =	shalt  }
0x6c: {  	_ =	shalt  }
0x6d: {  	_ =	shalt  }
0x6e: {  	_ =	shalt  }
0x6f: {  	_ =	shalt  }
0x70: {  	_ =	shalt  }
0x71: {  	_ =	shalt  }
0x72: {  	_ =	shalt  }
0x73: {  	_ =	shalt  }
0x74: {  	_ =	shalt  }
0x75: {  	_ =	shalt  }
0x76: {  	_ =	shalt  }
0x77: {  	_ =	shalt  }
0x78: {  	_ =	shalt  }
0x79: {  	_ =	shalt  }
0x7a: {  	_ =	shalt  }
0x7b: {  	_ =	shalt  }
0x7c: {  	_ =	shalt  }
0x7d: {  	_ =	shalt  }
0x7e: {  	_ =	shalt  }
0x7f: {  	_ =	shalt  }
0x80: {  	_ =	shalt  }
0x81: {  	_ =	shalt  }
0x82: {  	_ =	shalt  }
0x83: {  	_ =	shalt  }
0x84: {  	_ =	shalt  }
0x85: {  	_ =	shalt  }
0x86: {  	_ =	shalt  }
0x87: {  	_ =	shalt  }
.Lfunc_end0:
.L_simem_size_0:
called_computation.2_lowered:
.L_overlay_start_0:
0x88: {  	s2 =	sld [smem:$0x3FD9]  }
0x89: {  	s3 =	sld [smem:$0x3FFE];
	_ =	sdelay $0x1  }
0x8a: {  	s1 =	srdreg.scid  }
0x8b: {  	s0 =	sand.u32 $0x1, s1  }
0x8c: {  	s17 =	sshll.u32 s0, $0xA;
	s2 =	sadd.s32 s3, s2  }
0x8d: {  	s2 =	sadd.s32 s2, s17  }
0x8e: {  	[smem:$0x3FB3] =	sst s2  }
0x8f: {  	_ = 	snop  }
0x90: {  	s2 =	sld [smem:$0x3FD0];
	(tm) =	ssettm $0x1  }
0x91: {  	s18 =	sld [smem:$0x3FFB];
	_ =	sdelay $0x3  }
0x92: {  	_ =	strace s18  }
0x93: {  	s3 =	sld [smem:$0x3FFC];
	_ =	sdelay $0x3  }
0x94: {  	_ =	strace s3  }
0x95: {  	s3 =	sld [smem:$0x3FFD];
	_ =	sdelay $0x3  }
0x96: {  	_ =	strace s3  }
0x97: {  	_ =	strace $0x8FFFFFFF  }
0x98: {  	s19 =	sld [smem:$0x3FDB];
	_ =	sdelay $0x1  }
0x99: {  	s4 =	simm.s32 $_scs_section_size  }
0x9a: {  	s5 =	simm.s32 $_size__tile_overlayer_lowered;
	s6 =	simm.s32 $_tile_overlayer_lowered  }
0x9b: {  	s22 =	simm.s32 $0x1BFF;
	s21 =	sshll.u32 s6, $0x1;
	s3 =	sadd.s32 s4, s19  }
0x9c: {  	s7 =	simm.s32 $0x0;
	s20 =	sshll.u32 s5, $0x1;
	s5 =	sadd.s32 s21, s3  }
0x9d: {  	[timem:s7], [sflag:s22] =	dma.local [hbm:s5], s20  }
0x9e: {  	_ =	swait.ge [sflag:s22], s20  }
0x9f: {  	s4 =	ssub.s32 $0x0, s20;
	[sflag:s22] =	ssyncset.done $0x0  }
0xa0: {  	[sflag:s22] =	ssyncadd.s32 s4;
	_ =	sdelay $0x1  }
0xa1: {  	s23 =	simm.s32 $0x1B8B  }
0xa2: {  	_ =	swait.ge [sflag:s23], $0x1  }
0xa3: {  	[sflag:s23] =	ssyncset.done $0x0  }
0xa4: {  	s25 =	simm.s32 $0x1B8E;
	s24 =	sld [smem:$0x3FFE];
	[sflag:s23] =	ssyncadd.s32 $0xFFFFFFFF  }
0xa5: {  	s26 =	simm.s32 $execute0_lowered;
	[smem:$0x3FD2] =	sst s25  }
0xa6: {  	s5 =	sshll.u32 s26, $0x1;
	_ =	strace $0x8000004C;
	[dreg:$0x1] =	wrdreg $0xFFFFFFFF  }
0xa7: {  	s28 =	simm.s32 $_size_execute0_lowered;
	s3 =	sadd.s32 s3, s5;
	[dreg:$0x0] =	wrdreg $0x0  }
0xa8: {  	s5 =	sshll.u32 s28, $0x1;
	[dreg:$0x2] =	wrdreg s3  }
0xa9: {  	[dreg:$0x3] =	wrdreg s5  }
0xaa: {  	[dreg:$0x4] =	wrdreg $0xC0  }
0xab: {  	_ =	task [dreg:s7], $0x5FFFF  }
0xac: {  	[dreg:$0x1] =	wrdreg $0xFFFFFFFF  }
0xad: {  	[dreg:$0x0] =	wrdreg $0x60  }
0xae: {  	[dreg:$0x2] =	wrdreg s24  }
0xaf: {  	[dreg:$0x3] =	wrdreg s2  }
0xb0: {  	[dreg:$0x4] =	wrdreg $0xAC000  }
0xb1: {  	[dreg:$0x5] =	wrdreg $0x9  }
0xb2: {  	_ =	task.clear_ibuf [dreg:s7], $0x6FFFF;
	_ =	strace $0x9000004C  }
0xb3: {  	s29 =	simm.s32 $0x9;
	_ =	strace $0x8000004E  }
0xb4: {  	_ =	swait.ge [sflag:s29], $0x1  }
0xb5: {  	[sflag:s29] =	ssyncadd.s32 $0xFFFFFFFF  }
0xb6: {  	_ =	strace $0x9000004E  }
0xb7: {  	_ =	sfence  }
0xb8: {  	s30 =	sld [smem:$0x0];
	_ =	sdelay $0x2  }
0xb9: {  	s31 =	sshll.u32 s1, $0xD;
	s1 =	sshrl.u32 s1, $0x2  }
0xba: {  	s3 =	sand.u32 $0x4000, s31;
	s1 =	sadd.s32 s1, s30  }
0xbb: {  	s0 =	sor.u32 s3, s0;
	s1 =	sshll.u32 s1, $0x11  }
0xbc: {  	s0 =	sor.u32 s1, s0  }
0xbd: {  	s0 =	sadd.s32 $0x8F2B, s0  }
0xbe: {  	[sflag:s0] =	ssyncadd.remote.s32 $0x1  }
0xbf: {  	_ =	sfence.sel $0xFFFF  }
0xc0: {  	[dreg:$0x0] =	wrdreg $0xFFFFFFFF;
	(pc) =	sbr.abs _section_cstart, $3  }
0xc1: {  	[dreg:$0x1] =	wrdreg $0xFFFFFFFF  }
0xc2: {  	_ =	task.clear_ibuf [dreg:s7], $0x2FFFF;
	_ =	strace $0x9FFFFFFF  }
0xc3: {  	(tm) =	ssettm $0x7FFFFFFF  }
tec
execute0_lowered:
.L_overlay_start_1:
0x0: {  	(tag) =	ssettag $0x1  }
0x1: {  	s5 =	rddreg [dreg:$0x0];
	s1 =	stileid.u32  }
0x2: {  	s8 =	rddreg [dreg:$0x1];
	s7 =	smul.u32 $0x2800, s1  }
0x3: {  	s0 =	srdreg.scid;
	s9 =	smul.u32 $0x4E000, s1  }
0x4: {  	s2 =	rddreg [dreg:$0x2];
	s12 =	smul.u32 $0x2700, s1  }
0x5: {  	s3 =	simm.s32 $0x0;
	s19 =	simm.s32 $0x80;
	s26 =	smul.u32 $0x3000, s1  }
0x6: {  	s6 =	sand.u32 $0x1, s0;
	s0 =	rddreg [dreg:$0x3];
	s29 =	smul.u32 $0x13800, s1  }
0x7: {  	[smem:$0x7FF] =	sst s3;
	s13 =	sadd.s32 $0x5AA00, s5;
	s4 =	smul.u32 $0x28000, s6  }
0x8: {  	s17 =	sadd.s32 $0x138000, s2;
	p0 =	sne.s32 s1, $0xF;
	s10 =	smul.u32 $0x27100, s6  }
0x9: {  	s25 =	sshll.u32 s1, $0x6;
	_ =	strace $0x8000004D;
	s14 =	smul.u32 $0x138800, s6  }
0xa: {  	s20 =	ssub.s32 $0x2, s6;
	s23 =	smul.u32 $0x30000, s6;
	s6 =	sor.u32 $0x1C03, s25  }
0xb: {  	s17 =	sshrl.u32 @!p0 s17, $0x3;
	s21 =	sshrl.u32 s20, $0x1;
	s22 =	sshrl.u32 s9, $0x2  }
0xc: {  	s7 =	sadd.s32 s7, s4;
	s4 =	sadd.s32 $0xC800, s5;
	s15 =	ssub.s32 s20, s21  }
0xd: {  	s24 =	sadd.s32 s12, s10;
	s16 =	sadd.s32 s22, s2;
	s28 =	sshrl.u32 s14, $0x3  }
0xe: {  	s31 =	sadd.s32 s29, s14;
	s20 =	simm.s32 $0x2C00;
	s21 =	simm.s32 $0x6C00  }
0xf: {  	s22 =	simm.s32 $0x1;
	s7 =	sshrl.u32 s7, $0x3;
	s18 =	sadd.s32 $0x27000, s28  }
0x10: {  	s12 =	sshrl.u32 s31, $0x3;
	s14 =	smax.u32 s15, $0x1;
	s15 =	sshrl.u32 s16, $0x3  }
0x11: {  	s16 =	simm.s32 $0x3;
	s11 =	sadd.s32 s7, s5;
	s5 =	sadd.s32 s4, s24  }
0x12: {  	s7 =	sadd.s32 s26, s23;
	s12 =	sadd.s32 s13, s12;
	s13 =	sadd.s32 s13, s18  }
0x13: {  	s23 =	simm.s32 $0x2;
	s24 =	simm.s32 $0x0;
	s30 =	sshrl.u32 s7, $0x3  }
0x14: {  	s7 =	sadd.s32 s4, s18;
	s9 =	sadd.s32 $0x2800, s11;
	s8 =	sadd.s32 s8, s30  }
0x15: {  	s11 =	sadd.s32 $0x2A80, s11;
	s18 =	simm.s32 $0x1800;
	s10 =	sadd.s32 $0x300, s8  }
.LBB2_1:
0x16: {  	[spmem:s15], [sflag:s6] =	dma.local [hbm:s5], $0x2700  }
0x17: {  	_ =	swait.ge [sflag:s16], $0x2700  }
0x18: {  	[sflag:s16] =	ssyncset.done $0x0  }
0x19: {  	s25 =	simm.s32 @!p0 $0x3;
	[sflag:s16] =	ssyncadd.s32 $0xFFFFD900  }
0x1a: {  	[spmem:s17], [sflag:s6] =	dma.local @!p0 [hbm:s7], $0x100  }
0x1b: {  	_ =	swait.ge @!p0 [sflag:s25], $0x100  }
0x1c: {  	[sflag:s25] =	ssyncset.done @!p0 $0x0  }
0x1d: {  	[sflag:s25] =	ssyncadd.s32 @!p0 $0xFFFFFF00  }
0x1e: {  	[bflag:$0x0] =	sbarrier.arrive $0xFFFF  }
0x1f: {  	[tilespmem:s3], [sflag:$0x3] =	stream.linear.gather [hbm4b:s8+s3], $0x1480, $0x38;
	[tilespmem:$0x1E4C0] =	vst v63  }
0x20: {  	_ =	swait.ge [sflag:s16], $0x1480  }
0x21: {  	[sflag:s16] =	ssyncset.done $0x0  }
0x22: {  	[sflag:s16] =	ssyncadd.s32 $0xFFFFEB80  }
0x23: {  	[tilespmem:s18], [sflag:$0x3] =	stream.linear.gather [hbm4b:s9+s3], $0x1400, $0x38;
	[tilespmem:$0x1E4C0] =	vst v63  }
0x24: {  	_ =	swait.ge [sflag:s16], $0x1400  }
0x25: {  	[sflag:s16] =	ssyncset.done $0x0  }
0x26: {  	s26 =	simm.s32 $0x0;
	[sflag:s16] =	ssyncadd.s32 $0xFFFFEC00  }
0x27: {  	[tilespmem:s20], [sflag:$0x1] =	stream.indirect.gather [hbm4b:s4+s19], $0x80, s26, s19, $0xb8;
	[tilespmem:$0x1E4C0] =	vst v63  }
0x28: {  	s28 =	simm.s32 $0x80  }
0x29: {  	[tilespmem:s21], [sflag:$0x2] =	stream.indirect.gather [hbm4b:s4+s19], $0x80, s28, s19, $0xb8;
	[tilespmem:$0x1E4C0] =	vst v63  }
0x2a: {  	_ =	swait.ge [sflag:s22], $0x4000  }
0x2b: {  	[sflag:s22] =	ssyncset.done $0x0  }
0x2c: {  	s30 =	simm.s32 $0x1800;
	[sflag:s22] =	ssyncadd.s32 $0xFFFFC000  }
0x2d: {  	[spmem:s2] =	stream.indirect.scatter.add.f32 [tilespmem:s20], [sflag:$0x3], $0x80, s30, s19, $0xb8;
	[tilespmem:$0x1E4C0] =	vst v63  }
0x2e: {  	_ =	swait.ge [sflag:s16], $0x4000  }
0x2f: {  	[sflag:s16] =	ssyncset.done $0x0  }
0x30: {  	s31 =	simm.s32 $0x100;
	[sflag:s16] =	ssyncadd.s32 $0xFFFFC000  }
0x31: {  	[tilespmem:s20], [sflag:$0x1] =	stream.indirect.gather [hbm4b:s4+s19], $0x80, s31, s19, $0xb8;
	[tilespmem:$0x1E4C0] =	vst v63  }
0x32: {  	_ =	swait.ge [sflag:s23], $0x4000  }
0x33: {  	[sflag:s23] =	ssyncset.done $0x0  }
0x34: {  	s26 =	simm.s32 $0x1880;
	[sflag:s23] =	ssyncadd.s32 $0xFFFFC000  }
0x35: {  	[spmem:s2] =	stream.indirect.scatter.add.f32 [tilespmem:s21], [sflag:$0x3], $0x80, s26, s19, $0xb8;
	[tilespmem:$0x1E4C0] =	vst v63  }
0x36: {  	_ =	swait.ge [sflag:s16], $0x4000  }
0x37: {  	[sflag:s16] =	ssyncset.done $0x0  }
0x38: {  	s28 =	simm.s32 $0x180;
	[sflag:s16] =	ssyncadd.s32 $0xFFFFC000  }
0x39: {  	[tilespmem:s21], [sflag:$0x2] =	stream.indirect.gather [hbm4b:s4+s19], $0x80, s28, s19, $0xb8;
	[tilespmem:$0x1E4C0] =	vst v63  }
0x3a: {  	_ =	swait.ge [sflag:s22], $0x4000  }
0x3b: {  	[sflag:s22] =	ssyncset.done $0x0  }
0x3c: {  	s30 =	simm.s32 $0x1900;
	[sflag:s22] =	ssyncadd.s32 $0xFFFFC000  }
0x3d: {  	[spmem:s2] =	stream.indirect.scatter.add.f32 [tilespmem:s20], [sflag:$0x3], $0x80, s30, s19, $0xb8;
	[tilespmem:$0x1E4C0] =	vst v63  }
0x3e: {  	_ =	swait.ge [sflag:s16], $0x4000  }
0x3f: {  	[sflag:s16] =	ssyncset.done $0x0  }
0x40: {  	s31 =	simm.s32 $0x200;
	[sflag:s16] =	ssyncadd.s32 $0xFFFFC000  }
0x41: {  	[tilespmem:s20], [sflag:$0x1] =	stream.indirect.gather [hbm4b:s4+s19], $0x80, s31, s19, $0xb8;
	[tilespmem:$0x1E4C0] =	vst v63  }
0x42: {  	_ =	swait.ge [sflag:s23], $0x4000  }
0x43: {  	[sflag:s23] =	ssyncset.done $0x0  }
0x44: {  	s26 =	simm.s32 $0x1980;
	[sflag:s23] =	ssyncadd.s32 $0xFFFFC000  }
0x45: {  	[spmem:s2] =	stream.indirect.scatter.add.f32 [tilespmem:s21], [sflag:$0x3], $0x80, s26, s19, $0xb8;
	[tilespmem:$0x1E4C0] =	vst v63  }
0x46: {  	_ =	swait.ge [sflag:s16], $0x4000  }
0x47: {  	[sflag:s16] =	ssyncset.done $0x0  }
0x48: {  	s28 =	simm.s32 $0x280;
	[sflag:s16] =	ssyncadd.s32 $0xFFFFC000  }
0x49: {  	[tilespmem:s21], [sflag:$0x2] =	stream.indirect.gather [hbm4b:s4+s19], $0x80, s28, s19, $0xb8;
	[tilespmem:$0x1E4C0] =	vst v63  }
0x4a: {  	_ =	swait.ge [sflag:s22], $0x4000  }
0x4b: {  	[sflag:s22] =	ssyncset.done $0x0  }
0x4c: {  	s30 =	simm.s32 $0x1A00;
	[sflag:s22] =	ssyncadd.s32 $0xFFFFC000  }
0x4d: {  	[spmem:s2] =	stream.indirect.scatter.add.f32 [tilespmem:s20], [sflag:$0x3], $0x80, s30, s19, $0xb8;
	[tilespmem:$0x1E4C0] =	vst v63  }
0x4e: {  	_ =	swait.ge [sflag:s16], $0x4000  }
0x4f: {  	[sflag:s16] =	ssyncset.done $0x0  }
0x50: {  	s31 =	simm.s32 $0x300;
	[sflag:s16] =	ssyncadd.s32 $0xFFFFC000  }
0x51: {  	[tilespmem:s20], [sflag:$0x1] =	stream.indirect.gather [hbm4b:s4+s19], $0x80, s31, s19, $0xb8;
	[tilespmem:$0x1E4C0] =	vst v63  }
0x52: {  	_ =	swait.ge [sflag:s23], $0x4000  }
0x53: {  	[sflag:s23] =	ssyncset.done $0x0  }
0x54: {  	s26 =	simm.s32 $0x1A80;
	[sflag:s23] =	ssyncadd.s32 $0xFFFFC000  }
0x55: {  	[spmem:s2] =	stream.indirect.scatter.add.f32 [tilespmem:s21], [sflag:$0x3], $0x80, s26, s19, $0xb8;
	[tilespmem:$0x1E4C0] =	vst v63  }
0x56: {  	_ =	swait.ge [sflag:s16], $0x4000  }
0x57: {  	[sflag:s16] =	ssyncset.done $0x0  }
0x58: {  	s28 =	simm.s32 $0x380;
	[sflag:s16] =	ssyncadd.s32 $0xFFFFC000  }
0x59: {  	[tilespmem:s21], [sflag:$0x2] =	stream.indirect.gather [hbm4b:s4+s19], $0x80, s28, s19, $0xb8;
	[tilespmem:$0x1E4C0] =	vst v63  }
0x5a: {  	_ =	swait.ge [sflag:s22], $0x4000  }
0x5b: {  	[sflag:s22] =	ssyncset.done $0x0  }
0x5c: {  	s30 =	simm.s32 $0x1B00;
	[sflag:s22] =	ssyncadd.s32 $0xFFFFC000  }
0x5d: {  	[spmem:s2] =	stream.indirect.scatter.add.f32 [tilespmem:s20], [sflag:$0x3], $0x80, s30, s19, $0xb8;
	[tilespmem:$0x1E4C0] =	vst v63  }
0x5e: {  	_ =	swait.ge [sflag:s16], $0x4000  }
0x5f: {  	[sflag:s16] =	ssyncset.done $0x0  }
0x60: {  	s31 =	simm.s32 $0x400;
	[sflag:s16] =	ssyncadd.s32 $0xFFFFC000  }
0x61: {  	[tilespmem:s20], [sflag:$0x1] =	stream.indirect.gather [hbm4b:s4+s19], $0x80, s31, s19, $0xb8;
	[tilespmem:$0x1E4C0] =	vst v63  }
0x62: {  	_ =	swait.ge [sflag:s23], $0x4000  }
0x63: {  	[sflag:s23] =	ssyncset.done $0x0  }
0x64: {  	s26 =	simm.s32 $0x1B80;
	[sflag:s23] =	ssyncadd.s32 $0xFFFFC000  }
0x65: {  	[spmem:s2] =	stream.indirect.scatter.add.f32 [tilespmem:s21], [sflag:$0x3], $0x80, s26, s19, $0xb8;
	[tilespmem:$0x1E4C0] =	vst v63  }
0x66: {  	_ =	swait.ge [sflag:s16], $0x4000  }
0x67: {  	[sflag:s16] =	ssyncset.done $0x0  }
0x68: {  	s28 =	simm.s32 $0x480;
	[sflag:s16] =	ssyncadd.s32 $0xFFFFC000  }
0x69: {  	[tilespmem:s21], [sflag:$0x2] =	stream.indirect.gather [hbm4b:s4+s19], $0x80, s28, s19, $0xb8;
	[tilespmem:$0x1E4C0] =	vst v63  }
0x6a: {  	_ =	swait.ge [sflag:s22], $0x4000  }
0x6b: {  	[sflag:s22] =	ssyncset.done $0x0  }
0x6c: {  	s30 =	simm.s32 $0x1C00;
	[sflag:s22] =	ssyncadd.s32 $0xFFFFC000  }
0x6d: {  	[spmem:s2] =	stream.indirect.scatter.add.f32 [tilespmem:s20], [sflag:$0x3], $0x80, s30, s19, $0xb8;
	[tilespmem:$0x1E4C0] =	vst v63  }
0x6e: {  	_ =	swait.ge [sflag:s16], $0x4000  }
0x6f: {  	[sflag:s16] =	ssyncset.done $0x0  }
0x70: {  	[sflag:s16] =	ssyncadd.s32 $0xFFFFC000  }
0x71: {  	_ =	swait.ge [sflag:s23], $0x4000  }
0x72: {  	[sflag:s23] =	ssyncset.done $0x0  }
0x73: {  	s31 =	simm.s32 $0x1C80;
	[sflag:s23] =	ssyncadd.s32 $0xFFFFC000  }
0x74: {  	[spmem:s2] =	stream.indirect.scatter.add.f32 [tilespmem:s21], [sflag:$0x3], $0x80, s31, s19, $0xb8;
	[tilespmem:$0x1E4C0] =	vst v63  }
0x75: {  	_ =	swait.ge [sflag:s16], $0x4000  }
0x76: {  	s29 =	simm.s32 $0x2800;
	s25 =	simm.s32 $0x1400;
	[sflag:s16] =	ssyncset.done $0x0  }
.LBB2_2:
0x77: {  	s28 =	sshra.s32 s25, $0x2  }
0x78: {  	[sflag:s16] =	ssyncadd.s32 $0xFFFFC000;
	s25 =	smov.u32 s29;
	s26 =	sadd.s32 $0x1400, s29  }
0x79: {  	[tilespmem:s20], [sflag:$0x1] =	stream.indirect.gather [hbm4b:s4+s19], $0x80, s28, s19, $0xb8;
	[tilespmem:$0x1E4C0] =	vst v63  }
0x7a: {  	p1 =	sne.s32 s29, $0x3C00;
	s29 =	sadd.s32 $0x80, s28  }
0x7b: {  	[tilespmem:s21], [sflag:$0x2] =	stream.indirect.gather [hbm4b:s4+s19], $0x80, s29, s19, $0xb8;
	[tilespmem:$0x1E4C0] =	vst v63  }
0x7c: {  	_ =	swait.ge [sflag:s22], $0x4000  }
0x7d: {  	[sflag:s22] =	ssyncset.done $0x0  }
0x7e: {  	s29 =	sadd.s32 $0x1800, s28;
	[sflag:s22] =	ssyncadd.s32 $0xFFFFC000  }
0x7f: {  	[spmem:s2] =	stream.indirect.scatter.add.f32 [tilespmem:s20], [sflag:$0x3], $0x80, s29, s19, $0xb8;
	[tilespmem:$0x1E4C0] =	vst v63  }
0x80: {  	_ =	swait.ge [sflag:s16], $0x4000  }
0x81: {  	[sflag:s16] =	ssyncset.done $0x0  }
0x82: {  	s29 =	sadd.s32 $0x100, s28;
	[sflag:s16] =	ssyncadd.s32 $0xFFFFC000  }
0x83: {  	[tilespmem:s20], [sflag:$0x1] =	stream.indirect.gather [hbm4b:s4+s19], $0x80, s29, s19, $0xb8;
	[tilespmem:$0x1E4C0] =	vst v63  }
0x84: {  	_ =	swait.ge [sflag:s23], $0x4000  }
0x85: {  	[sflag:s23] =	ssyncset.done $0x0  }
0x86: {  	s29 =	sadd.s32 $0x1880, s28;
	[sflag:s23] =	ssyncadd.s32 $0xFFFFC000  }
0x87: {  	[spmem:s2] =	stream.indirect.scatter.add.f32 [tilespmem:s21], [sflag:$0x3], $0x80, s29, s19, $0xb8;
	[tilespmem:$0x1E4C0] =	vst v63  }
0x88: {  	_ =	swait.ge [sflag:s16], $0x4000  }
0x89: {  	[sflag:s16] =	ssyncset.done $0x0  }
0x8a: {  	s29 =	sadd.s32 $0x180, s28;
	[sflag:s16] =	ssyncadd.s32 $0xFFFFC000  }
0x8b: {  	[tilespmem:s21], [sflag:$0x2] =	stream.indirect.gather [hbm4b:s4+s19], $0x80, s29, s19, $0xb8;
	[tilespmem:$0x1E4C0] =	vst v63  }
0x8c: {  	_ =	swait.ge [sflag:s22], $0x4000  }
0x8d: {  	[sflag:s22] =	ssyncset.done $0x0  }
0x8e: {  	s29 =	sadd.s32 $0x1900, s28;
	[sflag:s22] =	ssyncadd.s32 $0xFFFFC000  }
0x8f: {  	[spmem:s2] =	stream.indirect.scatter.add.f32 [tilespmem:s20], [sflag:$0x3], $0x80, s29, s19, $0xb8;
	[tilespmem:$0x1E4C0] =	vst v63  }
0x90: {  	_ =	swait.ge [sflag:s16], $0x4000  }
0x91: {  	[sflag:s16] =	ssyncset.done $0x0  }
0x92: {  	s29 =	sadd.s32 $0x200, s28;
	[sflag:s16] =	ssyncadd.s32 $0xFFFFC000  }
0x93: {  	[tilespmem:s20], [sflag:$0x1] =	stream.indirect.gather [hbm4b:s4+s19], $0x80, s29, s19, $0xb8;
	[tilespmem:$0x1E4C0] =	vst v63  }
0x94: {  	_ =	swait.ge [sflag:s23], $0x4000  }
0x95: {  	[sflag:s23] =	ssyncset.done $0x0  }
0x96: {  	s29 =	sadd.s32 $0x1980, s28;
	[sflag:s23] =	ssyncadd.s32 $0xFFFFC000  }
0x97: {  	[spmem:s2] =	stream.indirect.scatter.add.f32 [tilespmem:s21], [sflag:$0x3], $0x80, s29, s19, $0xb8;
	[tilespmem:$0x1E4C0] =	vst v63  }
0x98: {  	_ =	swait.ge [sflag:s16], $0x4000  }
0x99: {  	[sflag:s16] =	ssyncset.done $0x0  }
0x9a: {  	s29 =	sadd.s32 $0x280, s28;
	[sflag:s16] =	ssyncadd.s32 $0xFFFFC000  }
0x9b: {  	[tilespmem:s21], [sflag:$0x2] =	stream.indirect.gather [hbm4b:s4+s19], $0x80, s29, s19, $0xb8;
	[tilespmem:$0x1E4C0] =	vst v63  }
0x9c: {  	_ =	swait.ge [sflag:s22], $0x4000  }
0x9d: {  	[sflag:s22] =	ssyncset.done $0x0  }
0x9e: {  	s29 =	sadd.s32 $0x1A00, s28;
	[sflag:s22] =	ssyncadd.s32 $0xFFFFC000  }
0x9f: {  	[spmem:s2] =	stream.indirect.scatter.add.f32 [tilespmem:s20], [sflag:$0x3], $0x80, s29, s19, $0xb8;
	[tilespmem:$0x1E4C0] =	vst v63  }
0xa0: {  	_ =	swait.ge [sflag:s16], $0x4000  }
0xa1: {  	[sflag:s16] =	ssyncset.done $0x0  }
0xa2: {  	s29 =	sadd.s32 $0x300, s28;
	[sflag:s16] =	ssyncadd.s32 $0xFFFFC000  }
0xa3: {  	[tilespmem:s20], [sflag:$0x1] =	stream.indirect.gather [hbm4b:s4+s19], $0x80, s29, s19, $0xb8;
	[tilespmem:$0x1E4C0] =	vst v63  }
0xa4: {  	_ =	swait.ge [sflag:s23], $0x4000  }
0xa5: {  	[sflag:s23] =	ssyncset.done $0x0  }
0xa6: {  	s29 =	sadd.s32 $0x1A80, s28;
	[sflag:s23] =	ssyncadd.s32 $0xFFFFC000  }
0xa7: {  	[spmem:s2] =	stream.indirect.scatter.add.f32 [tilespmem:s21], [sflag:$0x3], $0x80, s29, s19, $0xb8;
	[tilespmem:$0x1E4C0] =	vst v63  }
0xa8: {  	_ =	swait.ge [sflag:s16], $0x4000  }
0xa9: {  	[sflag:s16] =	ssyncset.done $0x0  }
0xaa: {  	s29 =	sadd.s32 $0x380, s28;
	[sflag:s16] =	ssyncadd.s32 $0xFFFFC000  }
0xab: {  	[tilespmem:s21], [sflag:$0x2] =	stream.indirect.gather [hbm4b:s4+s19], $0x80, s29, s19, $0xb8;
	[tilespmem:$0x1E4C0] =	vst v63  }
0xac: {  	_ =	swait.ge [sflag:s22], $0x4000  }
0xad: {  	[sflag:s22] =	ssyncset.done $0x0  }
0xae: {  	s29 =	sadd.s32 $0x1B00, s28;
	[sflag:s22] =	ssyncadd.s32 $0xFFFFC000  }
0xaf: {  	[spmem:s2] =	stream.indirect.scatter.add.f32 [tilespmem:s20], [sflag:$0x3], $0x80, s29, s19, $0xb8;
	[tilespmem:$0x1E4C0] =	vst v63  }
0xb0: {  	_ =	swait.ge [sflag:s16], $0x4000  }
0xb1: {  	[sflag:s16] =	ssyncset.done $0x0  }
0xb2: {  	s29 =	sadd.s32 $0x400, s28;
	[sflag:s16] =	ssyncadd.s32 $0xFFFFC000  }
0xb3: {  	[tilespmem:s20], [sflag:$0x1] =	stream.indirect.gather [hbm4b:s4+s19], $0x80, s29, s19, $0xb8;
	[tilespmem:$0x1E4C0] =	vst v63  }
0xb4: {  	_ =	swait.ge [sflag:s23], $0x4000  }
0xb5: {  	[sflag:s23] =	ssyncset.done $0x0  }
0xb6: {  	s29 =	sadd.s32 $0x1B80, s28;
	[sflag:s23] =	ssyncadd.s32 $0xFFFFC000  }
0xb7: {  	[spmem:s2] =	stream.indirect.scatter.add.f32 [tilespmem:s21], [sflag:$0x3], $0x80, s29, s19, $0xb8;
	[tilespmem:$0x1E4C0] =	vst v63  }
0xb8: {  	_ =	swait.ge [sflag:s16], $0x4000  }
0xb9: {  	[sflag:s16] =	ssyncset.done $0x0  }
0xba: {  	s29 =	sadd.s32 $0x480, s28;
	[sflag:s16] =	ssyncadd.s32 $0xFFFFC000  }
0xbb: {  	[tilespmem:s21], [sflag:$0x2] =	stream.indirect.gather [hbm4b:s4+s19], $0x80, s29, s19, $0xb8;
	[tilespmem:$0x1E4C0] =	vst v63  }
0xbc: {  	_ =	swait.ge [sflag:s22], $0x4000  }
0xbd: {  	[sflag:s22] =	ssyncset.done $0x0  }
0xbe: {  	s29 =	sadd.s32 $0x1C00, s28;
	[sflag:s22] =	ssyncadd.s32 $0xFFFFC000  }
0xbf: {  	[spmem:s2] =	stream.indirect.scatter.add.f32 [tilespmem:s20], [sflag:$0x3], $0x80, s29, s19, $0xb8;
	[tilespmem:$0x1E4C0] =	vst v63  }
0xc0: {  	_ =	swait.ge [sflag:s16], $0x4000  }
0xc1: {  	[sflag:s16] =	ssyncset.done $0x0  }
0xc2: {  	[sflag:s16] =	ssyncadd.s32 $0xFFFFC000  }
0xc3: {  	_ =	swait.ge [sflag:s23], $0x4000  }
.Ltmp0:
0xc4: {  	[sflag:s23] =	ssyncset.done $0x0;
	(pc) =	sbr.rel @p1 .LBB2_2-.Ltmp0, $4  }
0xc5: {  	s28 =	sadd.s32 $0x1C80, s28;
	[sflag:s23] =	ssyncadd.s32 $0xFFFFC000  }
0xc6: {  	[spmem:s2] =	stream.indirect.scatter.add.f32 [tilespmem:s21], [sflag:$0x3], $0x80, s28, s19, $0xb8;
	[tilespmem:$0x1E4C0] =	vst v63  }
0xc7: {  	_ =	swait.ge [sflag:s16], $0x4000  }
0xc8: {  	s29 =	smov.u32 s26;
	[sflag:s16] =	ssyncset.done $0x0  }
0xc9: {  	s25 =	sshra.s32 s25, $0x2;
	[sflag:s16] =	ssyncadd.s32 $0xFFFFC000  }
0xca: {  	[tilespmem:s20], [sflag:$0x1] =	stream.indirect.gather [hbm4b:s4+s19], $0x80, s25, s19, $0xb8;
	[tilespmem:$0x1E4C0] =	vst v63  }
0xcb: {  	s26 =	sadd.s32 $0x80, s25  }
0xcc: {  	[tilespmem:s21], [sflag:$0x2] =	stream.indirect.gather [hbm4b:s4+s19], $0x80, s26, s19, $0xb8;
	[tilespmem:$0x1E4C0] =	vst v63  }
0xcd: {  	_ =	swait.ge [sflag:s22], $0x4000  }
0xce: {  	[sflag:s22] =	ssyncset.done $0x0  }
0xcf: {  	s28 =	sadd.s32 $0x1800, s25;
	[sflag:s22] =	ssyncadd.s32 $0xFFFFC000  }
0xd0: {  	[spmem:s2] =	stream.indirect.scatter.add.f32 [tilespmem:s20], [sflag:$0x3], $0x80, s28, s19, $0xb8;
	[tilespmem:$0x1E4C0] =	vst v63  }
0xd1: {  	_ =	swait.ge [sflag:s16], $0x4000  }
0xd2: {  	[sflag:s16] =	ssyncset.done $0x0  }
0xd3: {  	s30 =	sadd.s32 $0x100, s25;
	[sflag:s16] =	ssyncadd.s32 $0xFFFFC000  }
0xd4: {  	[tilespmem:s20], [sflag:$0x1] =	stream.indirect.gather [hbm4b:s4+s19], $0x80, s30, s19, $0xb8;
	[tilespmem:$0x1E4C0] =	vst v63  }
0xd5: {  	_ =	swait.ge [sflag:s23], $0x4000  }
0xd6: {  	[sflag:s23] =	ssyncset.done $0x0  }
0xd7: {  	s31 =	sadd.s32 $0x1880, s25;
	[sflag:s23] =	ssyncadd.s32 $0xFFFFC000  }
0xd8: {  	[spmem:s2] =	stream.indirect.scatter.add.f32 [tilespmem:s21], [sflag:$0x3], $0x80, s31, s19, $0xb8;
	[tilespmem:$0x1E4C0] =	vst v63  }
0xd9: {  	_ =	swait.ge [sflag:s16], $0x4000  }
0xda: {  	[sflag:s16] =	ssyncset.done $0x0  }
0xdb: {  	s28 =	sadd.s32 $0x180, s25;
	[sflag:s16] =	ssyncadd.s32 $0xFFFFC000  }
0xdc: {  	[tilespmem:s21], [sflag:$0x2] =	stream.indirect.gather [hbm4b:s4+s19], $0x80, s28, s19, $0xb8;
	[tilespmem:$0x1E4C0] =	vst v63  }
0xdd: {  	_ =	swait.ge [sflag:s22], $0x4000  }
0xde: {  	[sflag:s22] =	ssyncset.done $0x0  }
0xdf: {  	s30 =	sadd.s32 $0x1900, s25;
	[sflag:s22] =	ssyncadd.s32 $0xFFFFC000  }
0xe0: {  	[spmem:s2] =	stream.indirect.scatter.add.f32 [tilespmem:s20], [sflag:$0x3], $0x80, s30, s19, $0xb8;
	[tilespmem:$0x1E4C0] =	vst v63  }
0xe1: {  	_ =	swait.ge [sflag:s16], $0x4000  }
0xe2: {  	[sflag:s16] =	ssyncset.done $0x0  }
0xe3: {  	s31 =	sadd.s32 $0x200, s25;
	[sflag:s16] =	ssyncadd.s32 $0xFFFFC000  }
0xe4: {  	[tilespmem:s20], [sflag:$0x1] =	stream.indirect.gather [hbm4b:s4+s19], $0x80, s31, s19, $0xb8;
	[tilespmem:$0x1E4C0] =	vst v63  }
0xe5: {  	_ =	swait.ge [sflag:s23], $0x4000  }
0xe6: {  	[sflag:s23] =	ssyncset.done $0x0  }
0xe7: {  	s28 =	sadd.s32 $0x1980, s25;
	[sflag:s23] =	ssyncadd.s32 $0xFFFFC000  }
0xe8: {  	[spmem:s2] =	stream.indirect.scatter.add.f32 [tilespmem:s21], [sflag:$0x3], $0x80, s28, s19, $0xb8;
	[tilespmem:$0x1E4C0] =	vst v63  }
0xe9: {  	_ =	swait.ge [sflag:s16], $0x4000  }
0xea: {  	[sflag:s16] =	ssyncset.done $0x0  }
0xeb: {  	s30 =	sadd.s32 $0x280, s25;
	[sflag:s16] =	ssyncadd.s32 $0xFFFFC000  }
0xec: {  	[tilespmem:s21], [sflag:$0x2] =	stream.indirect.gather [hbm4b:s4+s19], $0x80, s30, s19, $0xb8;
	[tilespmem:$0x1E4C0] =	vst v63  }
0xed: {  	_ =	swait.ge [sflag:s22], $0x4000  }
0xee: {  	[sflag:s22] =	ssyncset.done $0x0  }
0xef: {  	s31 =	sadd.s32 $0x1A00, s25;
	[sflag:s22] =	ssyncadd.s32 $0xFFFFC000  }
0xf0: {  	[spmem:s2] =	stream.indirect.scatter.add.f32 [tilespmem:s20], [sflag:$0x3], $0x80, s31, s19, $0xb8;
	[tilespmem:$0x1E4C0] =	vst v63  }
0xf1: {  	_ =	swait.ge [sflag:s16], $0x4000  }
0xf2: {  	[sflag:s16] =	ssyncset.done $0x0  }
0xf3: {  	s28 =	sadd.s32 $0x300, s25;
	[sflag:s16] =	ssyncadd.s32 $0xFFFFC000  }
0xf4: {  	[tilespmem:s20], [sflag:$0x1] =	stream.indirect.gather [hbm4b:s4+s19], $0x80, s28, s19, $0xb8;
	[tilespmem:$0x1E4C0] =	vst v63  }
0xf5: {  	_ =	swait.ge [sflag:s23], $0x4000  }
0xf6: {  	[sflag:s23] =	ssyncset.done $0x0  }
0xf7: {  	s30 =	sadd.s32 $0x1A80, s25;
	[sflag:s23] =	ssyncadd.s32 $0xFFFFC000  }
0xf8: {  	[spmem:s2] =	stream.indirect.scatter.add.f32 [tilespmem:s21], [sflag:$0x3], $0x80, s30, s19, $0xb8;
	[tilespmem:$0x1E4C0] =	vst v63  }
0xf9: {  	_ =	swait.ge [sflag:s16], $0x4000  }
0xfa: {  	[sflag:s16] =	ssyncset.done $0x0  }
0xfb: {  	s31 =	sadd.s32 $0x380, s25;
	[sflag:s16] =	ssyncadd.s32 $0xFFFFC000  }
0xfc: {  	[tilespmem:s21], [sflag:$0x2] =	stream.indirect.gather [hbm4b:s4+s19], $0x80, s31, s19, $0xb8;
	[tilespmem:$0x1E4C0] =	vst v63  }
0xfd: {  	_ =	swait.ge [sflag:s22], $0x4000  }
0xfe: {  	[sflag:s22] =	ssyncset.done $0x0  }
0xff: {  	s28 =	sadd.s32 $0x1B00, s25;
	[sflag:s22] =	ssyncadd.s32 $0xFFFFC000  }
0x100: {  	[spmem:s2] =	stream.indirect.scatter.add.f32 [tilespmem:s20], [sflag:$0x3], $0x80, s28, s19, $0xb8;
	[tilespmem:$0x1E4C0] =	vst v63  }
0x101: {  	_ =	swait.ge [sflag:s16], $0x4000  }
0x102: {  	[sflag:s16] =	ssyncset.done $0x0  }
0x103: {  	s30 =	sadd.s32 $0x400, s25;
	[sflag:s16] =	ssyncadd.s32 $0xFFFFC000  }
0x104: {  	[tilespmem:s20], [sflag:$0x1] =	stream.indirect.gather [hbm4b:s4+s19], $0x80, s30, s19, $0xb8;
	[tilespmem:$0x1E4C0] =	vst v63  }
0x105: {  	_ =	swait.ge [sflag:s23], $0x4000  }
0x106: {  	[sflag:s23] =	ssyncset.done $0x0  }
0x107: {  	s31 =	sadd.s32 $0x1B80, s25;
	[sflag:s23] =	ssyncadd.s32 $0xFFFFC000  }
0x108: {  	[spmem:s2] =	stream.indirect.scatter.add.f32 [tilespmem:s21], [sflag:$0x3], $0x80, s31, s19, $0xb8;
	[tilespmem:$0x1E4C0] =	vst v63  }
0x109: {  	_ =	swait.ge [sflag:s16], $0x4000  }
0x10a: {  	[sflag:s16] =	ssyncset.done $0x0  }
0x10b: {  	s28 =	sadd.s32 $0x480, s25;
	[sflag:s16] =	ssyncadd.s32 $0xFFFFC000  }
0x10c: {  	[tilespmem:s21], [sflag:$0x2] =	stream.indirect.gather [hbm4b:s4+s19], $0x80, s28, s19, $0xb8;
	[tilespmem:$0x1E4C0] =	vst v63  }
0x10d: {  	_ =	swait.ge [sflag:s22], $0x4000  }
0x10e: {  	[sflag:s22] =	ssyncset.done $0x0  }
0x10f: {  	s30 =	sadd.s32 $0x1C00, s25;
	[sflag:s22] =	ssyncadd.s32 $0xFFFFC000  }
0x110: {  	[spmem:s2] =	stream.indirect.scatter.add.f32 [tilespmem:s20], [sflag:$0x3], $0x80, s30, s19, $0xb8;
	[tilespmem:$0x1E4C0] =	vst v63  }
0x111: {  	_ =	swait.ge [sflag:s16], $0x4000  }
0x112: {  	[sflag:s16] =	ssyncset.done $0x0  }
0x113: {  	[sflag:s16] =	ssyncadd.s32 $0xFFFFC000  }
0x114: {  	_ =	swait.ge [sflag:s23], $0x4000  }
0x115: {  	[sflag:s23] =	ssyncset.done $0x0  }
0x116: {  	s25 =	sadd.s32 $0x1C80, s25;
	[sflag:s23] =	ssyncadd.s32 $0xFFFFC000  }
0x117: {  	[spmem:s2] =	stream.indirect.scatter.add.f32 [tilespmem:s21], [sflag:$0x3], $0x80, s25, s19, $0xb8;
	[tilespmem:$0x1E4C0] =	vst v63  }
0x118: {  	_ =	swait.ge [sflag:s16], $0x4000  }
0x119: {  	[sflag:s16] =	ssyncset.done $0x0  }
0x11a: {  	s31 =	simm.s32 $0x0;
	[sflag:s16] =	ssyncadd.s32 $0xFFFFC000  }
0x11b: {  	[tilespmem:s31], [sflag:$0x3] =	stream.linear.gather [hbm4b:s10+s31], $0x1480, $0x38;
	[tilespmem:$0x1E4C0] =	vst v63  }
0x11c: {  	_ =	swait.ge [sflag:s16], $0x1480  }
0x11d: {  	[sflag:s16] =	ssyncset.done $0x0  }
0x11e: {  	[sflag:s16] =	ssyncadd.s32 $0xFFFFEB80  }
0x11f: {  	[tilespmem:s18], [sflag:$0x3] =	stream.linear.gather [hbm4b:s11+s31], $0x1400, $0x38;
	[tilespmem:$0x1E4C0] =	vst v63  }
0x120: {  	_ =	swait.ge [sflag:s16], $0x1400  }
0x121: {  	[sflag:s16] =	ssyncset.done $0x0  }
0x122: {  	s26 =	simm.s32 $0x0;
	[sflag:s16] =	ssyncadd.s32 $0xFFFFEC00  }
0x123: {  	[tilespmem:s20], [sflag:$0x1] =	stream.indirect.gather [hbm4b:s4+s19], $0x80, s26, s19, $0xb8;
	[tilespmem:$0x1E4C0] =	vst v63  }
0x124: {  	s28 =	simm.s32 $0x80  }
0x125: {  	[tilespmem:s21], [sflag:$0x2] =	stream.indirect.gather [hbm4b:s4+s19], $0x80, s28, s19, $0xb8;
	[tilespmem:$0x1E4C0] =	vst v63  }
0x126: {  	_ =	swait.ge [sflag:s22], $0x4000  }
0x127: {  	[sflag:s22] =	ssyncset.done $0x0  }
0x128: {  	s30 =	simm.s32 $0x1800;
	[sflag:s22] =	ssyncadd.s32 $0xFFFFC000  }
0x129: {  	[spmem:s2] =	stream.indirect.scatter.add.f32 [tilespmem:s20], [sflag:$0x3], $0x80, s30, s19, $0xb8;
	[tilespmem:$0x1E4C0] =	vst v63  }
0x12a: {  	_ =	swait.ge [sflag:s16], $0x4000  }
0x12b: {  	[sflag:s16] =	ssyncset.done $0x0  }
0x12c: {  	s31 =	simm.s32 $0x100;
	[sflag:s16] =	ssyncadd.s32 $0xFFFFC000  }
0x12d: {  	[tilespmem:s20], [sflag:$0x1] =	stream.indirect.gather [hbm4b:s4+s19], $0x80, s31, s19, $0xb8;
	[tilespmem:$0x1E4C0] =	vst v63  }
0x12e: {  	_ =	swait.ge [sflag:s23], $0x4000  }
0x12f: {  	[sflag:s23] =	ssyncset.done $0x0  }
0x130: {  	s26 =	simm.s32 $0x1880;
	[sflag:s23] =	ssyncadd.s32 $0xFFFFC000  }
0x131: {  	[spmem:s2] =	stream.indirect.scatter.add.f32 [tilespmem:s21], [sflag:$0x3], $0x80, s26, s19, $0xb8;
	[tilespmem:$0x1E4C0] =	vst v63  }
0x132: {  	_ =	swait.ge [sflag:s16], $0x4000  }
0x133: {  	[sflag:s16] =	ssyncset.done $0x0  }
0x134: {  	s28 =	simm.s32 $0x180;
	[sflag:s16] =	ssyncadd.s32 $0xFFFFC000  }
0x135: {  	[tilespmem:s21], [sflag:$0x2] =	stream.indirect.gather [hbm4b:s4+s19], $0x80, s28, s19, $0xb8;
	[tilespmem:$0x1E4C0] =	vst v63  }
0x136: {  	_ =	swait.ge [sflag:s22], $0x4000  }
0x137: {  	[sflag:s22] =	ssyncset.done $0x0  }
0x138: {  	s30 =	simm.s32 $0x1900;
	[sflag:s22] =	ssyncadd.s32 $0xFFFFC000  }
0x139: {  	[spmem:s2] =	stream.indirect.scatter.add.f32 [tilespmem:s20], [sflag:$0x3], $0x80, s30, s19, $0xb8;
	[tilespmem:$0x1E4C0] =	vst v63  }
0x13a: {  	_ =	swait.ge [sflag:s16], $0x4000  }
0x13b: {  	[sflag:s16] =	ssyncset.done $0x0  }
0x13c: {  	s31 =	simm.s32 $0x200;
	[sflag:s16] =	ssyncadd.s32 $0xFFFFC000  }
0x13d: {  	[tilespmem:s20], [sflag:$0x1] =	stream.indirect.gather [hbm4b:s4+s19], $0x80, s31, s19, $0xb8;
	[tilespmem:$0x1E4C0] =	vst v63  }
0x13e: {  	_ =	swait.ge [sflag:s23], $0x4000  }
0x13f: {  	[sflag:s23] =	ssyncset.done $0x0  }
0x140: {  	s26 =	simm.s32 $0x1980;
	[sflag:s23] =	ssyncadd.s32 $0xFFFFC000  }
0x141: {  	[spmem:s2] =	stream.indirect.scatter.add.f32 [tilespmem:s21], [sflag:$0x3], $0x80, s26, s19, $0xb8;
	[tilespmem:$0x1E4C0] =	vst v63  }
0x142: {  	_ =	swait.ge [sflag:s16], $0x4000  }
0x143: {  	[sflag:s16] =	ssyncset.done $0x0  }
0x144: {  	s28 =	simm.s32 $0x280;
	[sflag:s16] =	ssyncadd.s32 $0xFFFFC000  }
0x145: {  	[tilespmem:s21], [sflag:$0x2] =	stream.indirect.gather [hbm4b:s4+s19], $0x80, s28, s19, $0xb8;
	[tilespmem:$0x1E4C0] =	vst v63  }
0x146: {  	_ =	swait.ge [sflag:s22], $0x4000  }
0x147: {  	[sflag:s22] =	ssyncset.done $0x0  }
0x148: {  	s30 =	simm.s32 $0x1A00;
	[sflag:s22] =	ssyncadd.s32 $0xFFFFC000  }
0x149: {  	[spmem:s2] =	stream.indirect.scatter.add.f32 [tilespmem:s20], [sflag:$0x3], $0x80, s30, s19, $0xb8;
	[tilespmem:$0x1E4C0] =	vst v63  }
0x14a: {  	_ =	swait.ge [sflag:s16], $0x4000  }
0x14b: {  	[sflag:s16] =	ssyncset.done $0x0  }
0x14c: {  	s31 =	simm.s32 $0x300;
	[sflag:s16] =	ssyncadd.s32 $0xFFFFC000  }
0x14d: {  	[tilespmem:s20], [sflag:$0x1] =	stream.indirect.gather [hbm4b:s4+s19], $0x80, s31, s19, $0xb8;
	[tilespmem:$0x1E4C0] =	vst v63  }
0x14e: {  	_ =	swait.ge [sflag:s23], $0x4000  }
0x14f: {  	[sflag:s23] =	ssyncset.done $0x0  }
0x150: {  	s26 =	simm.s32 $0x1A80;
	[sflag:s23] =	ssyncadd.s32 $0xFFFFC000  }
0x151: {  	[spmem:s2] =	stream.indirect.scatter.add.f32 [tilespmem:s21], [sflag:$0x3], $0x80, s26, s19, $0xb8;
	[tilespmem:$0x1E4C0] =	vst v63  }
0x152: {  	_ =	swait.ge [sflag:s16], $0x4000  }
0x153: {  	[sflag:s16] =	ssyncset.done $0x0  }
0x154: {  	s28 =	simm.s32 $0x380;
	[sflag:s16] =	ssyncadd.s32 $0xFFFFC000  }
0x155: {  	[tilespmem:s21], [sflag:$0x2] =	stream.indirect.gather [hbm4b:s4+s19], $0x80, s28, s19, $0xb8;
	[tilespmem:$0x1E4C0] =	vst v63  }
0x156: {  	_ =	swait.ge [sflag:s22], $0x4000  }
0x157: {  	[sflag:s22] =	ssyncset.done $0x0  }
0x158: {  	s30 =	simm.s32 $0x1B00;
	[sflag:s22] =	ssyncadd.s32 $0xFFFFC000  }
0x159: {  	[spmem:s2] =	stream.indirect.scatter.add.f32 [tilespmem:s20], [sflag:$0x3], $0x80, s30, s19, $0xb8;
	[tilespmem:$0x1E4C0] =	vst v63  }
0x15a: {  	_ =	swait.ge [sflag:s16], $0x4000  }
0x15b: {  	[sflag:s16] =	ssyncset.done $0x0  }
0x15c: {  	s31 =	simm.s32 $0x400;
	[sflag:s16] =	ssyncadd.s32 $0xFFFFC000  }
0x15d: {  	[tilespmem:s20], [sflag:$0x1] =	stream.indirect.gather [hbm4b:s4+s19], $0x80, s31, s19, $0xb8;
	[tilespmem:$0x1E4C0] =	vst v63  }
0x15e: {  	_ =	swait.ge [sflag:s23], $0x4000  }
0x15f: {  	[sflag:s23] =	ssyncset.done $0x0  }
0x160: {  	s26 =	simm.s32 $0x1B80;
	[sflag:s23] =	ssyncadd.s32 $0xFFFFC000  }
0x161: {  	[spmem:s2] =	stream.indirect.scatter.add.f32 [tilespmem:s21], [sflag:$0x3], $0x80, s26, s19, $0xb8;
	[tilespmem:$0x1E4C0] =	vst v63  }
0x162: {  	_ =	swait.ge [sflag:s16], $0x4000  }
0x163: {  	[sflag:s16] =	ssyncset.done $0x0  }
0x164: {  	s28 =	simm.s32 $0x480;
	[sflag:s16] =	ssyncadd.s32 $0xFFFFC000  }
0x165: {  	[tilespmem:s21], [sflag:$0x2] =	stream.indirect.gather [hbm4b:s4+s19], $0x80, s28, s19, $0xb8;
	[tilespmem:$0x1E4C0] =	vst v63  }
0x166: {  	_ =	swait.ge [sflag:s22], $0x4000  }
0x167: {  	[sflag:s22] =	ssyncset.done $0x0  }
0x168: {  	s30 =	simm.s32 $0x1C00;
	[sflag:s22] =	ssyncadd.s32 $0xFFFFC000  }
0x169: {  	[spmem:s2] =	stream.indirect.scatter.add.f32 [tilespmem:s20], [sflag:$0x3], $0x80, s30, s19, $0xb8;
	[tilespmem:$0x1E4C0] =	vst v63  }
0x16a: {  	_ =	swait.ge [sflag:s16], $0x4000  }
0x16b: {  	[sflag:s16] =	ssyncset.done $0x0  }
0x16c: {  	[sflag:s16] =	ssyncadd.s32 $0xFFFFC000  }
0x16d: {  	_ =	swait.ge [sflag:s23], $0x4000  }
0x16e: {  	[sflag:s23] =	ssyncset.done $0x0  }
0x16f: {  	s31 =	simm.s32 $0x1C80;
	[sflag:s23] =	ssyncadd.s32 $0xFFFFC000  }
0x170: {  	[spmem:s2] =	stream.indirect.scatter.add.f32 [tilespmem:s21], [sflag:$0x3], $0x80, s31, s19, $0xb8;
	[tilespmem:$0x1E4C0] =	vst v63  }
0x171: {  	_ =	swait.ge [sflag:s16], $0x4000  }
0x172: {  	s29 =	simm.s32 $0x2800;
	s25 =	simm.s32 $0x1400;
	[sflag:s16] =	ssyncset.done $0x0  }
.LBB2_4:
0x173: {  	s28 =	sshra.s32 s25, $0x2  }
0x174: {  	[sflag:s16] =	ssyncadd.s32 $0xFFFFC000;
	s25 =	smov.u32 s29;
	s26 =	sadd.s32 $0x1400, s29  }
0x175: {  	[tilespmem:s20], [sflag:$0x1] =	stream.indirect.gather [hbm4b:s4+s19], $0x80, s28, s19, $0xb8;
	[tilespmem:$0x1E4C0] =	vst v63  }
0x176: {  	p1 =	sne.s32 s29, $0x3C00;
	s29 =	sadd.s32 $0x80, s28  }
0x177: {  	[tilespmem:s21], [sflag:$0x2] =	stream.indirect.gather [hbm4b:s4+s19], $0x80, s29, s19, $0xb8;
	[tilespmem:$0x1E4C0] =	vst v63  }
0x178: {  	_ =	swait.ge [sflag:s22], $0x4000  }
0x179: {  	[sflag:s22] =	ssyncset.done $0x0  }
0x17a: {  	s29 =	sadd.s32 $0x1800, s28;
	[sflag:s22] =	ssyncadd.s32 $0xFFFFC000  }
0x17b: {  	[spmem:s2] =	stream.indirect.scatter.add.f32 [tilespmem:s20], [sflag:$0x3], $0x80, s29, s19, $0xb8;
	[tilespmem:$0x1E4C0] =	vst v63  }
0x17c: {  	_ =	swait.ge [sflag:s16], $0x4000  }
0x17d: {  	[sflag:s16] =	ssyncset.done $0x0  }
0x17e: {  	s29 =	sadd.s32 $0x100, s28;
	[sflag:s16] =	ssyncadd.s32 $0xFFFFC000  }
0x17f: {  	[tilespmem:s20], [sflag:$0x1] =	stream.indirect.gather [hbm4b:s4+s19], $0x80, s29, s19, $0xb8;
	[tilespmem:$0x1E4C0] =	vst v63  }
0x180: {  	_ =	swait.ge [sflag:s23], $0x4000  }
0x181: {  	[sflag:s23] =	ssyncset.done $0x0  }
0x182: {  	s29 =	sadd.s32 $0x1880, s28;
	[sflag:s23] =	ssyncadd.s32 $0xFFFFC000  }
0x183: {  	[spmem:s2] =	stream.indirect.scatter.add.f32 [tilespmem:s21], [sflag:$0x3], $0x80, s29, s19, $0xb8;
	[tilespmem:$0x1E4C0] =	vst v63  }
0x184: {  	_ =	swait.ge [sflag:s16], $0x4000  }
0x185: {  	[sflag:s16] =	ssyncset.done $0x0  }
0x186: {  	s29 =	sadd.s32 $0x180, s28;
	[sflag:s16] =	ssyncadd.s32 $0xFFFFC000  }
0x187: {  	[tilespmem:s21], [sflag:$0x2] =	stream.indirect.gather [hbm4b:s4+s19], $0x80, s29, s19, $0xb8;
	[tilespmem:$0x1E4C0] =	vst v63  }
0x188: {  	_ =	swait.ge [sflag:s22], $0x4000  }
0x189: {  	[sflag:s22] =	ssyncset.done $0x0  }
0x18a: {  	s29 =	sadd.s32 $0x1900, s28;
	[sflag:s22] =	ssyncadd.s32 $0xFFFFC000  }
0x18b: {  	[spmem:s2] =	stream.indirect.scatter.add.f32 [tilespmem:s20], [sflag:$0x3], $0x80, s29, s19, $0xb8;
	[tilespmem:$0x1E4C0] =	vst v63  }
0x18c: {  	_ =	swait.ge [sflag:s16], $0x4000  }
0x18d: {  	[sflag:s16] =	ssyncset.done $0x0  }
0x18e: {  	s29 =	sadd.s32 $0x200, s28;
	[sflag:s16] =	ssyncadd.s32 $0xFFFFC000  }
0x18f: {  	[tilespmem:s20], [sflag:$0x1] =	stream.indirect.gather [hbm4b:s4+s19], $0x80, s29, s19, $0xb8;
	[tilespmem:$0x1E4C0] =	vst v63  }
0x190: {  	_ =	swait.ge [sflag:s23], $0x4000  }
0x191: {  	[sflag:s23] =	ssyncset.done $0x0  }
0x192: {  	s29 =	sadd.s32 $0x1980, s28;
	[sflag:s23] =	ssyncadd.s32 $0xFFFFC000  }
0x193: {  	[spmem:s2] =	stream.indirect.scatter.add.f32 [tilespmem:s21], [sflag:$0x3], $0x80, s29, s19, $0xb8;
	[tilespmem:$0x1E4C0] =	vst v63  }
0x194: {  	_ =	swait.ge [sflag:s16], $0x4000  }
0x195: {  	[sflag:s16] =	ssyncset.done $0x0  }
0x196: {  	s29 =	sadd.s32 $0x280, s28;
	[sflag:s16] =	ssyncadd.s32 $0xFFFFC000  }
0x197: {  	[tilespmem:s21], [sflag:$0x2] =	stream.indirect.gather [hbm4b:s4+s19], $0x80, s29, s19, $0xb8;
	[tilespmem:$0x1E4C0] =	vst v63  }
0x198: {  	_ =	swait.ge [sflag:s22], $0x4000  }
0x199: {  	[sflag:s22] =	ssyncset.done $0x0  }
0x19a: {  	s29 =	sadd.s32 $0x1A00, s28;
	[sflag:s22] =	ssyncadd.s32 $0xFFFFC000  }
0x19b: {  	[spmem:s2] =	stream.indirect.scatter.add.f32 [tilespmem:s20], [sflag:$0x3], $0x80, s29, s19, $0xb8;
	[tilespmem:$0x1E4C0] =	vst v63  }
0x19c: {  	_ =	swait.ge [sflag:s16], $0x4000  }
0x19d: {  	[sflag:s16] =	ssyncset.done $0x0  }
0x19e: {  	s29 =	sadd.s32 $0x300, s28;
	[sflag:s16] =	ssyncadd.s32 $0xFFFFC000  }
0x19f: {  	[tilespmem:s20], [sflag:$0x1] =	stream.indirect.gather [hbm4b:s4+s19], $0x80, s29, s19, $0xb8;
	[tilespmem:$0x1E4C0] =	vst v63  }
0x1a0: {  	_ =	swait.ge [sflag:s23], $0x4000  }
0x1a1: {  	[sflag:s23] =	ssyncset.done $0x0  }
0x1a2: {  	s29 =	sadd.s32 $0x1A80, s28;
	[sflag:s23] =	ssyncadd.s32 $0xFFFFC000  }
0x1a3: {  	[spmem:s2] =	stream.indirect.scatter.add.f32 [tilespmem:s21], [sflag:$0x3], $0x80, s29, s19, $0xb8;
	[tilespmem:$0x1E4C0] =	vst v63  }
0x1a4: {  	_ =	swait.ge [sflag:s16], $0x4000  }
0x1a5: {  	[sflag:s16] =	ssyncset.done $0x0  }
0x1a6: {  	s29 =	sadd.s32 $0x380, s28;
	[sflag:s16] =	ssyncadd.s32 $0xFFFFC000  }
0x1a7: {  	[tilespmem:s21], [sflag:$0x2] =	stream.indirect.gather [hbm4b:s4+s19], $0x80, s29, s19, $0xb8;
	[tilespmem:$0x1E4C0] =	vst v63  }
0x1a8: {  	_ =	swait.ge [sflag:s22], $0x4000  }
0x1a9: {  	[sflag:s22] =	ssyncset.done $0x0  }
0x1aa: {  	s29 =	sadd.s32 $0x1B00, s28;
	[sflag:s22] =	ssyncadd.s32 $0xFFFFC000  }
0x1ab: {  	[spmem:s2] =	stream.indirect.scatter.add.f32 [tilespmem:s20], [sflag:$0x3], $0x80, s29, s19, $0xb8;
	[tilespmem:$0x1E4C0] =	vst v63  }
0x1ac: {  	_ =	swait.ge [sflag:s16], $0x4000  }
0x1ad: {  	[sflag:s16] =	ssyncset.done $0x0  }
0x1ae: {  	s29 =	sadd.s32 $0x400, s28;
	[sflag:s16] =	ssyncadd.s32 $0xFFFFC000  }
0x1af: {  	[tilespmem:s20], [sflag:$0x1] =	stream.indirect.gather [hbm4b:s4+s19], $0x80, s29, s19, $0xb8;
	[tilespmem:$0x1E4C0] =	vst v63  }
0x1b0: {  	_ =	swait.ge [sflag:s23], $0x4000  }
0x1b1: {  	[sflag:s23] =	ssyncset.done $0x0  }
0x1b2: {  	s29 =	sadd.s32 $0x1B80, s28;
	[sflag:s23] =	ssyncadd.s32 $0xFFFFC000  }
0x1b3: {  	[spmem:s2] =	stream.indirect.scatter.add.f32 [tilespmem:s21], [sflag:$0x3], $0x80, s29, s19, $0xb8;
	[tilespmem:$0x1E4C0] =	vst v63  }
0x1b4: {  	_ =	swait.ge [sflag:s16], $0x4000  }
0x1b5: {  	[sflag:s16] =	ssyncset.done $0x0  }
0x1b6: {  	s29 =	sadd.s32 $0x480, s28;
	[sflag:s16] =	ssyncadd.s32 $0xFFFFC000  }
0x1b7: {  	[tilespmem:s21], [sflag:$0x2] =	stream.indirect.gather [hbm4b:s4+s19], $0x80, s29, s19, $0xb8;
	[tilespmem:$0x1E4C0] =	vst v63  }
0x1b8: {  	_ =	swait.ge [sflag:s22], $0x4000  }
0x1b9: {  	[sflag:s22] =	ssyncset.done $0x0  }
0x1ba: {  	s29 =	sadd.s32 $0x1C00, s28;
	[sflag:s22] =	ssyncadd.s32 $0xFFFFC000  }
0x1bb: {  	[spmem:s2] =	stream.indirect.scatter.add.f32 [tilespmem:s20], [sflag:$0x3], $0x80, s29, s19, $0xb8;
	[tilespmem:$0x1E4C0] =	vst v63  }
0x1bc: {  	_ =	swait.ge [sflag:s16], $0x4000  }
0x1bd: {  	[sflag:s16] =	ssyncset.done $0x0  }
0x1be: {  	[sflag:s16] =	ssyncadd.s32 $0xFFFFC000  }
0x1bf: {  	_ =	swait.ge [sflag:s23], $0x4000  }
.Ltmp1:
0x1c0: {  	[sflag:s23] =	ssyncset.done $0x0;
	(pc) =	sbr.rel @p1 .LBB2_4-.Ltmp1, $4  }
0x1c1: {  	s28 =	sadd.s32 $0x1C80, s28;
	[sflag:s23] =	ssyncadd.s32 $0xFFFFC000  }
0x1c2: {  	[spmem:s2] =	stream.indirect.scatter.add.f32 [tilespmem:s21], [sflag:$0x3], $0x80, s28, s19, $0xb8;
	[tilespmem:$0x1E4C0] =	vst v63  }
0x1c3: {  	_ =	swait.ge [sflag:s16], $0x4000  }
0x1c4: {  	s29 =	smov.u32 s26;
	[sflag:s16] =	ssyncset.done $0x0  }
0x1c5: {  	s25 =	sshra.s32 s25, $0x2;
	[sflag:s16] =	ssyncadd.s32 $0xFFFFC000  }
0x1c6: {  	[tilespmem:s20], [sflag:$0x1] =	stream.indirect.gather [hbm4b:s4+s19], $0x80, s25, s19, $0xb8;
	[tilespmem:$0x1E4C0] =	vst v63  }
0x1c7: {  	s26 =	sadd.s32 $0x80, s25  }
0x1c8: {  	[tilespmem:s21], [sflag:$0x2] =	stream.indirect.gather [hbm4b:s4+s19], $0x80, s26, s19, $0xb8;
	[tilespmem:$0x1E4C0] =	vst v63  }
0x1c9: {  	_ =	swait.ge [sflag:s22], $0x4000  }
0x1ca: {  	[sflag:s22] =	ssyncset.done $0x0  }
0x1cb: {  	s31 =	sadd.s32 $0x1800, s25;
	[sflag:s22] =	ssyncadd.s32 $0xFFFFC000  }
0x1cc: {  	[spmem:s2] =	stream.indirect.scatter.add.f32 [tilespmem:s20], [sflag:$0x3], $0x80, s31, s19, $0xb8;
	[tilespmem:$0x1E4C0] =	vst v63  }
0x1cd: {  	_ =	swait.ge [sflag:s16], $0x4000  }
0x1ce: {  	[sflag:s16] =	ssyncset.done $0x0  }
0x1cf: {  	s28 =	sadd.s32 $0x100, s25;
	[sflag:s16] =	ssyncadd.s32 $0xFFFFC000  }
0x1d0: {  	[tilespmem:s20], [sflag:$0x1] =	stream.indirect.gather [hbm4b:s4+s19], $0x80, s28, s19, $0xb8;
	[tilespmem:$0x1E4C0] =	vst v63  }
0x1d1: {  	_ =	swait.ge [sflag:s23], $0x4000  }
0x1d2: {  	[sflag:s23] =	ssyncset.done $0x0  }
0x1d3: {  	s29 =	sadd.s32 $0x1880, s25;
	[sflag:s23] =	ssyncadd.s32 $0xFFFFC000  }
0x1d4: {  	[spmem:s2] =	stream.indirect.scatter.add.f32 [tilespmem:s21], [sflag:$0x3], $0x80, s29, s19, $0xb8;
	[tilespmem:$0x1E4C0] =	vst v63  }
0x1d5: {  	_ =	swait.ge [sflag:s16], $0x4000  }
0x1d6: {  	[sflag:s16] =	ssyncset.done $0x0  }
0x1d7: {  	s30 =	sadd.s32 $0x180, s25;
	[sflag:s16] =	ssyncadd.s32 $0xFFFFC000  }
0x1d8: {  	[tilespmem:s21], [sflag:$0x2] =	stream.indirect.gather [hbm4b:s4+s19], $0x80, s30, s19, $0xb8;
	[tilespmem:$0x1E4C0] =	vst v63  }
0x1d9: {  	_ =	swait.ge [sflag:s22], $0x4000  }
0x1da: {  	[sflag:s22] =	ssyncset.done $0x0  }
0x1db: {  	s31 =	sadd.s32 $0x1900, s25;
	[sflag:s22] =	ssyncadd.s32 $0xFFFFC000  }
0x1dc: {  	[spmem:s2] =	stream.indirect.scatter.add.f32 [tilespmem:s20], [sflag:$0x3], $0x80, s31, s19, $0xb8;
	[tilespmem:$0x1E4C0] =	vst v63  }
0x1dd: {  	_ =	swait.ge [sflag:s16], $0x4000  }
0x1de: {  	[sflag:s16] =	ssyncset.done $0x0  }
0x1df: {  	s28 =	sadd.s32 $0x200, s25;
	[sflag:s16] =	ssyncadd.s32 $0xFFFFC000  }
0x1e0: {  	[tilespmem:s20], [sflag:$0x1] =	stream.indirect.gather [hbm4b:s4+s19], $0x80, s28, s19, $0xb8;
	[tilespmem:$0x1E4C0] =	vst v63  }
0x1e1: {  	_ =	swait.ge [sflag:s23], $0x4000  }
0x1e2: {  	[sflag:s23] =	ssyncset.done $0x0  }
0x1e3: {  	s29 =	sadd.s32 $0x1980, s25;
	[sflag:s23] =	ssyncadd.s32 $0xFFFFC000  }
0x1e4: {  	[spmem:s2] =	stream.indirect.scatter.add.f32 [tilespmem:s21], [sflag:$0x3], $0x80, s29, s19, $0xb8;
	[tilespmem:$0x1E4C0] =	vst v63  }
0x1e5: {  	_ =	swait.ge [sflag:s16], $0x4000  }
0x1e6: {  	[sflag:s16] =	ssyncset.done $0x0  }
0x1e7: {  	s30 =	sadd.s32 $0x280, s25;
	[sflag:s16] =	ssyncadd.s32 $0xFFFFC000  }
0x1e8: {  	[tilespmem:s21], [sflag:$0x2] =	stream.indirect.gather [hbm4b:s4+s19], $0x80, s30, s19, $0xb8;
	[tilespmem:$0x1E4C0] =	vst v63  }
0x1e9: {  	_ =	swait.ge [sflag:s22], $0x4000  }
0x1ea: {  	[sflag:s22] =	ssyncset.done $0x0  }
0x1eb: {  	s31 =	sadd.s32 $0x1A00, s25;
	[sflag:s22] =	ssyncadd.s32 $0xFFFFC000  }
0x1ec: {  	[spmem:s2] =	stream.indirect.scatter.add.f32 [tilespmem:s20], [sflag:$0x3], $0x80, s31, s19, $0xb8;
	[tilespmem:$0x1E4C0] =	vst v63  }
0x1ed: {  	_ =	swait.ge [sflag:s16], $0x4000  }
0x1ee: {  	[sflag:s16] =	ssyncset.done $0x0  }
0x1ef: {  	s28 =	sadd.s32 $0x300, s25;
	[sflag:s16] =	ssyncadd.s32 $0xFFFFC000  }
0x1f0: {  	[tilespmem:s20], [sflag:$0x1] =	stream.indirect.gather [hbm4b:s4+s19], $0x80, s28, s19, $0xb8;
	[tilespmem:$0x1E4C0] =	vst v63  }
0x1f1: {  	_ =	swait.ge [sflag:s23], $0x4000  }
0x1f2: {  	[sflag:s23] =	ssyncset.done $0x0  }
0x1f3: {  	s29 =	sadd.s32 $0x1A80, s25;
	[sflag:s23] =	ssyncadd.s32 $0xFFFFC000  }
0x1f4: {  	[spmem:s2] =	stream.indirect.scatter.add.f32 [tilespmem:s21], [sflag:$0x3], $0x80, s29, s19, $0xb8;
	[tilespmem:$0x1E4C0] =	vst v63  }
0x1f5: {  	_ =	swait.ge [sflag:s16], $0x4000  }
0x1f6: {  	[sflag:s16] =	ssyncset.done $0x0  }
0x1f7: {  	s30 =	sadd.s32 $0x380, s25;
	[sflag:s16] =	ssyncadd.s32 $0xFFFFC000  }
0x1f8: {  	[tilespmem:s21], [sflag:$0x2] =	stream.indirect.gather [hbm4b:s4+s19], $0x80, s30, s19, $0xb8;
	[tilespmem:$0x1E4C0] =	vst v63  }
0x1f9: {  	_ =	swait.ge [sflag:s22], $0x4000  }
0x1fa: {  	[sflag:s22] =	ssyncset.done $0x0  }
0x1fb: {  	s31 =	sadd.s32 $0x1B00, s25;
	[sflag:s22] =	ssyncadd.s32 $0xFFFFC000  }
0x1fc: {  	[spmem:s2] =	stream.indirect.scatter.add.f32 [tilespmem:s20], [sflag:$0x3], $0x80, s31, s19, $0xb8;
	[tilespmem:$0x1E4C0] =	vst v63  }
0x1fd: {  	_ =	swait.ge [sflag:s16], $0x4000  }
0x1fe: {  	[sflag:s16] =	ssyncset.done $0x0  }
0x1ff: {  	s28 =	sadd.s32 $0x400, s25;
	[sflag:s16] =	ssyncadd.s32 $0xFFFFC000  }
0x200: {  	[tilespmem:s20], [sflag:$0x1] =	stream.indirect.gather [hbm4b:s4+s19], $0x80, s28, s19, $0xb8;
	[tilespmem:$0x1E4C0] =	vst v63  }
0x201: {  	_ =	swait.ge [sflag:s23], $0x4000  }
0x202: {  	[sflag:s23] =	ssyncset.done $0x0  }
0x203: {  	s29 =	sadd.s32 $0x1B80, s25;
	[sflag:s23] =	ssyncadd.s32 $0xFFFFC000  }
0x204: {  	[spmem:s2] =	stream.indirect.scatter.add.f32 [tilespmem:s21], [sflag:$0x3], $0x80, s29, s19, $0xb8;
	[tilespmem:$0x1E4C0] =	vst v63  }
0x205: {  	_ =	swait.ge [sflag:s16], $0x4000  }
0x206: {  	[sflag:s16] =	ssyncset.done $0x0  }
0x207: {  	s30 =	sadd.s32 $0x480, s25;
	[sflag:s16] =	ssyncadd.s32 $0xFFFFC000  }
0x208: {  	[tilespmem:s21], [sflag:$0x2] =	stream.indirect.gather [hbm4b:s4+s19], $0x80, s30, s19, $0xb8;
	[tilespmem:$0x1E4C0] =	vst v63  }
0x209: {  	_ =	swait.ge [sflag:s22], $0x4000  }
0x20a: {  	[sflag:s22] =	ssyncset.done $0x0  }
0x20b: {  	s31 =	sadd.s32 $0x1C00, s25;
	[sflag:s22] =	ssyncadd.s32 $0xFFFFC000  }
0x20c: {  	[spmem:s2] =	stream.indirect.scatter.add.f32 [tilespmem:s20], [sflag:$0x3], $0x80, s31, s19, $0xb8;
	[tilespmem:$0x1E4C0] =	vst v63  }
0x20d: {  	_ =	swait.ge [sflag:s16], $0x4000  }
0x20e: {  	[sflag:s16] =	ssyncset.done $0x0  }
0x20f: {  	[sflag:s16] =	ssyncadd.s32 $0xFFFFC000  }
0x210: {  	_ =	swait.ge [sflag:s23], $0x4000  }
0x211: {  	[sflag:s23] =	ssyncset.done $0x0  }
0x212: {  	s25 =	sadd.s32 $0x1C80, s25;
	[sflag:s23] =	ssyncadd.s32 $0xFFFFC000  }
0x213: {  	[spmem:s2] =	stream.indirect.scatter.add.f32 [tilespmem:s21], [sflag:$0x3], $0x80, s25, s19, $0xb8;
	[tilespmem:$0x1E4C0] =	vst v63  }
0x214: {  	_ =	swait.ge [sflag:s16], $0x4000  }
0x215: {  	[sflag:s16] =	ssyncset.done $0x0  }
0x216: {  	[sflag:s16] =	ssyncadd.s32 $0xFFFFC000  }
0x217: {  	[bflag:$0x0] =	sbarrier.arrive $0xFFFF  }
0x218: {  	[hbm:s12], [sflag:s6] =	dma.local [spmem:s15], $0x2700  }
0x219: {  	s24 =	sadd.s32 $0x1, s24;
	_ =	swait.ge [sflag:s16], $0x2700  }
0x21a: {  	p1 =	sne.s32 s24, s14;
	[sflag:s16] =	ssyncset.done $0x0  }
.Ltmp2:
0x21b: {  	s25 =	simm.s32 @!p0 $0x3;
	[sflag:s16] =	ssyncadd.s32 $0xFFFFD900;
	(pc) =	sbr.rel @p1 .LBB2_1-.Ltmp2, $4  }
0x21c: {  	[hbm:s13], [sflag:s6] =	dma.local @!p0 [spmem:s17], $0x100  }
0x21d: {  	_ =	swait.ge @!p0 [sflag:s25], $0x100  }
0x21e: {  	[sflag:s25] =	ssyncset.done @!p0 $0x0  }
0x21f: {  	[sflag:s25] =	ssyncadd.s32 @!p0 $0xFFFFFF00  }
0x220: {  	_ =	sfence.sel $0x180000  }
0x221: {  	[bflag:$0x0] =	sbarrier.arrive $0xFFFF  }
0x222: {  	p0 =	sne.s32 s1, $0x0;
	_ =	strace $0x9000004D  }
0x223: {  	s0 =	sadd.s32 @!p0 $0x100000, s0;
	[bflag:$0x2] =	sbarrier.arrive $0xFFFF  }
0x224: {  	[sflag:s0] =	ssyncadd.tile.s32 @!p0 $0x1;
	_ =	shalt  }
.Lfunc_end2:
_tile_overlayer_lowered:
.L_overlay_start_2:
0x225: {  	(tag) =	ssettag $0x2  }
0x226: {  	s0 =	rddreg [dreg:$0x0];
	s2 =	stileid.u32  }
0x227: {  	s1 =	rddreg [dreg:$0x1];
	p0 =	sne.s32 s2, $0x0  }
0x228: {  	s3 =	rddreg [dreg:$0x2];
	[bflag:$0x3] =	sbarrier.arrive $0xFFFF;
	s2 =	simm.s32 @!p0 $0x1C03  }
0x229: {  	[timem:s3], [sflag:s2] =	dma.local @!p0 [hbm:s0], s1  }
0x22a: {  	s0 =	simm.s32 @!p0 $0x3  }
0x22b: {  	_ =	swait.ge @!p0 [sflag:s0], s1  }
0x22c: {  	s1 =	ssub.s32 @!p0 $0x0, s1;
	[sflag:s0] =	ssyncset.done @!p0 $0x0  }
0x22d: {  	[sflag:s0] =	ssyncadd.s32 @!p0 s1  }
0x22e: {  	[bflag:$0x3] =	sbarrier.arrive $0xFFFF  }
0x22f: {  	_ =	shalt  }

// kernel: kernel.9.cloned.1.call-start
scs
__scs_entry_jumppad:
0x0: {  	(pc) =	sbr.rel $0x88, $3  }
0x1: {  	(tag) =	ssettag $0x0;
	lr =	simm.s32 $0x1  }
0x2: {  	[smem:$0x3F8C] =	sst lr;
	_ =	strace $0xD0000000  }
0x3: {  	_ = 	snop  }
0x4: {  	_ = 	snop  }
0x5: {  	_ = 	snop  }
0x6: {  	_ = 	snop  }
0x7: {  	_ = 	snop  }
__scs_overlays_trampoline_lowered:
0x8: {  	[smem:$0x3F9B] =	sst s0  }
0x9: {  	[smem:$0x3F9C] =	sst s1  }
0xa: {  	[smem:$0x3F9D] =	sst s2  }
0xb: {  	[smem:$0x3F9E] =	sst s3  }
0xc: {  	[smem:$0x3F9F] =	sst s4  }
0xd: {  	[smem:$0x3FA0] =	sst s5  }
0xe: {  	[smem:$0x3FA1] =	sst s6  }
0xf: {  	[smem:$0x3FA2] =	sst s7  }
0x10: {  	[smem:$0x3FA3] =	sst s8  }
0x11: {  	[smem:$0x3FA4] =	sst s9;
	s0 =	simm.s32 @!p0 $0x0  }
0x12: {  	s1 =	sld [smem:$0x3F8A];
	s0 =	simm.s32 @p0 $0x1  }
0x13: {  	[smem:$0x3FA5] =	sst s0;
	s0 =	simm.s32 @!p1 $0x0  }
0x14: {  	s2 =	sld [smem:$0x3F89];
	s0 =	simm.s32 @p1 $0x1  }
0x15: {  	[smem:$0x3FA6] =	sst s0;
	s0 =	simm.s32 @!p2 $0x0  }
0x16: {  	s3 =	sld [smem:$0x3FDB];
	s0 =	simm.s32 @p2 $0x1  }
0x17: {  	s4 =	simm.s32 $0x1BF5;
	[smem:$0x3FA8] =	sst s0  }
0x18: {  	s0 =	sld [smem:$0x3F8B];
	_ =	swait.ge [sflag:s4], $0x0  }
0x19: {  	s7 =	sld [smem:$0x3F8C]  }
0x1a: {  	s8 =	sadd.s32 $0xFFFFE003, lr  }
0x1b: {  	s9 =	sadd.s32 $0xFFFFFEF7, lr;
	s5 =	simm.s32 $0xFFFFFFFF;
	p2 =	slt.u32 s8, $0xFFFFF086  }
0x1c: {  	p1 =	slt.u32 s9, $0xF7A;
	s5 =	simm.s32 @!p2 $0x0  }
0x1d: {  	s5 =	simm.s32 @p1 $0x1;
	p0 =	seq.s32 s7, s2  }
0x1e: {  	s7 =	smul.u32 @!p0 $0xF7A, s2;
	p2 =	seq.s32 @!p0 s5, $0x0  }
0x1f: {  	s9 =	smul.u32 $0xF7A, s1;
	s8 =	simm.s32 @!p0 $0x1BF5;
	p2 =	por !p2, p0  }
0x20: {  	[sflag:s8] =	ssyncset.s32 @!p0 $0xFFFFF086;
	s6 =	sadd.s32 @!p0 s3, s7;
	s7 =	simm.s32 @!p0 $0x108  }
0x21: {  	s3 =	sadd.s32 s3, s9;
	s6 =	sadd.s32 @!p0 $0x88, s6;
	s7 =	simm.s32 @p2 $0x1082  }
0x22: {  	[simem:s7], [sflag:s8] =	dma.local @!p0 [hbm:s6], $0xF7A  }
0x23: {  	s9 =	sor.u32 $0xD0000000, s2;
	s6 =	simm.s32 $0x108;
	_ =	swait.ge @!p0 [sflag:s8], $0x0  }
0x24: {  	s3 =	sadd.s32 $0x88, s3;
	s6 =	simm.s32 @!p1 $0x1082;
	[sflag:s4] =	ssyncset.s32 $0xFFFFF086  }
0x25: {  	[simem:s6], [sflag:s4] =	dma.local [hbm:s3], $0xF7A  }
0x26: {  	[smem:$0x3F8C] =	sst s1;
	(tag) =	ssettag s2;
	_ =	strace s9  }
0x27: {  	s1 =	sld [smem:$0x3F9C]  }
0x28: {  	s2 =	sld [smem:$0x3F9D]  }
0x29: {  	s4 =	sld [smem:$0x3F9F]  }
0x2a: {  	p0 =	seq.s32 s5, $0x0;
	s5 =	sld [smem:$0x3FA0]  }
0x2b: {  	s6 =	sld [smem:$0x3FA1]  }
0x2c: {  	s7 =	sld [smem:$0x3FA2]  }
0x2d: {  	s3 =	simm.s32 $0x108;
	s8 =	sld [smem:$0x3FA3]  }
0x2e: {  	s3 =	simm.s32 @!p0 $0x1082;
	s9 =	sld [smem:$0x3FA4]  }
0x2f: {  	lr =	sadd.s32 s0, s3;
	s0 =	sld [smem:$0x3F9B]  }
0x30: {  	s3 =	sld [smem:$0x3F9E]  }
0x31: {  	[smem:$0x3FA7] =	sst s10  }
0x32: {  	s10 =	sld [smem:$0x3FA5];
	_ =	sdelay $0x3  }
0x33: {  	p0 =	seq.s32 s10, $0x1;
	s10 =	sld [smem:$0x3FA7];
	_ =	sdelay $0x3  }
0x34: {  	[smem:$0x3FA7] =	sst s10  }
0x35: {  	s10 =	sld [smem:$0x3FA6];
	_ =	sdelay $0x3  }
0x36: {  	p1 =	seq.s32 s10, $0x1;
	s10 =	sld [smem:$0x3FA7];
	_ =	sdelay $0x3  }
0x37: {  	[smem:$0x3FA7] =	sst s10  }
0x38: {  	s10 =	sld [smem:$0x3FA8]  }
0x39: {  	_ = 	snop;
	(pc) =	sbr.ind lr, $3  }
0x3a: {  	_ = 	snop  }
0x3b: {  	_ = 	snop  }
0x3c: {  	p2 =	seq.s32 s10, $0x1;
	s10 =	sld [smem:$0x3FA7]  }
0x3d: {  	_ =	shalt  }
0x3e: {  	_ =	shalt  }
0x3f: {  	_ =	shalt  }
0x40: {  	_ =	shalt  }
0x41: {  	_ =	shalt  }
0x42: {  	_ =	shalt  }
0x43: {  	_ =	shalt  }
0x44: {  	_ =	shalt  }
0x45: {  	_ =	shalt  }
0x46: {  	_ =	shalt  }
0x47: {  	_ =	shalt  }
0x48: {  	_ =	shalt  }
0x49: {  	_ =	shalt  }
0x4a: {  	_ =	shalt  }
0x4b: {  	_ =	shalt  }
0x4c: {  	_ =	shalt  }
0x4d: {  	_ =	shalt  }
0x4e: {  	_ =	shalt  }
0x4f: {  	_ =	shalt  }
0x50: {  	_ =	shalt  }
0x51: {  	_ =	shalt  }
0x52: {  	_ =	shalt  }
0x53: {  	_ =	shalt  }
0x54: {  	_ =	shalt  }
0x55: {  	_ =	shalt  }
0x56: {  	_ =	shalt  }
0x57: {  	_ =	shalt  }
0x58: {  	_ =	shalt  }
0x59: {  	_ =	shalt  }
0x5a: {  	_ =	shalt  }
0x5b: {  	_ =	shalt  }
0x5c: {  	_ =	shalt  }
0x5d: {  	_ =	shalt  }
0x5e: {  	_ =	shalt  }
0x5f: {  	_ =	shalt  }
0x60: {  	_ =	shalt  }
0x61: {  	_ =	shalt  }
0x62: {  	_ =	shalt  }
0x63: {  	_ =	shalt  }
0x64: {  	_ =	shalt  }
0x65: {  	_ =	shalt  }
0x66: {  	_ =	shalt  }
0x67: {  	_ =	shalt  }
0x68: {  	_ =	shalt  }
0x69: {  	_ =	shalt  }
0x6a: {  	_ =	shalt  }
0x6b: {  	_ =	shalt  }
0x6c: {  	_ =	shalt  }
0x6d: {  	_ =	shalt  }
0x6e: {  	_ =	shalt  }
0x6f: {  	_ =	shalt  }
0x70: {  	_ =	shalt  }
0x71: {  	_ =	shalt  }
0x72: {  	_ =	shalt  }
0x73: {  	_ =	shalt  }
0x74: {  	_ =	shalt  }
0x75: {  	_ =	shalt  }
0x76: {  	_ =	shalt  }
0x77: {  	_ =	shalt  }
0x78: {  	_ =	shalt  }
0x79: {  	_ =	shalt  }
0x7a: {  	_ =	shalt  }
0x7b: {  	_ =	shalt  }
0x7c: {  	_ =	shalt  }
0x7d: {  	_ =	shalt  }
0x7e: {  	_ =	shalt  }
0x7f: {  	_ =	shalt  }
0x80: {  	_ =	shalt  }
0x81: {  	_ =	shalt  }
0x82: {  	_ =	shalt  }
0x83: {  	_ =	shalt  }
0x84: {  	_ =	shalt  }
0x85: {  	_ =	shalt  }
0x86: {  	_ =	shalt  }
0x87: {  	_ =	shalt  }
.Lfunc_end0:
.L_simem_size_0:
called_computation_lowered:
.L_overlay_start_0:
0x88: {  	s2 =	sld [smem:$0x3FD9]  }
0x89: {  	s3 =	sld [smem:$0x3FFE];
	_ =	sdelay $0x1  }
0x8a: {  	s1 =	srdreg.scid  }
0x8b: {  	s0 =	sand.u32 $0x1, s1  }
0x8c: {  	s16 =	sshll.u32 s0, $0xA;
	s2 =	sadd.s32 s3, s2  }
0x8d: {  	s2 =	sadd.s32 s2, s16  }
0x8e: {  	[smem:$0x3FB3] =	sst s2  }
0x8f: {  	_ = 	snop  }
0x90: {  	(tm) =	ssettm $0x1  }
0x91: {  	s17 =	sld [smem:$0x3FFB];
	_ =	sdelay $0x3  }
0x92: {  	_ =	strace s17  }
0x93: {  	s2 =	sld [smem:$0x3FFC];
	_ =	sdelay $0x3  }
0x94: {  	_ =	strace s2  }
0x95: {  	s2 =	sld [smem:$0x3FFD];
	_ =	sdelay $0x3  }
0x96: {  	_ =	strace s2  }
0x97: {  	_ =	strace $0x8FFFFFFF  }
0x98: {  	s18 =	sld [smem:$0x3FDB];
	_ =	sdelay $0x1  }
0x99: {  	s19 =	simm.s32 $_scs_section_size  }
0x9a: {  	s4 =	simm.s32 $_size__tile_overlayer_lowered;
	s5 =	simm.s32 $_tile_overlayer_lowered  }
0x9b: {  	s22 =	simm.s32 $0x1BFF;
	s21 =	sshll.u32 s5, $0x1;
	s2 =	sadd.s32 s19, s18  }
0x9c: {  	s6 =	simm.s32 $0x0;
	s20 =	sshll.u32 s4, $0x1;
	s4 =	sadd.s32 s21, s2  }
0x9d: {  	[timem:s6], [sflag:s22] =	dma.local [hbm:s4], s20  }
0x9e: {  	_ =	swait.ge [sflag:s22], s20  }
0x9f: {  	s3 =	ssub.s32 $0x0, s20;
	[sflag:s22] =	ssyncset.done $0x0  }
0xa0: {  	[sflag:s22] =	ssyncadd.s32 s3;
	_ =	sdelay $0x1  }
0xa1: {  	s23 =	simm.s32 $0x1B8B  }
0xa2: {  	_ =	swait.ge [sflag:s23], $0x1  }
0xa3: {  	[sflag:s23] =	ssyncset.done $0x0  }
0xa4: {  	s25 =	simm.s32 $0x1B8E;
	s24 =	sld [smem:$0x3FFE];
	[sflag:s23] =	ssyncadd.s32 $0xFFFFFFFF  }
0xa5: {  	s26 =	simm.s32 $execute0_lowered;
	[smem:$0x3FD2] =	sst s25  }
0xa6: {  	s4 =	sshll.u32 s26, $0x1;
	_ =	strace $0x80000046;
	[dreg:$0x1] =	wrdreg $0xFFFFFFFF  }
0xa7: {  	s28 =	simm.s32 $_size_execute0_lowered;
	s2 =	sadd.s32 s2, s4;
	[dreg:$0x0] =	wrdreg $0x0  }
0xa8: {  	s4 =	sshll.u32 s28, $0x1;
	[dreg:$0x2] =	wrdreg s2  }
0xa9: {  	[dreg:$0x3] =	wrdreg s4  }
0xaa: {  	[dreg:$0x4] =	wrdreg $0xC0  }
0xab: {  	_ =	task [dreg:s6], $0x5FFFF  }
0xac: {  	[dreg:$0x1] =	wrdreg $0xFFFFFFFF  }
0xad: {  	[dreg:$0x0] =	wrdreg $0x60  }
0xae: {  	[dreg:$0x2] =	wrdreg s24  }
0xaf: {  	[dreg:$0x3] =	wrdreg $0x54000  }
0xb0: {  	[dreg:$0x4] =	wrdreg $0x9  }
0xb1: {  	_ =	task.clear_ibuf [dreg:s6], $0x5FFFF;
	_ =	strace $0x90000046  }
0xb2: {  	s29 =	simm.s32 $0x9;
	_ =	strace $0x80000048  }
0xb3: {  	_ =	swait.ge [sflag:s29], $0x1  }
0xb4: {  	[sflag:s29] =	ssyncadd.s32 $0xFFFFFFFF  }
0xb5: {  	_ =	strace $0x90000048  }
0xb6: {  	_ =	sfence  }
0xb7: {  	s30 =	sld [smem:$0x0];
	_ =	sdelay $0x2  }
0xb8: {  	s31 =	sshll.u32 s1, $0xD;
	s1 =	sshrl.u32 s1, $0x2  }
0xb9: {  	s3 =	sand.u32 $0x4000, s31;
	s1 =	sadd.s32 s1, s30  }
0xba: {  	s0 =	sor.u32 s3, s0;
	s1 =	sshll.u32 s1, $0x11  }
0xbb: {  	s0 =	sor.u32 s1, s0  }
0xbc: {  	s0 =	sadd.s32 $0x8F2B, s0  }
0xbd: {  	[sflag:s0] =	ssyncadd.remote.s32 $0x1  }
0xbe: {  	_ =	sfence.sel $0xFFFF  }
0xbf: {  	[dreg:$0x0] =	wrdreg $0xFFFFFFFF;
	(pc) =	sbr.abs _section_cstart, $3  }
0xc0: {  	[dreg:$0x1] =	wrdreg $0xFFFFFFFF  }
0xc1: {  	_ =	task.clear_ibuf [dreg:s6], $0x2FFFF;
	_ =	strace $0x9FFFFFFF  }
0xc2: {  	(tm) =	ssettm $0x7FFFFFFF  }
0xc3: {  	_ =	shalt  }
tec
execute0_lowered:
.L_overlay_start_1:
0x0: {  	(tag) =	ssettag $0x1  }
0x1: {  	s5 =	rddreg [dreg:$0x0]  }
0x2: {  	s0 =	srdreg.scid;
	s2 =	rddreg [dreg:$0x1]  }
0x3: {  	s1 =	rddreg [dreg:$0x2];
	s6 =	sand.u32 $0x1, s0  }
0x4: {  	s0 =	stileid.u32;
	s4 =	smul.u32 $0x28000, s6  }
0x5: {  	s3 =	simm.s32 $0x0;
	s15 =	simm.s32 $0x80;
	s7 =	smul.u32 $0x2800, s0  }
0x6: {  	s16 =	simm.s32 $0x0;
	[smem:$0x7FF] =	sst s3;
	s8 =	smul.u32 $0x4E000, s0  }
0x7: {  	s9 =	sadd.s32 $0xF000, s5;
	s14 =	sadd.s32 $0x138000, s2;
	s10 =	smul.u32 $0x138800, s6  }
0x8: {  	_ =	strace $0x80000047;
	s28 =	ssub.s32 $0x2, s6;
	s11 =	smul.u32 $0x13800, s0  }
0x9: {  	s30 =	sshll.u32 s0, $0x6;
	p0 =	sne.s32 s0, $0xF;
	s29 =	sshrl.u32 s28, $0x1  }
0xa: {  	s4 =	sadd.s32 s7, s4;
	s8 =	sshrl.u32 s8, $0x2;
	s12 =	ssub.s32 s28, s29  }
0xb: {  	s31 =	sadd.s32 s11, s10;
	s10 =	sshrl.u32 s10, $0x3;
	s7 =	sshrl.u32 s4, $0x3  }
0xc: {  	s4 =	sadd.s32 $0xC800, s5;
	s13 =	sadd.s32 s8, s2;
	s8 =	sshrl.u32 s31, $0x3  }
0xd: {  	s7 =	sadd.s32 s7, s5;
	s5 =	sor.u32 $0x1C01, s30;
	s8 =	sadd.s32 s9, s8  }
0xe: {  	s9 =	sadd.s32 s9, s10;
	s10 =	smax.u32 s12, $0x1;
	s11 =	sshrl.u32 s13, $0x3  }
0xf: {  	s12 =	simm.s32 $0x1;
	s13 =	sshrl.u32 @!p0 s14, $0x3;
	s14 =	simm.s32 $0x1400  }
0x10: {  	s6 =	sadd.s32 $0x2800, s7;
	s7 =	sadd.s32 $0x2A80, s7;
	s9 =	sadd.s32 $0x27000, s9  }
.LBB2_1:
0x11: {  	[spmem:s11], [sflag:s5] =	dma.local [hbm:s4], $0x2700  }
0x12: {  	_ =	swait.ge [sflag:s12], $0x2700  }
0x13: {  	[sflag:s12] =	ssyncset.done $0x0  }
0x14: {  	s17 =	simm.s32 @!p0 $0x1;
	[sflag:s12] =	ssyncadd.s32 $0xFFFFD900  }
0x15: {  	[spmem:s13], [sflag:s5] =	dma.local @!p0 [hbm:s4], $0x100  }
0x16: {  	_ =	swait.ge @!p0 [sflag:s17], $0x100  }
0x17: {  	[sflag:s17] =	ssyncset.done @!p0 $0x0  }
0x18: {  	[sflag:s17] =	ssyncadd.s32 @!p0 $0xFFFFFF00  }
0x19: {  	[tilespmem:s14], [sflag:$0x1] =	stream.linear.gather [hbm4b:s4+s3], $0x4000, $0x38;
	[tilespmem:$0x18CC0] =	vst v63  }
0x1a: {  	_ =	swait.ge [sflag:s12], $0x4000  }
0x1b: {  	[sflag:s12] =	ssyncset.done $0x0  }
0x1c: {  	[sflag:s12] =	ssyncadd.s32 $0xFFFFC000  }
0x1d: {  	[bflag:$0x0] =	sbarrier.arrive $0xFFFF  }
0x1e: {  	[tilespmem:s3], [sflag:$0x1] =	stream.linear.gather [hbm4b:s6+s3], $0x1400, $0x38;
	[tilespmem:$0x18CC0] =	vst v63  }
0x1f: {  	_ =	swait.ge [sflag:s12], $0x1400  }
0x20: {  	[sflag:s12] =	ssyncset.done $0x0  }
0x21: {  	s31 =	simm.s32 $0x0;
	[sflag:s12] =	ssyncadd.s32 $0xFFFFEC00  }
0x22: {  	[spmem:s2] =	stream.indirect.scatter.add.f32 [tilespmem:s14], [sflag:$0x1], $0x80, s31, s15, $0xb8;
	[tilespmem:$0x18CC0] =	vst v63  }
0x23: {  	_ =	swait.ge [sflag:s12], $0x4000  }
0x24: {  	s17 =	simm.s32 $0x200;
	[sflag:s12] =	ssyncset.done $0x0  }
.LBB2_2:
0x25: {  	s18 =	sshra.s32 s17, $0x2;
	[sflag:s12] =	ssyncadd.s32 $0xFFFFC000;
	p1 =	sne.s32 s17, $0x4E00  }
0x26: {  	[spmem:s2] =	stream.indirect.scatter.add.f32 [tilespmem:s14], [sflag:$0x1], $0x80, s18, s15, $0xb8;
	[tilespmem:$0x18CC0] =	vst v63  }
.Ltmp0:
0x27: {  	_ = 	snop;
	(pc) =	sbr.rel @p1 .LBB2_2-.Ltmp0, $4  }
0x28: {  	_ = 	snop  }
0x29: {  	s17 =	sadd.s32 $0x200, s17  }
0x2a: {  	_ =	swait.ge [sflag:s12], $0x4000  }
0x2b: {  	[sflag:s12] =	ssyncset.done $0x0  }
0x2c: {  	[sflag:s12] =	ssyncadd.s32 $0xFFFFC000;
	s17 =	simm.s32 $0x0  }
0x2d: {  	[tilespmem:s17], [sflag:$0x1] =	stream.linear.gather [hbm4b:s7+s17], $0x1400, $0x38;
	[tilespmem:$0x18CC0] =	vst v63  }
0x2e: {  	_ =	swait.ge [sflag:s12], $0x1400  }
0x2f: {  	[sflag:s12] =	ssyncset.done $0x0  }
0x30: {  	s31 =	simm.s32 $0x0;
	[sflag:s12] =	ssyncadd.s32 $0xFFFFEC00  }
0x31: {  	[spmem:s2] =	stream.indirect.scatter.add.f32 [tilespmem:s14], [sflag:$0x1], $0x80, s31, s15, $0xb8;
	[tilespmem:$0x18CC0] =	vst v63  }
0x32: {  	_ =	swait.ge [sflag:s12], $0x4000  }
0x33: {  	s17 =	simm.s32 $0x200;
	[sflag:s12] =	ssyncset.done $0x0  }
.LBB2_4:
0x34: {  	s18 =	sshra.s32 s17, $0x2;
	[sflag:s12] =	ssyncadd.s32 $0xFFFFC000;
	p1 =	sne.s32 s17, $0x4E00  }
0x35: {  	[spmem:s2] =	stream.indirect.scatter.add.f32 [tilespmem:s14], [sflag:$0x1], $0x80, s18, s15, $0xb8;
	[tilespmem:$0x18CC0] =	vst v63  }
.Ltmp1:
0x36: {  	_ = 	snop;
	(pc) =	sbr.rel @p1 .LBB2_4-.Ltmp1, $4  }
0x37: {  	_ = 	snop  }
0x38: {  	s17 =	sadd.s32 $0x200, s17  }
0x39: {  	_ =	swait.ge [sflag:s12], $0x4000  }
0x3a: {  	[sflag:s12] =	ssyncset.done $0x0  }
0x3b: {  	[sflag:s12] =	ssyncadd.s32 $0xFFFFC000  }
0x3c: {  	[bflag:$0x0] =	sbarrier.arrive $0xFFFF  }
0x3d: {  	[hbm:s8], [sflag:s5] =	dma.local [spmem:s11], $0x2700  }
0x3e: {  	s16 =	sadd.s32 $0x1, s16;
	_ =	swait.ge [sflag:s12], $0x2700  }
0x3f: {  	p1 =	sne.s32 s16, s10;
	[sflag:s12] =	ssyncset.done $0x0  }
.Ltmp2:
0x40: {  	s17 =	simm.s32 @!p0 $0x1;
	[sflag:s12] =	ssyncadd.s32 $0xFFFFD900;
	(pc) =	sbr.rel @p1 .LBB2_1-.Ltmp2, $4  }
0x41: {  	[hbm:s9], [sflag:s5] =	dma.local @!p0 [spmem:s13], $0x100  }
0x42: {  	_ =	swait.ge @!p0 [sflag:s17], $0x100  }
0x43: {  	[sflag:s17] =	ssyncset.done @!p0 $0x0  }
0x44: {  	[sflag:s17] =	ssyncadd.s32 @!p0 $0xFFFFFF00  }
0x45: {  	_ =	sfence.sel $0x180000  }
0x46: {  	[bflag:$0x0] =	sbarrier.arrive $0xFFFF  }
0x47: {  	p0 =	sne.s32 s0, $0x0;
	_ =	strace $0x90000047  }
0x48: {  	s0 =	sadd.s32 @!p0 $0x100000, s1;
	[bflag:$0x2] =	sbarrier.arrive $0xFFFF  }
0x49: {  	[sflag:s0] =	ssyncadd.tile.s32 @!p0 $0x1;
	_ =	shalt  }
.Lfunc_end2:
_tile_overlayer_lowered:
.L_overlay_start_2:
0x4a: {  	(tag) =	ssettag $0x2  }
0x4b: {  	s0 =	rddreg [dreg:$0x0];
	s2 =	stileid.u32  }
0x4c: {  	s1 =	rddreg [dreg:$0x1];
	p0 =	sne.s32 s2, $0x0  }
0x4d: {  	s3 =	rddreg [dreg:$0x2];
	[bflag:$0x3] =	sbarrier.arrive $0xFFFF;
	s2 =	simm.s32 @!p0 $0x1C01  }
0x4e: {  	[timem:s3], [sflag:s2] =	dma.local @!p0 [hbm:s0], s1  }
0x4f: {  	s0 =	simm.s32 @!p0 $0x1  }
0x50: {  	_ =	swait.ge @!p0 [sflag:s0], s1  }
0x51: {  	s1 =	ssub.s32 @!p0 $0x0, s1;
	[sflag:s0] =	ssyncset.done @!p0 $0x0  }
0x52: {  	[sflag:s0] =	ssyncadd.s32 @!p0 s1  }
0x53: {  	[bflag:$0x3] =	sbarrier.arrive $0xFFFF  }
0x54: {  	_ =	shalt  }

</sc_bundles>
